<compile_context>
chip_gen: v7x
topology: tpu7x:2x2x1
jax: 0.10.2.dev20260603
libtpu: 0.0.44.dev20260713+nightly
codegen_flags: <defaults>
</compile_context>

<pallas_src>
import functools

import jax
import jax.numpy as jnp
from jax import lax
from jax.experimental import pallas as pl
from jax.experimental.pallas import tpu as pltpu
from jax.experimental.pallas import tpu_sc as plsc

N_IN = 20000
NMS_PRE = 4096
NMS_POST = 500
SCORE_THR = 0.1
NMS_THR = 0.1

NWK = 16
NTOT = 20480
CHUNK = NTOT // NWK
NVEC = CHUNK // 16
AKEY = 0x3F800001
DKEY = 0x01B33334
SHIFTS = (0, 9, 17)
NBS = (512, 256, 256)
NBMAX = 512

C = 256
NCHUNK = NMS_PRE // C
KBUF = 768

_HI = jax.lax.Precision.HIGHEST


@functools.partial(
    pl.kernel,
    mesh=plsc.VectorSubcoreMesh(core_axis_name="c", subcore_axis_name="s",
                                num_cores=1),
    compiler_params=pltpu.CompilerParams(needs_layout_passes=False,
                                         use_tc_tiling_on_sc=False),
    out_type=jax.ShapeDtypeStruct((NMS_PRE, 8), jnp.float32),
    scratch_types=[
        pltpu.VMEM((NTOT,), jnp.int32),
        pltpu.VMEM((CHUNK,), jnp.float32),
        pltpu.VMEM((CHUNK,), jnp.int32),
        pltpu.VMEM((CHUNK,), jnp.int32),
        pltpu.VMEM((CHUNK // 128, 128), jnp.int32),
        pltpu.VMEM((NBMAX,), jnp.int32),
        pltpu.VMEM((NBMAX,), jnp.int32),
        pltpu.VMEM((NWK * NBMAX,), jnp.int32),
        pltpu.VMEM((2, 128), jnp.int32),
        pltpu.VMEM((NMS_PRE // NWK, 8), jnp.float32),
        pltpu.VMEM_SHARED((NTOT,), jnp.int32),
        pltpu.VMEM_SHARED((NTOT,), jnp.int32),
        pltpu.VMEM_SHARED((NTOT,), jnp.int32),
        pltpu.VMEM_SHARED((NWK * NBMAX,), jnp.int32),
        pltpu.SemaphoreType.DMA,
    ],
)
def _sel_call(scores_hbm, tbl_hbm, out_hbm,
              rk_all, sc_ch, idx_f, pos_f, pos2, hist, start, grid_v,
              g16, rows_v, rk_sh, i0_sh, i1_sh, hs_sh, sem):
    w = lax.axis_index("s")
    base = w * CHUNK

    pltpu.sync_copy(scores_hbm.at[pl.ds(base, CHUNK)], sc_ch)

    def build(i, c):
        s16 = sc_ch[pl.ds(i * 16, 16)]
        k = lax.bitcast_convert_type(s16, jnp.int32)
        rk_all[pl.ds(base + i * 16, 16)] = jnp.where(
            s16 > SCORE_THR, jnp.maximum(AKEY - k, 1), DKEY)
        idx_f[pl.ds(i * 16, 16)] = base + i * 16 + lax.iota(jnp.int32, 16)
        return c
    lax.fori_loop(0, NVEC, build, jnp.int32(0))

    pltpu.sync_copy(rk_all.at[pl.ds(base, CHUNK)], rk_sh.at[pl.ds(base, CHUNK)])
    pltpu.sync_copy(idx_f, i0_sh.at[pl.ds(base, CHUNK)])
    plsc.subcore_barrier()
    pltpu.sync_copy(rk_sh, rk_all)

    for p, (sh, nb) in enumerate(zip(SHIFTS, NBS)):
        src, dst = (i0_sh, i1_sh) if p % 2 == 0 else (i1_sh, i0_sh)

        def zero(i, c):
            hist[pl.ds(i * 16, 16)] = jnp.zeros((16,), jnp.int32)
            return c
        lax.fori_loop(0, nb // 16, zero, jnp.int32(0))

        pltpu.sync_copy(src.at[pl.ds(base, CHUNK)], idx_f)

        def histo(i, c):
            iv = idx_f[pl.ds(i * 16, 16)]
            k = plsc.load_gather(rk_all, [iv])
            d = (k >> sh) & (nb - 1)
            cnt, last = plsc.scan_count(d)
            plsc.addupdate_scatter(hist, [d], cnt, mask=last)
            return c
        lax.fori_loop(0, NVEC, histo, jnp.int32(0))

        pltpu.sync_copy(hist.at[pl.ds(0, nb)], hs_sh.at[pl.ds(w * nb, nb)])
        plsc.subcore_barrier()
        pltpu.sync_copy(hs_sh.at[pl.ds(0, NWK * nb)], grid_v.at[pl.ds(0, NWK * nb)])

        wv = jnp.zeros((16,), jnp.int32) + w

        def scan_v(v, carry):
            t = jnp.zeros((16,), jnp.int32)
            p_lo = jnp.zeros((16,), jnp.int32)
            for wp in range(NWK):
                x = grid_v[pl.ds(wp * nb + v * 16, 16)]
                t = t + x
                m = (jnp.zeros((16,), jnp.int32) + wp) < wv
                p_lo = p_lo + jnp.where(m, x, 0)
            cs = plsc.cumsum(t)
            start[pl.ds(v * 16, 16)] = carry + (cs - t) + p_lo
            return carry + jnp.sum(t)
        lax.fori_loop(0, nb // 16, scan_v, jnp.int32(0))

        def scat(i, c):
            iv = idx_f[pl.ds(i * 16, 16)]
            k = plsc.load_gather(rk_all, [iv])
            d = (k >> sh) & (nb - 1)
            cnt, last = plsc.scan_count(d)
            off = plsc.load_gather(start, [d])
            pos_f[pl.ds(i * 16, 16)] = off + cnt - 1
            plsc.addupdate_scatter(start, [d], cnt, mask=last)
            return c
        lax.fori_loop(0, NVEC, scat, jnp.int32(0))

        for i in range(NVEC):
            pos2[i // 8, pl.ds((i % 8) * 16, 16)] = pos_f[pl.ds(i * 16, 16)]
        cps = [pltpu.async_copy(idx_f.at[pl.ds(j * 128, 128)],
                                dst.at[pos2.at[j]], sem)
               for j in range(CHUNK // 128)]
        for cp in cps:
            cp.wait()
        plsc.subcore_barrier()

    p16 = w * (NMS_PRE // NWK)
    for j in range(2):
        pltpu.sync_copy(i1_sh.at[pl.ds(p16 + j * 128, 128)], g16.at[j])
    for j in range(2):
        pltpu.async_copy(tbl_hbm.at[g16.at[j]],
                         rows_v.at[pl.ds(j * 128, 128)], sem).wait()
    pltpu.sync_copy(rows_v, out_hbm.at[pl.ds(p16, NMS_PRE // NWK)])


def _nms_body(cand_ref, candt_ref, out_ref, kept_ref, alive_ref, alive0_ref,
              adj_ref):
    kept_ref[...] = jnp.zeros((8, KBUF), jnp.float32)

    def chunk_body(carry):
        t, count = carry

        cand = cand_ref[t]
        candt = candt_ref[t]

        cx = cand[:, 0:1]
        cy = cand[:, 1:2]
        cdx = cand[:, 3:4]
        cdy = cand[:, 4:5]
        cs = cand[:, 7:8]
        cx1 = cx - cdx * 0.5
        cx2 = cx + cdx * 0.5
        cy1 = cy - cdy * 0.5
        cy2 = cy + cdy * 0.5
        carea = cdx * cdy

        kx = kept_ref[0:1, :]
        ky = kept_ref[1:2, :]
        kdx = kept_ref[3:4, :]
        kdy = kept_ref[4:5, :]
        kx1 = kx - kdx * 0.5
        kx2 = kx + kdx * 0.5
        ky1 = ky - kdy * 0.5
        ky2 = ky + kdy * 0.5
        karea = kdx * kdy

        ix = jnp.maximum(0.0, jnp.minimum(cx2, kx2) - jnp.maximum(cx1, kx1))
        iy = jnp.maximum(0.0, jnp.minimum(cy2, ky2) - jnp.maximum(cy1, ky1))
        inter = ix * iy
        union = carea + karea - inter
        iou = inter / jnp.maximum(union, 1e-6)
        supp = jnp.any(iou > NMS_THR, axis=1, keepdims=True)

        alive0 = jnp.where((cs > SCORE_THR) & ~supp, 1.0, 0.0)

        rx = candt[0:1, :]
        ry = candt[1:2, :]
        rdx = candt[3:4, :]
        rdy = candt[4:5, :]
        rx1 = rx - rdx * 0.5
        rx2 = rx + rdx * 0.5
        ry1 = ry - rdy * 0.5
        ry2 = ry + rdy * 0.5
        rarea = rdx * rdy

        ixc = jnp.maximum(0.0, jnp.minimum(cx2, rx2) - jnp.maximum(cx1, rx1))
        iyc = jnp.maximum(0.0, jnp.minimum(cy2, ry2) - jnp.maximum(cy1, ry1))
        interc = ixc * iyc
        unionc = carea + rarea - interc
        iouc = interc / jnp.maximum(unionc, 1e-6)
        row_i = lax.broadcasted_iota(jnp.int32, (C, C), 0)
        col_i = lax.broadcasted_iota(jnp.int32, (C, C), 1)
        adj_ref[...] = jnp.where((iouc > NMS_THR) & (row_i > col_i), 1.0, 0.0)
        alive0_ref[...] = alive0
        alive_ref[...] = alive0

        def inner_body(_):
            alive = alive_ref[...]
            sup = jax.lax.dot_general(
                adj_ref[...], alive,
                (((1,), (0,)), ((), ())), precision=_HI)
            new = jnp.where(sup > 0.5, 0.0, alive0_ref[...])
            alive_ref[...] = new
            return (jnp.sum(jnp.abs(new - alive)) > 0).astype(jnp.int32)

        lax.while_loop(lambda ch: ch > 0, inner_body, jnp.int32(1))
        alive = alive_ref[...]

        lower = jnp.where(row_i > col_i, 1.0, 0.0)
        pos = count.astype(jnp.float32) + jax.lax.dot_general(
            lower, alive, (((1,), (0,)), ((), ())), precision=_HI)
        slot = lax.broadcasted_iota(jnp.int32, (C, KBUF), 1).astype(jnp.float32)
        onehot = jnp.where((slot == pos) & (alive > 0.5), 1.0, 0.0)
        app = jax.lax.dot_general(
            candt, onehot, (((1,), (0,)), ((), ())), precision=_HI)
        kept_ref[...] = kept_ref[...] + app

        na = jnp.sum(alive).astype(jnp.int32)
        return t + 1, count + na

    lax.while_loop(
        lambda carry: (carry[0] < NCHUNK) & (carry[1] < NMS_POST),
        chunk_body, (jnp.int32(0), jnp.int32(0)))

    out_ref[...] = kept_ref[:, 0:512].T


def _run_nms(cand, candt):
    return pl.pallas_call(
        _nms_body,
        out_shape=jax.ShapeDtypeStruct((512, 8), jnp.float32),
        scratch_shapes=[
            pltpu.VMEM((8, KBUF), jnp.float32),
            pltpu.VMEM((C, 1), jnp.float32),
            pltpu.VMEM((C, 1), jnp.float32),
            pltpu.VMEM((C, C), jnp.float32),
        ],
    )(cand, candt)


def kernel(boxes, scores):
    pad = NTOT - N_IN
    sp = jnp.concatenate([scores, jnp.full((pad,), -1.0, jnp.float32)])
    tbl = jnp.concatenate([boxes, scores[:, None]], axis=1)
    tbl = jnp.concatenate([tbl, jnp.zeros((pad, 8), jnp.float32)], axis=0)
    cand8 = _sel_call(sp, tbl)
    cand = cand8.reshape(NCHUNK, C, 8)
    candt = jnp.transpose(cand, (0, 2, 1))
    return _run_nms(cand, candt)[:NMS_POST]

# --- scband reference (transcript-rebuilt; emitter-appended) ---
"""Pipeline reference for scband-point-rcnnwrapper-35338990911878 (READ-ONLY COPY).

The authoritative reference and input builder live on the scoring server;
editing this copy changes nothing except your own understanding.
"""

import jax, jax.numpy as jnp
import numpy as np

N = 20000
NMS_PRE = 4096
NMS_POST = 500
SCORE_THR = 0.1
NMS_THR = 0.1


def _bev_iou(boxes):
    # Axis-aligned BEV IoU over (x, y, dx, dy); faithful to iou_3d-style
    # suppression used by the RPN post-processing (rotation handled as
    # axis-aligned extent approximation).
    x = boxes[:, 0]
    y = boxes[:, 1]
    dx = boxes[:, 3]
    dy = boxes[:, 4]
    x1 = x - dx * 0.5
    x2 = x + dx * 0.5
    y1 = y - dy * 0.5
    y2 = y + dy * 0.5
    area = dx * dy
    ix = jnp.maximum(0.0, jnp.minimum(x2[:, None], x2[None, :]) - jnp.maximum(x1[:, None], x1[None, :]))
    iy = jnp.maximum(0.0, jnp.minimum(y2[:, None], y2[None, :]) - jnp.maximum(y1[:, None], y1[None, :]))
    inter = ix * iy
    union = area[:, None] + area[None, :] - inter
    return inter / jnp.maximum(union, 1e-6)


def setup_inputs(seed: int = 0) -> dict:
    key = jax.random.key(seed)
    k1, k2 = jax.random.split(key, 2)
    # boxes: centers in a KITTI-like range, positive dims, yaw in [-pi, pi]
    raw = jax.random.uniform(k1, (N, 7), dtype=jnp.float32)
    centers = raw[:, 0:3] * jnp.array([70.0, 80.0, 4.0]) + jnp.array([0.0, -40.0, -3.0])
    dims = raw[:, 3:6] * jnp.array([3.5, 1.5, 1.5]) + jnp.array([0.5, 0.4, 0.5])
    yaw = (raw[:, 6:7] - 0.5) * (2.0 * jnp.pi)
    boxes = jnp.concatenate([centers, dims, yaw], axis=-1)
    scores = jax.random.uniform(k2, (N,), dtype=jnp.float32)
    return {"boxes": boxes, "scores": scores}


def reference(boxes, scores):
    # 1) score threshold (test_cfg.score_thr = 0.1)
    masked = jnp.where(scores > SCORE_THR, scores, -jnp.inf)
    # 2) pre-NMS top-k (nms_pre = 4096)
    top_scores, top_idx = jax.lax.top_k(masked, NMS_PRE)
    sel = jnp.take(boxes, top_idx, axis=0)
    # 3) greedy NMS with BEV IoU (nms_thr = 0.1)
    iou = jax.lax.stop_gradient(_bev_iou(sel))
    keep0 = jax.lax.stop_gradient(top_scores) > -jnp.inf
    idx_range = jnp.arange(NMS_PRE)

    def body(keep, i):
        sup = (iou[i] > NMS_THR) & (idx_range > i) & keep[i]
        keep = keep & (~sup)
        return keep, None

    keep, _ = jax.lax.scan(body, keep0, jnp.arange(NMS_PRE))
    # 4) post-NMS top-k (nms_post = 500)
    kept_scores = jnp.where(keep, top_scores, -jnp.inf)
    post_scores, post_idx = jax.lax.top_k(kept_scores, NMS_POST)
    out_boxes = jnp.take(sel, post_idx, axis=0)
    finite = jnp.isfinite(post_scores)
    out_scores = jnp.where(finite, post_scores, 0.0)
    out_boxes = jnp.where(finite[:, None], out_boxes, 0.0)
    return jnp.concatenate([out_boxes, out_scores[:, None]], axis=-1)

if __name__ == "__main__":
    import jax
    _d = setup_inputs()
    print(jax.jit(kernel)(*tuple(_d.values())))

</pallas_src>

<mosaic_0001>
#map = affine_map<(d0, d1) -> (0)>
#map1 = affine_map<(d0, d1) -> (0, 0)>
module attributes {stable_mosaic.version = 14 : i64} {
  func.func @_sel_call(%arg0: i32, %arg1: i32, %arg2: memref<20480xf32, #tpu.memory_space<hbm>>, %arg3: memref<20480x8xf32, #tpu.memory_space<hbm>>, %arg4: memref<4096x8xf32, #tpu.memory_space<hbm>>, %arg5: memref<20480xi32, #tpu.memory_space<vmem>>, %arg6: memref<1280xf32, #tpu.memory_space<vmem>>, %arg7: memref<1280xi32, #tpu.memory_space<vmem>>, %arg8: memref<1280xi32, #tpu.memory_space<vmem>>, %arg9: memref<10x128xi32, #tpu.memory_space<vmem>>, %arg10: memref<512xi32, #tpu.memory_space<vmem>>, %arg11: memref<512xi32, #tpu.memory_space<vmem>>, %arg12: memref<8192xi32, #tpu.memory_space<vmem>>, %arg13: memref<2x128xi32, #tpu.memory_space<vmem>>, %arg14: memref<256x8xf32, #tpu.memory_space<vmem>>, %arg15: memref<20480xi32, #tpu.memory_space<vmem_shared>>, %arg16: memref<20480xi32, #tpu.memory_space<vmem_shared>>, %arg17: memref<20480xi32, #tpu.memory_space<vmem_shared>>, %arg18: memref<8192xi32, #tpu.memory_space<vmem_shared>>, %arg19: memref<!tpu.dma_semaphore, #tpu.memory_space<semaphore_mem>>) attributes {dimension_semantics = [#tpu.dimension_semantics<core_parallel>, #tpu.dimension_semantics<subcore_parallel>], iteration_bounds = array<i64: 1, 16>, scalar_prefetch = 0 : i64, scratch_operands = 15 : i64, tpu.core_type = #tpu.core_type<sc_vector_subcore>, window_params = [{transform_indices = #map}, {transform_indices = #map1}, {transform_indices = #map1}]} {
    %mul3A = arith.constant 1280 : i32
    %mul3A_0 = arith.muli %arg1, %mul3A : i32
    "tpu.region"() ({
      %run_scoped3A_2066 = tpu.sem_alloc : memref<!tpu.dma_semaphore, #tpu.memory_space<semaphore_mem>>
      %dma_start3A_2067 = tpu.memref_slice %arg2[%mul3A_0] : memref<20480xf32, #tpu.memory_space<hbm>> -> memref<1280xf32, #tpu.memory_space<hbm>>
      %dma_start3A_2068 = tpu.memref_slice %arg2[%mul3A_0] : memref<20480xf32, #tpu.memory_space<hbm>> -> memref<1280xf32, #tpu.memory_space<hbm>>
      tpu.enqueue_dma source(%dma_start3A_2068 : memref<1280xf32, #tpu.memory_space<hbm>>) target(%arg6 : memref<1280xf32, #tpu.memory_space<vmem>>) target_semaphore(%run_scoped3A_2066 : memref<!tpu.dma_semaphore, #tpu.memory_space<semaphore_mem>>)
      %dma_wait3A_2069 = tpu.memref_slice %arg2[%mul3A_0] : memref<20480xf32, #tpu.memory_space<hbm>> -> memref<1280xf32, #tpu.memory_space<hbm>>
      %dma_wait3A_2070 = tpu.memref_slice %arg2[%mul3A_0] : memref<20480xf32, #tpu.memory_space<hbm>> -> memref<1280xf32, #tpu.memory_space<hbm>>
      tpu.wait_dma2 semaphore(%run_scoped3A_2066 : memref<!tpu.dma_semaphore, #tpu.memory_space<semaphore_mem>>) src(%dma_wait3A_2070 : memref<1280xf32, #tpu.memory_space<hbm>>) dst(%arg6 : memref<1280xf32, #tpu.memory_space<vmem>>)
      tpu.yield
    }) : () -> ()
    %scan3A = arith.constant 0 : i32
    %scan3A_1 = arith.constant 0 : i32
    %scan3A_2 = arith.constant 80 : i32
    %scan3A_3 = arith.addi %scan3A_1, %scan3A_2 : i32
    %scan3A_4 = arith.constant 1 : i32
    scf.for %scan3A_2066 = %scan3A_1 to %scan3A_3 step %scan3A_4  : i32 {
      %mul3A_2067 = arith.constant 16 : i32
      %mul3A_2068 = arith.muli %scan3A_2066, %mul3A_2067 : i32
      %get3A_2069 = arith.index_cast %mul3A_2068 : i32 to index
      %get3A_2070 = tpu.vector_load %arg6[%get3A_2069] {strides = array<i32>} : memref<1280xf32, #tpu.memory_space<vmem>>, vector<16xf32>,
      %bitcast_convert_type3A = tpu.bitcast %get3A_2070 : vector<16xf32> -> vector<16xi32>
      %gt3A = arith.constant 1.000000e-01 : f32
      %gt3A_2071 = vector.broadcast %gt3A : f32 to vector<16xf32>
      %gt3A_2072 = arith.cmpf ogt, %get3A_2070, %gt3A_2071 : vector<16xf32>
      %sub3A = arith.constant 1065353217 : i32
      %sub3A_2073 = vector.broadcast %sub3A : i32 to vector<16xi32>
      %sub3A_2074 = arith.subi %sub3A_2073, %bitcast_convert_type3A : vector<16xi32>
      %max3A = arith.constant 1 : i32
      %max3A_2075 = vector.broadcast %max3A : i32 to vector<16xi32>
      %max3A_2076 = arith.maxsi %sub3A_2074, %max3A_2075 : vector<16xi32>
      %jit3A = arith.constant 28521268 : i32
      %broadcast_in_dim3A_2077 = vector.broadcast %jit3A : i32 to vector<16xi32>
      %select_n3A = arith.select %gt3A_2072, %max3A_2076, %broadcast_in_dim3A_2077 : vector<16xi1>, vector<16xi32>
      %mul3A_2078 = arith.constant 16 : i32
      %mul3A_2079 = arith.muli %scan3A_2066, %mul3A_2078 : i32
      %add3A_2080 = arith.addi %mul3A_0, %mul3A_2079 : i32
      %swap3A_2081 = arith.index_cast %add3A_2080 : i32 to index
      %swap3A_2082 = tpu.vector_load %arg5[%swap3A_2081] {strides = array<i32>} : memref<20480xi32, #tpu.memory_space<vmem>>, vector<16xi32>,
      tpu.vector_store %arg5[%swap3A_2081], %select_n3A {strides = array<i32>} : memref<20480xi32, #tpu.memory_space<vmem>>, vector<16xi32>,
      %mul3A_2083 = arith.constant 16 : i32
      %mul3A_2084 = arith.muli %scan3A_2066, %mul3A_2083 : i32
      %add3A_2085 = arith.addi %mul3A_0, %mul3A_2084 : i32
      %iota3A = tpu.iota {dimensions = array<i32: 0>} : vector<16xi32>
      %add3A_2086 = vector.broadcast %add3A_2085 : i32 to vector<16xi32>
      %add3A_2087 = arith.addi %add3A_2086, %iota3A : vector<16xi32>
      %mul3A_2088 = arith.constant 16 : i32
      %mul3A_2089 = arith.muli %scan3A_2066, %mul3A_2088 : i32
      %swap3A_2090 = arith.index_cast %mul3A_2089 : i32 to index
      %swap3A_2091 = tpu.vector_load %arg7[%swap3A_2090] {strides = array<i32>} : memref<1280xi32, #tpu.memory_space<vmem>>, vector<16xi32>,
      tpu.vector_store %arg7[%swap3A_2090], %add3A_2087 {strides = array<i32>} : memref<1280xi32, #tpu.memory_space<vmem>>, vector<16xi32>,
    }
    %scan3A_5 = arith.constant 80 : i32
    "tpu.region"() ({
      %run_scoped3A_2066 = tpu.sem_alloc : memref<!tpu.dma_semaphore, #tpu.memory_space<semaphore_mem>>
      %dma_start3A_2067 = tpu.memref_slice %arg5[%mul3A_0] : memref<20480xi32, #tpu.memory_space<vmem>> -> memref<1280xi32, #tpu.memory_space<vmem>>
      %dma_start3A_2068 = tpu.memref_slice %arg15[%mul3A_0] : memref<20480xi32, #tpu.memory_space<vmem_shared>> -> memref<1280xi32, #tpu.memory_space<vmem_shared>>
      %dma_start3A_2069 = tpu.memref_slice %arg15[%mul3A_0] : memref<20480xi32, #tpu.memory_space<vmem_shared>> -> memref<1280xi32, #tpu.memory_space<vmem_shared>>
      %dma_start3A_2070 = tpu.memref_slice %arg5[%mul3A_0] : memref<20480xi32, #tpu.memory_space<vmem>> -> memref<1280xi32, #tpu.memory_space<vmem>>
      tpu.enqueue_dma source(%dma_start3A_2070 : memref<1280xi32, #tpu.memory_space<vmem>>) target(%dma_start3A_2069 : memref<1280xi32, #tpu.memory_space<vmem_shared>>) target_semaphore(%run_scoped3A_2066 : memref<!tpu.dma_semaphore, #tpu.memory_space<semaphore_mem>>)
      %dma_wait3A_2071 = tpu.memref_slice %arg5[%mul3A_0] : memref<20480xi32, #tpu.memory_space<vmem>> -> memref<1280xi32, #tpu.memory_space<vmem>>
      %dma_wait3A_2072 = tpu.memref_slice %arg15[%mul3A_0] : memref<20480xi32, #tpu.memory_space<vmem_shared>> -> memref<1280xi32, #tpu.memory_space<vmem_shared>>
      %dma_wait3A_2073 = tpu.memref_slice %arg15[%mul3A_0] : memref<20480xi32, #tpu.memory_space<vmem_shared>> -> memref<1280xi32, #tpu.memory_space<vmem_shared>>
      %dma_wait3A_2074 = tpu.memref_slice %arg5[%mul3A_0] : memref<20480xi32, #tpu.memory_space<vmem>> -> memref<1280xi32, #tpu.memory_space<vmem>>
      tpu.wait_dma2 semaphore(%run_scoped3A_2066 : memref<!tpu.dma_semaphore, #tpu.memory_space<semaphore_mem>>) src(%dma_wait3A_2074 : memref<1280xi32, #tpu.memory_space<vmem>>) dst(%dma_wait3A_2073 : memref<1280xi32, #tpu.memory_space<vmem_shared>>)
      tpu.yield
    }) : () -> ()
    "tpu.region"() ({
      %run_scoped3A_2066 = tpu.sem_alloc : memref<!tpu.dma_semaphore, #tpu.memory_space<semaphore_mem>>
      %dma_start3A_2067 = tpu.memref_slice %arg16[%mul3A_0] : memref<20480xi32, #tpu.memory_space<vmem_shared>> -> memref<1280xi32, #tpu.memory_space<vmem_shared>>
      %dma_start3A_2068 = tpu.memref_slice %arg16[%mul3A_0] : memref<20480xi32, #tpu.memory_space<vmem_shared>> -> memref<1280xi32, #tpu.memory_space<vmem_shared>>
      tpu.enqueue_dma source(%arg7 : memref<1280xi32, #tpu.memory_space<vmem>>) target(%dma_start3A_2068 : memref<1280xi32, #tpu.memory_space<vmem_shared>>) target_semaphore(%run_scoped3A_2066 : memref<!tpu.dma_semaphore, #tpu.memory_space<semaphore_mem>>)
      %dma_wait3A_2069 = tpu.memref_slice %arg16[%mul3A_0] : memref<20480xi32, #tpu.memory_space<vmem_shared>> -> memref<1280xi32, #tpu.memory_space<vmem_shared>>
      %dma_wait3A_2070 = tpu.memref_slice %arg16[%mul3A_0] : memref<20480xi32, #tpu.memory_space<vmem_shared>> -> memref<1280xi32, #tpu.memory_space<vmem_shared>>
      tpu.wait_dma2 semaphore(%run_scoped3A_2066 : memref<!tpu.dma_semaphore, #tpu.memory_space<semaphore_mem>>) src(%arg7 : memref<1280xi32, #tpu.memory_space<vmem>>) dst(%dma_wait3A_2070 : memref<1280xi32, #tpu.memory_space<vmem_shared>>)
      tpu.yield
    }) : () -> ()
    %barrier3A = arith.constant 0 : index
    tpu.barrier barrier_id(%barrier3A)
    "tpu.region"() ({
      %run_scoped3A_2066 = tpu.sem_alloc : memref<!tpu.dma_semaphore, #tpu.memory_space<semaphore_mem>>
      tpu.enqueue_dma source(%arg15 : memref<20480xi32, #tpu.memory_space<vmem_shared>>) target(%arg5 : memref<20480xi32, #tpu.memory_space<vmem>>) target_semaphore(%run_scoped3A_2066 : memref<!tpu.dma_semaphore, #tpu.memory_space<semaphore_mem>>)
      tpu.wait_dma2 semaphore(%run_scoped3A_2066 : memref<!tpu.dma_semaphore, #tpu.memory_space<semaphore_mem>>) src(%arg15 : memref<20480xi32, #tpu.memory_space<vmem_shared>>) dst(%arg5 : memref<20480xi32, #tpu.memory_space<vmem>>)
      tpu.yield
    }) : () -> ()
    %scan3A_6 = arith.constant 0 : i32
    %scan3A_7 = arith.constant 0 : i32
    %scan3A_8 = arith.constant 32 : i32
    %scan3A_9 = arith.addi %scan3A_7, %scan3A_8 : i32
    %scan3A_10 = arith.constant 1 : i32
    scf.for %scan3A_2066 = %scan3A_7 to %scan3A_9 step %scan3A_10  : i32 {
      %broadcast_in_dim3A_2067 = arith.constant 0 : i32
      %broadcast_in_dim3A_2068 = vector.broadcast %broadcast_in_dim3A_2067 : i32 to vector<16xi32>
      %mul3A_2069 = arith.constant 16 : i32
      %mul3A_2070 = arith.muli %scan3A_2066, %mul3A_2069 : i32
      %swap3A_2071 = arith.index_cast %mul3A_2070 : i32 to index
      %swap3A_2072 = tpu.vector_load %arg10[%swap3A_2071] {strides = array<i32>} : memref<512xi32, #tpu.memory_space<vmem>>, vector<16xi32>,
      tpu.vector_store %arg10[%swap3A_2071], %broadcast_in_dim3A_2068 {strides = array<i32>} : memref<512xi32, #tpu.memory_space<vmem>>, vector<16xi32>,
    }
    %scan3A_11 = arith.constant 32 : i32
    "tpu.region"() ({
      %run_scoped3A_2066 = tpu.sem_alloc : memref<!tpu.dma_semaphore, #tpu.memory_space<semaphore_mem>>
      %dma_start3A_2067 = tpu.memref_slice %arg16[%mul3A_0] : memref<20480xi32, #tpu.memory_space<vmem_shared>> -> memref<1280xi32, #tpu.memory_space<vmem_shared>>
      %dma_start3A_2068 = tpu.memref_slice %arg16[%mul3A_0] : memref<20480xi32, #tpu.memory_space<vmem_shared>> -> memref<1280xi32, #tpu.memory_space<vmem_shared>>
      tpu.enqueue_dma source(%dma_start3A_2068 : memref<1280xi32, #tpu.memory_space<vmem_shared>>) target(%arg7 : memref<1280xi32, #tpu.memory_space<vmem>>) target_semaphore(%run_scoped3A_2066 : memref<!tpu.dma_semaphore, #tpu.memory_space<semaphore_mem>>)
      %dma_wait3A_2069 = tpu.memref_slice %arg16[%mul3A_0] : memref<20480xi32, #tpu.memory_space<vmem_shared>> -> memref<1280xi32, #tpu.memory_space<vmem_shared>>
      %dma_wait3A_2070 = tpu.memref_slice %arg16[%mul3A_0] : memref<20480xi32, #tpu.memory_space<vmem_shared>> -> memref<1280xi32, #tpu.memory_space<vmem_shared>>
      tpu.wait_dma2 semaphore(%run_scoped3A_2066 : memref<!tpu.dma_semaphore, #tpu.memory_space<semaphore_mem>>) src(%dma_wait3A_2070 : memref<1280xi32, #tpu.memory_space<vmem_shared>>) dst(%arg7 : memref<1280xi32, #tpu.memory_space<vmem>>)
      tpu.yield
    }) : () -> ()
    %scan3A_12 = arith.constant 0 : i32
    %scan3A_13 = arith.constant 0 : i32
    %scan3A_14 = arith.constant 80 : i32
    %scan3A_15 = arith.addi %scan3A_13, %scan3A_14 : i32
    %scan3A_16 = arith.constant 1 : i32
    scf.for %scan3A_2066 = %scan3A_13 to %scan3A_15 step %scan3A_16  : i32 {
      %mul3A_2067 = arith.constant 16 : i32
      %mul3A_2068 = arith.muli %scan3A_2066, %mul3A_2067 : i32
      %get3A_2069 = arith.index_cast %mul3A_2068 : i32 to index
      %get3A_2070 = tpu.vector_load %arg7[%get3A_2069] {strides = array<i32>} : memref<1280xi32, #tpu.memory_space<vmem>>, vector<16xi32>,
      %gather3A = tpu.vector_load_idx %arg5[%get3A_2070] : memref<20480xi32, #tpu.memory_space<vmem>>[vector<16xi32>], vector<16xi32>,
      %shift_right_arithmetic3A = arith.constant 0 : i32
      %shift_right_arithmetic3A_2071 = vector.broadcast %shift_right_arithmetic3A : i32 to vector<16xi32>
      %shift_right_arithmetic3A_2072 = arith.shrsi %gather3A, %shift_right_arithmetic3A_2071 : vector<16xi32>
      %and3A = arith.constant 511 : i32
      %and3A_2073 = vector.broadcast %and3A : i32 to vector<16xi32>
      %and3A_2074 = arith.andi %shift_right_arithmetic3A_2072, %and3A_2073 : vector<16xi32>
      %broadcast_in_dim3A_2075 = arith.constant true
      %broadcast_in_dim3A_2076 = vector.broadcast %broadcast_in_dim3A_2075 : i1 to vector<16xi1>
      %unique3A, %unique3A_2077 = tpu.scan_count mask(%broadcast_in_dim3A_2076 : vector<16xi1>) value(%and3A_2074 : vector<16xi32>) : vector<16xi1>, vector<16xi32>
      tpu.vector_store_idx %arg10[%and3A_2074], %unique3A_2077 masked %unique3A {add = true} : memref<512xi32, #tpu.memory_space<vmem>>[vector<16xi32>], vector<16xi32>, vector<16xi1>
    }
    %scan3A_17 = arith.constant 80 : i32
    %mul3A_18 = arith.constant 512 : i32
    %mul3A_19 = arith.muli %arg1, %mul3A_18 : i32
    "tpu.region"() ({
      %run_scoped3A_2066 = tpu.sem_alloc : memref<!tpu.dma_semaphore, #tpu.memory_space<semaphore_mem>>
      %dma_start3A_2067 = arith.constant 0 : i32
      %dma_start3A_2068 = tpu.memref_slice %arg10[%dma_start3A_2067] : memref<512xi32, #tpu.memory_space<vmem>> -> memref<512xi32, #tpu.memory_space<vmem>>
      %dma_start3A_2069 = tpu.memref_slice %arg18[%mul3A_19] : memref<8192xi32, #tpu.memory_space<vmem_shared>> -> memref<512xi32, #tpu.memory_space<vmem_shared>>
      %dma_start3A_2070 = tpu.memref_slice %arg18[%mul3A_19] : memref<8192xi32, #tpu.memory_space<vmem_shared>> -> memref<512xi32, #tpu.memory_space<vmem_shared>>
      %dma_start3A_2071 = arith.constant 0 : i32
      %dma_start3A_2072 = tpu.memref_slice %arg10[%dma_start3A_2071] : memref<512xi32, #tpu.memory_space<vmem>> -> memref<512xi32, #tpu.memory_space<vmem>>
      tpu.enqueue_dma source(%dma_start3A_2072 : memref<512xi32, #tpu.memory_space<vmem>>) target(%dma_start3A_2070 : memref<512xi32, #tpu.memory_space<vmem_shared>>) target_semaphore(%run_scoped3A_2066 : memref<!tpu.dma_semaphore, #tpu.memory_space<semaphore_mem>>)
      %dma_wait3A_2073 = arith.constant 0 : i32
      %dma_wait3A_2074 = tpu.memref_slice %arg10[%dma_wait3A_2073] : memref<512xi32, #tpu.memory_space<vmem>> -> memref<512xi32, #tpu.memory_space<vmem>>
      %dma_wait3A_2075 = tpu.memref_slice %arg18[%mul3A_19] : memref<8192xi32, #tpu.memory_space<vmem_shared>> -> memref<512xi32, #tpu.memory_space<vmem_shared>>
      %dma_wait3A_2076 = tpu.memref_slice %arg18[%mul3A_19] : memref<8192xi32, #tpu.memory_space<vmem_shared>> -> memref<512xi32, #tpu.memory_space<vmem_shared>>
      %dma_wait3A_2077 = arith.constant 0 : i32
      %dma_wait3A_2078 = tpu.memref_slice %arg10[%dma_wait3A_2077] : memref<512xi32, #tpu.memory_space<vmem>> -> memref<512xi32, #tpu.memory_space<vmem>>
      tpu.wait_dma2 semaphore(%run_scoped3A_2066 : memref<!tpu.dma_semaphore, #tpu.memory_space<semaphore_mem>>) src(%dma_wait3A_2078 : memref<512xi32, #tpu.memory_space<vmem>>) dst(%dma_wait3A_2076 : memref<512xi32, #tpu.memory_space<vmem_shared>>)
      tpu.yield
    }) : () -> ()
    %barrier3A_20 = arith.constant 0 : index
    tpu.barrier barrier_id(%barrier3A_20)
    "tpu.region"() ({
      %run_scoped3A_2066 = tpu.sem_alloc : memref<!tpu.dma_semaphore, #tpu.memory_space<semaphore_mem>>
      %dma_start3A_2067 = arith.constant 0 : i32
      %dma_start3A_2068 = tpu.memref_slice %arg12[%dma_start3A_2067] : memref<8192xi32, #tpu.memory_space<vmem>> -> memref<8192xi32, #tpu.memory_space<vmem>>
      %dma_start3A_2069 = arith.constant 0 : i32
      %dma_start3A_2070 = tpu.memref_slice %arg18[%dma_start3A_2069] : memref<8192xi32, #tpu.memory_space<vmem_shared>> -> memref<8192xi32, #tpu.memory_space<vmem_shared>>
      %dma_start3A_2071 = arith.constant 0 : i32
      %dma_start3A_2072 = tpu.memref_slice %arg12[%dma_start3A_2071] : memref<8192xi32, #tpu.memory_space<vmem>> -> memref<8192xi32, #tpu.memory_space<vmem>>
      %dma_start3A_2073 = arith.constant 0 : i32
      %dma_start3A_2074 = tpu.memref_slice %arg18[%dma_start3A_2073] : memref<8192xi32, #tpu.memory_space<vmem_shared>> -> memref<8192xi32, #tpu.memory_space<vmem_shared>>
      tpu.enqueue_dma source(%dma_start3A_2074 : memref<8192xi32, #tpu.memory_space<vmem_shared>>) target(%dma_start3A_2072 : memref<8192xi32, #tpu.memory_space<vmem>>) target_semaphore(%run_scoped3A_2066 : memref<!tpu.dma_semaphore, #tpu.memory_space<semaphore_mem>>)
      %dma_wait3A_2075 = arith.constant 0 : i32
      %dma_wait3A_2076 = tpu.memref_slice %arg12[%dma_wait3A_2075] : memref<8192xi32, #tpu.memory_space<vmem>> -> memref<8192xi32, #tpu.memory_space<vmem>>
      %dma_wait3A_2077 = arith.constant 0 : i32
      %dma_wait3A_2078 = tpu.memref_slice %arg18[%dma_wait3A_2077] : memref<8192xi32, #tpu.memory_space<vmem_shared>> -> memref<8192xi32, #tpu.memory_space<vmem_shared>>
      %dma_wait3A_2079 = arith.constant 0 : i32
      %dma_wait3A_2080 = tpu.memref_slice %arg12[%dma_wait3A_2079] : memref<8192xi32, #tpu.memory_space<vmem>> -> memref<8192xi32, #tpu.memory_space<vmem>>
      %dma_wait3A_2081 = arith.constant 0 : i32
      %dma_wait3A_2082 = tpu.memref_slice %arg18[%dma_wait3A_2081] : memref<8192xi32, #tpu.memory_space<vmem_shared>> -> memref<8192xi32, #tpu.memory_space<vmem_shared>>
      tpu.wait_dma2 semaphore(%run_scoped3A_2066 : memref<!tpu.dma_semaphore, #tpu.memory_space<semaphore_mem>>) src(%dma_wait3A_2082 : memref<8192xi32, #tpu.memory_space<vmem_shared>>) dst(%dma_wait3A_2080 : memref<8192xi32, #tpu.memory_space<vmem>>)
      tpu.yield
    }) : () -> ()
    %broadcast_in_dim3A = arith.constant 0 : i32
    %broadcast_in_dim3A_21 = vector.broadcast %broadcast_in_dim3A : i32 to vector<16xi32>
    %add3A = vector.broadcast %arg1 : i32 to vector<16xi32>
    %add3A_22 = arith.addi %broadcast_in_dim3A_21, %add3A : vector<16xi32>
    %scan3A_23 = arith.constant 0 : i32
    %scan3A_24 = arith.constant 0 : i32
    %scan3A_25 = arith.constant 32 : i32
    %scan3A_26 = arith.addi %scan3A_24, %scan3A_25 : i32
    %scan3A_27 = arith.constant 1 : i32
    %scan3A_28 = scf.for %scan3A_2066 = %scan3A_24 to %scan3A_26 step %scan3A_27 iter_args(%scan3A_2067 = %scan3A_23) -> (i32)  : i32 {
      %broadcast_in_dim3A_2068 = arith.constant 0 : i32
      %broadcast_in_dim3A_2069 = vector.broadcast %broadcast_in_dim3A_2068 : i32 to vector<16xi32>
      %broadcast_in_dim3A_2070 = arith.constant 0 : i32
      %broadcast_in_dim3A_2071 = vector.broadcast %broadcast_in_dim3A_2070 : i32 to vector<16xi32>
      %mul3A_2072 = arith.constant 16 : i32
      %mul3A_2073 = arith.muli %scan3A_2066, %mul3A_2072 : i32
      %add3A_2074 = arith.constant 0 : i32
      %add3A_2075 = arith.addi %add3A_2074, %mul3A_2073 : i32
      %get3A_2076 = arith.index_cast %add3A_2075 : i32 to index
      %get3A_2077 = tpu.vector_load %arg12[%get3A_2076] {strides = array<i32>} : memref<8192xi32, #tpu.memory_space<vmem>>, vector<16xi32>,
      %add3A_2078 = arith.addi %broadcast_in_dim3A_2069, %get3A_2077 : vector<16xi32>
      %broadcast_in_dim3A_2079 = arith.constant 0 : i32
      %broadcast_in_dim3A_2080 = vector.broadcast %broadcast_in_dim3A_2079 : i32 to vector<16xi32>
      %add3A_2081 = arith.constant 0 : i32
      %add3A_2082 = vector.broadcast %add3A_2081 : i32 to vector<16xi32>
      %add3A_2083 = arith.addi %broadcast_in_dim3A_2080, %add3A_2082 : vector<16xi32>
      %lt3A = arith.cmpi slt, %add3A_2083, %add3A_22 : vector<16xi32>
      %jit3A = arith.constant 0 : i32
      %broadcast_in_dim3A_2084 = vector.broadcast %jit3A : i32 to vector<16xi32>
      %select_n3A = arith.select %lt3A, %get3A_2077, %broadcast_in_dim3A_2084 : vector<16xi1>, vector<16xi32>
      %add3A_2085 = arith.addi %broadcast_in_dim3A_2071, %select_n3A : vector<16xi32>
      %mul3A_2086 = arith.constant 16 : i32
      %mul3A_2087 = arith.muli %scan3A_2066, %mul3A_2086 : i32
      %add3A_2088 = arith.constant 512 : i32
      %add3A_2089 = arith.addi %add3A_2088, %mul3A_2087 : i32
      %get3A_2090 = arith.index_cast %add3A_2089 : i32 to index
      %get3A_2091 = tpu.vector_load %arg12[%get3A_2090] {strides = array<i32>} : memref<8192xi32, #tpu.memory_space<vmem>>, vector<16xi32>,
      %add3A_2092 = arith.addi %add3A_2078, %get3A_2091 : vector<16xi32>
      %broadcast_in_dim3A_2093 = arith.constant 0 : i32
      %broadcast_in_dim3A_2094 = vector.broadcast %broadcast_in_dim3A_2093 : i32 to vector<16xi32>
      %add3A_2095 = arith.constant 1 : i32
      %add3A_2096 = vector.broadcast %add3A_2095 : i32 to vector<16xi32>
      %add3A_2097 = arith.addi %broadcast_in_dim3A_2094, %add3A_2096 : vector<16xi32>
      %lt3A_2098 = arith.cmpi slt, %add3A_2097, %add3A_22 : vector<16xi32>
      %jit3A_2099 = arith.constant 0 : i32
      %broadcast_in_dim3A_2100 = vector.broadcast %jit3A_2099 : i32 to vector<16xi32>
      %select_n3A_2101 = arith.select %lt3A_2098, %get3A_2091, %broadcast_in_dim3A_2100 : vector<16xi1>, vector<16xi32>
      %add3A_2102 = arith.addi %add3A_2085, %select_n3A_2101 : vector<16xi32>
      %mul3A_2103 = arith.constant 16 : i32
      %mul3A_2104 = arith.muli %scan3A_2066, %mul3A_2103 : i32
      %add3A_2105 = arith.constant 1024 : i32
      %add3A_2106 = arith.addi %add3A_2105, %mul3A_2104 : i32
      %get3A_2107 = arith.index_cast %add3A_2106 : i32 to index
      %get3A_2108 = tpu.vector_load %arg12[%get3A_2107] {strides = array<i32>} : memref<8192xi32, #tpu.memory_space<vmem>>, vector<16xi32>,
      %add3A_2109 = arith.addi %add3A_2092, %get3A_2108 : vector<16xi32>
      %broadcast_in_dim3A_2110 = arith.constant 0 : i32
      %broadcast_in_dim3A_2111 = vector.broadcast %broadcast_in_dim3A_2110 : i32 to vector<16xi32>
      %add3A_2112 = arith.constant 2 : i32
      %add3A_2113 = vector.broadcast %add3A_2112 : i32 to vector<16xi32>
      %add3A_2114 = arith.addi %broadcast_in_dim3A_2111, %add3A_2113 : vector<16xi32>
      %lt3A_2115 = arith.cmpi slt, %add3A_2114, %add3A_22 : vector<16xi32>
      %jit3A_2116 = arith.constant 0 : i32
      %broadcast_in_dim3A_2117 = vector.broadcast %jit3A_2116 : i32 to vector<16xi32>
      %select_n3A_2118 = arith.select %lt3A_2115, %get3A_2108, %broadcast_in_dim3A_2117 : vector<16xi1>, vector<16xi32>
      %add3A_2119 = arith.addi %add3A_2102, %select_n3A_2118 : vector<16xi32>
      %mul3A_2120 = arith.constant 16 : i32
      %mul3A_2121 = arith.muli %scan3A_2066, %mul3A_2120 : i32
      %add3A_2122 = arith.constant 1536 : i32
      %add3A_2123 = arith.addi %add3A_2122, %mul3A_2121 : i32
      %get3A_2124 = arith.index_cast %add3A_2123 : i32 to index
      %get3A_2125 = tpu.vector_load %arg12[%get3A_2124] {strides = array<i32>} : memref<8192xi32, #tpu.memory_space<vmem>>, vector<16xi32>,
      %add3A_2126 = arith.addi %add3A_2109, %get3A_2125 : vector<16xi32>
      %broadcast_in_dim3A_2127 = arith.constant 0 : i32
      %broadcast_in_dim3A_2128 = vector.broadcast %broadcast_in_dim3A_2127 : i32 to vector<16xi32>
      %add3A_2129 = arith.constant 3 : i32
      %add3A_2130 = vector.broadcast %add3A_2129 : i32 to vector<16xi32>
      %add3A_2131 = arith.addi %broadcast_in_dim3A_2128, %add3A_2130 : vector<16xi32>
      %lt3A_2132 = arith.cmpi slt, %add3A_2131, %add3A_22 : vector<16xi32>
      %jit3A_2133 = arith.constant 0 : i32
      %broadcast_in_dim3A_2134 = vector.broadcast %jit3A_2133 : i32 to vector<16xi32>
      %select_n3A_2135 = arith.select %lt3A_2132, %get3A_2125, %broadcast_in_dim3A_2134 : vector<16xi1>, vector<16xi32>
      %add3A_2136 = arith.addi %add3A_2119, %select_n3A_2135 : vector<16xi32>
      %mul3A_2137 = arith.constant 16 : i32
      %mul3A_2138 = arith.muli %scan3A_2066, %mul3A_2137 : i32
      %add3A_2139 = arith.constant 2048 : i32
      %add3A_2140 = arith.addi %add3A_2139, %mul3A_2138 : i32
      %get3A_2141 = arith.index_cast %add3A_2140 : i32 to index
      %get3A_2142 = tpu.vector_load %arg12[%get3A_2141] {strides = array<i32>} : memref<8192xi32, #tpu.memory_space<vmem>>, vector<16xi32>,
      %add3A_2143 = arith.addi %add3A_2126, %get3A_2142 : vector<16xi32>
      %broadcast_in_dim3A_2144 = arith.constant 0 : i32
      %broadcast_in_dim3A_2145 = vector.broadcast %broadcast_in_dim3A_2144 : i32 to vector<16xi32>
      %add3A_2146 = arith.constant 4 : i32
      %add3A_2147 = vector.broadcast %add3A_2146 : i32 to vector<16xi32>
      %add3A_2148 = arith.addi %broadcast_in_dim3A_2145, %add3A_2147 : vector<16xi32>
      %lt3A_2149 = arith.cmpi slt, %add3A_2148, %add3A_22 : vector<16xi32>
      %jit3A_2150 = arith.constant 0 : i32
      %broadcast_in_dim3A_2151 = vector.broadcast %jit3A_2150 : i32 to vector<16xi32>
      %select_n3A_2152 = arith.select %lt3A_2149, %get3A_2142, %broadcast_in_dim3A_2151 : vector<16xi1>, vector<16xi32>
      %add3A_2153 = arith.addi %add3A_2136, %select_n3A_2152 : vector<16xi32>
      %mul3A_2154 = arith.constant 16 : i32
      %mul3A_2155 = arith.muli %scan3A_2066, %mul3A_2154 : i32
      %add3A_2156 = arith.constant 2560 : i32
      %add3A_2157 = arith.addi %add3A_2156, %mul3A_2155 : i32
      %get3A_2158 = arith.index_cast %add3A_2157 : i32 to index
      %get3A_2159 = tpu.vector_load %arg12[%get3A_2158] {strides = array<i32>} : memref<8192xi32, #tpu.memory_space<vmem>>, vector<16xi32>,
      %add3A_2160 = arith.addi %add3A_2143, %get3A_2159 : vector<16xi32>
      %broadcast_in_dim3A_2161 = arith.constant 0 : i32
      %broadcast_in_dim3A_2162 = vector.broadcast %broadcast_in_dim3A_2161 : i32 to vector<16xi32>
      %add3A_2163 = arith.constant 5 : i32
      %add3A_2164 = vector.broadcast %add3A_2163 : i32 to vector<16xi32>
      %add3A_2165 = arith.addi %broadcast_in_dim3A_2162, %add3A_2164 : vector<16xi32>
      %lt3A_2166 = arith.cmpi slt, %add3A_2165, %add3A_22 : vector<16xi32>
      %jit3A_2167 = arith.constant 0 : i32
      %broadcast_in_dim3A_2168 = vector.broadcast %jit3A_2167 : i32 to vector<16xi32>
      %select_n3A_2169 = arith.select %lt3A_2166, %get3A_2159, %broadcast_in_dim3A_2168 : vector<16xi1>, vector<16xi32>
      %add3A_2170 = arith.addi %add3A_2153, %select_n3A_2169 : vector<16xi32>
      %mul3A_2171 = arith.constant 16 : i32
      %mul3A_2172 = arith.muli %scan3A_2066, %mul3A_2171 : i32
      %add3A_2173 = arith.constant 3072 : i32
      %add3A_2174 = arith.addi %add3A_2173, %mul3A_2172 : i32
      %get3A_2175 = arith.index_cast %add3A_2174 : i32 to index
      %get3A_2176 = tpu.vector_load %arg12[%get3A_2175] {strides = array<i32>} : memref<8192xi32, #tpu.memory_space<vmem>>, vector<16xi32>,
      %add3A_2177 = arith.addi %add3A_2160, %get3A_2176 : vector<16xi32>
      %broadcast_in_dim3A_2178 = arith.constant 0 : i32
      %broadcast_in_dim3A_2179 = vector.broadcast %broadcast_in_dim3A_2178 : i32 to vector<16xi32>
      %add3A_2180 = arith.constant 6 : i32
      %add3A_2181 = vector.broadcast %add3A_2180 : i32 to vector<16xi32>
      %add3A_2182 = arith.addi %broadcast_in_dim3A_2179, %add3A_2181 : vector<16xi32>
      %lt3A_2183 = arith.cmpi slt, %add3A_2182, %add3A_22 : vector<16xi32>
      %jit3A_2184 = arith.constant 0 : i32
      %broadcast_in_dim3A_2185 = vector.broadcast %jit3A_2184 : i32 to vector<16xi32>
      %select_n3A_2186 = arith.select %lt3A_2183, %get3A_2176, %broadcast_in_dim3A_2185 : vector<16xi1>, vector<16xi32>
      %add3A_2187 = arith.addi %add3A_2170, %select_n3A_2186 : vector<16xi32>
      %mul3A_2188 = arith.constant 16 : i32
      %mul3A_2189 = arith.muli %scan3A_2066, %mul3A_2188 : i32
      %add3A_2190 = arith.constant 3584 : i32
      %add3A_2191 = arith.addi %add3A_2190, %mul3A_2189 : i32
      %get3A_2192 = arith.index_cast %add3A_2191 : i32 to index
      %get3A_2193 = tpu.vector_load %arg12[%get3A_2192] {strides = array<i32>} : memref<8192xi32, #tpu.memory_space<vmem>>, vector<16xi32>,
      %add3A_2194 = arith.addi %add3A_2177, %get3A_2193 : vector<16xi32>
      %broadcast_in_dim3A_2195 = arith.constant 0 : i32
      %broadcast_in_dim3A_2196 = vector.broadcast %broadcast_in_dim3A_2195 : i32 to vector<16xi32>
      %add3A_2197 = arith.constant 7 : i32
      %add3A_2198 = vector.broadcast %add3A_2197 : i32 to vector<16xi32>
      %add3A_2199 = arith.addi %broadcast_in_dim3A_2196, %add3A_2198 : vector<16xi32>
      %lt3A_2200 = arith.cmpi slt, %add3A_2199, %add3A_22 : vector<16xi32>
      %jit3A_2201 = arith.constant 0 : i32
      %broadcast_in_dim3A_2202 = vector.broadcast %jit3A_2201 : i32 to vector<16xi32>
      %select_n3A_2203 = arith.select %lt3A_2200, %get3A_2193, %broadcast_in_dim3A_2202 : vector<16xi1>, vector<16xi32>
      %add3A_2204 = arith.addi %add3A_2187, %select_n3A_2203 : vector<16xi32>
      %mul3A_2205 = arith.constant 16 : i32
      %mul3A_2206 = arith.muli %scan3A_2066, %mul3A_2205 : i32
      %add3A_2207 = arith.constant 4096 : i32
      %add3A_2208 = arith.addi %add3A_2207, %mul3A_2206 : i32
      %get3A_2209 = arith.index_cast %add3A_2208 : i32 to index
      %get3A_2210 = tpu.vector_load %arg12[%get3A_2209] {strides = array<i32>} : memref<8192xi32, #tpu.memory_space<vmem>>, vector<16xi32>,
      %add3A_2211 = arith.addi %add3A_2194, %get3A_2210 : vector<16xi32>
      %broadcast_in_dim3A_2212 = arith.constant 0 : i32
      %broadcast_in_dim3A_2213 = vector.broadcast %broadcast_in_dim3A_2212 : i32 to vector<16xi32>
      %add3A_2214 = arith.constant 8 : i32
      %add3A_2215 = vector.broadcast %add3A_2214 : i32 to vector<16xi32>
      %add3A_2216 = arith.addi %broadcast_in_dim3A_2213, %add3A_2215 : vector<16xi32>
      %lt3A_2217 = arith.cmpi slt, %add3A_2216, %add3A_22 : vector<16xi32>
      %jit3A_2218 = arith.constant 0 : i32
      %broadcast_in_dim3A_2219 = vector.broadcast %jit3A_2218 : i32 to vector<16xi32>
      %select_n3A_2220 = arith.select %lt3A_2217, %get3A_2210, %broadcast_in_dim3A_2219 : vector<16xi1>, vector<16xi32>
      %add3A_2221 = arith.addi %add3A_2204, %select_n3A_2220 : vector<16xi32>
      %mul3A_2222 = arith.constant 16 : i32
      %mul3A_2223 = arith.muli %scan3A_2066, %mul3A_2222 : i32
      %add3A_2224 = arith.constant 4608 : i32
      %add3A_2225 = arith.addi %add3A_2224, %mul3A_2223 : i32
      %get3A_2226 = arith.index_cast %add3A_2225 : i32 to index
      %get3A_2227 = tpu.vector_load %arg12[%get3A_2226] {strides = array<i32>} : memref<8192xi32, #tpu.memory_space<vmem>>, vector<16xi32>,
      %add3A_2228 = arith.addi %add3A_2211, %get3A_2227 : vector<16xi32>
      %broadcast_in_dim3A_2229 = arith.constant 0 : i32
      %broadcast_in_dim3A_2230 = vector.broadcast %broadcast_in_dim3A_2229 : i32 to vector<16xi32>
      %add3A_2231 = arith.constant 9 : i32
      %add3A_2232 = vector.broadcast %add3A_2231 : i32 to vector<16xi32>
      %add3A_2233 = arith.addi %broadcast_in_dim3A_2230, %add3A_2232 : vector<16xi32>
      %lt3A_2234 = arith.cmpi slt, %add3A_2233, %add3A_22 : vector<16xi32>
      %jit3A_2235 = arith.constant 0 : i32
      %broadcast_in_dim3A_2236 = vector.broadcast %jit3A_2235 : i32 to vector<16xi32>
      %select_n3A_2237 = arith.select %lt3A_2234, %get3A_2227, %broadcast_in_dim3A_2236 : vector<16xi1>, vector<16xi32>
      %add3A_2238 = arith.addi %add3A_2221, %select_n3A_2237 : vector<16xi32>
      %mul3A_2239 = arith.constant 16 : i32
      %mul3A_2240 = arith.muli %scan3A_2066, %mul3A_2239 : i32
      %add3A_2241 = arith.constant 5120 : i32
      %add3A_2242 = arith.addi %add3A_2241, %mul3A_2240 : i32
      %get3A_2243 = arith.index_cast %add3A_2242 : i32 to index
      %get3A_2244 = tpu.vector_load %arg12[%get3A_2243] {strides = array<i32>} : memref<8192xi32, #tpu.memory_space<vmem>>, vector<16xi32>,
      %add3A_2245 = arith.addi %add3A_2228, %get3A_2244 : vector<16xi32>
      %broadcast_in_dim3A_2246 = arith.constant 0 : i32
      %broadcast_in_dim3A_2247 = vector.broadcast %broadcast_in_dim3A_2246 : i32 to vector<16xi32>
      %add3A_2248 = arith.constant 10 : i32
      %add3A_2249 = vector.broadcast %add3A_2248 : i32 to vector<16xi32>
      %add3A_2250 = arith.addi %broadcast_in_dim3A_2247, %add3A_2249 : vector<16xi32>
      %lt3A_2251 = arith.cmpi slt, %add3A_2250, %add3A_22 : vector<16xi32>
      %jit3A_2252 = arith.constant 0 : i32
      %broadcast_in_dim3A_2253 = vector.broadcast %jit3A_2252 : i32 to vector<16xi32>
      %select_n3A_2254 = arith.select %lt3A_2251, %get3A_2244, %broadcast_in_dim3A_2253 : vector<16xi1>, vector<16xi32>
      %add3A_2255 = arith.addi %add3A_2238, %select_n3A_2254 : vector<16xi32>
      %mul3A_2256 = arith.constant 16 : i32
      %mul3A_2257 = arith.muli %scan3A_2066, %mul3A_2256 : i32
      %add3A_2258 = arith.constant 5632 : i32
      %add3A_2259 = arith.addi %add3A_2258, %mul3A_2257 : i32
      %get3A_2260 = arith.index_cast %add3A_2259 : i32 to index
      %get3A_2261 = tpu.vector_load %arg12[%get3A_2260] {strides = array<i32>} : memref<8192xi32, #tpu.memory_space<vmem>>, vector<16xi32>,
      %add3A_2262 = arith.addi %add3A_2245, %get3A_2261 : vector<16xi32>
      %broadcast_in_dim3A_2263 = arith.constant 0 : i32
      %broadcast_in_dim3A_2264 = vector.broadcast %broadcast_in_dim3A_2263 : i32 to vector<16xi32>
      %add3A_2265 = arith.constant 11 : i32
      %add3A_2266 = vector.broadcast %add3A_2265 : i32 to vector<16xi32>
      %add3A_2267 = arith.addi %broadcast_in_dim3A_2264, %add3A_2266 : vector<16xi32>
      %lt3A_2268 = arith.cmpi slt, %add3A_2267, %add3A_22 : vector<16xi32>
      %jit3A_2269 = arith.constant 0 : i32
      %broadcast_in_dim3A_2270 = vector.broadcast %jit3A_2269 : i32 to vector<16xi32>
      %select_n3A_2271 = arith.select %lt3A_2268, %get3A_2261, %broadcast_in_dim3A_2270 : vector<16xi1>, vector<16xi32>
      %add3A_2272 = arith.addi %add3A_2255, %select_n3A_2271 : vector<16xi32>
      %mul3A_2273 = arith.constant 16 : i32
      %mul3A_2274 = arith.muli %scan3A_2066, %mul3A_2273 : i32
      %add3A_2275 = arith.constant 6144 : i32
      %add3A_2276 = arith.addi %add3A_2275, %mul3A_2274 : i32
      %get3A_2277 = arith.index_cast %add3A_2276 : i32 to index
      %get3A_2278 = tpu.vector_load %arg12[%get3A_2277] {strides = array<i32>} : memref<8192xi32, #tpu.memory_space<vmem>>, vector<16xi32>,
      %add3A_2279 = arith.addi %add3A_2262, %get3A_2278 : vector<16xi32>
      %broadcast_in_dim3A_2280 = arith.constant 0 : i32
      %broadcast_in_dim3A_2281 = vector.broadcast %broadcast_in_dim3A_2280 : i32 to vector<16xi32>
      %add3A_2282 = arith.constant 12 : i32
      %add3A_2283 = vector.broadcast %add3A_2282 : i32 to vector<16xi32>
      %add3A_2284 = arith.addi %broadcast_in_dim3A_2281, %add3A_2283 : vector<16xi32>
      %lt3A_2285 = arith.cmpi slt, %add3A_2284, %add3A_22 : vector<16xi32>
      %jit3A_2286 = arith.constant 0 : i32
      %broadcast_in_dim3A_2287 = vector.broadcast %jit3A_2286 : i32 to vector<16xi32>
      %select_n3A_2288 = arith.select %lt3A_2285, %get3A_2278, %broadcast_in_dim3A_2287 : vector<16xi1>, vector<16xi32>
      %add3A_2289 = arith.addi %add3A_2272, %select_n3A_2288 : vector<16xi32>
      %mul3A_2290 = arith.constant 16 : i32
      %mul3A_2291 = arith.muli %scan3A_2066, %mul3A_2290 : i32
      %add3A_2292 = arith.constant 6656 : i32
      %add3A_2293 = arith.addi %add3A_2292, %mul3A_2291 : i32
      %get3A_2294 = arith.index_cast %add3A_2293 : i32 to index
      %get3A_2295 = tpu.vector_load %arg12[%get3A_2294] {strides = array<i32>} : memref<8192xi32, #tpu.memory_space<vmem>>, vector<16xi32>,
      %add3A_2296 = arith.addi %add3A_2279, %get3A_2295 : vector<16xi32>
      %broadcast_in_dim3A_2297 = arith.constant 0 : i32
      %broadcast_in_dim3A_2298 = vector.broadcast %broadcast_in_dim3A_2297 : i32 to vector<16xi32>
      %add3A_2299 = arith.constant 13 : i32
      %add3A_2300 = vector.broadcast %add3A_2299 : i32 to vector<16xi32>
      %add3A_2301 = arith.addi %broadcast_in_dim3A_2298, %add3A_2300 : vector<16xi32>
      %lt3A_2302 = arith.cmpi slt, %add3A_2301, %add3A_22 : vector<16xi32>
      %jit3A_2303 = arith.constant 0 : i32
      %broadcast_in_dim3A_2304 = vector.broadcast %jit3A_2303 : i32 to vector<16xi32>
      %select_n3A_2305 = arith.select %lt3A_2302, %get3A_2295, %broadcast_in_dim3A_2304 : vector<16xi1>, vector<16xi32>
      %add3A_2306 = arith.addi %add3A_2289, %select_n3A_2305 : vector<16xi32>
      %mul3A_2307 = arith.constant 16 : i32
      %mul3A_2308 = arith.muli %scan3A_2066, %mul3A_2307 : i32
      %add3A_2309 = arith.constant 7168 : i32
      %add3A_2310 = arith.addi %add3A_2309, %mul3A_2308 : i32
      %get3A_2311 = arith.index_cast %add3A_2310 : i32 to index
      %get3A_2312 = tpu.vector_load %arg12[%get3A_2311] {strides = array<i32>} : memref<8192xi32, #tpu.memory_space<vmem>>, vector<16xi32>,
      %add3A_2313 = arith.addi %add3A_2296, %get3A_2312 : vector<16xi32>
      %broadcast_in_dim3A_2314 = arith.constant 0 : i32
      %broadcast_in_dim3A_2315 = vector.broadcast %broadcast_in_dim3A_2314 : i32 to vector<16xi32>
      %add3A_2316 = arith.constant 14 : i32
      %add3A_2317 = vector.broadcast %add3A_2316 : i32 to vector<16xi32>
      %add3A_2318 = arith.addi %broadcast_in_dim3A_2315, %add3A_2317 : vector<16xi32>
      %lt3A_2319 = arith.cmpi slt, %add3A_2318, %add3A_22 : vector<16xi32>
      %jit3A_2320 = arith.constant 0 : i32
      %broadcast_in_dim3A_2321 = vector.broadcast %jit3A_2320 : i32 to vector<16xi32>
      %select_n3A_2322 = arith.select %lt3A_2319, %get3A_2312, %broadcast_in_dim3A_2321 : vector<16xi1>, vector<16xi32>
      %add3A_2323 = arith.addi %add3A_2306, %select_n3A_2322 : vector<16xi32>
      %mul3A_2324 = arith.constant 16 : i32
      %mul3A_2325 = arith.muli %scan3A_2066, %mul3A_2324 : i32
      %add3A_2326 = arith.constant 7680 : i32
      %add3A_2327 = arith.addi %add3A_2326, %mul3A_2325 : i32
      %get3A_2328 = arith.index_cast %add3A_2327 : i32 to index
      %get3A_2329 = tpu.vector_load %arg12[%get3A_2328] {strides = array<i32>} : memref<8192xi32, #tpu.memory_space<vmem>>, vector<16xi32>,
      %add3A_2330 = arith.addi %add3A_2313, %get3A_2329 : vector<16xi32>
      %broadcast_in_dim3A_2331 = arith.constant 0 : i32
      %broadcast_in_dim3A_2332 = vector.broadcast %broadcast_in_dim3A_2331 : i32 to vector<16xi32>
      %add3A_2333 = arith.constant 15 : i32
      %add3A_2334 = vector.broadcast %add3A_2333 : i32 to vector<16xi32>
      %add3A_2335 = arith.addi %broadcast_in_dim3A_2332, %add3A_2334 : vector<16xi32>
      %lt3A_2336 = arith.cmpi slt, %add3A_2335, %add3A_22 : vector<16xi32>
      %jit3A_2337 = arith.constant 0 : i32
      %broadcast_in_dim3A_2338 = vector.broadcast %jit3A_2337 : i32 to vector<16xi32>
      %select_n3A_2339 = arith.select %lt3A_2336, %get3A_2329, %broadcast_in_dim3A_2338 : vector<16xi1>, vector<16xi32>
      %add3A_2340 = arith.addi %add3A_2323, %select_n3A_2339 : vector<16xi32>
      %broadcast_in_dim3A_2341 = arith.constant true
      %broadcast_in_dim3A_2342 = vector.broadcast %broadcast_in_dim3A_2341 : i1 to vector<16xi1>
      %masked_cumsum3A = tpu.scan <sum>, %add3A_2330 masked %broadcast_in_dim3A_2342 : vector<16xi32>, vector<16xi1> -> vector<16xi32>
      %sub3A = arith.subi %masked_cumsum3A, %add3A_2330 : vector<16xi32>
      %add3A_2343 = vector.broadcast %scan3A_2067 : i32 to vector<16xi32>
      %add3A_2344 = arith.addi %add3A_2343, %sub3A : vector<16xi32>
      %add3A_2345 = arith.addi %add3A_2344, %add3A_2340 : vector<16xi32>
      %mul3A_2346 = arith.constant 16 : i32
      %mul3A_2347 = arith.muli %scan3A_2066, %mul3A_2346 : i32
      %swap3A_2348 = arith.index_cast %mul3A_2347 : i32 to index
      %swap3A_2349 = tpu.vector_load %arg11[%swap3A_2348] {strides = array<i32>} : memref<512xi32, #tpu.memory_space<vmem>>, vector<16xi32>,
      tpu.vector_store %arg11[%swap3A_2348], %add3A_2345 {strides = array<i32>} : memref<512xi32, #tpu.memory_space<vmem>>, vector<16xi32>,
      %reduce_sum3A = arith.constant true
      %reduce_sum3A_2350 = vector.broadcast %reduce_sum3A : i1 to vector<16xi1>
      %reduce_sum3A_2351 = tpu.scan <sum>, %add3A_2330 masked %reduce_sum3A_2350 : vector<16xi32>, vector<16xi1> -> vector<16xi32>
      %reduce_sum3A_2352 = vector.extract %reduce_sum3A_2351[15] : i32 from vector<16xi32>
      %add3A_2353 = arith.addi %scan3A_2067, %reduce_sum3A_2352 : i32
      scf.yield %add3A_2353 : i32
    }
    %scan3A_29 = arith.constant 32 : i32
    %scan3A_30 = arith.constant 0 : i32
    %scan3A_31 = arith.constant 0 : i32
    %scan3A_32 = arith.constant 80 : i32
    %scan3A_33 = arith.addi %scan3A_31, %scan3A_32 : i32
    %scan3A_34 = arith.constant 1 : i32
    scf.for %scan3A_2066 = %scan3A_31 to %scan3A_33 step %scan3A_34  : i32 {
      %mul3A_2067 = arith.constant 16 : i32
      %mul3A_2068 = arith.muli %scan3A_2066, %mul3A_2067 : i32
      %get3A_2069 = arith.index_cast %mul3A_2068 : i32 to index
      %get3A_2070 = tpu.vector_load %arg7[%get3A_2069] {strides = array<i32>} : memref<1280xi32, #tpu.memory_space<vmem>>, vector<16xi32>,
      %gather3A = tpu.vector_load_idx %arg5[%get3A_2070] : memref<20480xi32, #tpu.memory_space<vmem>>[vector<16xi32>], vector<16xi32>,
      %shift_right_arithmetic3A = arith.constant 0 : i32
      %shift_right_arithmetic3A_2071 = vector.broadcast %shift_right_arithmetic3A : i32 to vector<16xi32>
      %shift_right_arithmetic3A_2072 = arith.shrsi %gather3A, %shift_right_arithmetic3A_2071 : vector<16xi32>
      %and3A = arith.constant 511 : i32
      %and3A_2073 = vector.broadcast %and3A : i32 to vector<16xi32>
      %and3A_2074 = arith.andi %shift_right_arithmetic3A_2072, %and3A_2073 : vector<16xi32>
      %broadcast_in_dim3A_2075 = arith.constant true
      %broadcast_in_dim3A_2076 = vector.broadcast %broadcast_in_dim3A_2075 : i1 to vector<16xi1>
      %unique3A, %unique3A_2077 = tpu.scan_count mask(%broadcast_in_dim3A_2076 : vector<16xi1>) value(%and3A_2074 : vector<16xi32>) : vector<16xi1>, vector<16xi32>
      %gather3A_2078 = tpu.vector_load_idx %arg11[%and3A_2074] : memref<512xi32, #tpu.memory_space<vmem>>[vector<16xi32>], vector<16xi32>,
      %add3A_2079 = arith.addi %gather3A_2078, %unique3A_2077 : vector<16xi32>
      %sub3A = arith.constant 1 : i32
      %sub3A_2080 = vector.broadcast %sub3A : i32 to vector<16xi32>
      %sub3A_2081 = arith.subi %add3A_2079, %sub3A_2080 : vector<16xi32>
      %mul3A_2082 = arith.constant 16 : i32
      %mul3A_2083 = arith.muli %scan3A_2066, %mul3A_2082 : i32
      %swap3A_2084 = arith.index_cast %mul3A_2083 : i32 to index
      %swap3A_2085 = tpu.vector_load %arg8[%swap3A_2084] {strides = array<i32>} : memref<1280xi32, #tpu.memory_space<vmem>>, vector<16xi32>,
      tpu.vector_store %arg8[%swap3A_2084], %sub3A_2081 {strides = array<i32>} : memref<1280xi32, #tpu.memory_space<vmem>>, vector<16xi32>,
      tpu.vector_store_idx %arg11[%and3A_2074], %unique3A_2077 masked %unique3A {add = true} : memref<512xi32, #tpu.memory_space<vmem>>[vector<16xi32>], vector<16xi32>, vector<16xi1>
    }
    %scan3A_35 = arith.constant 80 : i32
    %get3A = arith.constant 0 : index
    %get3A_36 = tpu.vector_load %arg8[%get3A] {strides = array<i32>} : memref<1280xi32, #tpu.memory_space<vmem>>, vector<16xi32>,
    %swap3A = arith.constant 0 : i32
    %swap3A_37 = arith.index_cast %swap3A : i32 to index
    %swap3A_38 = arith.constant 0 : index
    %swap3A_39 = tpu.vector_load %arg9[%swap3A_37, %swap3A_38] {strides = array<i32>} : memref<10x128xi32, #tpu.memory_space<vmem>>, vector<16xi32>,
    tpu.vector_store %arg9[%swap3A_37, %swap3A_38], %get3A_36 {strides = array<i32>} : memref<10x128xi32, #tpu.memory_space<vmem>>, vector<16xi32>,
    %get3A_40 = arith.constant 16 : index
    %get3A_41 = tpu.vector_load %arg8[%get3A_40] {strides = array<i32>} : memref<1280xi32, #tpu.memory_space<vmem>>, vector<16xi32>,
    %swap3A_42 = arith.constant 0 : i32
    %swap3A_43 = arith.index_cast %swap3A_42 : i32 to index
    %swap3A_44 = arith.constant 16 : index
    %swap3A_45 = tpu.vector_load %arg9[%swap3A_43, %swap3A_44] {strides = array<i32>} : memref<10x128xi32, #tpu.memory_space<vmem>>, vector<16xi32>,
    tpu.vector_store %arg9[%swap3A_43, %swap3A_44], %get3A_41 {strides = array<i32>} : memref<10x128xi32, #tpu.memory_space<vmem>>, vector<16xi32>,
    %get3A_46 = arith.constant 32 : index
    %get3A_47 = tpu.vector_load %arg8[%get3A_46] {strides = array<i32>} : memref<1280xi32, #tpu.memory_space<vmem>>, vector<16xi32>,
    %swap3A_48 = arith.constant 0 : i32
    %swap3A_49 = arith.index_cast %swap3A_48 : i32 to index
    %swap3A_50 = arith.constant 32 : index
    %swap3A_51 = tpu.vector_load %arg9[%swap3A_49, %swap3A_50] {strides = array<i32>} : memref<10x128xi32, #tpu.memory_space<vmem>>, vector<16xi32>,
    tpu.vector_store %arg9[%swap3A_49, %swap3A_50], %get3A_47 {strides = array<i32>} : memref<10x128xi32, #tpu.memory_space<vmem>>, vector<16xi32>,
    %get3A_52 = arith.constant 48 : index
    %get3A_53 = tpu.vector_load %arg8[%get3A_52] {strides = array<i32>} : memref<1280xi32, #tpu.memory_space<vmem>>, vector<16xi32>,
    %swap3A_54 = arith.constant 0 : i32
    %swap3A_55 = arith.index_cast %swap3A_54 : i32 to index
    %swap3A_56 = arith.constant 48 : index
    %swap3A_57 = tpu.vector_load %arg9[%swap3A_55, %swap3A_56] {strides = array<i32>} : memref<10x128xi32, #tpu.memory_space<vmem>>, vector<16xi32>,
    tpu.vector_store %arg9[%swap3A_55, %swap3A_56], %get3A_53 {strides = array<i32>} : memref<10x128xi32, #tpu.memory_space<vmem>>, vector<16xi32>,
    %get3A_58 = arith.constant 64 : index
    %get3A_59 = tpu.vector_load %arg8[%get3A_58] {strides = array<i32>} : memref<1280xi32, #tpu.memory_space<vmem>>, vector<16xi32>,
    %swap3A_60 = arith.constant 0 : i32
    %swap3A_61 = arith.index_cast %swap3A_60 : i32 to index
    %swap3A_62 = arith.constant 64 : index
    %swap3A_63 = tpu.vector_load %arg9[%swap3A_61, %swap3A_62] {strides = array<i32>} : memref<10x128xi32, #tpu.memory_space<vmem>>, vector<16xi32>,
    tpu.vector_store %arg9[%swap3A_61, %swap3A_62], %get3A_59 {strides = array<i32>} : memref<10x128xi32, #tpu.memory_space<vmem>>, vector<16xi32>,
    %get3A_64 = arith.constant 80 : index
    %get3A_65 = tpu.vector_load %arg8[%get3A_64] {strides = array<i32>} : memref<1280xi32, #tpu.memory_space<vmem>>, vector<16xi32>,
    %swap3A_66 = arith.constant 0 : i32
    %swap3A_67 = arith.index_cast %swap3A_66 : i32 to index
    %swap3A_68 = arith.constant 80 : index
    %swap3A_69 = tpu.vector_load %arg9[%swap3A_67, %swap3A_68] {strides = array<i32>} : memref<10x128xi32, #tpu.memory_space<vmem>>, vector<16xi32>,
    tpu.vector_store %arg9[%swap3A_67, %swap3A_68], %get3A_65 {strides = array<i32>} : memref<10x128xi32, #tpu.memory_space<vmem>>, vector<16xi32>,
    %get3A_70 = arith.constant 96 : index
    %get3A_71 = tpu.vector_load %arg8[%get3A_70] {strides = array<i32>} : memref<1280xi32, #tpu.memory_space<vmem>>, vector<16xi32>,
    %swap3A_72 = arith.constant 0 : i32
    %swap3A_73 = arith.index_cast %swap3A_72 : i32 to index
    %swap3A_74 = arith.constant 96 : index
    %swap3A_75 = tpu.vector_load %arg9[%swap3A_73, %swap3A_74] {strides = array<i32>} : memref<10x128xi32, #tpu.memory_space<vmem>>, vector<16xi32>,
    tpu.vector_store %arg9[%swap3A_73, %swap3A_74], %get3A_71 {strides = array<i32>} : memref<10x128xi32, #tpu.memory_space<vmem>>, vector<16xi32>,
    %get3A_76 = arith.constant 112 : index
    %get3A_77 = tpu.vector_load %arg8[%get3A_76] {strides = array<i32>} : memref<1280xi32, #tpu.memory_space<vmem>>, vector<16xi32>,
    %swap3A_78 = arith.constant 0 : i32
    %swap3A_79 = arith.index_cast %swap3A_78 : i32 to index
    %swap3A_80 = arith.constant 112 : index
    %swap3A_81 = tpu.vector_load %arg9[%swap3A_79, %swap3A_80] {strides = array<i32>} : memref<10x128xi32, #tpu.memory_space<vmem>>, vector<16xi32>,
    tpu.vector_store %arg9[%swap3A_79, %swap3A_80], %get3A_77 {strides = array<i32>} : memref<10x128xi32, #tpu.memory_space<vmem>>, vector<16xi32>,
    %get3A_82 = arith.constant 128 : index
    %get3A_83 = tpu.vector_load %arg8[%get3A_82] {strides = array<i32>} : memref<1280xi32, #tpu.memory_space<vmem>>, vector<16xi32>,
    %swap3A_84 = arith.constant 1 : i32
    %swap3A_85 = arith.index_cast %swap3A_84 : i32 to index
    %swap3A_86 = arith.constant 0 : index
    %swap3A_87 = tpu.vector_load %arg9[%swap3A_85, %swap3A_86] {strides = array<i32>} : memref<10x128xi32, #tpu.memory_space<vmem>>, vector<16xi32>,
    tpu.vector_store %arg9[%swap3A_85, %swap3A_86], %get3A_83 {strides = array<i32>} : memref<10x128xi32, #tpu.memory_space<vmem>>, vector<16xi32>,
    %get3A_88 = arith.constant 144 : index
    %get3A_89 = tpu.vector_load %arg8[%get3A_88] {strides = array<i32>} : memref<1280xi32, #tpu.memory_space<vmem>>, vector<16xi32>,
    %swap3A_90 = arith.constant 1 : i32
    %swap3A_91 = arith.index_cast %swap3A_90 : i32 to index
    %swap3A_92 = arith.constant 16 : index
    %swap3A_93 = tpu.vector_load %arg9[%swap3A_91, %swap3A_92] {strides = array<i32>} : memref<10x128xi32, #tpu.memory_space<vmem>>, vector<16xi32>,
    tpu.vector_store %arg9[%swap3A_91, %swap3A_92], %get3A_89 {strides = array<i32>} : memref<10x128xi32, #tpu.memory_space<vmem>>, vector<16xi32>,
    %get3A_94 = arith.constant 160 : index
    %get3A_95 = tpu.vector_load %arg8[%get3A_94] {strides = array<i32>} : memref<1280xi32, #tpu.memory_space<vmem>>, vector<16xi32>,
    %swap3A_96 = arith.constant 1 : i32
    %swap3A_97 = arith.index_cast %swap3A_96 : i32 to index
    %swap3A_98 = arith.constant 32 : index
    %swap3A_99 = tpu.vector_load %arg9[%swap3A_97, %swap3A_98] {strides = array<i32>} : memref<10x128xi32, #tpu.memory_space<vmem>>, vector<16xi32>,
    tpu.vector_store %arg9[%swap3A_97, %swap3A_98], %get3A_95 {strides = array<i32>} : memref<10x128xi32, #tpu.memory_space<vmem>>, vector<16xi32>,
    %get3A_100 = arith.constant 176 : index
    %get3A_101 = tpu.vector_load %arg8[%get3A_100] {strides = array<i32>} : memref<1280xi32, #tpu.memory_space<vmem>>, vector<16xi32>,
    %swap3A_102 = arith.constant 1 : i32
    %swap3A_103 = arith.index_cast %swap3A_102 : i32 to index
    %swap3A_104 = arith.constant 48 : index
    %swap3A_105 = tpu.vector_load %arg9[%swap3A_103, %swap3A_104] {strides = array<i32>} : memref<10x128xi32, #tpu.memory_space<vmem>>, vector<16xi32>,
    tpu.vector_store %arg9[%swap3A_103, %swap3A_104], %get3A_101 {strides = array<i32>} : memref<10x128xi32, #tpu.memory_space<vmem>>, vector<16xi32>,
    %get3A_106 = arith.constant 192 : index
    %get3A_107 = tpu.vector_load %arg8[%get3A_106] {strides = array<i32>} : memref<1280xi32, #tpu.memory_space<vmem>>, vector<16xi32>,
    %swap3A_108 = arith.constant 1 : i32
    %swap3A_109 = arith.index_cast %swap3A_108 : i32 to index
    %swap3A_110 = arith.constant 64 : index
    %swap3A_111 = tpu.vector_load %arg9[%swap3A_109, %swap3A_110] {strides = array<i32>} : memref<10x128xi32, #tpu.memory_space<vmem>>, vector<16xi32>,
    tpu.vector_store %arg9[%swap3A_109, %swap3A_110], %get3A_107 {strides = array<i32>} : memref<10x128xi32, #tpu.memory_space<vmem>>, vector<16xi32>,
    %get3A_112 = arith.constant 208 : index
    %get3A_113 = tpu.vector_load %arg8[%get3A_112] {strides = array<i32>} : memref<1280xi32, #tpu.memory_space<vmem>>, vector<16xi32>,
    %swap3A_114 = arith.constant 1 : i32
    %swap3A_115 = arith.index_cast %swap3A_114 : i32 to index
    %swap3A_116 = arith.constant 80 : index
    %swap3A_117 = tpu.vector_load %arg9[%swap3A_115, %swap3A_116] {strides = array<i32>} : memref<10x128xi32, #tpu.memory_space<vmem>>, vector<16xi32>,
    tpu.vector_store %arg9[%swap3A_115, %swap3A_116], %get3A_113 {strides = array<i32>} : memref<10x128xi32, #tpu.memory_space<vmem>>, vector<16xi32>,
    %get3A_118 = arith.constant 224 : index
    %get3A_119 = tpu.vector_load %arg8[%get3A_118] {strides = array<i32>} : memref<1280xi32, #tpu.memory_space<vmem>>, vector<16xi32>,
    %swap3A_120 = arith.constant 1 : i32
    %swap3A_121 = arith.index_cast %swap3A_120 : i32 to index
    %swap3A_122 = arith.constant 96 : index
    %swap3A_123 = tpu.vector_load %arg9[%swap3A_121, %swap3A_122] {strides = array<i32>} : memref<10x128xi32, #tpu.memory_space<vmem>>, vector<16xi32>,
    tpu.vector_store %arg9[%swap3A_121, %swap3A_122], %get3A_119 {strides = array<i32>} : memref<10x128xi32, #tpu.memory_space<vmem>>, vector<16xi32>,
    %get3A_124 = arith.constant 240 : index
    %get3A_125 = tpu.vector_load %arg8[%get3A_124] {strides = array<i32>} : memref<1280xi32, #tpu.memory_space<vmem>>, vector<16xi32>,
    %swap3A_126 = arith.constant 1 : i32
    %swap3A_127 = arith.index_cast %swap3A_126 : i32 to index
    %swap3A_128 = arith.constant 112 : index
    %swap3A_129 = tpu.vector_load %arg9[%swap3A_127, %swap3A_128] {strides = array<i32>} : memref<10x128xi32, #tpu.memory_space<vmem>>, vector<16xi32>,
    tpu.vector_store %arg9[%swap3A_127, %swap3A_128], %get3A_125 {strides = array<i32>} : memref<10x128xi32, #tpu.memory_space<vmem>>, vector<16xi32>,
    %get3A_130 = arith.constant 256 : index
    %get3A_131 = tpu.vector_load %arg8[%get3A_130] {strides = array<i32>} : memref<1280xi32, #tpu.memory_space<vmem>>, vector<16xi32>,
    %swap3A_132 = arith.constant 2 : i32
    %swap3A_133 = arith.index_cast %swap3A_132 : i32 to index
    %swap3A_134 = arith.constant 0 : index
    %swap3A_135 = tpu.vector_load %arg9[%swap3A_133, %swap3A_134] {strides = array<i32>} : memref<10x128xi32, #tpu.memory_space<vmem>>, vector<16xi32>,
    tpu.vector_store %arg9[%swap3A_133, %swap3A_134], %get3A_131 {strides = array<i32>} : memref<10x128xi32, #tpu.memory_space<vmem>>, vector<16xi32>,
    %get3A_136 = arith.constant 272 : index
    %get3A_137 = tpu.vector_load %arg8[%get3A_136] {strides = array<i32>} : memref<1280xi32, #tpu.memory_space<vmem>>, vector<16xi32>,
    %swap3A_138 = arith.constant 2 : i32
    %swap3A_139 = arith.index_cast %swap3A_138 : i32 to index
    %swap3A_140 = arith.constant 16 : index
    %swap3A_141 = tpu.vector_load %arg9[%swap3A_139, %swap3A_140] {strides = array<i32>} : memref<10x128xi32, #tpu.memory_space<vmem>>, vector<16xi32>,
    tpu.vector_store %arg9[%swap3A_139, %swap3A_140], %get3A_137 {strides = array<i32>} : memref<10x128xi32, #tpu.memory_space<vmem>>, vector<16xi32>,
    %get3A_142 = arith.constant 288 : index
    %get3A_143 = tpu.vector_load %arg8[%get3A_142] {strides = array<i32>} : memref<1280xi32, #tpu.memory_space<vmem>>, vector<16xi32>,
    %swap3A_144 = arith.constant 2 : i32
    %swap3A_145 = arith.index_cast %swap3A_144 : i32 to index
    %swap3A_146 = arith.constant 32 : index
    %swap3A_147 = tpu.vector_load %arg9[%swap3A_145, %swap3A_146] {strides = array<i32>} : memref<10x128xi32, #tpu.memory_space<vmem>>, vector<16xi32>,
    tpu.vector_store %arg9[%swap3A_145, %swap3A_146], %get3A_143 {strides = array<i32>} : memref<10x128xi32, #tpu.memory_space<vmem>>, vector<16xi32>,
    %get3A_148 = arith.constant 304 : index
    %get3A_149 = tpu.vector_load %arg8[%get3A_148] {strides = array<i32>} : memref<1280xi32, #tpu.memory_space<vmem>>, vector<16xi32>,
    %swap3A_150 = arith.constant 2 : i32
    %swap3A_151 = arith.index_cast %swap3A_150 : i32 to index
    %swap3A_152 = arith.constant 48 : index
    %swap3A_153 = tpu.vector_load %arg9[%swap3A_151, %swap3A_152] {strides = array<i32>} : memref<10x128xi32, #tpu.memory_space<vmem>>, vector<16xi32>,
    tpu.vector_store %arg9[%swap3A_151, %swap3A_152], %get3A_149 {strides = array<i32>} : memref<10x128xi32, #tpu.memory_space<vmem>>, vector<16xi32>,
    %get3A_154 = arith.constant 320 : index
    %get3A_155 = tpu.vector_load %arg8[%get3A_154] {strides = array<i32>} : memref<1280xi32, #tpu.memory_space<vmem>>, vector<16xi32>,
    %swap3A_156 = arith.constant 2 : i32
    %swap3A_157 = arith.index_cast %swap3A_156 : i32 to index
    %swap3A_158 = arith.constant 64 : index
    %swap3A_159 = tpu.vector_load %arg9[%swap3A_157, %swap3A_158] {strides = array<i32>} : memref<10x128xi32, #tpu.memory_space<vmem>>, vector<16xi32>,
    tpu.vector_store %arg9[%swap3A_157, %swap3A_158], %get3A_155 {strides = array<i32>} : memref<10x128xi32, #tpu.memory_space<vmem>>, vector<16xi32>,
    %get3A_160 = arith.constant 336 : index
    %get3A_161 = tpu.vector_load %arg8[%get3A_160] {strides = array<i32>} : memref<1280xi32, #tpu.memory_space<vmem>>, vector<16xi32>,
    %swap3A_162 = arith.constant 2 : i32
    %swap3A_163 = arith.index_cast %swap3A_162 : i32 to index
    %swap3A_164 = arith.constant 80 : index
    %swap3A_165 = tpu.vector_load %arg9[%swap3A_163, %swap3A_164] {strides = array<i32>} : memref<10x128xi32, #tpu.memory_space<vmem>>, vector<16xi32>,
    tpu.vector_store %arg9[%swap3A_163, %swap3A_164], %get3A_161 {strides = array<i32>} : memref<10x128xi32, #tpu.memory_space<vmem>>, vector<16xi32>,
    %get3A_166 = arith.constant 352 : index
    %get3A_167 = tpu.vector_load %arg8[%get3A_166] {strides = array<i32>} : memref<1280xi32, #tpu.memory_space<vmem>>, vector<16xi32>,
    %swap3A_168 = arith.constant 2 : i32
    %swap3A_169 = arith.index_cast %swap3A_168 : i32 to index
    %swap3A_170 = arith.constant 96 : index
    %swap3A_171 = tpu.vector_load %arg9[%swap3A_169, %swap3A_170] {strides = array<i32>} : memref<10x128xi32, #tpu.memory_space<vmem>>, vector<16xi32>,
    tpu.vector_store %arg9[%swap3A_169, %swap3A_170], %get3A_167 {strides = array<i32>} : memref<10x128xi32, #tpu.memory_space<vmem>>, vector<16xi32>,
    %get3A_172 = arith.constant 368 : index
    %get3A_173 = tpu.vector_load %arg8[%get3A_172] {strides = array<i32>} : memref<1280xi32, #tpu.memory_space<vmem>>, vector<16xi32>,
    %swap3A_174 = arith.constant 2 : i32
    %swap3A_175 = arith.index_cast %swap3A_174 : i32 to index
    %swap3A_176 = arith.constant 112 : index
    %swap3A_177 = tpu.vector_load %arg9[%swap3A_175, %swap3A_176] {strides = array<i32>} : memref<10x128xi32, #tpu.memory_space<vmem>>, vector<16xi32>,
    tpu.vector_store %arg9[%swap3A_175, %swap3A_176], %get3A_173 {strides = array<i32>} : memref<10x128xi32, #tpu.memory_space<vmem>>, vector<16xi32>,
    %get3A_178 = arith.constant 384 : index
    %get3A_179 = tpu.vector_load %arg8[%get3A_178] {strides = array<i32>} : memref<1280xi32, #tpu.memory_space<vmem>>, vector<16xi32>,
    %swap3A_180 = arith.constant 3 : i32
    %swap3A_181 = arith.index_cast %swap3A_180 : i32 to index
    %swap3A_182 = arith.constant 0 : index
    %swap3A_183 = tpu.vector_load %arg9[%swap3A_181, %swap3A_182] {strides = array<i32>} : memref<10x128xi32, #tpu.memory_space<vmem>>, vector<16xi32>,
    tpu.vector_store %arg9[%swap3A_181, %swap3A_182], %get3A_179 {strides = array<i32>} : memref<10x128xi32, #tpu.memory_space<vmem>>, vector<16xi32>,
    %get3A_184 = arith.constant 400 : index
    %get3A_185 = tpu.vector_load %arg8[%get3A_184] {strides = array<i32>} : memref<1280xi32, #tpu.memory_space<vmem>>, vector<16xi32>,
    %swap3A_186 = arith.constant 3 : i32
    %swap3A_187 = arith.index_cast %swap3A_186 : i32 to index
    %swap3A_188 = arith.constant 16 : index
    %swap3A_189 = tpu.vector_load %arg9[%swap3A_187, %swap3A_188] {strides = array<i32>} : memref<10x128xi32, #tpu.memory_space<vmem>>, vector<16xi32>,
    tpu.vector_store %arg9[%swap3A_187, %swap3A_188], %get3A_185 {strides = array<i32>} : memref<10x128xi32, #tpu.memory_space<vmem>>, vector<16xi32>,
    %get3A_190 = arith.constant 416 : index
    %get3A_191 = tpu.vector_load %arg8[%get3A_190] {strides = array<i32>} : memref<1280xi32, #tpu.memory_space<vmem>>, vector<16xi32>,
    %swap3A_192 = arith.constant 3 : i32
    %swap3A_193 = arith.index_cast %swap3A_192 : i32 to index
    %swap3A_194 = arith.constant 32 : index
    %swap3A_195 = tpu.vector_load %arg9[%swap3A_193, %swap3A_194] {strides = array<i32>} : memref<10x128xi32, #tpu.memory_space<vmem>>, vector<16xi32>,
    tpu.vector_store %arg9[%swap3A_193, %swap3A_194], %get3A_191 {strides = array<i32>} : memref<10x128xi32, #tpu.memory_space<vmem>>, vector<16xi32>,
    %get3A_196 = arith.constant 432 : index
    %get3A_197 = tpu.vector_load %arg8[%get3A_196] {strides = array<i32>} : memref<1280xi32, #tpu.memory_space<vmem>>, vector<16xi32>,
    %swap3A_198 = arith.constant 3 : i32
    %swap3A_199 = arith.index_cast %swap3A_198 : i32 to index
    %swap3A_200 = arith.constant 48 : index
    %swap3A_201 = tpu.vector_load %arg9[%swap3A_199, %swap3A_200] {strides = array<i32>} : memref<10x128xi32, #tpu.memory_space<vmem>>, vector<16xi32>,
    tpu.vector_store %arg9[%swap3A_199, %swap3A_200], %get3A_197 {strides = array<i32>} : memref<10x128xi32, #tpu.memory_space<vmem>>, vector<16xi32>,
    %get3A_202 = arith.constant 448 : index
    %get3A_203 = tpu.vector_load %arg8[%get3A_202] {strides = array<i32>} : memref<1280xi32, #tpu.memory_space<vmem>>, vector<16xi32>,
    %swap3A_204 = arith.constant 3 : i32
    %swap3A_205 = arith.index_cast %swap3A_204 : i32 to index
    %swap3A_206 = arith.constant 64 : index
    %swap3A_207 = tpu.vector_load %arg9[%swap3A_205, %swap3A_206] {strides = array<i32>} : memref<10x128xi32, #tpu.memory_space<vmem>>, vector<16xi32>,
    tpu.vector_store %arg9[%swap3A_205, %swap3A_206], %get3A_203 {strides = array<i32>} : memref<10x128xi32, #tpu.memory_space<vmem>>, vector<16xi32>,
    %get3A_208 = arith.constant 464 : index
    %get3A_209 = tpu.vector_load %arg8[%get3A_208] {strides = array<i32>} : memref<1280xi32, #tpu.memory_space<vmem>>, vector<16xi32>,
    %swap3A_210 = arith.constant 3 : i32
    %swap3A_211 = arith.index_cast %swap3A_210 : i32 to index
    %swap3A_212 = arith.constant 80 : index
    %swap3A_213 = tpu.vector_load %arg9[%swap3A_211, %swap3A_212] {strides = array<i32>} : memref<10x128xi32, #tpu.memory_space<vmem>>, vector<16xi32>,
    tpu.vector_store %arg9[%swap3A_211, %swap3A_212], %get3A_209 {strides = array<i32>} : memref<10x128xi32, #tpu.memory_space<vmem>>, vector<16xi32>,
    %get3A_214 = arith.constant 480 : index
    %get3A_215 = tpu.vector_load %arg8[%get3A_214] {strides = array<i32>} : memref<1280xi32, #tpu.memory_space<vmem>>, vector<16xi32>,
    %swap3A_216 = arith.constant 3 : i32
    %swap3A_217 = arith.index_cast %swap3A_216 : i32 to index
    %swap3A_218 = arith.constant 96 : index
    %swap3A_219 = tpu.vector_load %arg9[%swap3A_217, %swap3A_218] {strides = array<i32>} : memref<10x128xi32, #tpu.memory_space<vmem>>, vector<16xi32>,
    tpu.vector_store %arg9[%swap3A_217, %swap3A_218], %get3A_215 {strides = array<i32>} : memref<10x128xi32, #tpu.memory_space<vmem>>, vector<16xi32>,
    %get3A_220 = arith.constant 496 : index
    %get3A_221 = tpu.vector_load %arg8[%get3A_220] {strides = array<i32>} : memref<1280xi32, #tpu.memory_space<vmem>>, vector<16xi32>,
    %swap3A_222 = arith.constant 3 : i32
    %swap3A_223 = arith.index_cast %swap3A_222 : i32 to index
    %swap3A_224 = arith.constant 112 : index
    %swap3A_225 = tpu.vector_load %arg9[%swap3A_223, %swap3A_224] {strides = array<i32>} : memref<10x128xi32, #tpu.memory_space<vmem>>, vector<16xi32>,
    tpu.vector_store %arg9[%swap3A_223, %swap3A_224], %get3A_221 {strides = array<i32>} : memref<10x128xi32, #tpu.memory_space<vmem>>, vector<16xi32>,
    %get3A_226 = arith.constant 512 : index
    %get3A_227 = tpu.vector_load %arg8[%get3A_226] {strides = array<i32>} : memref<1280xi32, #tpu.memory_space<vmem>>, vector<16xi32>,
    %swap3A_228 = arith.constant 4 : i32
    %swap3A_229 = arith.index_cast %swap3A_228 : i32 to index
    %swap3A_230 = arith.constant 0 : index
    %swap3A_231 = tpu.vector_load %arg9[%swap3A_229, %swap3A_230] {strides = array<i32>} : memref<10x128xi32, #tpu.memory_space<vmem>>, vector<16xi32>,
    tpu.vector_store %arg9[%swap3A_229, %swap3A_230], %get3A_227 {strides = array<i32>} : memref<10x128xi32, #tpu.memory_space<vmem>>, vector<16xi32>,
    %get3A_232 = arith.constant 528 : index
    %get3A_233 = tpu.vector_load %arg8[%get3A_232] {strides = array<i32>} : memref<1280xi32, #tpu.memory_space<vmem>>, vector<16xi32>,
    %swap3A_234 = arith.constant 4 : i32
    %swap3A_235 = arith.index_cast %swap3A_234 : i32 to index
    %swap3A_236 = arith.constant 16 : index
    %swap3A_237 = tpu.vector_load %arg9[%swap3A_235, %swap3A_236] {strides = array<i32>} : memref<10x128xi32, #tpu.memory_space<vmem>>, vector<16xi32>,
    tpu.vector_store %arg9[%swap3A_235, %swap3A_236], %get3A_233 {strides = array<i32>} : memref<10x128xi32, #tpu.memory_space<vmem>>, vector<16xi32>,
    %get3A_238 = arith.constant 544 : index
    %get3A_239 = tpu.vector_load %arg8[%get3A_238] {strides = array<i32>} : memref<1280xi32, #tpu.memory_space<vmem>>, vector<16xi32>,
    %swap3A_240 = arith.constant 4 : i32
    %swap3A_241 = arith.index_cast %swap3A_240 : i32 to index
    %swap3A_242 = arith.constant 32 : index
    %swap3A_243 = tpu.vector_load %arg9[%swap3A_241, %swap3A_242] {strides = array<i32>} : memref<10x128xi32, #tpu.memory_space<vmem>>, vector<16xi32>,
    tpu.vector_store %arg9[%swap3A_241, %swap3A_242], %get3A_239 {strides = array<i32>} : memref<10x128xi32, #tpu.memory_space<vmem>>, vector<16xi32>,
    %get3A_244 = arith.constant 560 : index
    %get3A_245 = tpu.vector_load %arg8[%get3A_244] {strides = array<i32>} : memref<1280xi32, #tpu.memory_space<vmem>>, vector<16xi32>,
    %swap3A_246 = arith.constant 4 : i32
    %swap3A_247 = arith.index_cast %swap3A_246 : i32 to index
    %swap3A_248 = arith.constant 48 : index
    %swap3A_249 = tpu.vector_load %arg9[%swap3A_247, %swap3A_248] {strides = array<i32>} : memref<10x128xi32, #tpu.memory_space<vmem>>, vector<16xi32>,
    tpu.vector_store %arg9[%swap3A_247, %swap3A_248], %get3A_245 {strides = array<i32>} : memref<10x128xi32, #tpu.memory_space<vmem>>, vector<16xi32>,
    %get3A_250 = arith.constant 576 : index
    %get3A_251 = tpu.vector_load %arg8[%get3A_250] {strides = array<i32>} : memref<1280xi32, #tpu.memory_space<vmem>>, vector<16xi32>,
    %swap3A_252 = arith.constant 4 : i32
    %swap3A_253 = arith.index_cast %swap3A_252 : i32 to index
    %swap3A_254 = arith.constant 64 : index
    %swap3A_255 = tpu.vector_load %arg9[%swap3A_253, %swap3A_254] {strides = array<i32>} : memref<10x128xi32, #tpu.memory_space<vmem>>, vector<16xi32>,
    tpu.vector_store %arg9[%swap3A_253, %swap3A_254], %get3A_251 {strides = array<i32>} : memref<10x128xi32, #tpu.memory_space<vmem>>, vector<16xi32>,
    %get3A_256 = arith.constant 592 : index
    %get3A_257 = tpu.vector_load %arg8[%get3A_256] {strides = array<i32>} : memref<1280xi32, #tpu.memory_space<vmem>>, vector<16xi32>,
    %swap3A_258 = arith.constant 4 : i32
    %swap3A_259 = arith.index_cast %swap3A_258 : i32 to index
    %swap3A_260 = arith.constant 80 : index
    %swap3A_261 = tpu.vector_load %arg9[%swap3A_259, %swap3A_260] {strides = array<i32>} : memref<10x128xi32, #tpu.memory_space<vmem>>, vector<16xi32>,
    tpu.vector_store %arg9[%swap3A_259, %swap3A_260], %get3A_257 {strides = array<i32>} : memref<10x128xi32, #tpu.memory_space<vmem>>, vector<16xi32>,
    %get3A_262 = arith.constant 608 : index
    %get3A_263 = tpu.vector_load %arg8[%get3A_262] {strides = array<i32>} : memref<1280xi32, #tpu.memory_space<vmem>>, vector<16xi32>,
    %swap3A_264 = arith.constant 4 : i32
    %swap3A_265 = arith.index_cast %swap3A_264 : i32 to index
    %swap3A_266 = arith.constant 96 : index
    %swap3A_267 = tpu.vector_load %arg9[%swap3A_265, %swap3A_266] {strides = array<i32>} : memref<10x128xi32, #tpu.memory_space<vmem>>, vector<16xi32>,
    tpu.vector_store %arg9[%swap3A_265, %swap3A_266], %get3A_263 {strides = array<i32>} : memref<10x128xi32, #tpu.memory_space<vmem>>, vector<16xi32>,
    %get3A_268 = arith.constant 624 : index
    %get3A_269 = tpu.vector_load %arg8[%get3A_268] {strides = array<i32>} : memref<1280xi32, #tpu.memory_space<vmem>>, vector<16xi32>,
    %swap3A_270 = arith.constant 4 : i32
    %swap3A_271 = arith.index_cast %swap3A_270 : i32 to index
    %swap3A_272 = arith.constant 112 : index
    %swap3A_273 = tpu.vector_load %arg9[%swap3A_271, %swap3A_272] {strides = array<i32>} : memref<10x128xi32, #tpu.memory_space<vmem>>, vector<16xi32>,
    tpu.vector_store %arg9[%swap3A_271, %swap3A_272], %get3A_269 {strides = array<i32>} : memref<10x128xi32, #tpu.memory_space<vmem>>, vector<16xi32>,
    %get3A_274 = arith.constant 640 : index
    %get3A_275 = tpu.vector_load %arg8[%get3A_274] {strides = array<i32>} : memref<1280xi32, #tpu.memory_space<vmem>>, vector<16xi32>,
    %swap3A_276 = arith.constant 5 : i32
    %swap3A_277 = arith.index_cast %swap3A_276 : i32 to index
    %swap3A_278 = arith.constant 0 : index
    %swap3A_279 = tpu.vector_load %arg9[%swap3A_277, %swap3A_278] {strides = array<i32>} : memref<10x128xi32, #tpu.memory_space<vmem>>, vector<16xi32>,
    tpu.vector_store %arg9[%swap3A_277, %swap3A_278], %get3A_275 {strides = array<i32>} : memref<10x128xi32, #tpu.memory_space<vmem>>, vector<16xi32>,
    %get3A_280 = arith.constant 656 : index
    %get3A_281 = tpu.vector_load %arg8[%get3A_280] {strides = array<i32>} : memref<1280xi32, #tpu.memory_space<vmem>>, vector<16xi32>,
    %swap3A_282 = arith.constant 5 : i32
    %swap3A_283 = arith.index_cast %swap3A_282 : i32 to index
    %swap3A_284 = arith.constant 16 : index
    %swap3A_285 = tpu.vector_load %arg9[%swap3A_283, %swap3A_284] {strides = array<i32>} : memref<10x128xi32, #tpu.memory_space<vmem>>, vector<16xi32>,
    tpu.vector_store %arg9[%swap3A_283, %swap3A_284], %get3A_281 {strides = array<i32>} : memref<10x128xi32, #tpu.memory_space<vmem>>, vector<16xi32>,
    %get3A_286 = arith.constant 672 : index
    %get3A_287 = tpu.vector_load %arg8[%get3A_286] {strides = array<i32>} : memref<1280xi32, #tpu.memory_space<vmem>>, vector<16xi32>,
    %swap3A_288 = arith.constant 5 : i32
    %swap3A_289 = arith.index_cast %swap3A_288 : i32 to index
    %swap3A_290 = arith.constant 32 : index
    %swap3A_291 = tpu.vector_load %arg9[%swap3A_289, %swap3A_290] {strides = array<i32>} : memref<10x128xi32, #tpu.memory_space<vmem>>, vector<16xi32>,
    tpu.vector_store %arg9[%swap3A_289, %swap3A_290], %get3A_287 {strides = array<i32>} : memref<10x128xi32, #tpu.memory_space<vmem>>, vector<16xi32>,
    %get3A_292 = arith.constant 688 : index
    %get3A_293 = tpu.vector_load %arg8[%get3A_292] {strides = array<i32>} : memref<1280xi32, #tpu.memory_space<vmem>>, vector<16xi32>,
    %swap3A_294 = arith.constant 5 : i32
    %swap3A_295 = arith.index_cast %swap3A_294 : i32 to index
    %swap3A_296 = arith.constant 48 : index
    %swap3A_297 = tpu.vector_load %arg9[%swap3A_295, %swap3A_296] {strides = array<i32>} : memref<10x128xi32, #tpu.memory_space<vmem>>, vector<16xi32>,
    tpu.vector_store %arg9[%swap3A_295, %swap3A_296], %get3A_293 {strides = array<i32>} : memref<10x128xi32, #tpu.memory_space<vmem>>, vector<16xi32>,
    %get3A_298 = arith.constant 704 : index
    %get3A_299 = tpu.vector_load %arg8[%get3A_298] {strides = array<i32>} : memref<1280xi32, #tpu.memory_space<vmem>>, vector<16xi32>,
    %swap3A_300 = arith.constant 5 : i32
    %swap3A_301 = arith.index_cast %swap3A_300 : i32 to index
    %swap3A_302 = arith.constant 64 : index
    %swap3A_303 = tpu.vector_load %arg9[%swap3A_301, %swap3A_302] {strides = array<i32>} : memref<10x128xi32, #tpu.memory_space<vmem>>, vector<16xi32>,
    tpu.vector_store %arg9[%swap3A_301, %swap3A_302], %get3A_299 {strides = array<i32>} : memref<10x128xi32, #tpu.memory_space<vmem>>, vector<16xi32>,
    %get3A_304 = arith.constant 720 : index
    %get3A_305 = tpu.vector_load %arg8[%get3A_304] {strides = array<i32>} : memref<1280xi32, #tpu.memory_space<vmem>>, vector<16xi32>,
    %swap3A_306 = arith.constant 5 : i32
    %swap3A_307 = arith.index_cast %swap3A_306 : i32 to index
    %swap3A_308 = arith.constant 80 : index
    %swap3A_309 = tpu.vector_load %arg9[%swap3A_307, %swap3A_308] {strides = array<i32>} : memref<10x128xi32, #tpu.memory_space<vmem>>, vector<16xi32>,
    tpu.vector_store %arg9[%swap3A_307, %swap3A_308], %get3A_305 {strides = array<i32>} : memref<10x128xi32, #tpu.memory_space<vmem>>, vector<16xi32>,
    %get3A_310 = arith.constant 736 : index
    %get3A_311 = tpu.vector_load %arg8[%get3A_310] {strides = array<i32>} : memref<1280xi32, #tpu.memory_space<vmem>>, vector<16xi32>,
    %swap3A_312 = arith.constant 5 : i32
    %swap3A_313 = arith.index_cast %swap3A_312 : i32 to index
    %swap3A_314 = arith.constant 96 : index
    %swap3A_315 = tpu.vector_load %arg9[%swap3A_313, %swap3A_314] {strides = array<i32>} : memref<10x128xi32, #tpu.memory_space<vmem>>, vector<16xi32>,
    tpu.vector_store %arg9[%swap3A_313, %swap3A_314], %get3A_311 {strides = array<i32>} : memref<10x128xi32, #tpu.memory_space<vmem>>, vector<16xi32>,
    %get3A_316 = arith.constant 752 : index
    %get3A_317 = tpu.vector_load %arg8[%get3A_316] {strides = array<i32>} : memref<1280xi32, #tpu.memory_space<vmem>>, vector<16xi32>,
    %swap3A_318 = arith.constant 5 : i32
    %swap3A_319 = arith.index_cast %swap3A_318 : i32 to index
    %swap3A_320 = arith.constant 112 : index
    %swap3A_321 = tpu.vector_load %arg9[%swap3A_319, %swap3A_320] {strides = array<i32>} : memref<10x128xi32, #tpu.memory_space<vmem>>, vector<16xi32>,
    tpu.vector_store %arg9[%swap3A_319, %swap3A_320], %get3A_317 {strides = array<i32>} : memref<10x128xi32, #tpu.memory_space<vmem>>, vector<16xi32>,
    %get3A_322 = arith.constant 768 : index
    %get3A_323 = tpu.vector_load %arg8[%get3A_322] {strides = array<i32>} : memref<1280xi32, #tpu.memory_space<vmem>>, vector<16xi32>,
    %swap3A_324 = arith.constant 6 : i32
    %swap3A_325 = arith.index_cast %swap3A_324 : i32 to index
    %swap3A_326 = arith.constant 0 : index
    %swap3A_327 = tpu.vector_load %arg9[%swap3A_325, %swap3A_326] {strides = array<i32>} : memref<10x128xi32, #tpu.memory_space<vmem>>, vector<16xi32>,
    tpu.vector_store %arg9[%swap3A_325, %swap3A_326], %get3A_323 {strides = array<i32>} : memref<10x128xi32, #tpu.memory_space<vmem>>, vector<16xi32>,
    %get3A_328 = arith.constant 784 : index
    %get3A_329 = tpu.vector_load %arg8[%get3A_328] {strides = array<i32>} : memref<1280xi32, #tpu.memory_space<vmem>>, vector<16xi32>,
    %swap3A_330 = arith.constant 6 : i32
    %swap3A_331 = arith.index_cast %swap3A_330 : i32 to index
    %swap3A_332 = arith.constant 16 : index
    %swap3A_333 = tpu.vector_load %arg9[%swap3A_331, %swap3A_332] {strides = array<i32>} : memref<10x128xi32, #tpu.memory_space<vmem>>, vector<16xi32>,
    tpu.vector_store %arg9[%swap3A_331, %swap3A_332], %get3A_329 {strides = array<i32>} : memref<10x128xi32, #tpu.memory_space<vmem>>, vector<16xi32>,
    %get3A_334 = arith.constant 800 : index
    %get3A_335 = tpu.vector_load %arg8[%get3A_334] {strides = array<i32>} : memref<1280xi32, #tpu.memory_space<vmem>>, vector<16xi32>,
    %swap3A_336 = arith.constant 6 : i32
    %swap3A_337 = arith.index_cast %swap3A_336 : i32 to index
    %swap3A_338 = arith.constant 32 : index
    %swap3A_339 = tpu.vector_load %arg9[%swap3A_337, %swap3A_338] {strides = array<i32>} : memref<10x128xi32, #tpu.memory_space<vmem>>, vector<16xi32>,
    tpu.vector_store %arg9[%swap3A_337, %swap3A_338], %get3A_335 {strides = array<i32>} : memref<10x128xi32, #tpu.memory_space<vmem>>, vector<16xi32>,
    %get3A_340 = arith.constant 816 : index
    %get3A_341 = tpu.vector_load %arg8[%get3A_340] {strides = array<i32>} : memref<1280xi32, #tpu.memory_space<vmem>>, vector<16xi32>,
    %swap3A_342 = arith.constant 6 : i32
    %swap3A_343 = arith.index_cast %swap3A_342 : i32 to index
    %swap3A_344 = arith.constant 48 : index
    %swap3A_345 = tpu.vector_load %arg9[%swap3A_343, %swap3A_344] {strides = array<i32>} : memref<10x128xi32, #tpu.memory_space<vmem>>, vector<16xi32>,
    tpu.vector_store %arg9[%swap3A_343, %swap3A_344], %get3A_341 {strides = array<i32>} : memref<10x128xi32, #tpu.memory_space<vmem>>, vector<16xi32>,
    %get3A_346 = arith.constant 832 : index
    %get3A_347 = tpu.vector_load %arg8[%get3A_346] {strides = array<i32>} : memref<1280xi32, #tpu.memory_space<vmem>>, vector<16xi32>,
    %swap3A_348 = arith.constant 6 : i32
    %swap3A_349 = arith.index_cast %swap3A_348 : i32 to index
    %swap3A_350 = arith.constant 64 : index
    %swap3A_351 = tpu.vector_load %arg9[%swap3A_349, %swap3A_350] {strides = array<i32>} : memref<10x128xi32, #tpu.memory_space<vmem>>, vector<16xi32>,
    tpu.vector_store %arg9[%swap3A_349, %swap3A_350], %get3A_347 {strides = array<i32>} : memref<10x128xi32, #tpu.memory_space<vmem>>, vector<16xi32>,
    %get3A_352 = arith.constant 848 : index
    %get3A_353 = tpu.vector_load %arg8[%get3A_352] {strides = array<i32>} : memref<1280xi32, #tpu.memory_space<vmem>>, vector<16xi32>,
    %swap3A_354 = arith.constant 6 : i32
    %swap3A_355 = arith.index_cast %swap3A_354 : i32 to index
    %swap3A_356 = arith.constant 80 : index
    %swap3A_357 = tpu.vector_load %arg9[%swap3A_355, %swap3A_356] {strides = array<i32>} : memref<10x128xi32, #tpu.memory_space<vmem>>, vector<16xi32>,
    tpu.vector_store %arg9[%swap3A_355, %swap3A_356], %get3A_353 {strides = array<i32>} : memref<10x128xi32, #tpu.memory_space<vmem>>, vector<16xi32>,
    %get3A_358 = arith.constant 864 : index
    %get3A_359 = tpu.vector_load %arg8[%get3A_358] {strides = array<i32>} : memref<1280xi32, #tpu.memory_space<vmem>>, vector<16xi32>,
    %swap3A_360 = arith.constant 6 : i32
    %swap3A_361 = arith.index_cast %swap3A_360 : i32 to index
    %swap3A_362 = arith.constant 96 : index
    %swap3A_363 = tpu.vector_load %arg9[%swap3A_361, %swap3A_362] {strides = array<i32>} : memref<10x128xi32, #tpu.memory_space<vmem>>, vector<16xi32>,
    tpu.vector_store %arg9[%swap3A_361, %swap3A_362], %get3A_359 {strides = array<i32>} : memref<10x128xi32, #tpu.memory_space<vmem>>, vector<16xi32>,
    %get3A_364 = arith.constant 880 : index
    %get3A_365 = tpu.vector_load %arg8[%get3A_364] {strides = array<i32>} : memref<1280xi32, #tpu.memory_space<vmem>>, vector<16xi32>,
    %swap3A_366 = arith.constant 6 : i32
    %swap3A_367 = arith.index_cast %swap3A_366 : i32 to index
    %swap3A_368 = arith.constant 112 : index
    %swap3A_369 = tpu.vector_load %arg9[%swap3A_367, %swap3A_368] {strides = array<i32>} : memref<10x128xi32, #tpu.memory_space<vmem>>, vector<16xi32>,
    tpu.vector_store %arg9[%swap3A_367, %swap3A_368], %get3A_365 {strides = array<i32>} : memref<10x128xi32, #tpu.memory_space<vmem>>, vector<16xi32>,
    %get3A_370 = arith.constant 896 : index
    %get3A_371 = tpu.vector_load %arg8[%get3A_370] {strides = array<i32>} : memref<1280xi32, #tpu.memory_space<vmem>>, vector<16xi32>,
    %swap3A_372 = arith.constant 7 : i32
    %swap3A_373 = arith.index_cast %swap3A_372 : i32 to index
    %swap3A_374 = arith.constant 0 : index
    %swap3A_375 = tpu.vector_load %arg9[%swap3A_373, %swap3A_374] {strides = array<i32>} : memref<10x128xi32, #tpu.memory_space<vmem>>, vector<16xi32>,
    tpu.vector_store %arg9[%swap3A_373, %swap3A_374], %get3A_371 {strides = array<i32>} : memref<10x128xi32, #tpu.memory_space<vmem>>, vector<16xi32>,
    %get3A_376 = arith.constant 912 : index
    %get3A_377 = tpu.vector_load %arg8[%get3A_376] {strides = array<i32>} : memref<1280xi32, #tpu.memory_space<vmem>>, vector<16xi32>,
    %swap3A_378 = arith.constant 7 : i32
    %swap3A_379 = arith.index_cast %swap3A_378 : i32 to index
    %swap3A_380 = arith.constant 16 : index
    %swap3A_381 = tpu.vector_load %arg9[%swap3A_379, %swap3A_380] {strides = array<i32>} : memref<10x128xi32, #tpu.memory_space<vmem>>, vector<16xi32>,
    tpu.vector_store %arg9[%swap3A_379, %swap3A_380], %get3A_377 {strides = array<i32>} : memref<10x128xi32, #tpu.memory_space<vmem>>, vector<16xi32>,
    %get3A_382 = arith.constant 928 : index
    %get3A_383 = tpu.vector_load %arg8[%get3A_382] {strides = array<i32>} : memref<1280xi32, #tpu.memory_space<vmem>>, vector<16xi32>,
    %swap3A_384 = arith.constant 7 : i32
    %swap3A_385 = arith.index_cast %swap3A_384 : i32 to index
    %swap3A_386 = arith.constant 32 : index
    %swap3A_387 = tpu.vector_load %arg9[%swap3A_385, %swap3A_386] {strides = array<i32>} : memref<10x128xi32, #tpu.memory_space<vmem>>, vector<16xi32>,
    tpu.vector_store %arg9[%swap3A_385, %swap3A_386], %get3A_383 {strides = array<i32>} : memref<10x128xi32, #tpu.memory_space<vmem>>, vector<16xi32>,
    %get3A_388 = arith.constant 944 : index
    %get3A_389 = tpu.vector_load %arg8[%get3A_388] {strides = array<i32>} : memref<1280xi32, #tpu.memory_space<vmem>>, vector<16xi32>,
    %swap3A_390 = arith.constant 7 : i32
    %swap3A_391 = arith.index_cast %swap3A_390 : i32 to index
    %swap3A_392 = arith.constant 48 : index
    %swap3A_393 = tpu.vector_load %arg9[%swap3A_391, %swap3A_392] {strides = array<i32>} : memref<10x128xi32, #tpu.memory_space<vmem>>, vector<16xi32>,
    tpu.vector_store %arg9[%swap3A_391, %swap3A_392], %get3A_389 {strides = array<i32>} : memref<10x128xi32, #tpu.memory_space<vmem>>, vector<16xi32>,
    %get3A_394 = arith.constant 960 : index
    %get3A_395 = tpu.vector_load %arg8[%get3A_394] {strides = array<i32>} : memref<1280xi32, #tpu.memory_space<vmem>>, vector<16xi32>,
    %swap3A_396 = arith.constant 7 : i32
    %swap3A_397 = arith.index_cast %swap3A_396 : i32 to index
    %swap3A_398 = arith.constant 64 : index
    %swap3A_399 = tpu.vector_load %arg9[%swap3A_397, %swap3A_398] {strides = array<i32>} : memref<10x128xi32, #tpu.memory_space<vmem>>, vector<16xi32>,
    tpu.vector_store %arg9[%swap3A_397, %swap3A_398], %get3A_395 {strides = array<i32>} : memref<10x128xi32, #tpu.memory_space<vmem>>, vector<16xi32>,
    %get3A_400 = arith.constant 976 : index
    %get3A_401 = tpu.vector_load %arg8[%get3A_400] {strides = array<i32>} : memref<1280xi32, #tpu.memory_space<vmem>>, vector<16xi32>,
    %swap3A_402 = arith.constant 7 : i32
    %swap3A_403 = arith.index_cast %swap3A_402 : i32 to index
    %swap3A_404 = arith.constant 80 : index
    %swap3A_405 = tpu.vector_load %arg9[%swap3A_403, %swap3A_404] {strides = array<i32>} : memref<10x128xi32, #tpu.memory_space<vmem>>, vector<16xi32>,
    tpu.vector_store %arg9[%swap3A_403, %swap3A_404], %get3A_401 {strides = array<i32>} : memref<10x128xi32, #tpu.memory_space<vmem>>, vector<16xi32>,
    %get3A_406 = arith.constant 992 : index
    %get3A_407 = tpu.vector_load %arg8[%get3A_406] {strides = array<i32>} : memref<1280xi32, #tpu.memory_space<vmem>>, vector<16xi32>,
    %swap3A_408 = arith.constant 7 : i32
    %swap3A_409 = arith.index_cast %swap3A_408 : i32 to index
    %swap3A_410 = arith.constant 96 : index
    %swap3A_411 = tpu.vector_load %arg9[%swap3A_409, %swap3A_410] {strides = array<i32>} : memref<10x128xi32, #tpu.memory_space<vmem>>, vector<16xi32>,
    tpu.vector_store %arg9[%swap3A_409, %swap3A_410], %get3A_407 {strides = array<i32>} : memref<10x128xi32, #tpu.memory_space<vmem>>, vector<16xi32>,
    %get3A_412 = arith.constant 1008 : index
    %get3A_413 = tpu.vector_load %arg8[%get3A_412] {strides = array<i32>} : memref<1280xi32, #tpu.memory_space<vmem>>, vector<16xi32>,
    %swap3A_414 = arith.constant 7 : i32
    %swap3A_415 = arith.index_cast %swap3A_414 : i32 to index
    %swap3A_416 = arith.constant 112 : index
    %swap3A_417 = tpu.vector_load %arg9[%swap3A_415, %swap3A_416] {strides = array<i32>} : memref<10x128xi32, #tpu.memory_space<vmem>>, vector<16xi32>,
    tpu.vector_store %arg9[%swap3A_415, %swap3A_416], %get3A_413 {strides = array<i32>} : memref<10x128xi32, #tpu.memory_space<vmem>>, vector<16xi32>,
    %get3A_418 = arith.constant 1024 : index
    %get3A_419 = tpu.vector_load %arg8[%get3A_418] {strides = array<i32>} : memref<1280xi32, #tpu.memory_space<vmem>>, vector<16xi32>,
    %swap3A_420 = arith.constant 8 : i32
    %swap3A_421 = arith.index_cast %swap3A_420 : i32 to index
    %swap3A_422 = arith.constant 0 : index
    %swap3A_423 = tpu.vector_load %arg9[%swap3A_421, %swap3A_422] {strides = array<i32>} : memref<10x128xi32, #tpu.memory_space<vmem>>, vector<16xi32>,
    tpu.vector_store %arg9[%swap3A_421, %swap3A_422], %get3A_419 {strides = array<i32>} : memref<10x128xi32, #tpu.memory_space<vmem>>, vector<16xi32>,
    %get3A_424 = arith.constant 1040 : index
    %get3A_425 = tpu.vector_load %arg8[%get3A_424] {strides = array<i32>} : memref<1280xi32, #tpu.memory_space<vmem>>, vector<16xi32>,
    %swap3A_426 = arith.constant 8 : i32
    %swap3A_427 = arith.index_cast %swap3A_426 : i32 to index
    %swap3A_428 = arith.constant 16 : index
    %swap3A_429 = tpu.vector_load %arg9[%swap3A_427, %swap3A_428] {strides = array<i32>} : memref<10x128xi32, #tpu.memory_space<vmem>>, vector<16xi32>,
    tpu.vector_store %arg9[%swap3A_427, %swap3A_428], %get3A_425 {strides = array<i32>} : memref<10x128xi32, #tpu.memory_space<vmem>>, vector<16xi32>,
    %get3A_430 = arith.constant 1056 : index
    %get3A_431 = tpu.vector_load %arg8[%get3A_430] {strides = array<i32>} : memref<1280xi32, #tpu.memory_space<vmem>>, vector<16xi32>,
    %swap3A_432 = arith.constant 8 : i32
    %swap3A_433 = arith.index_cast %swap3A_432 : i32 to index
    %swap3A_434 = arith.constant 32 : index
    %swap3A_435 = tpu.vector_load %arg9[%swap3A_433, %swap3A_434] {strides = array<i32>} : memref<10x128xi32, #tpu.memory_space<vmem>>, vector<16xi32>,
    tpu.vector_store %arg9[%swap3A_433, %swap3A_434], %get3A_431 {strides = array<i32>} : memref<10x128xi32, #tpu.memory_space<vmem>>, vector<16xi32>,
    %get3A_436 = arith.constant 1072 : index
    %get3A_437 = tpu.vector_load %arg8[%get3A_436] {strides = array<i32>} : memref<1280xi32, #tpu.memory_space<vmem>>, vector<16xi32>,
    %swap3A_438 = arith.constant 8 : i32
    %swap3A_439 = arith.index_cast %swap3A_438 : i32 to index
    %swap3A_440 = arith.constant 48 : index
    %swap3A_441 = tpu.vector_load %arg9[%swap3A_439, %swap3A_440] {strides = array<i32>} : memref<10x128xi32, #tpu.memory_space<vmem>>, vector<16xi32>,
    tpu.vector_store %arg9[%swap3A_439, %swap3A_440], %get3A_437 {strides = array<i32>} : memref<10x128xi32, #tpu.memory_space<vmem>>, vector<16xi32>,
    %get3A_442 = arith.constant 1088 : index
    %get3A_443 = tpu.vector_load %arg8[%get3A_442] {strides = array<i32>} : memref<1280xi32, #tpu.memory_space<vmem>>, vector<16xi32>,
    %swap3A_444 = arith.constant 8 : i32
    %swap3A_445 = arith.index_cast %swap3A_444 : i32 to index
    %swap3A_446 = arith.constant 64 : index
    %swap3A_447 = tpu.vector_load %arg9[%swap3A_445, %swap3A_446] {strides = array<i32>} : memref<10x128xi32, #tpu.memory_space<vmem>>, vector<16xi32>,
    tpu.vector_store %arg9[%swap3A_445, %swap3A_446], %get3A_443 {strides = array<i32>} : memref<10x128xi32, #tpu.memory_space<vmem>>, vector<16xi32>,
    %get3A_448 = arith.constant 1104 : index
    %get3A_449 = tpu.vector_load %arg8[%get3A_448] {strides = array<i32>} : memref<1280xi32, #tpu.memory_space<vmem>>, vector<16xi32>,
    %swap3A_450 = arith.constant 8 : i32
    %swap3A_451 = arith.index_cast %swap3A_450 : i32 to index
    %swap3A_452 = arith.constant 80 : index
    %swap3A_453 = tpu.vector_load %arg9[%swap3A_451, %swap3A_452] {strides = array<i32>} : memref<10x128xi32, #tpu.memory_space<vmem>>, vector<16xi32>,
    tpu.vector_store %arg9[%swap3A_451, %swap3A_452], %get3A_449 {strides = array<i32>} : memref<10x128xi32, #tpu.memory_space<vmem>>, vector<16xi32>,
    %get3A_454 = arith.constant 1120 : index
    %get3A_455 = tpu.vector_load %arg8[%get3A_454] {strides = array<i32>} : memref<1280xi32, #tpu.memory_space<vmem>>, vector<16xi32>,
    %swap3A_456 = arith.constant 8 : i32
    %swap3A_457 = arith.index_cast %swap3A_456 : i32 to index
    %swap3A_458 = arith.constant 96 : index
    %swap3A_459 = tpu.vector_load %arg9[%swap3A_457, %swap3A_458] {strides = array<i32>} : memref<10x128xi32, #tpu.memory_space<vmem>>, vector<16xi32>,
    tpu.vector_store %arg9[%swap3A_457, %swap3A_458], %get3A_455 {strides = array<i32>} : memref<10x128xi32, #tpu.memory_space<vmem>>, vector<16xi32>,
    %get3A_460 = arith.constant 1136 : index
    %get3A_461 = tpu.vector_load %arg8[%get3A_460] {strides = array<i32>} : memref<1280xi32, #tpu.memory_space<vmem>>, vector<16xi32>,
    %swap3A_462 = arith.constant 8 : i32
    %swap3A_463 = arith.index_cast %swap3A_462 : i32 to index
    %swap3A_464 = arith.constant 112 : index
    %swap3A_465 = tpu.vector_load %arg9[%swap3A_463, %swap3A_464] {strides = array<i32>} : memref<10x128xi32, #tpu.memory_space<vmem>>, vector<16xi32>,
    tpu.vector_store %arg9[%swap3A_463, %swap3A_464], %get3A_461 {strides = array<i32>} : memref<10x128xi32, #tpu.memory_space<vmem>>, vector<16xi32>,
    %get3A_466 = arith.constant 1152 : index
    %get3A_467 = tpu.vector_load %arg8[%get3A_466] {strides = array<i32>} : memref<1280xi32, #tpu.memory_space<vmem>>, vector<16xi32>,
    %swap3A_468 = arith.constant 9 : i32
    %swap3A_469 = arith.index_cast %swap3A_468 : i32 to index
    %swap3A_470 = arith.constant 0 : index
    %swap3A_471 = tpu.vector_load %arg9[%swap3A_469, %swap3A_470] {strides = array<i32>} : memref<10x128xi32, #tpu.memory_space<vmem>>, vector<16xi32>,
    tpu.vector_store %arg9[%swap3A_469, %swap3A_470], %get3A_467 {strides = array<i32>} : memref<10x128xi32, #tpu.memory_space<vmem>>, vector<16xi32>,
    %get3A_472 = arith.constant 1168 : index
    %get3A_473 = tpu.vector_load %arg8[%get3A_472] {strides = array<i32>} : memref<1280xi32, #tpu.memory_space<vmem>>, vector<16xi32>,
    %swap3A_474 = arith.constant 9 : i32
    %swap3A_475 = arith.index_cast %swap3A_474 : i32 to index
    %swap3A_476 = arith.constant 16 : index
    %swap3A_477 = tpu.vector_load %arg9[%swap3A_475, %swap3A_476] {strides = array<i32>} : memref<10x128xi32, #tpu.memory_space<vmem>>, vector<16xi32>,
    tpu.vector_store %arg9[%swap3A_475, %swap3A_476], %get3A_473 {strides = array<i32>} : memref<10x128xi32, #tpu.memory_space<vmem>>, vector<16xi32>,
    %get3A_478 = arith.constant 1184 : index
    %get3A_479 = tpu.vector_load %arg8[%get3A_478] {strides = array<i32>} : memref<1280xi32, #tpu.memory_space<vmem>>, vector<16xi32>,
    %swap3A_480 = arith.constant 9 : i32
    %swap3A_481 = arith.index_cast %swap3A_480 : i32 to index
    %swap3A_482 = arith.constant 32 : index
    %swap3A_483 = tpu.vector_load %arg9[%swap3A_481, %swap3A_482] {strides = array<i32>} : memref<10x128xi32, #tpu.memory_space<vmem>>, vector<16xi32>,
    tpu.vector_store %arg9[%swap3A_481, %swap3A_482], %get3A_479 {strides = array<i32>} : memref<10x128xi32, #tpu.memory_space<vmem>>, vector<16xi32>,
    %get3A_484 = arith.constant 1200 : index
    %get3A_485 = tpu.vector_load %arg8[%get3A_484] {strides = array<i32>} : memref<1280xi32, #tpu.memory_space<vmem>>, vector<16xi32>,
    %swap3A_486 = arith.constant 9 : i32
    %swap3A_487 = arith.index_cast %swap3A_486 : i32 to index
    %swap3A_488 = arith.constant 48 : index
    %swap3A_489 = tpu.vector_load %arg9[%swap3A_487, %swap3A_488] {strides = array<i32>} : memref<10x128xi32, #tpu.memory_space<vmem>>, vector<16xi32>,
    tpu.vector_store %arg9[%swap3A_487, %swap3A_488], %get3A_485 {strides = array<i32>} : memref<10x128xi32, #tpu.memory_space<vmem>>, vector<16xi32>,
    %get3A_490 = arith.constant 1216 : index
    %get3A_491 = tpu.vector_load %arg8[%get3A_490] {strides = array<i32>} : memref<1280xi32, #tpu.memory_space<vmem>>, vector<16xi32>,
    %swap3A_492 = arith.constant 9 : i32
    %swap3A_493 = arith.index_cast %swap3A_492 : i32 to index
    %swap3A_494 = arith.constant 64 : index
    %swap3A_495 = tpu.vector_load %arg9[%swap3A_493, %swap3A_494] {strides = array<i32>} : memref<10x128xi32, #tpu.memory_space<vmem>>, vector<16xi32>,
    tpu.vector_store %arg9[%swap3A_493, %swap3A_494], %get3A_491 {strides = array<i32>} : memref<10x128xi32, #tpu.memory_space<vmem>>, vector<16xi32>,
    %get3A_496 = arith.constant 1232 : index
    %get3A_497 = tpu.vector_load %arg8[%get3A_496] {strides = array<i32>} : memref<1280xi32, #tpu.memory_space<vmem>>, vector<16xi32>,
    %swap3A_498 = arith.constant 9 : i32
    %swap3A_499 = arith.index_cast %swap3A_498 : i32 to index
    %swap3A_500 = arith.constant 80 : index
    %swap3A_501 = tpu.vector_load %arg9[%swap3A_499, %swap3A_500] {strides = array<i32>} : memref<10x128xi32, #tpu.memory_space<vmem>>, vector<16xi32>,
    tpu.vector_store %arg9[%swap3A_499, %swap3A_500], %get3A_497 {strides = array<i32>} : memref<10x128xi32, #tpu.memory_space<vmem>>, vector<16xi32>,
    %get3A_502 = arith.constant 1248 : index
    %get3A_503 = tpu.vector_load %arg8[%get3A_502] {strides = array<i32>} : memref<1280xi32, #tpu.memory_space<vmem>>, vector<16xi32>,
    %swap3A_504 = arith.constant 9 : i32
    %swap3A_505 = arith.index_cast %swap3A_504 : i32 to index
    %swap3A_506 = arith.constant 96 : index
    %swap3A_507 = tpu.vector_load %arg9[%swap3A_505, %swap3A_506] {strides = array<i32>} : memref<10x128xi32, #tpu.memory_space<vmem>>, vector<16xi32>,
    tpu.vector_store %arg9[%swap3A_505, %swap3A_506], %get3A_503 {strides = array<i32>} : memref<10x128xi32, #tpu.memory_space<vmem>>, vector<16xi32>,
    %get3A_508 = arith.constant 1264 : index
    %get3A_509 = tpu.vector_load %arg8[%get3A_508] {strides = array<i32>} : memref<1280xi32, #tpu.memory_space<vmem>>, vector<16xi32>,
    %swap3A_510 = arith.constant 9 : i32
    %swap3A_511 = arith.index_cast %swap3A_510 : i32 to index
    %swap3A_512 = arith.constant 112 : index
    %swap3A_513 = tpu.vector_load %arg9[%swap3A_511, %swap3A_512] {strides = array<i32>} : memref<10x128xi32, #tpu.memory_space<vmem>>, vector<16xi32>,
    tpu.vector_store %arg9[%swap3A_511, %swap3A_512], %get3A_509 {strides = array<i32>} : memref<10x128xi32, #tpu.memory_space<vmem>>, vector<16xi32>,
    %dma_start3A = arith.constant 0 : i32
    %dma_start3A_514 = arith.constant 0 : i32
    %dma_start3A_515 = tpu.memref_slice %arg7[%dma_start3A_514] : memref<1280xi32, #tpu.memory_space<vmem>> -> memref<128xi32, #tpu.memory_space<vmem>>
    %dma_start3A_516 = arith.constant 0 : i32
    %dma_start3A_517 = tpu.memref_slice %arg9[%dma_start3A, %dma_start3A_516] : memref<10x128xi32, #tpu.memory_space<vmem>> -> memref<1x128xi32, #tpu.memory_space<vmem>>
    %dma_start3A_518 = tpu.memref_squeeze %dma_start3A_517 : memref<1x128xi32, #tpu.memory_space<vmem>> -> memref<128xi32, #tpu.memory_space<vmem>>
    %dma_start3A_519 = arith.constant 0 : i32
    %dma_start3A_520 = tpu.memref_slice %arg17[%dma_start3A_519] : memref<20480xi32, #tpu.memory_space<vmem_shared>> -> memref<20480xi32, #tpu.memory_space<vmem_shared>>
    tpu.enqueue_indirect_dma source(%dma_start3A_515 : memref<128xi32, #tpu.memory_space<vmem>>) target(%dma_start3A_520 : memref<20480xi32, #tpu.memory_space<vmem_shared>>) offsets(%dma_start3A_518 : memref<128xi32, #tpu.memory_space<vmem>>) semaphore(%arg19 : memref<!tpu.dma_semaphore, #tpu.memory_space<semaphore_mem>>)
    %dma_start3A_521 = arith.constant 1 : i32
    %dma_start3A_522 = arith.constant 128 : i32
    %dma_start3A_523 = tpu.memref_slice %arg7[%dma_start3A_522] : memref<1280xi32, #tpu.memory_space<vmem>> -> memref<128xi32, #tpu.memory_space<vmem>>
    %dma_start3A_524 = arith.constant 0 : i32
    %dma_start3A_525 = tpu.memref_slice %arg9[%dma_start3A_521, %dma_start3A_524] : memref<10x128xi32, #tpu.memory_space<vmem>> -> memref<1x128xi32, #tpu.memory_space<vmem>>
    %dma_start3A_526 = tpu.memref_squeeze %dma_start3A_525 : memref<1x128xi32, #tpu.memory_space<vmem>> -> memref<128xi32, #tpu.memory_space<vmem>>
    %dma_start3A_527 = arith.constant 0 : i32
    %dma_start3A_528 = tpu.memref_slice %arg17[%dma_start3A_527] : memref<20480xi32, #tpu.memory_space<vmem_shared>> -> memref<20480xi32, #tpu.memory_space<vmem_shared>>
    tpu.enqueue_indirect_dma source(%dma_start3A_523 : memref<128xi32, #tpu.memory_space<vmem>>) target(%dma_start3A_528 : memref<20480xi32, #tpu.memory_space<vmem_shared>>) offsets(%dma_start3A_526 : memref<128xi32, #tpu.memory_space<vmem>>) semaphore(%arg19 : memref<!tpu.dma_semaphore, #tpu.memory_space<semaphore_mem>>)
    %dma_start3A_529 = arith.constant 2 : i32
    %dma_start3A_530 = arith.constant 256 : i32
    %dma_start3A_531 = tpu.memref_slice %arg7[%dma_start3A_530] : memref<1280xi32, #tpu.memory_space<vmem>> -> memref<128xi32, #tpu.memory_space<vmem>>
    %dma_start3A_532 = arith.constant 0 : i32
    %dma_start3A_533 = tpu.memref_slice %arg9[%dma_start3A_529, %dma_start3A_532] : memref<10x128xi32, #tpu.memory_space<vmem>> -> memref<1x128xi32, #tpu.memory_space<vmem>>
    %dma_start3A_534 = tpu.memref_squeeze %dma_start3A_533 : memref<1x128xi32, #tpu.memory_space<vmem>> -> memref<128xi32, #tpu.memory_space<vmem>>
    %dma_start3A_535 = arith.constant 0 : i32
    %dma_start3A_536 = tpu.memref_slice %arg17[%dma_start3A_535] : memref<20480xi32, #tpu.memory_space<vmem_shared>> -> memref<20480xi32, #tpu.memory_space<vmem_shared>>
    tpu.enqueue_indirect_dma source(%dma_start3A_531 : memref<128xi32, #tpu.memory_space<vmem>>) target(%dma_start3A_536 : memref<20480xi32, #tpu.memory_space<vmem_shared>>) offsets(%dma_start3A_534 : memref<128xi32, #tpu.memory_space<vmem>>) semaphore(%arg19 : memref<!tpu.dma_semaphore, #tpu.memory_space<semaphore_mem>>)
    %dma_start3A_537 = arith.constant 3 : i32
    %dma_start3A_538 = arith.constant 384 : i32
    %dma_start3A_539 = tpu.memref_slice %arg7[%dma_start3A_538] : memref<1280xi32, #tpu.memory_space<vmem>> -> memref<128xi32, #tpu.memory_space<vmem>>
    %dma_start3A_540 = arith.constant 0 : i32
    %dma_start3A_541 = tpu.memref_slice %arg9[%dma_start3A_537, %dma_start3A_540] : memref<10x128xi32, #tpu.memory_space<vmem>> -> memref<1x128xi32, #tpu.memory_space<vmem>>
    %dma_start3A_542 = tpu.memref_squeeze %dma_start3A_541 : memref<1x128xi32, #tpu.memory_space<vmem>> -> memref<128xi32, #tpu.memory_space<vmem>>
    %dma_start3A_543 = arith.constant 0 : i32
    %dma_start3A_544 = tpu.memref_slice %arg17[%dma_start3A_543] : memref<20480xi32, #tpu.memory_space<vmem_shared>> -> memref<20480xi32, #tpu.memory_space<vmem_shared>>
    tpu.enqueue_indirect_dma source(%dma_start3A_539 : memref<128xi32, #tpu.memory_space<vmem>>) target(%dma_start3A_544 : memref<20480xi32, #tpu.memory_space<vmem_shared>>) offsets(%dma_start3A_542 : memref<128xi32, #tpu.memory_space<vmem>>) semaphore(%arg19 : memref<!tpu.dma_semaphore, #tpu.memory_space<semaphore_mem>>)
    %dma_start3A_545 = arith.constant 4 : i32
    %dma_start3A_546 = arith.constant 512 : i32
    %dma_start3A_547 = tpu.memref_slice %arg7[%dma_start3A_546] : memref<1280xi32, #tpu.memory_space<vmem>> -> memref<128xi32, #tpu.memory_space<vmem>>
    %dma_start3A_548 = arith.constant 0 : i32
    %dma_start3A_549 = tpu.memref_slice %arg9[%dma_start3A_545, %dma_start3A_548] : memref<10x128xi32, #tpu.memory_space<vmem>> -> memref<1x128xi32, #tpu.memory_space<vmem>>
    %dma_start3A_550 = tpu.memref_squeeze %dma_start3A_549 : memref<1x128xi32, #tpu.memory_space<vmem>> -> memref<128xi32, #tpu.memory_space<vmem>>
    %dma_start3A_551 = arith.constant 0 : i32
    %dma_start3A_552 = tpu.memref_slice %arg17[%dma_start3A_551] : memref<20480xi32, #tpu.memory_space<vmem_shared>> -> memref<20480xi32, #tpu.memory_space<vmem_shared>>
    tpu.enqueue_indirect_dma source(%dma_start3A_547 : memref<128xi32, #tpu.memory_space<vmem>>) target(%dma_start3A_552 : memref<20480xi32, #tpu.memory_space<vmem_shared>>) offsets(%dma_start3A_550 : memref<128xi32, #tpu.memory_space<vmem>>) semaphore(%arg19 : memref<!tpu.dma_semaphore, #tpu.memory_space<semaphore_mem>>)
    %dma_start3A_553 = arith.constant 5 : i32
    %dma_start3A_554 = arith.constant 640 : i32
    %dma_start3A_555 = tpu.memref_slice %arg7[%dma_start3A_554] : memref<1280xi32, #tpu.memory_space<vmem>> -> memref<128xi32, #tpu.memory_space<vmem>>
    %dma_start3A_556 = arith.constant 0 : i32
    %dma_start3A_557 = tpu.memref_slice %arg9[%dma_start3A_553, %dma_start3A_556] : memref<10x128xi32, #tpu.memory_space<vmem>> -> memref<1x128xi32, #tpu.memory_space<vmem>>
    %dma_start3A_558 = tpu.memref_squeeze %dma_start3A_557 : memref<1x128xi32, #tpu.memory_space<vmem>> -> memref<128xi32, #tpu.memory_space<vmem>>
    %dma_start3A_559 = arith.constant 0 : i32
    %dma_start3A_560 = tpu.memref_slice %arg17[%dma_start3A_559] : memref<20480xi32, #tpu.memory_space<vmem_shared>> -> memref<20480xi32, #tpu.memory_space<vmem_shared>>
    tpu.enqueue_indirect_dma source(%dma_start3A_555 : memref<128xi32, #tpu.memory_space<vmem>>) target(%dma_start3A_560 : memref<20480xi32, #tpu.memory_space<vmem_shared>>) offsets(%dma_start3A_558 : memref<128xi32, #tpu.memory_space<vmem>>) semaphore(%arg19 : memref<!tpu.dma_semaphore, #tpu.memory_space<semaphore_mem>>)
    %dma_start3A_561 = arith.constant 6 : i32
    %dma_start3A_562 = arith.constant 768 : i32
    %dma_start3A_563 = tpu.memref_slice %arg7[%dma_start3A_562] : memref<1280xi32, #tpu.memory_space<vmem>> -> memref<128xi32, #tpu.memory_space<vmem>>
    %dma_start3A_564 = arith.constant 0 : i32
    %dma_start3A_565 = tpu.memref_slice %arg9[%dma_start3A_561, %dma_start3A_564] : memref<10x128xi32, #tpu.memory_space<vmem>> -> memref<1x128xi32, #tpu.memory_space<vmem>>
    %dma_start3A_566 = tpu.memref_squeeze %dma_start3A_565 : memref<1x128xi32, #tpu.memory_space<vmem>> -> memref<128xi32, #tpu.memory_space<vmem>>
    %dma_start3A_567 = arith.constant 0 : i32
    %dma_start3A_568 = tpu.memref_slice %arg17[%dma_start3A_567] : memref<20480xi32, #tpu.memory_space<vmem_shared>> -> memref<20480xi32, #tpu.memory_space<vmem_shared>>
    tpu.enqueue_indirect_dma source(%dma_start3A_563 : memref<128xi32, #tpu.memory_space<vmem>>) target(%dma_start3A_568 : memref<20480xi32, #tpu.memory_space<vmem_shared>>) offsets(%dma_start3A_566 : memref<128xi32, #tpu.memory_space<vmem>>) semaphore(%arg19 : memref<!tpu.dma_semaphore, #tpu.memory_space<semaphore_mem>>)
    %dma_start3A_569 = arith.constant 7 : i32
    %dma_start3A_570 = arith.constant 896 : i32
    %dma_start3A_571 = tpu.memref_slice %arg7[%dma_start3A_570] : memref<1280xi32, #tpu.memory_space<vmem>> -> memref<128xi32, #tpu.memory_space<vmem>>
    %dma_start3A_572 = arith.constant 0 : i32
    %dma_start3A_573 = tpu.memref_slice %arg9[%dma_start3A_569, %dma_start3A_572] : memref<10x128xi32, #tpu.memory_space<vmem>> -> memref<1x128xi32, #tpu.memory_space<vmem>>
    %dma_start3A_574 = tpu.memref_squeeze %dma_start3A_573 : memref<1x128xi32, #tpu.memory_space<vmem>> -> memref<128xi32, #tpu.memory_space<vmem>>
    %dma_start3A_575 = arith.constant 0 : i32
    %dma_start3A_576 = tpu.memref_slice %arg17[%dma_start3A_575] : memref<20480xi32, #tpu.memory_space<vmem_shared>> -> memref<20480xi32, #tpu.memory_space<vmem_shared>>
    tpu.enqueue_indirect_dma source(%dma_start3A_571 : memref<128xi32, #tpu.memory_space<vmem>>) target(%dma_start3A_576 : memref<20480xi32, #tpu.memory_space<vmem_shared>>) offsets(%dma_start3A_574 : memref<128xi32, #tpu.memory_space<vmem>>) semaphore(%arg19 : memref<!tpu.dma_semaphore, #tpu.memory_space<semaphore_mem>>)
    %dma_start3A_577 = arith.constant 8 : i32
    %dma_start3A_578 = arith.constant 1024 : i32
    %dma_start3A_579 = tpu.memref_slice %arg7[%dma_start3A_578] : memref<1280xi32, #tpu.memory_space<vmem>> -> memref<128xi32, #tpu.memory_space<vmem>>
    %dma_start3A_580 = arith.constant 0 : i32
    %dma_start3A_581 = tpu.memref_slice %arg9[%dma_start3A_577, %dma_start3A_580] : memref<10x128xi32, #tpu.memory_space<vmem>> -> memref<1x128xi32, #tpu.memory_space<vmem>>
    %dma_start3A_582 = tpu.memref_squeeze %dma_start3A_581 : memref<1x128xi32, #tpu.memory_space<vmem>> -> memref<128xi32, #tpu.memory_space<vmem>>
    %dma_start3A_583 = arith.constant 0 : i32
    %dma_start3A_584 = tpu.memref_slice %arg17[%dma_start3A_583] : memref<20480xi32, #tpu.memory_space<vmem_shared>> -> memref<20480xi32, #tpu.memory_space<vmem_shared>>
    tpu.enqueue_indirect_dma source(%dma_start3A_579 : memref<128xi32, #tpu.memory_space<vmem>>) target(%dma_start3A_584 : memref<20480xi32, #tpu.memory_space<vmem_shared>>) offsets(%dma_start3A_582 : memref<128xi32, #tpu.memory_space<vmem>>) semaphore(%arg19 : memref<!tpu.dma_semaphore, #tpu.memory_space<semaphore_mem>>)
    %dma_start3A_585 = arith.constant 9 : i32
    %dma_start3A_586 = arith.constant 1152 : i32
    %dma_start3A_587 = tpu.memref_slice %arg7[%dma_start3A_586] : memref<1280xi32, #tpu.memory_space<vmem>> -> memref<128xi32, #tpu.memory_space<vmem>>
    %dma_start3A_588 = arith.constant 0 : i32
    %dma_start3A_589 = tpu.memref_slice %arg9[%dma_start3A_585, %dma_start3A_588] : memref<10x128xi32, #tpu.memory_space<vmem>> -> memref<1x128xi32, #tpu.memory_space<vmem>>
    %dma_start3A_590 = tpu.memref_squeeze %dma_start3A_589 : memref<1x128xi32, #tpu.memory_space<vmem>> -> memref<128xi32, #tpu.memory_space<vmem>>
    %dma_start3A_591 = arith.constant 0 : i32
    %dma_start3A_592 = tpu.memref_slice %arg17[%dma_start3A_591] : memref<20480xi32, #tpu.memory_space<vmem_shared>> -> memref<20480xi32, #tpu.memory_space<vmem_shared>>
    tpu.enqueue_indirect_dma source(%dma_start3A_587 : memref<128xi32, #tpu.memory_space<vmem>>) target(%dma_start3A_592 : memref<20480xi32, #tpu.memory_space<vmem_shared>>) offsets(%dma_start3A_590 : memref<128xi32, #tpu.memory_space<vmem>>) semaphore(%arg19 : memref<!tpu.dma_semaphore, #tpu.memory_space<semaphore_mem>>)
    %dma_wait3A = arith.constant 0 : i32
    %dma_wait3A_593 = arith.constant 0 : i32
    %dma_wait3A_594 = tpu.memref_slice %arg7[%dma_wait3A_593] : memref<1280xi32, #tpu.memory_space<vmem>> -> memref<128xi32, #tpu.memory_space<vmem>>
    %dma_wait3A_595 = arith.constant 0 : i32
    %dma_wait3A_596 = tpu.memref_slice %arg9[%dma_wait3A, %dma_wait3A_595] : memref<10x128xi32, #tpu.memory_space<vmem>> -> memref<1x128xi32, #tpu.memory_space<vmem>>
    %dma_wait3A_597 = tpu.memref_squeeze %dma_wait3A_596 : memref<1x128xi32, #tpu.memory_space<vmem>> -> memref<128xi32, #tpu.memory_space<vmem>>
    %dma_wait3A_598 = arith.constant 0 : i32
    %dma_wait3A_599 = tpu.memref_slice %arg17[%dma_wait3A_598] : memref<20480xi32, #tpu.memory_space<vmem_shared>> -> memref<20480xi32, #tpu.memory_space<vmem_shared>>
    tpu.wait_indirect_dma semaphore(%arg19 : memref<!tpu.dma_semaphore, #tpu.memory_space<semaphore_mem>>) src(%dma_wait3A_594 : memref<128xi32, #tpu.memory_space<vmem>>) dst(%dma_wait3A_599 : memref<20480xi32, #tpu.memory_space<vmem_shared>>)
    %dma_wait3A_600 = arith.constant 1 : i32
    %dma_wait3A_601 = arith.constant 128 : i32
    %dma_wait3A_602 = tpu.memref_slice %arg7[%dma_wait3A_601] : memref<1280xi32, #tpu.memory_space<vmem>> -> memref<128xi32, #tpu.memory_space<vmem>>
    %dma_wait3A_603 = arith.constant 0 : i32
    %dma_wait3A_604 = tpu.memref_slice %arg9[%dma_wait3A_600, %dma_wait3A_603] : memref<10x128xi32, #tpu.memory_space<vmem>> -> memref<1x128xi32, #tpu.memory_space<vmem>>
    %dma_wait3A_605 = tpu.memref_squeeze %dma_wait3A_604 : memref<1x128xi32, #tpu.memory_space<vmem>> -> memref<128xi32, #tpu.memory_space<vmem>>
    %dma_wait3A_606 = arith.constant 0 : i32
    %dma_wait3A_607 = tpu.memref_slice %arg17[%dma_wait3A_606] : memref<20480xi32, #tpu.memory_space<vmem_shared>> -> memref<20480xi32, #tpu.memory_space<vmem_shared>>
    tpu.wait_indirect_dma semaphore(%arg19 : memref<!tpu.dma_semaphore, #tpu.memory_space<semaphore_mem>>) src(%dma_wait3A_602 : memref<128xi32, #tpu.memory_space<vmem>>) dst(%dma_wait3A_607 : memref<20480xi32, #tpu.memory_space<vmem_shared>>)
    %dma_wait3A_608 = arith.constant 2 : i32
    %dma_wait3A_609 = arith.constant 256 : i32
    %dma_wait3A_610 = tpu.memref_slice %arg7[%dma_wait3A_609] : memref<1280xi32, #tpu.memory_space<vmem>> -> memref<128xi32, #tpu.memory_space<vmem>>
    %dma_wait3A_611 = arith.constant 0 : i32
    %dma_wait3A_612 = tpu.memref_slice %arg9[%dma_wait3A_608, %dma_wait3A_611] : memref<10x128xi32, #tpu.memory_space<vmem>> -> memref<1x128xi32, #tpu.memory_space<vmem>>
    %dma_wait3A_613 = tpu.memref_squeeze %dma_wait3A_612 : memref<1x128xi32, #tpu.memory_space<vmem>> -> memref<128xi32, #tpu.memory_space<vmem>>
    %dma_wait3A_614 = arith.constant 0 : i32
    %dma_wait3A_615 = tpu.memref_slice %arg17[%dma_wait3A_614] : memref<20480xi32, #tpu.memory_space<vmem_shared>> -> memref<20480xi32, #tpu.memory_space<vmem_shared>>
    tpu.wait_indirect_dma semaphore(%arg19 : memref<!tpu.dma_semaphore, #tpu.memory_space<semaphore_mem>>) src(%dma_wait3A_610 : memref<128xi32, #tpu.memory_space<vmem>>) dst(%dma_wait3A_615 : memref<20480xi32, #tpu.memory_space<vmem_shared>>)
    %dma_wait3A_616 = arith.constant 3 : i32
    %dma_wait3A_617 = arith.constant 384 : i32
    %dma_wait3A_618 = tpu.memref_slice %arg7[%dma_wait3A_617] : memref<1280xi32, #tpu.memory_space<vmem>> -> memref<128xi32, #tpu.memory_space<vmem>>
    %dma_wait3A_619 = arith.constant 0 : i32
    %dma_wait3A_620 = tpu.memref_slice %arg9[%dma_wait3A_616, %dma_wait3A_619] : memref<10x128xi32, #tpu.memory_space<vmem>> -> memref<1x128xi32, #tpu.memory_space<vmem>>
    %dma_wait3A_621 = tpu.memref_squeeze %dma_wait3A_620 : memref<1x128xi32, #tpu.memory_space<vmem>> -> memref<128xi32, #tpu.memory_space<vmem>>
    %dma_wait3A_622 = arith.constant 0 : i32
    %dma_wait3A_623 = tpu.memref_slice %arg17[%dma_wait3A_622] : memref<20480xi32, #tpu.memory_space<vmem_shared>> -> memref<20480xi32, #tpu.memory_space<vmem_shared>>
    tpu.wait_indirect_dma semaphore(%arg19 : memref<!tpu.dma_semaphore, #tpu.memory_space<semaphore_mem>>) src(%dma_wait3A_618 : memref<128xi32, #tpu.memory_space<vmem>>) dst(%dma_wait3A_623 : memref<20480xi32, #tpu.memory_space<vmem_shared>>)
    %dma_wait3A_624 = arith.constant 4 : i32
    %dma_wait3A_625 = arith.constant 512 : i32
    %dma_wait3A_626 = tpu.memref_slice %arg7[%dma_wait3A_625] : memref<1280xi32, #tpu.memory_space<vmem>> -> memref<128xi32, #tpu.memory_space<vmem>>
    %dma_wait3A_627 = arith.constant 0 : i32
    %dma_wait3A_628 = tpu.memref_slice %arg9[%dma_wait3A_624, %dma_wait3A_627] : memref<10x128xi32, #tpu.memory_space<vmem>> -> memref<1x128xi32, #tpu.memory_space<vmem>>
    %dma_wait3A_629 = tpu.memref_squeeze %dma_wait3A_628 : memref<1x128xi32, #tpu.memory_space<vmem>> -> memref<128xi32, #tpu.memory_space<vmem>>
    %dma_wait3A_630 = arith.constant 0 : i32
    %dma_wait3A_631 = tpu.memref_slice %arg17[%dma_wait3A_630] : memref<20480xi32, #tpu.memory_space<vmem_shared>> -> memref<20480xi32, #tpu.memory_space<vmem_shared>>
    tpu.wait_indirect_dma semaphore(%arg19 : memref<!tpu.dma_semaphore, #tpu.memory_space<semaphore_mem>>) src(%dma_wait3A_626 : memref<128xi32, #tpu.memory_space<vmem>>) dst(%dma_wait3A_631 : memref<20480xi32, #tpu.memory_space<vmem_shared>>)
    %dma_wait3A_632 = arith.constant 5 : i32
    %dma_wait3A_633 = arith.constant 640 : i32
    %dma_wait3A_634 = tpu.memref_slice %arg7[%dma_wait3A_633] : memref<1280xi32, #tpu.memory_space<vmem>> -> memref<128xi32, #tpu.memory_space<vmem>>
    %dma_wait3A_635 = arith.constant 0 : i32
    %dma_wait3A_636 = tpu.memref_slice %arg9[%dma_wait3A_632, %dma_wait3A_635] : memref<10x128xi32, #tpu.memory_space<vmem>> -> memref<1x128xi32, #tpu.memory_space<vmem>>
    %dma_wait3A_637 = tpu.memref_squeeze %dma_wait3A_636 : memref<1x128xi32, #tpu.memory_space<vmem>> -> memref<128xi32, #tpu.memory_space<vmem>>
    %dma_wait3A_638 = arith.constant 0 : i32
    %dma_wait3A_639 = tpu.memref_slice %arg17[%dma_wait3A_638] : memref<20480xi32, #tpu.memory_space<vmem_shared>> -> memref<20480xi32, #tpu.memory_space<vmem_shared>>
    tpu.wait_indirect_dma semaphore(%arg19 : memref<!tpu.dma_semaphore, #tpu.memory_space<semaphore_mem>>) src(%dma_wait3A_634 : memref<128xi32, #tpu.memory_space<vmem>>) dst(%dma_wait3A_639 : memref<20480xi32, #tpu.memory_space<vmem_shared>>)
    %dma_wait3A_640 = arith.constant 6 : i32
    %dma_wait3A_641 = arith.constant 768 : i32
    %dma_wait3A_642 = tpu.memref_slice %arg7[%dma_wait3A_641] : memref<1280xi32, #tpu.memory_space<vmem>> -> memref<128xi32, #tpu.memory_space<vmem>>
    %dma_wait3A_643 = arith.constant 0 : i32
    %dma_wait3A_644 = tpu.memref_slice %arg9[%dma_wait3A_640, %dma_wait3A_643] : memref<10x128xi32, #tpu.memory_space<vmem>> -> memref<1x128xi32, #tpu.memory_space<vmem>>
    %dma_wait3A_645 = tpu.memref_squeeze %dma_wait3A_644 : memref<1x128xi32, #tpu.memory_space<vmem>> -> memref<128xi32, #tpu.memory_space<vmem>>
    %dma_wait3A_646 = arith.constant 0 : i32
    %dma_wait3A_647 = tpu.memref_slice %arg17[%dma_wait3A_646] : memref<20480xi32, #tpu.memory_space<vmem_shared>> -> memref<20480xi32, #tpu.memory_space<vmem_shared>>
    tpu.wait_indirect_dma semaphore(%arg19 : memref<!tpu.dma_semaphore, #tpu.memory_space<semaphore_mem>>) src(%dma_wait3A_642 : memref<128xi32, #tpu.memory_space<vmem>>) dst(%dma_wait3A_647 : memref<20480xi32, #tpu.memory_space<vmem_shared>>)
    %dma_wait3A_648 = arith.constant 7 : i32
    %dma_wait3A_649 = arith.constant 896 : i32
    %dma_wait3A_650 = tpu.memref_slice %arg7[%dma_wait3A_649] : memref<1280xi32, #tpu.memory_space<vmem>> -> memref<128xi32, #tpu.memory_space<vmem>>
    %dma_wait3A_651 = arith.constant 0 : i32
    %dma_wait3A_652 = tpu.memref_slice %arg9[%dma_wait3A_648, %dma_wait3A_651] : memref<10x128xi32, #tpu.memory_space<vmem>> -> memref<1x128xi32, #tpu.memory_space<vmem>>
    %dma_wait3A_653 = tpu.memref_squeeze %dma_wait3A_652 : memref<1x128xi32, #tpu.memory_space<vmem>> -> memref<128xi32, #tpu.memory_space<vmem>>
    %dma_wait3A_654 = arith.constant 0 : i32
    %dma_wait3A_655 = tpu.memref_slice %arg17[%dma_wait3A_654] : memref<20480xi32, #tpu.memory_space<vmem_shared>> -> memref<20480xi32, #tpu.memory_space<vmem_shared>>
    tpu.wait_indirect_dma semaphore(%arg19 : memref<!tpu.dma_semaphore, #tpu.memory_space<semaphore_mem>>) src(%dma_wait3A_650 : memref<128xi32, #tpu.memory_space<vmem>>) dst(%dma_wait3A_655 : memref<20480xi32, #tpu.memory_space<vmem_shared>>)
    %dma_wait3A_656 = arith.constant 8 : i32
    %dma_wait3A_657 = arith.constant 1024 : i32
    %dma_wait3A_658 = tpu.memref_slice %arg7[%dma_wait3A_657] : memref<1280xi32, #tpu.memory_space<vmem>> -> memref<128xi32, #tpu.memory_space<vmem>>
    %dma_wait3A_659 = arith.constant 0 : i32
    %dma_wait3A_660 = tpu.memref_slice %arg9[%dma_wait3A_656, %dma_wait3A_659] : memref<10x128xi32, #tpu.memory_space<vmem>> -> memref<1x128xi32, #tpu.memory_space<vmem>>
    %dma_wait3A_661 = tpu.memref_squeeze %dma_wait3A_660 : memref<1x128xi32, #tpu.memory_space<vmem>> -> memref<128xi32, #tpu.memory_space<vmem>>
    %dma_wait3A_662 = arith.constant 0 : i32
    %dma_wait3A_663 = tpu.memref_slice %arg17[%dma_wait3A_662] : memref<20480xi32, #tpu.memory_space<vmem_shared>> -> memref<20480xi32, #tpu.memory_space<vmem_shared>>
    tpu.wait_indirect_dma semaphore(%arg19 : memref<!tpu.dma_semaphore, #tpu.memory_space<semaphore_mem>>) src(%dma_wait3A_658 : memref<128xi32, #tpu.memory_space<vmem>>) dst(%dma_wait3A_663 : memref<20480xi32, #tpu.memory_space<vmem_shared>>)
    %dma_wait3A_664 = arith.constant 9 : i32
    %dma_wait3A_665 = arith.constant 1152 : i32
    %dma_wait3A_666 = tpu.memref_slice %arg7[%dma_wait3A_665] : memref<1280xi32, #tpu.memory_space<vmem>> -> memref<128xi32, #tpu.memory_space<vmem>>
    %dma_wait3A_667 = arith.constant 0 : i32
    %dma_wait3A_668 = tpu.memref_slice %arg9[%dma_wait3A_664, %dma_wait3A_667] : memref<10x128xi32, #tpu.memory_space<vmem>> -> memref<1x128xi32, #tpu.memory_space<vmem>>
    %dma_wait3A_669 = tpu.memref_squeeze %dma_wait3A_668 : memref<1x128xi32, #tpu.memory_space<vmem>> -> memref<128xi32, #tpu.memory_space<vmem>>
    %dma_wait3A_670 = arith.constant 0 : i32
    %dma_wait3A_671 = tpu.memref_slice %arg17[%dma_wait3A_670] : memref<20480xi32, #tpu.memory_space<vmem_shared>> -> memref<20480xi32, #tpu.memory_space<vmem_shared>>
    tpu.wait_indirect_dma semaphore(%arg19 : memref<!tpu.dma_semaphore, #tpu.memory_space<semaphore_mem>>) src(%dma_wait3A_666 : memref<128xi32, #tpu.memory_space<vmem>>) dst(%dma_wait3A_671 : memref<20480xi32, #tpu.memory_space<vmem_shared>>)
    %barrier3A_672 = arith.constant 0 : index
    tpu.barrier barrier_id(%barrier3A_672)
    %scan3A_673 = arith.constant 0 : i32
    %scan3A_674 = arith.constant 0 : i32
    %scan3A_675 = arith.constant 16 : i32
    %scan3A_676 = arith.addi %scan3A_674, %scan3A_675 : i32
    %scan3A_677 = arith.constant 1 : i32
    scf.for %scan3A_2066 = %scan3A_674 to %scan3A_676 step %scan3A_677  : i32 {
      %broadcast_in_dim3A_2067 = arith.constant 0 : i32
      %broadcast_in_dim3A_2068 = vector.broadcast %broadcast_in_dim3A_2067 : i32 to vector<16xi32>
      %mul3A_2069 = arith.constant 16 : i32
      %mul3A_2070 = arith.muli %scan3A_2066, %mul3A_2069 : i32
      %swap3A_2071 = arith.index_cast %mul3A_2070 : i32 to index
      %swap3A_2072 = tpu.vector_load %arg10[%swap3A_2071] {strides = array<i32>} : memref<512xi32, #tpu.memory_space<vmem>>, vector<16xi32>,
      tpu.vector_store %arg10[%swap3A_2071], %broadcast_in_dim3A_2068 {strides = array<i32>} : memref<512xi32, #tpu.memory_space<vmem>>, vector<16xi32>,
    }
    %scan3A_678 = arith.constant 16 : i32
    "tpu.region"() ({
      %run_scoped3A_2066 = tpu.sem_alloc : memref<!tpu.dma_semaphore, #tpu.memory_space<semaphore_mem>>
      %dma_start3A_2067 = tpu.memref_slice %arg17[%mul3A_0] : memref<20480xi32, #tpu.memory_space<vmem_shared>> -> memref<1280xi32, #tpu.memory_space<vmem_shared>>
      %dma_start3A_2068 = tpu.memref_slice %arg17[%mul3A_0] : memref<20480xi32, #tpu.memory_space<vmem_shared>> -> memref<1280xi32, #tpu.memory_space<vmem_shared>>
      tpu.enqueue_dma source(%dma_start3A_2068 : memref<1280xi32, #tpu.memory_space<vmem_shared>>) target(%arg7 : memref<1280xi32, #tpu.memory_space<vmem>>) target_semaphore(%run_scoped3A_2066 : memref<!tpu.dma_semaphore, #tpu.memory_space<semaphore_mem>>)
      %dma_wait3A_2069 = tpu.memref_slice %arg17[%mul3A_0] : memref<20480xi32, #tpu.memory_space<vmem_shared>> -> memref<1280xi32, #tpu.memory_space<vmem_shared>>
      %dma_wait3A_2070 = tpu.memref_slice %arg17[%mul3A_0] : memref<20480xi32, #tpu.memory_space<vmem_shared>> -> memref<1280xi32, #tpu.memory_space<vmem_shared>>
      tpu.wait_dma2 semaphore(%run_scoped3A_2066 : memref<!tpu.dma_semaphore, #tpu.memory_space<semaphore_mem>>) src(%dma_wait3A_2070 : memref<1280xi32, #tpu.memory_space<vmem_shared>>) dst(%arg7 : memref<1280xi32, #tpu.memory_space<vmem>>)
      tpu.yield
    }) : () -> ()
    %scan3A_679 = arith.constant 0 : i32
    %scan3A_680 = arith.constant 0 : i32
    %scan3A_681 = arith.constant 80 : i32
    %scan3A_682 = arith.addi %scan3A_680, %scan3A_681 : i32
    %scan3A_683 = arith.constant 1 : i32
    scf.for %scan3A_2066 = %scan3A_680 to %scan3A_682 step %scan3A_683  : i32 {
      %mul3A_2067 = arith.constant 16 : i32
      %mul3A_2068 = arith.muli %scan3A_2066, %mul3A_2067 : i32
      %get3A_2069 = arith.index_cast %mul3A_2068 : i32 to index
      %get3A_2070 = tpu.vector_load %arg7[%get3A_2069] {strides = array<i32>} : memref<1280xi32, #tpu.memory_space<vmem>>, vector<16xi32>,
      %gather3A = tpu.vector_load_idx %arg5[%get3A_2070] : memref<20480xi32, #tpu.memory_space<vmem>>[vector<16xi32>], vector<16xi32>,
      %shift_right_arithmetic3A = arith.constant 9 : i32
      %shift_right_arithmetic3A_2071 = vector.broadcast %shift_right_arithmetic3A : i32 to vector<16xi32>
      %shift_right_arithmetic3A_2072 = arith.shrsi %gather3A, %shift_right_arithmetic3A_2071 : vector<16xi32>
      %and3A = arith.constant 255 : i32
      %and3A_2073 = vector.broadcast %and3A : i32 to vector<16xi32>
      %and3A_2074 = arith.andi %shift_right_arithmetic3A_2072, %and3A_2073 : vector<16xi32>
      %broadcast_in_dim3A_2075 = arith.constant true
      %broadcast_in_dim3A_2076 = vector.broadcast %broadcast_in_dim3A_2075 : i1 to vector<16xi1>
      %unique3A, %unique3A_2077 = tpu.scan_count mask(%broadcast_in_dim3A_2076 : vector<16xi1>) value(%and3A_2074 : vector<16xi32>) : vector<16xi1>, vector<16xi32>
      tpu.vector_store_idx %arg10[%and3A_2074], %unique3A_2077 masked %unique3A {add = true} : memref<512xi32, #tpu.memory_space<vmem>>[vector<16xi32>], vector<16xi32>, vector<16xi1>
    }
    %scan3A_684 = arith.constant 80 : i32
    %mul3A_685 = arith.constant 256 : i32
    %mul3A_686 = arith.muli %arg1, %mul3A_685 : i32
    "tpu.region"() ({
      %run_scoped3A_2066 = tpu.sem_alloc : memref<!tpu.dma_semaphore, #tpu.memory_space<semaphore_mem>>
      %dma_start3A_2067 = arith.constant 0 : i32
      %dma_start3A_2068 = tpu.memref_slice %arg10[%dma_start3A_2067] : memref<512xi32, #tpu.memory_space<vmem>> -> memref<256xi32, #tpu.memory_space<vmem>>
      %dma_start3A_2069 = tpu.memref_slice %arg18[%mul3A_686] : memref<8192xi32, #tpu.memory_space<vmem_shared>> -> memref<256xi32, #tpu.memory_space<vmem_shared>>
      %dma_start3A_2070 = tpu.memref_slice %arg18[%mul3A_686] : memref<8192xi32, #tpu.memory_space<vmem_shared>> -> memref<256xi32, #tpu.memory_space<vmem_shared>>
      %dma_start3A_2071 = arith.constant 0 : i32
      %dma_start3A_2072 = tpu.memref_slice %arg10[%dma_start3A_2071] : memref<512xi32, #tpu.memory_space<vmem>> -> memref<256xi32, #tpu.memory_space<vmem>>
      tpu.enqueue_dma source(%dma_start3A_2072 : memref<256xi32, #tpu.memory_space<vmem>>) target(%dma_start3A_2070 : memref<256xi32, #tpu.memory_space<vmem_shared>>) target_semaphore(%run_scoped3A_2066 : memref<!tpu.dma_semaphore, #tpu.memory_space<semaphore_mem>>)
      %dma_wait3A_2073 = arith.constant 0 : i32
      %dma_wait3A_2074 = tpu.memref_slice %arg10[%dma_wait3A_2073] : memref<512xi32, #tpu.memory_space<vmem>> -> memref<256xi32, #tpu.memory_space<vmem>>
      %dma_wait3A_2075 = tpu.memref_slice %arg18[%mul3A_686] : memref<8192xi32, #tpu.memory_space<vmem_shared>> -> memref<256xi32, #tpu.memory_space<vmem_shared>>
      %dma_wait3A_2076 = tpu.memref_slice %arg18[%mul3A_686] : memref<8192xi32, #tpu.memory_space<vmem_shared>> -> memref<256xi32, #tpu.memory_space<vmem_shared>>
      %dma_wait3A_2077 = arith.constant 0 : i32
      %dma_wait3A_2078 = tpu.memref_slice %arg10[%dma_wait3A_2077] : memref<512xi32, #tpu.memory_space<vmem>> -> memref<256xi32, #tpu.memory_space<vmem>>
      tpu.wait_dma2 semaphore(%run_scoped3A_2066 : memref<!tpu.dma_semaphore, #tpu.memory_space<semaphore_mem>>) src(%dma_wait3A_2078 : memref<256xi32, #tpu.memory_space<vmem>>) dst(%dma_wait3A_2076 : memref<256xi32, #tpu.memory_space<vmem_shared>>)
      tpu.yield
    }) : () -> ()
    %barrier3A_687 = arith.constant 0 : index
    tpu.barrier barrier_id(%barrier3A_687)
    "tpu.region"() ({
      %run_scoped3A_2066 = tpu.sem_alloc : memref<!tpu.dma_semaphore, #tpu.memory_space<semaphore_mem>>
      %dma_start3A_2067 = arith.constant 0 : i32
      %dma_start3A_2068 = tpu.memref_slice %arg12[%dma_start3A_2067] : memref<8192xi32, #tpu.memory_space<vmem>> -> memref<4096xi32, #tpu.memory_space<vmem>>
      %dma_start3A_2069 = arith.constant 0 : i32
      %dma_start3A_2070 = tpu.memref_slice %arg18[%dma_start3A_2069] : memref<8192xi32, #tpu.memory_space<vmem_shared>> -> memref<4096xi32, #tpu.memory_space<vmem_shared>>
      %dma_start3A_2071 = arith.constant 0 : i32
      %dma_start3A_2072 = tpu.memref_slice %arg12[%dma_start3A_2071] : memref<8192xi32, #tpu.memory_space<vmem>> -> memref<4096xi32, #tpu.memory_space<vmem>>
      %dma_start3A_2073 = arith.constant 0 : i32
      %dma_start3A_2074 = tpu.memref_slice %arg18[%dma_start3A_2073] : memref<8192xi32, #tpu.memory_space<vmem_shared>> -> memref<4096xi32, #tpu.memory_space<vmem_shared>>
      tpu.enqueue_dma source(%dma_start3A_2074 : memref<4096xi32, #tpu.memory_space<vmem_shared>>) target(%dma_start3A_2072 : memref<4096xi32, #tpu.memory_space<vmem>>) target_semaphore(%run_scoped3A_2066 : memref<!tpu.dma_semaphore, #tpu.memory_space<semaphore_mem>>)
      %dma_wait3A_2075 = arith.constant 0 : i32
      %dma_wait3A_2076 = tpu.memref_slice %arg12[%dma_wait3A_2075] : memref<8192xi32, #tpu.memory_space<vmem>> -> memref<4096xi32, #tpu.memory_space<vmem>>
      %dma_wait3A_2077 = arith.constant 0 : i32
      %dma_wait3A_2078 = tpu.memref_slice %arg18[%dma_wait3A_2077] : memref<8192xi32, #tpu.memory_space<vmem_shared>> -> memref<4096xi32, #tpu.memory_space<vmem_shared>>
      %dma_wait3A_2079 = arith.constant 0 : i32
      %dma_wait3A_2080 = tpu.memref_slice %arg12[%dma_wait3A_2079] : memref<8192xi32, #tpu.memory_space<vmem>> -> memref<4096xi32, #tpu.memory_space<vmem>>
      %dma_wait3A_2081 = arith.constant 0 : i32
      %dma_wait3A_2082 = tpu.memref_slice %arg18[%dma_wait3A_2081] : memref<8192xi32, #tpu.memory_space<vmem_shared>> -> memref<4096xi32, #tpu.memory_space<vmem_shared>>
      tpu.wait_dma2 semaphore(%run_scoped3A_2066 : memref<!tpu.dma_semaphore, #tpu.memory_space<semaphore_mem>>) src(%dma_wait3A_2082 : memref<4096xi32, #tpu.memory_space<vmem_shared>>) dst(%dma_wait3A_2080 : memref<4096xi32, #tpu.memory_space<vmem>>)
      tpu.yield
    }) : () -> ()
    %broadcast_in_dim3A_688 = arith.constant 0 : i32
    %broadcast_in_dim3A_689 = vector.broadcast %broadcast_in_dim3A_688 : i32 to vector<16xi32>
    %add3A_690 = vector.broadcast %arg1 : i32 to vector<16xi32>
    %add3A_691 = arith.addi %broadcast_in_dim3A_689, %add3A_690 : vector<16xi32>
    %scan3A_692 = arith.constant 0 : i32
    %scan3A_693 = arith.constant 0 : i32
    %scan3A_694 = arith.constant 16 : i32
    %scan3A_695 = arith.addi %scan3A_693, %scan3A_694 : i32
    %scan3A_696 = arith.constant 1 : i32
    %scan3A_697 = scf.for %scan3A_2066 = %scan3A_693 to %scan3A_695 step %scan3A_696 iter_args(%scan3A_2067 = %scan3A_692) -> (i32)  : i32 {
      %broadcast_in_dim3A_2068 = arith.constant 0 : i32
      %broadcast_in_dim3A_2069 = vector.broadcast %broadcast_in_dim3A_2068 : i32 to vector<16xi32>
      %broadcast_in_dim3A_2070 = arith.constant 0 : i32
      %broadcast_in_dim3A_2071 = vector.broadcast %broadcast_in_dim3A_2070 : i32 to vector<16xi32>
      %mul3A_2072 = arith.constant 16 : i32
      %mul3A_2073 = arith.muli %scan3A_2066, %mul3A_2072 : i32
      %add3A_2074 = arith.constant 0 : i32
      %add3A_2075 = arith.addi %add3A_2074, %mul3A_2073 : i32
      %get3A_2076 = arith.index_cast %add3A_2075 : i32 to index
      %get3A_2077 = tpu.vector_load %arg12[%get3A_2076] {strides = array<i32>} : memref<8192xi32, #tpu.memory_space<vmem>>, vector<16xi32>,
      %add3A_2078 = arith.addi %broadcast_in_dim3A_2069, %get3A_2077 : vector<16xi32>
      %broadcast_in_dim3A_2079 = arith.constant 0 : i32
      %broadcast_in_dim3A_2080 = vector.broadcast %broadcast_in_dim3A_2079 : i32 to vector<16xi32>
      %add3A_2081 = arith.constant 0 : i32
      %add3A_2082 = vector.broadcast %add3A_2081 : i32 to vector<16xi32>
      %add3A_2083 = arith.addi %broadcast_in_dim3A_2080, %add3A_2082 : vector<16xi32>
      %lt3A = arith.cmpi slt, %add3A_2083, %add3A_691 : vector<16xi32>
      %jit3A = arith.constant 0 : i32
      %broadcast_in_dim3A_2084 = vector.broadcast %jit3A : i32 to vector<16xi32>
      %select_n3A = arith.select %lt3A, %get3A_2077, %broadcast_in_dim3A_2084 : vector<16xi1>, vector<16xi32>
      %add3A_2085 = arith.addi %broadcast_in_dim3A_2071, %select_n3A : vector<16xi32>
      %mul3A_2086 = arith.constant 16 : i32
      %mul3A_2087 = arith.muli %scan3A_2066, %mul3A_2086 : i32
      %add3A_2088 = arith.constant 256 : i32
      %add3A_2089 = arith.addi %add3A_2088, %mul3A_2087 : i32
      %get3A_2090 = arith.index_cast %add3A_2089 : i32 to index
      %get3A_2091 = tpu.vector_load %arg12[%get3A_2090] {strides = array<i32>} : memref<8192xi32, #tpu.memory_space<vmem>>, vector<16xi32>,
      %add3A_2092 = arith.addi %add3A_2078, %get3A_2091 : vector<16xi32>
      %broadcast_in_dim3A_2093 = arith.constant 0 : i32
      %broadcast_in_dim3A_2094 = vector.broadcast %broadcast_in_dim3A_2093 : i32 to vector<16xi32>
      %add3A_2095 = arith.constant 1 : i32
      %add3A_2096 = vector.broadcast %add3A_2095 : i32 to vector<16xi32>
      %add3A_2097 = arith.addi %broadcast_in_dim3A_2094, %add3A_2096 : vector<16xi32>
      %lt3A_2098 = arith.cmpi slt, %add3A_2097, %add3A_691 : vector<16xi32>
      %jit3A_2099 = arith.constant 0 : i32
      %broadcast_in_dim3A_2100 = vector.broadcast %jit3A_2099 : i32 to vector<16xi32>
      %select_n3A_2101 = arith.select %lt3A_2098, %get3A_2091, %broadcast_in_dim3A_2100 : vector<16xi1>, vector<16xi32>
      %add3A_2102 = arith.addi %add3A_2085, %select_n3A_2101 : vector<16xi32>
      %mul3A_2103 = arith.constant 16 : i32
      %mul3A_2104 = arith.muli %scan3A_2066, %mul3A_2103 : i32
      %add3A_2105 = arith.constant 512 : i32
      %add3A_2106 = arith.addi %add3A_2105, %mul3A_2104 : i32
      %get3A_2107 = arith.index_cast %add3A_2106 : i32 to index
      %get3A_2108 = tpu.vector_load %arg12[%get3A_2107] {strides = array<i32>} : memref<8192xi32, #tpu.memory_space<vmem>>, vector<16xi32>,
      %add3A_2109 = arith.addi %add3A_2092, %get3A_2108 : vector<16xi32>
      %broadcast_in_dim3A_2110 = arith.constant 0 : i32
      %broadcast_in_dim3A_2111 = vector.broadcast %broadcast_in_dim3A_2110 : i32 to vector<16xi32>
      %add3A_2112 = arith.constant 2 : i32
      %add3A_2113 = vector.broadcast %add3A_2112 : i32 to vector<16xi32>
      %add3A_2114 = arith.addi %broadcast_in_dim3A_2111, %add3A_2113 : vector<16xi32>
      %lt3A_2115 = arith.cmpi slt, %add3A_2114, %add3A_691 : vector<16xi32>
      %jit3A_2116 = arith.constant 0 : i32
      %broadcast_in_dim3A_2117 = vector.broadcast %jit3A_2116 : i32 to vector<16xi32>
      %select_n3A_2118 = arith.select %lt3A_2115, %get3A_2108, %broadcast_in_dim3A_2117 : vector<16xi1>, vector<16xi32>
      %add3A_2119 = arith.addi %add3A_2102, %select_n3A_2118 : vector<16xi32>
      %mul3A_2120 = arith.constant 16 : i32
      %mul3A_2121 = arith.muli %scan3A_2066, %mul3A_2120 : i32
      %add3A_2122 = arith.constant 768 : i32
      %add3A_2123 = arith.addi %add3A_2122, %mul3A_2121 : i32
      %get3A_2124 = arith.index_cast %add3A_2123 : i32 to index
      %get3A_2125 = tpu.vector_load %arg12[%get3A_2124] {strides = array<i32>} : memref<8192xi32, #tpu.memory_space<vmem>>, vector<16xi32>,
      %add3A_2126 = arith.addi %add3A_2109, %get3A_2125 : vector<16xi32>
      %broadcast_in_dim3A_2127 = arith.constant 0 : i32
      %broadcast_in_dim3A_2128 = vector.broadcast %broadcast_in_dim3A_2127 : i32 to vector<16xi32>
      %add3A_2129 = arith.constant 3 : i32
      %add3A_2130 = vector.broadcast %add3A_2129 : i32 to vector<16xi32>
      %add3A_2131 = arith.addi %broadcast_in_dim3A_2128, %add3A_2130 : vector<16xi32>
      %lt3A_2132 = arith.cmpi slt, %add3A_2131, %add3A_691 : vector<16xi32>
      %jit3A_2133 = arith.constant 0 : i32
      %broadcast_in_dim3A_2134 = vector.broadcast %jit3A_2133 : i32 to vector<16xi32>
      %select_n3A_2135 = arith.select %lt3A_2132, %get3A_2125, %broadcast_in_dim3A_2134 : vector<16xi1>, vector<16xi32>
      %add3A_2136 = arith.addi %add3A_2119, %select_n3A_2135 : vector<16xi32>
      %mul3A_2137 = arith.constant 16 : i32
      %mul3A_2138 = arith.muli %scan3A_2066, %mul3A_2137 : i32
      %add3A_2139 = arith.constant 1024 : i32
      %add3A_2140 = arith.addi %add3A_2139, %mul3A_2138 : i32
      %get3A_2141 = arith.index_cast %add3A_2140 : i32 to index
      %get3A_2142 = tpu.vector_load %arg12[%get3A_2141] {strides = array<i32>} : memref<8192xi32, #tpu.memory_space<vmem>>, vector<16xi32>,
      %add3A_2143 = arith.addi %add3A_2126, %get3A_2142 : vector<16xi32>
      %broadcast_in_dim3A_2144 = arith.constant 0 : i32
      %broadcast_in_dim3A_2145 = vector.broadcast %broadcast_in_dim3A_2144 : i32 to vector<16xi32>
      %add3A_2146 = arith.constant 4 : i32
      %add3A_2147 = vector.broadcast %add3A_2146 : i32 to vector<16xi32>
      %add3A_2148 = arith.addi %broadcast_in_dim3A_2145, %add3A_2147 : vector<16xi32>
      %lt3A_2149 = arith.cmpi slt, %add3A_2148, %add3A_691 : vector<16xi32>
      %jit3A_2150 = arith.constant 0 : i32
      %broadcast_in_dim3A_2151 = vector.broadcast %jit3A_2150 : i32 to vector<16xi32>
      %select_n3A_2152 = arith.select %lt3A_2149, %get3A_2142, %broadcast_in_dim3A_2151 : vector<16xi1>, vector<16xi32>
      %add3A_2153 = arith.addi %add3A_2136, %select_n3A_2152 : vector<16xi32>
      %mul3A_2154 = arith.constant 16 : i32
      %mul3A_2155 = arith.muli %scan3A_2066, %mul3A_2154 : i32
      %add3A_2156 = arith.constant 1280 : i32
      %add3A_2157 = arith.addi %add3A_2156, %mul3A_2155 : i32
      %get3A_2158 = arith.index_cast %add3A_2157 : i32 to index
      %get3A_2159 = tpu.vector_load %arg12[%get3A_2158] {strides = array<i32>} : memref<8192xi32, #tpu.memory_space<vmem>>, vector<16xi32>,
      %add3A_2160 = arith.addi %add3A_2143, %get3A_2159 : vector<16xi32>
      %broadcast_in_dim3A_2161 = arith.constant 0 : i32
      %broadcast_in_dim3A_2162 = vector.broadcast %broadcast_in_dim3A_2161 : i32 to vector<16xi32>
      %add3A_2163 = arith.constant 5 : i32
      %add3A_2164 = vector.broadcast %add3A_2163 : i32 to vector<16xi32>
      %add3A_2165 = arith.addi %broadcast_in_dim3A_2162, %add3A_2164 : vector<16xi32>
      %lt3A_2166 = arith.cmpi slt, %add3A_2165, %add3A_691 : vector<16xi32>
      %jit3A_2167 = arith.constant 0 : i32
      %broadcast_in_dim3A_2168 = vector.broadcast %jit3A_2167 : i32 to vector<16xi32>
      %select_n3A_2169 = arith.select %lt3A_2166, %get3A_2159, %broadcast_in_dim3A_2168 : vector<16xi1>, vector<16xi32>
      %add3A_2170 = arith.addi %add3A_2153, %select_n3A_2169 : vector<16xi32>
      %mul3A_2171 = arith.constant 16 : i32
      %mul3A_2172 = arith.muli %scan3A_2066, %mul3A_2171 : i32
      %add3A_2173 = arith.constant 1536 : i32
      %add3A_2174 = arith.addi %add3A_2173, %mul3A_2172 : i32
      %get3A_2175 = arith.index_cast %add3A_2174 : i32 to index
      %get3A_2176 = tpu.vector_load %arg12[%get3A_2175] {strides = array<i32>} : memref<8192xi32, #tpu.memory_space<vmem>>, vector<16xi32>,
      %add3A_2177 = arith.addi %add3A_2160, %get3A_2176 : vector<16xi32>
      %broadcast_in_dim3A_2178 = arith.constant 0 : i32
      %broadcast_in_dim3A_2179 = vector.broadcast %broadcast_in_dim3A_2178 : i32 to vector<16xi32>
      %add3A_2180 = arith.constant 6 : i32
      %add3A_2181 = vector.broadcast %add3A_2180 : i32 to vector<16xi32>
      %add3A_2182 = arith.addi %broadcast_in_dim3A_2179, %add3A_2181 : vector<16xi32>
      %lt3A_2183 = arith.cmpi slt, %add3A_2182, %add3A_691 : vector<16xi32>
      %jit3A_2184 = arith.constant 0 : i32
      %broadcast_in_dim3A_2185 = vector.broadcast %jit3A_2184 : i32 to vector<16xi32>
      %select_n3A_2186 = arith.select %lt3A_2183, %get3A_2176, %broadcast_in_dim3A_2185 : vector<16xi1>, vector<16xi32>
      %add3A_2187 = arith.addi %add3A_2170, %select_n3A_2186 : vector<16xi32>
      %mul3A_2188 = arith.constant 16 : i32
      %mul3A_2189 = arith.muli %scan3A_2066, %mul3A_2188 : i32
      %add3A_2190 = arith.constant 1792 : i32
      %add3A_2191 = arith.addi %add3A_2190, %mul3A_2189 : i32
      %get3A_2192 = arith.index_cast %add3A_2191 : i32 to index
      %get3A_2193 = tpu.vector_load %arg12[%get3A_2192] {strides = array<i32>} : memref<8192xi32, #tpu.memory_space<vmem>>, vector<16xi32>,
      %add3A_2194 = arith.addi %add3A_2177, %get3A_2193 : vector<16xi32>
      %broadcast_in_dim3A_2195 = arith.constant 0 : i32
      %broadcast_in_dim3A_2196 = vector.broadcast %broadcast_in_dim3A_2195 : i32 to vector<16xi32>
      %add3A_2197 = arith.constant 7 : i32
      %add3A_2198 = vector.broadcast %add3A_2197 : i32 to vector<16xi32>
      %add3A_2199 = arith.addi %broadcast_in_dim3A_2196, %add3A_2198 : vector<16xi32>
      %lt3A_2200 = arith.cmpi slt, %add3A_2199, %add3A_691 : vector<16xi32>
      %jit3A_2201 = arith.constant 0 : i32
      %broadcast_in_dim3A_2202 = vector.broadcast %jit3A_2201 : i32 to vector<16xi32>
      %select_n3A_2203 = arith.select %lt3A_2200, %get3A_2193, %broadcast_in_dim3A_2202 : vector<16xi1>, vector<16xi32>
      %add3A_2204 = arith.addi %add3A_2187, %select_n3A_2203 : vector<16xi32>
      %mul3A_2205 = arith.constant 16 : i32
      %mul3A_2206 = arith.muli %scan3A_2066, %mul3A_2205 : i32
      %add3A_2207 = arith.constant 2048 : i32
      %add3A_2208 = arith.addi %add3A_2207, %mul3A_2206 : i32
      %get3A_2209 = arith.index_cast %add3A_2208 : i32 to index
      %get3A_2210 = tpu.vector_load %arg12[%get3A_2209] {strides = array<i32>} : memref<8192xi32, #tpu.memory_space<vmem>>, vector<16xi32>,
      %add3A_2211 = arith.addi %add3A_2194, %get3A_2210 : vector<16xi32>
      %broadcast_in_dim3A_2212 = arith.constant 0 : i32
      %broadcast_in_dim3A_2213 = vector.broadcast %broadcast_in_dim3A_2212 : i32 to vector<16xi32>
      %add3A_2214 = arith.constant 8 : i32
      %add3A_2215 = vector.broadcast %add3A_2214 : i32 to vector<16xi32>
      %add3A_2216 = arith.addi %broadcast_in_dim3A_2213, %add3A_2215 : vector<16xi32>
      %lt3A_2217 = arith.cmpi slt, %add3A_2216, %add3A_691 : vector<16xi32>
      %jit3A_2218 = arith.constant 0 : i32
      %broadcast_in_dim3A_2219 = vector.broadcast %jit3A_2218 : i32 to vector<16xi32>
      %select_n3A_2220 = arith.select %lt3A_2217, %get3A_2210, %broadcast_in_dim3A_2219 : vector<16xi1>, vector<16xi32>
      %add3A_2221 = arith.addi %add3A_2204, %select_n3A_2220 : vector<16xi32>
      %mul3A_2222 = arith.constant 16 : i32
      %mul3A_2223 = arith.muli %scan3A_2066, %mul3A_2222 : i32
      %add3A_2224 = arith.constant 2304 : i32
      %add3A_2225 = arith.addi %add3A_2224, %mul3A_2223 : i32
      %get3A_2226 = arith.index_cast %add3A_2225 : i32 to index
      %get3A_2227 = tpu.vector_load %arg12[%get3A_2226] {strides = array<i32>} : memref<8192xi32, #tpu.memory_space<vmem>>, vector<16xi32>,
      %add3A_2228 = arith.addi %add3A_2211, %get3A_2227 : vector<16xi32>
      %broadcast_in_dim3A_2229 = arith.constant 0 : i32
      %broadcast_in_dim3A_2230 = vector.broadcast %broadcast_in_dim3A_2229 : i32 to vector<16xi32>
      %add3A_2231 = arith.constant 9 : i32
      %add3A_2232 = vector.broadcast %add3A_2231 : i32 to vector<16xi32>
      %add3A_2233 = arith.addi %broadcast_in_dim3A_2230, %add3A_2232 : vector<16xi32>
      %lt3A_2234 = arith.cmpi slt, %add3A_2233, %add3A_691 : vector<16xi32>
      %jit3A_2235 = arith.constant 0 : i32
      %broadcast_in_dim3A_2236 = vector.broadcast %jit3A_2235 : i32 to vector<16xi32>
      %select_n3A_2237 = arith.select %lt3A_2234, %get3A_2227, %broadcast_in_dim3A_2236 : vector<16xi1>, vector<16xi32>
      %add3A_2238 = arith.addi %add3A_2221, %select_n3A_2237 : vector<16xi32>
      %mul3A_2239 = arith.constant 16 : i32
      %mul3A_2240 = arith.muli %scan3A_2066, %mul3A_2239 : i32
      %add3A_2241 = arith.constant 2560 : i32
      %add3A_2242 = arith.addi %add3A_2241, %mul3A_2240 : i32
      %get3A_2243 = arith.index_cast %add3A_2242 : i32 to index
      %get3A_2244 = tpu.vector_load %arg12[%get3A_2243] {strides = array<i32>} : memref<8192xi32, #tpu.memory_space<vmem>>, vector<16xi32>,
      %add3A_2245 = arith.addi %add3A_2228, %get3A_2244 : vector<16xi32>
      %broadcast_in_dim3A_2246 = arith.constant 0 : i32
      %broadcast_in_dim3A_2247 = vector.broadcast %broadcast_in_dim3A_2246 : i32 to vector<16xi32>
      %add3A_2248 = arith.constant 10 : i32
      %add3A_2249 = vector.broadcast %add3A_2248 : i32 to vector<16xi32>
      %add3A_2250 = arith.addi %broadcast_in_dim3A_2247, %add3A_2249 : vector<16xi32>
      %lt3A_2251 = arith.cmpi slt, %add3A_2250, %add3A_691 : vector<16xi32>
      %jit3A_2252 = arith.constant 0 : i32
      %broadcast_in_dim3A_2253 = vector.broadcast %jit3A_2252 : i32 to vector<16xi32>
      %select_n3A_2254 = arith.select %lt3A_2251, %get3A_2244, %broadcast_in_dim3A_2253 : vector<16xi1>, vector<16xi32>
      %add3A_2255 = arith.addi %add3A_2238, %select_n3A_2254 : vector<16xi32>
      %mul3A_2256 = arith.constant 16 : i32
      %mul3A_2257 = arith.muli %scan3A_2066, %mul3A_2256 : i32
      %add3A_2258 = arith.constant 2816 : i32
      %add3A_2259 = arith.addi %add3A_2258, %mul3A_2257 : i32
      %get3A_2260 = arith.index_cast %add3A_2259 : i32 to index
      %get3A_2261 = tpu.vector_load %arg12[%get3A_2260] {strides = array<i32>} : memref<8192xi32, #tpu.memory_space<vmem>>, vector<16xi32>,
      %add3A_2262 = arith.addi %add3A_2245, %get3A_2261 : vector<16xi32>
      %broadcast_in_dim3A_2263 = arith.constant 0 : i32
      %broadcast_in_dim3A_2264 = vector.broadcast %broadcast_in_dim3A_2263 : i32 to vector<16xi32>
      %add3A_2265 = arith.constant 11 : i32
      %add3A_2266 = vector.broadcast %add3A_2265 : i32 to vector<16xi32>
      %add3A_2267 = arith.addi %broadcast_in_dim3A_2264, %add3A_2266 : vector<16xi32>
      %lt3A_2268 = arith.cmpi slt, %add3A_2267, %add3A_691 : vector<16xi32>
      %jit3A_2269 = arith.constant 0 : i32
      %broadcast_in_dim3A_2270 = vector.broadcast %jit3A_2269 : i32 to vector<16xi32>
      %select_n3A_2271 = arith.select %lt3A_2268, %get3A_2261, %broadcast_in_dim3A_2270 : vector<16xi1>, vector<16xi32>
      %add3A_2272 = arith.addi %add3A_2255, %select_n3A_2271 : vector<16xi32>
      %mul3A_2273 = arith.constant 16 : i32
      %mul3A_2274 = arith.muli %scan3A_2066, %mul3A_2273 : i32
      %add3A_2275 = arith.constant 3072 : i32
      %add3A_2276 = arith.addi %add3A_2275, %mul3A_2274 : i32
      %get3A_2277 = arith.index_cast %add3A_2276 : i32 to index
      %get3A_2278 = tpu.vector_load %arg12[%get3A_2277] {strides = array<i32>} : memref<8192xi32, #tpu.memory_space<vmem>>, vector<16xi32>,
      %add3A_2279 = arith.addi %add3A_2262, %get3A_2278 : vector<16xi32>
      %broadcast_in_dim3A_2280 = arith.constant 0 : i32
      %broadcast_in_dim3A_2281 = vector.broadcast %broadcast_in_dim3A_2280 : i32 to vector<16xi32>
      %add3A_2282 = arith.constant 12 : i32
      %add3A_2283 = vector.broadcast %add3A_2282 : i32 to vector<16xi32>
      %add3A_2284 = arith.addi %broadcast_in_dim3A_2281, %add3A_2283 : vector<16xi32>
      %lt3A_2285 = arith.cmpi slt, %add3A_2284, %add3A_691 : vector<16xi32>
      %jit3A_2286 = arith.constant 0 : i32
      %broadcast_in_dim3A_2287 = vector.broadcast %jit3A_2286 : i32 to vector<16xi32>
      %select_n3A_2288 = arith.select %lt3A_2285, %get3A_2278, %broadcast_in_dim3A_2287 : vector<16xi1>, vector<16xi32>
      %add3A_2289 = arith.addi %add3A_2272, %select_n3A_2288 : vector<16xi32>
      %mul3A_2290 = arith.constant 16 : i32
      %mul3A_2291 = arith.muli %scan3A_2066, %mul3A_2290 : i32
      %add3A_2292 = arith.constant 3328 : i32
      %add3A_2293 = arith.addi %add3A_2292, %mul3A_2291 : i32
      %get3A_2294 = arith.index_cast %add3A_2293 : i32 to index
      %get3A_2295 = tpu.vector_load %arg12[%get3A_2294] {strides = array<i32>} : memref<8192xi32, #tpu.memory_space<vmem>>, vector<16xi32>,
      %add3A_2296 = arith.addi %add3A_2279, %get3A_2295 : vector<16xi32>
      %broadcast_in_dim3A_2297 = arith.constant 0 : i32
      %broadcast_in_dim3A_2298 = vector.broadcast %broadcast_in_dim3A_2297 : i32 to vector<16xi32>
      %add3A_2299 = arith.constant 13 : i32
      %add3A_2300 = vector.broadcast %add3A_2299 : i32 to vector<16xi32>
      %add3A_2301 = arith.addi %broadcast_in_dim3A_2298, %add3A_2300 : vector<16xi32>
      %lt3A_2302 = arith.cmpi slt, %add3A_2301, %add3A_691 : vector<16xi32>
      %jit3A_2303 = arith.constant 0 : i32
      %broadcast_in_dim3A_2304 = vector.broadcast %jit3A_2303 : i32 to vector<16xi32>
      %select_n3A_2305 = arith.select %lt3A_2302, %get3A_2295, %broadcast_in_dim3A_2304 : vector<16xi1>, vector<16xi32>
      %add3A_2306 = arith.addi %add3A_2289, %select_n3A_2305 : vector<16xi32>
      %mul3A_2307 = arith.constant 16 : i32
      %mul3A_2308 = arith.muli %scan3A_2066, %mul3A_2307 : i32
      %add3A_2309 = arith.constant 3584 : i32
      %add3A_2310 = arith.addi %add3A_2309, %mul3A_2308 : i32
      %get3A_2311 = arith.index_cast %add3A_2310 : i32 to index
      %get3A_2312 = tpu.vector_load %arg12[%get3A_2311] {strides = array<i32>} : memref<8192xi32, #tpu.memory_space<vmem>>, vector<16xi32>,
      %add3A_2313 = arith.addi %add3A_2296, %get3A_2312 : vector<16xi32>
      %broadcast_in_dim3A_2314 = arith.constant 0 : i32
      %broadcast_in_dim3A_2315 = vector.broadcast %broadcast_in_dim3A_2314 : i32 to vector<16xi32>
      %add3A_2316 = arith.constant 14 : i32
      %add3A_2317 = vector.broadcast %add3A_2316 : i32 to vector<16xi32>
      %add3A_2318 = arith.addi %broadcast_in_dim3A_2315, %add3A_2317 : vector<16xi32>
      %lt3A_2319 = arith.cmpi slt, %add3A_2318, %add3A_691 : vector<16xi32>
      %jit3A_2320 = arith.constant 0 : i32
      %broadcast_in_dim3A_2321 = vector.broadcast %jit3A_2320 : i32 to vector<16xi32>
      %select_n3A_2322 = arith.select %lt3A_2319, %get3A_2312, %broadcast_in_dim3A_2321 : vector<16xi1>, vector<16xi32>
      %add3A_2323 = arith.addi %add3A_2306, %select_n3A_2322 : vector<16xi32>
      %mul3A_2324 = arith.constant 16 : i32
      %mul3A_2325 = arith.muli %scan3A_2066, %mul3A_2324 : i32
      %add3A_2326 = arith.constant 3840 : i32
      %add3A_2327 = arith.addi %add3A_2326, %mul3A_2325 : i32
      %get3A_2328 = arith.index_cast %add3A_2327 : i32 to index
      %get3A_2329 = tpu.vector_load %arg12[%get3A_2328] {strides = array<i32>} : memref<8192xi32, #tpu.memory_space<vmem>>, vector<16xi32>,
      %add3A_2330 = arith.addi %add3A_2313, %get3A_2329 : vector<16xi32>
      %broadcast_in_dim3A_2331 = arith.constant 0 : i32
      %broadcast_in_dim3A_2332 = vector.broadcast %broadcast_in_dim3A_2331 : i32 to vector<16xi32>
      %add3A_2333 = arith.constant 15 : i32
      %add3A_2334 = vector.broadcast %add3A_2333 : i32 to vector<16xi32>
      %add3A_2335 = arith.addi %broadcast_in_dim3A_2332, %add3A_2334 : vector<16xi32>
      %lt3A_2336 = arith.cmpi slt, %add3A_2335, %add3A_691 : vector<16xi32>
      %jit3A_2337 = arith.constant 0 : i32
      %broadcast_in_dim3A_2338 = vector.broadcast %jit3A_2337 : i32 to vector<16xi32>
      %select_n3A_2339 = arith.select %lt3A_2336, %get3A_2329, %broadcast_in_dim3A_2338 : vector<16xi1>, vector<16xi32>
      %add3A_2340 = arith.addi %add3A_2323, %select_n3A_2339 : vector<16xi32>
      %broadcast_in_dim3A_2341 = arith.constant true
      %broadcast_in_dim3A_2342 = vector.broadcast %broadcast_in_dim3A_2341 : i1 to vector<16xi1>
      %masked_cumsum3A = tpu.scan <sum>, %add3A_2330 masked %broadcast_in_dim3A_2342 : vector<16xi32>, vector<16xi1> -> vector<16xi32>
      %sub3A = arith.subi %masked_cumsum3A, %add3A_2330 : vector<16xi32>
      %add3A_2343 = vector.broadcast %scan3A_2067 : i32 to vector<16xi32>
      %add3A_2344 = arith.addi %add3A_2343, %sub3A : vector<16xi32>
      %add3A_2345 = arith.addi %add3A_2344, %add3A_2340 : vector<16xi32>
      %mul3A_2346 = arith.constant 16 : i32
      %mul3A_2347 = arith.muli %scan3A_2066, %mul3A_2346 : i32
      %swap3A_2348 = arith.index_cast %mul3A_2347 : i32 to index
      %swap3A_2349 = tpu.vector_load %arg11[%swap3A_2348] {strides = array<i32>} : memref<512xi32, #tpu.memory_space<vmem>>, vector<16xi32>,
      tpu.vector_store %arg11[%swap3A_2348], %add3A_2345 {strides = array<i32>} : memref<512xi32, #tpu.memory_space<vmem>>, vector<16xi32>,
      %reduce_sum3A = arith.constant true
      %reduce_sum3A_2350 = vector.broadcast %reduce_sum3A : i1 to vector<16xi1>
      %reduce_sum3A_2351 = tpu.scan <sum>, %add3A_2330 masked %reduce_sum3A_2350 : vector<16xi32>, vector<16xi1> -> vector<16xi32>
      %reduce_sum3A_2352 = vector.extract %reduce_sum3A_2351[15] : i32 from vector<16xi32>
      %add3A_2353 = arith.addi %scan3A_2067, %reduce_sum3A_2352 : i32
      scf.yield %add3A_2353 : i32
    }
    %scan3A_698 = arith.constant 16 : i32
    %scan3A_699 = arith.constant 0 : i32
    %scan3A_700 = arith.constant 0 : i32
    %scan3A_701 = arith.constant 80 : i32
    %scan3A_702 = arith.addi %scan3A_700, %scan3A_701 : i32
    %scan3A_703 = arith.constant 1 : i32
    scf.for %scan3A_2066 = %scan3A_700 to %scan3A_702 step %scan3A_703  : i32 {
      %mul3A_2067 = arith.constant 16 : i32
      %mul3A_2068 = arith.muli %scan3A_2066, %mul3A_2067 : i32
      %get3A_2069 = arith.index_cast %mul3A_2068 : i32 to index
      %get3A_2070 = tpu.vector_load %arg7[%get3A_2069] {strides = array<i32>} : memref<1280xi32, #tpu.memory_space<vmem>>, vector<16xi32>,
      %gather3A = tpu.vector_load_idx %arg5[%get3A_2070] : memref<20480xi32, #tpu.memory_space<vmem>>[vector<16xi32>], vector<16xi32>,
      %shift_right_arithmetic3A = arith.constant 9 : i32
      %shift_right_arithmetic3A_2071 = vector.broadcast %shift_right_arithmetic3A : i32 to vector<16xi32>
      %shift_right_arithmetic3A_2072 = arith.shrsi %gather3A, %shift_right_arithmetic3A_2071 : vector<16xi32>
      %and3A = arith.constant 255 : i32
      %and3A_2073 = vector.broadcast %and3A : i32 to vector<16xi32>
      %and3A_2074 = arith.andi %shift_right_arithmetic3A_2072, %and3A_2073 : vector<16xi32>
      %broadcast_in_dim3A_2075 = arith.constant true
      %broadcast_in_dim3A_2076 = vector.broadcast %broadcast_in_dim3A_2075 : i1 to vector<16xi1>
      %unique3A, %unique3A_2077 = tpu.scan_count mask(%broadcast_in_dim3A_2076 : vector<16xi1>) value(%and3A_2074 : vector<16xi32>) : vector<16xi1>, vector<16xi32>
      %gather3A_2078 = tpu.vector_load_idx %arg11[%and3A_2074] : memref<512xi32, #tpu.memory_space<vmem>>[vector<16xi32>], vector<16xi32>,
      %add3A_2079 = arith.addi %gather3A_2078, %unique3A_2077 : vector<16xi32>
      %sub3A = arith.constant 1 : i32
      %sub3A_2080 = vector.broadcast %sub3A : i32 to vector<16xi32>
      %sub3A_2081 = arith.subi %add3A_2079, %sub3A_2080 : vector<16xi32>
      %mul3A_2082 = arith.constant 16 : i32
      %mul3A_2083 = arith.muli %scan3A_2066, %mul3A_2082 : i32
      %swap3A_2084 = arith.index_cast %mul3A_2083 : i32 to index
      %swap3A_2085 = tpu.vector_load %arg8[%swap3A_2084] {strides = array<i32>} : memref<1280xi32, #tpu.memory_space<vmem>>, vector<16xi32>,
      tpu.vector_store %arg8[%swap3A_2084], %sub3A_2081 {strides = array<i32>} : memref<1280xi32, #tpu.memory_space<vmem>>, vector<16xi32>,
      tpu.vector_store_idx %arg11[%and3A_2074], %unique3A_2077 masked %unique3A {add = true} : memref<512xi32, #tpu.memory_space<vmem>>[vector<16xi32>], vector<16xi32>, vector<16xi1>
    }
    %scan3A_704 = arith.constant 80 : i32
    %get3A_705 = arith.constant 0 : index
    %get3A_706 = tpu.vector_load %arg8[%get3A_705] {strides = array<i32>} : memref<1280xi32, #tpu.memory_space<vmem>>, vector<16xi32>,
    %swap3A_707 = arith.constant 0 : i32
    %swap3A_708 = arith.index_cast %swap3A_707 : i32 to index
    %swap3A_709 = arith.constant 0 : index
    %swap3A_710 = tpu.vector_load %arg9[%swap3A_708, %swap3A_709] {strides = array<i32>} : memref<10x128xi32, #tpu.memory_space<vmem>>, vector<16xi32>,
    tpu.vector_store %arg9[%swap3A_708, %swap3A_709], %get3A_706 {strides = array<i32>} : memref<10x128xi32, #tpu.memory_space<vmem>>, vector<16xi32>,
    %get3A_711 = arith.constant 16 : index
    %get3A_712 = tpu.vector_load %arg8[%get3A_711] {strides = array<i32>} : memref<1280xi32, #tpu.memory_space<vmem>>, vector<16xi32>,
    %swap3A_713 = arith.constant 0 : i32
    %swap3A_714 = arith.index_cast %swap3A_713 : i32 to index
    %swap3A_715 = arith.constant 16 : index
    %swap3A_716 = tpu.vector_load %arg9[%swap3A_714, %swap3A_715] {strides = array<i32>} : memref<10x128xi32, #tpu.memory_space<vmem>>, vector<16xi32>,
    tpu.vector_store %arg9[%swap3A_714, %swap3A_715], %get3A_712 {strides = array<i32>} : memref<10x128xi32, #tpu.memory_space<vmem>>, vector<16xi32>,
    %get3A_717 = arith.constant 32 : index
    %get3A_718 = tpu.vector_load %arg8[%get3A_717] {strides = array<i32>} : memref<1280xi32, #tpu.memory_space<vmem>>, vector<16xi32>,
    %swap3A_719 = arith.constant 0 : i32
    %swap3A_720 = arith.index_cast %swap3A_719 : i32 to index
    %swap3A_721 = arith.constant 32 : index
    %swap3A_722 = tpu.vector_load %arg9[%swap3A_720, %swap3A_721] {strides = array<i32>} : memref<10x128xi32, #tpu.memory_space<vmem>>, vector<16xi32>,
    tpu.vector_store %arg9[%swap3A_720, %swap3A_721], %get3A_718 {strides = array<i32>} : memref<10x128xi32, #tpu.memory_space<vmem>>, vector<16xi32>,
    %get3A_723 = arith.constant 48 : index
    %get3A_724 = tpu.vector_load %arg8[%get3A_723] {strides = array<i32>} : memref<1280xi32, #tpu.memory_space<vmem>>, vector<16xi32>,
    %swap3A_725 = arith.constant 0 : i32
    %swap3A_726 = arith.index_cast %swap3A_725 : i32 to index
    %swap3A_727 = arith.constant 48 : index
    %swap3A_728 = tpu.vector_load %arg9[%swap3A_726, %swap3A_727] {strides = array<i32>} : memref<10x128xi32, #tpu.memory_space<vmem>>, vector<16xi32>,
    tpu.vector_store %arg9[%swap3A_726, %swap3A_727], %get3A_724 {strides = array<i32>} : memref<10x128xi32, #tpu.memory_space<vmem>>, vector<16xi32>,
    %get3A_729 = arith.constant 64 : index
    %get3A_730 = tpu.vector_load %arg8[%get3A_729] {strides = array<i32>} : memref<1280xi32, #tpu.memory_space<vmem>>, vector<16xi32>,
    %swap3A_731 = arith.constant 0 : i32
    %swap3A_732 = arith.index_cast %swap3A_731 : i32 to index
    %swap3A_733 = arith.constant 64 : index
    %swap3A_734 = tpu.vector_load %arg9[%swap3A_732, %swap3A_733] {strides = array<i32>} : memref<10x128xi32, #tpu.memory_space<vmem>>, vector<16xi32>,
    tpu.vector_store %arg9[%swap3A_732, %swap3A_733], %get3A_730 {strides = array<i32>} : memref<10x128xi32, #tpu.memory_space<vmem>>, vector<16xi32>,
    %get3A_735 = arith.constant 80 : index
    %get3A_736 = tpu.vector_load %arg8[%get3A_735] {strides = array<i32>} : memref<1280xi32, #tpu.memory_space<vmem>>, vector<16xi32>,
    %swap3A_737 = arith.constant 0 : i32
    %swap3A_738 = arith.index_cast %swap3A_737 : i32 to index
    %swap3A_739 = arith.constant 80 : index
    %swap3A_740 = tpu.vector_load %arg9[%swap3A_738, %swap3A_739] {strides = array<i32>} : memref<10x128xi32, #tpu.memory_space<vmem>>, vector<16xi32>,
    tpu.vector_store %arg9[%swap3A_738, %swap3A_739], %get3A_736 {strides = array<i32>} : memref<10x128xi32, #tpu.memory_space<vmem>>, vector<16xi32>,
    %get3A_741 = arith.constant 96 : index
    %get3A_742 = tpu.vector_load %arg8[%get3A_741] {strides = array<i32>} : memref<1280xi32, #tpu.memory_space<vmem>>, vector<16xi32>,
    %swap3A_743 = arith.constant 0 : i32
    %swap3A_744 = arith.index_cast %swap3A_743 : i32 to index
    %swap3A_745 = arith.constant 96 : index
    %swap3A_746 = tpu.vector_load %arg9[%swap3A_744, %swap3A_745] {strides = array<i32>} : memref<10x128xi32, #tpu.memory_space<vmem>>, vector<16xi32>,
    tpu.vector_store %arg9[%swap3A_744, %swap3A_745], %get3A_742 {strides = array<i32>} : memref<10x128xi32, #tpu.memory_space<vmem>>, vector<16xi32>,
    %get3A_747 = arith.constant 112 : index
    %get3A_748 = tpu.vector_load %arg8[%get3A_747] {strides = array<i32>} : memref<1280xi32, #tpu.memory_space<vmem>>, vector<16xi32>,
    %swap3A_749 = arith.constant 0 : i32
    %swap3A_750 = arith.index_cast %swap3A_749 : i32 to index
    %swap3A_751 = arith.constant 112 : index
    %swap3A_752 = tpu.vector_load %arg9[%swap3A_750, %swap3A_751] {strides = array<i32>} : memref<10x128xi32, #tpu.memory_space<vmem>>, vector<16xi32>,
    tpu.vector_store %arg9[%swap3A_750, %swap3A_751], %get3A_748 {strides = array<i32>} : memref<10x128xi32, #tpu.memory_space<vmem>>, vector<16xi32>,
    %get3A_753 = arith.constant 128 : index
    %get3A_754 = tpu.vector_load %arg8[%get3A_753] {strides = array<i32>} : memref<1280xi32, #tpu.memory_space<vmem>>, vector<16xi32>,
    %swap3A_755 = arith.constant 1 : i32
    %swap3A_756 = arith.index_cast %swap3A_755 : i32 to index
    %swap3A_757 = arith.constant 0 : index
    %swap3A_758 = tpu.vector_load %arg9[%swap3A_756, %swap3A_757] {strides = array<i32>} : memref<10x128xi32, #tpu.memory_space<vmem>>, vector<16xi32>,
    tpu.vector_store %arg9[%swap3A_756, %swap3A_757], %get3A_754 {strides = array<i32>} : memref<10x128xi32, #tpu.memory_space<vmem>>, vector<16xi32>,
    %get3A_759 = arith.constant 144 : index
    %get3A_760 = tpu.vector_load %arg8[%get3A_759] {strides = array<i32>} : memref<1280xi32, #tpu.memory_space<vmem>>, vector<16xi32>,
    %swap3A_761 = arith.constant 1 : i32
    %swap3A_762 = arith.index_cast %swap3A_761 : i32 to index
    %swap3A_763 = arith.constant 16 : index
    %swap3A_764 = tpu.vector_load %arg9[%swap3A_762, %swap3A_763] {strides = array<i32>} : memref<10x128xi32, #tpu.memory_space<vmem>>, vector<16xi32>,
    tpu.vector_store %arg9[%swap3A_762, %swap3A_763], %get3A_760 {strides = array<i32>} : memref<10x128xi32, #tpu.memory_space<vmem>>, vector<16xi32>,
    %get3A_765 = arith.constant 160 : index
    %get3A_766 = tpu.vector_load %arg8[%get3A_765] {strides = array<i32>} : memref<1280xi32, #tpu.memory_space<vmem>>, vector<16xi32>,
    %swap3A_767 = arith.constant 1 : i32
    %swap3A_768 = arith.index_cast %swap3A_767 : i32 to index
    %swap3A_769 = arith.constant 32 : index
    %swap3A_770 = tpu.vector_load %arg9[%swap3A_768, %swap3A_769] {strides = array<i32>} : memref<10x128xi32, #tpu.memory_space<vmem>>, vector<16xi32>,
    tpu.vector_store %arg9[%swap3A_768, %swap3A_769], %get3A_766 {strides = array<i32>} : memref<10x128xi32, #tpu.memory_space<vmem>>, vector<16xi32>,
    %get3A_771 = arith.constant 176 : index
    %get3A_772 = tpu.vector_load %arg8[%get3A_771] {strides = array<i32>} : memref<1280xi32, #tpu.memory_space<vmem>>, vector<16xi32>,
    %swap3A_773 = arith.constant 1 : i32
    %swap3A_774 = arith.index_cast %swap3A_773 : i32 to index
    %swap3A_775 = arith.constant 48 : index
    %swap3A_776 = tpu.vector_load %arg9[%swap3A_774, %swap3A_775] {strides = array<i32>} : memref<10x128xi32, #tpu.memory_space<vmem>>, vector<16xi32>,
    tpu.vector_store %arg9[%swap3A_774, %swap3A_775], %get3A_772 {strides = array<i32>} : memref<10x128xi32, #tpu.memory_space<vmem>>, vector<16xi32>,
    %get3A_777 = arith.constant 192 : index
    %get3A_778 = tpu.vector_load %arg8[%get3A_777] {strides = array<i32>} : memref<1280xi32, #tpu.memory_space<vmem>>, vector<16xi32>,
    %swap3A_779 = arith.constant 1 : i32
    %swap3A_780 = arith.index_cast %swap3A_779 : i32 to index
    %swap3A_781 = arith.constant 64 : index
    %swap3A_782 = tpu.vector_load %arg9[%swap3A_780, %swap3A_781] {strides = array<i32>} : memref<10x128xi32, #tpu.memory_space<vmem>>, vector<16xi32>,
    tpu.vector_store %arg9[%swap3A_780, %swap3A_781], %get3A_778 {strides = array<i32>} : memref<10x128xi32, #tpu.memory_space<vmem>>, vector<16xi32>,
    %get3A_783 = arith.constant 208 : index
    %get3A_784 = tpu.vector_load %arg8[%get3A_783] {strides = array<i32>} : memref<1280xi32, #tpu.memory_space<vmem>>, vector<16xi32>,
    %swap3A_785 = arith.constant 1 : i32
    %swap3A_786 = arith.index_cast %swap3A_785 : i32 to index
    %swap3A_787 = arith.constant 80 : index
    %swap3A_788 = tpu.vector_load %arg9[%swap3A_786, %swap3A_787] {strides = array<i32>} : memref<10x128xi32, #tpu.memory_space<vmem>>, vector<16xi32>,
    tpu.vector_store %arg9[%swap3A_786, %swap3A_787], %get3A_784 {strides = array<i32>} : memref<10x128xi32, #tpu.memory_space<vmem>>, vector<16xi32>,
    %get3A_789 = arith.constant 224 : index
    %get3A_790 = tpu.vector_load %arg8[%get3A_789] {strides = array<i32>} : memref<1280xi32, #tpu.memory_space<vmem>>, vector<16xi32>,
    %swap3A_791 = arith.constant 1 : i32
    %swap3A_792 = arith.index_cast %swap3A_791 : i32 to index
    %swap3A_793 = arith.constant 96 : index
    %swap3A_794 = tpu.vector_load %arg9[%swap3A_792, %swap3A_793] {strides = array<i32>} : memref<10x128xi32, #tpu.memory_space<vmem>>, vector<16xi32>,
    tpu.vector_store %arg9[%swap3A_792, %swap3A_793], %get3A_790 {strides = array<i32>} : memref<10x128xi32, #tpu.memory_space<vmem>>, vector<16xi32>,
    %get3A_795 = arith.constant 240 : index
    %get3A_796 = tpu.vector_load %arg8[%get3A_795] {strides = array<i32>} : memref<1280xi32, #tpu.memory_space<vmem>>, vector<16xi32>,
    %swap3A_797 = arith.constant 1 : i32
    %swap3A_798 = arith.index_cast %swap3A_797 : i32 to index
    %swap3A_799 = arith.constant 112 : index
    %swap3A_800 = tpu.vector_load %arg9[%swap3A_798, %swap3A_799] {strides = array<i32>} : memref<10x128xi32, #tpu.memory_space<vmem>>, vector<16xi32>,
    tpu.vector_store %arg9[%swap3A_798, %swap3A_799], %get3A_796 {strides = array<i32>} : memref<10x128xi32, #tpu.memory_space<vmem>>, vector<16xi32>,
    %get3A_801 = arith.constant 256 : index
    %get3A_802 = tpu.vector_load %arg8[%get3A_801] {strides = array<i32>} : memref<1280xi32, #tpu.memory_space<vmem>>, vector<16xi32>,
    %swap3A_803 = arith.constant 2 : i32
    %swap3A_804 = arith.index_cast %swap3A_803 : i32 to index
    %swap3A_805 = arith.constant 0 : index
    %swap3A_806 = tpu.vector_load %arg9[%swap3A_804, %swap3A_805] {strides = array<i32>} : memref<10x128xi32, #tpu.memory_space<vmem>>, vector<16xi32>,
    tpu.vector_store %arg9[%swap3A_804, %swap3A_805], %get3A_802 {strides = array<i32>} : memref<10x128xi32, #tpu.memory_space<vmem>>, vector<16xi32>,
    %get3A_807 = arith.constant 272 : index
    %get3A_808 = tpu.vector_load %arg8[%get3A_807] {strides = array<i32>} : memref<1280xi32, #tpu.memory_space<vmem>>, vector<16xi32>,
    %swap3A_809 = arith.constant 2 : i32
    %swap3A_810 = arith.index_cast %swap3A_809 : i32 to index
    %swap3A_811 = arith.constant 16 : index
    %swap3A_812 = tpu.vector_load %arg9[%swap3A_810, %swap3A_811] {strides = array<i32>} : memref<10x128xi32, #tpu.memory_space<vmem>>, vector<16xi32>,
    tpu.vector_store %arg9[%swap3A_810, %swap3A_811], %get3A_808 {strides = array<i32>} : memref<10x128xi32, #tpu.memory_space<vmem>>, vector<16xi32>,
    %get3A_813 = arith.constant 288 : index
    %get3A_814 = tpu.vector_load %arg8[%get3A_813] {strides = array<i32>} : memref<1280xi32, #tpu.memory_space<vmem>>, vector<16xi32>,
    %swap3A_815 = arith.constant 2 : i32
    %swap3A_816 = arith.index_cast %swap3A_815 : i32 to index
    %swap3A_817 = arith.constant 32 : index
    %swap3A_818 = tpu.vector_load %arg9[%swap3A_816, %swap3A_817] {strides = array<i32>} : memref<10x128xi32, #tpu.memory_space<vmem>>, vector<16xi32>,
    tpu.vector_store %arg9[%swap3A_816, %swap3A_817], %get3A_814 {strides = array<i32>} : memref<10x128xi32, #tpu.memory_space<vmem>>, vector<16xi32>,
    %get3A_819 = arith.constant 304 : index
    %get3A_820 = tpu.vector_load %arg8[%get3A_819] {strides = array<i32>} : memref<1280xi32, #tpu.memory_space<vmem>>, vector<16xi32>,
    %swap3A_821 = arith.constant 2 : i32
    %swap3A_822 = arith.index_cast %swap3A_821 : i32 to index
    %swap3A_823 = arith.constant 48 : index
    %swap3A_824 = tpu.vector_load %arg9[%swap3A_822, %swap3A_823] {strides = array<i32>} : memref<10x128xi32, #tpu.memory_space<vmem>>, vector<16xi32>,
    tpu.vector_store %arg9[%swap3A_822, %swap3A_823], %get3A_820 {strides = array<i32>} : memref<10x128xi32, #tpu.memory_space<vmem>>, vector<16xi32>,
    %get3A_825 = arith.constant 320 : index
    %get3A_826 = tpu.vector_load %arg8[%get3A_825] {strides = array<i32>} : memref<1280xi32, #tpu.memory_space<vmem>>, vector<16xi32>,
    %swap3A_827 = arith.constant 2 : i32
    %swap3A_828 = arith.index_cast %swap3A_827 : i32 to index
    %swap3A_829 = arith.constant 64 : index
    %swap3A_830 = tpu.vector_load %arg9[%swap3A_828, %swap3A_829] {strides = array<i32>} : memref<10x128xi32, #tpu.memory_space<vmem>>, vector<16xi32>,
    tpu.vector_store %arg9[%swap3A_828, %swap3A_829], %get3A_826 {strides = array<i32>} : memref<10x128xi32, #tpu.memory_space<vmem>>, vector<16xi32>,
    %get3A_831 = arith.constant 336 : index
    %get3A_832 = tpu.vector_load %arg8[%get3A_831] {strides = array<i32>} : memref<1280xi32, #tpu.memory_space<vmem>>, vector<16xi32>,
    %swap3A_833 = arith.constant 2 : i32
    %swap3A_834 = arith.index_cast %swap3A_833 : i32 to index
    %swap3A_835 = arith.constant 80 : index
    %swap3A_836 = tpu.vector_load %arg9[%swap3A_834, %swap3A_835] {strides = array<i32>} : memref<10x128xi32, #tpu.memory_space<vmem>>, vector<16xi32>,
    tpu.vector_store %arg9[%swap3A_834, %swap3A_835], %get3A_832 {strides = array<i32>} : memref<10x128xi32, #tpu.memory_space<vmem>>, vector<16xi32>,
    %get3A_837 = arith.constant 352 : index
    %get3A_838 = tpu.vector_load %arg8[%get3A_837] {strides = array<i32>} : memref<1280xi32, #tpu.memory_space<vmem>>, vector<16xi32>,
    %swap3A_839 = arith.constant 2 : i32
    %swap3A_840 = arith.index_cast %swap3A_839 : i32 to index
    %swap3A_841 = arith.constant 96 : index
    %swap3A_842 = tpu.vector_load %arg9[%swap3A_840, %swap3A_841] {strides = array<i32>} : memref<10x128xi32, #tpu.memory_space<vmem>>, vector<16xi32>,
    tpu.vector_store %arg9[%swap3A_840, %swap3A_841], %get3A_838 {strides = array<i32>} : memref<10x128xi32, #tpu.memory_space<vmem>>, vector<16xi32>,
    %get3A_843 = arith.constant 368 : index
    %get3A_844 = tpu.vector_load %arg8[%get3A_843] {strides = array<i32>} : memref<1280xi32, #tpu.memory_space<vmem>>, vector<16xi32>,
    %swap3A_845 = arith.constant 2 : i32
    %swap3A_846 = arith.index_cast %swap3A_845 : i32 to index
    %swap3A_847 = arith.constant 112 : index
    %swap3A_848 = tpu.vector_load %arg9[%swap3A_846, %swap3A_847] {strides = array<i32>} : memref<10x128xi32, #tpu.memory_space<vmem>>, vector<16xi32>,
    tpu.vector_store %arg9[%swap3A_846, %swap3A_847], %get3A_844 {strides = array<i32>} : memref<10x128xi32, #tpu.memory_space<vmem>>, vector<16xi32>,
    %get3A_849 = arith.constant 384 : index
    %get3A_850 = tpu.vector_load %arg8[%get3A_849] {strides = array<i32>} : memref<1280xi32, #tpu.memory_space<vmem>>, vector<16xi32>,
    %swap3A_851 = arith.constant 3 : i32
    %swap3A_852 = arith.index_cast %swap3A_851 : i32 to index
    %swap3A_853 = arith.constant 0 : index
    %swap3A_854 = tpu.vector_load %arg9[%swap3A_852, %swap3A_853] {strides = array<i32>} : memref<10x128xi32, #tpu.memory_space<vmem>>, vector<16xi32>,
    tpu.vector_store %arg9[%swap3A_852, %swap3A_853], %get3A_850 {strides = array<i32>} : memref<10x128xi32, #tpu.memory_space<vmem>>, vector<16xi32>,
    %get3A_855 = arith.constant 400 : index
    %get3A_856 = tpu.vector_load %arg8[%get3A_855] {strides = array<i32>} : memref<1280xi32, #tpu.memory_space<vmem>>, vector<16xi32>,
    %swap3A_857 = arith.constant 3 : i32
    %swap3A_858 = arith.index_cast %swap3A_857 : i32 to index
    %swap3A_859 = arith.constant 16 : index
    %swap3A_860 = tpu.vector_load %arg9[%swap3A_858, %swap3A_859] {strides = array<i32>} : memref<10x128xi32, #tpu.memory_space<vmem>>, vector<16xi32>,
    tpu.vector_store %arg9[%swap3A_858, %swap3A_859], %get3A_856 {strides = array<i32>} : memref<10x128xi32, #tpu.memory_space<vmem>>, vector<16xi32>,
    %get3A_861 = arith.constant 416 : index
    %get3A_862 = tpu.vector_load %arg8[%get3A_861] {strides = array<i32>} : memref<1280xi32, #tpu.memory_space<vmem>>, vector<16xi32>,
    %swap3A_863 = arith.constant 3 : i32
    %swap3A_864 = arith.index_cast %swap3A_863 : i32 to index
    %swap3A_865 = arith.constant 32 : index
    %swap3A_866 = tpu.vector_load %arg9[%swap3A_864, %swap3A_865] {strides = array<i32>} : memref<10x128xi32, #tpu.memory_space<vmem>>, vector<16xi32>,
    tpu.vector_store %arg9[%swap3A_864, %swap3A_865], %get3A_862 {strides = array<i32>} : memref<10x128xi32, #tpu.memory_space<vmem>>, vector<16xi32>,
    %get3A_867 = arith.constant 432 : index
    %get3A_868 = tpu.vector_load %arg8[%get3A_867] {strides = array<i32>} : memref<1280xi32, #tpu.memory_space<vmem>>, vector<16xi32>,
    %swap3A_869 = arith.constant 3 : i32
    %swap3A_870 = arith.index_cast %swap3A_869 : i32 to index
    %swap3A_871 = arith.constant 48 : index
    %swap3A_872 = tpu.vector_load %arg9[%swap3A_870, %swap3A_871] {strides = array<i32>} : memref<10x128xi32, #tpu.memory_space<vmem>>, vector<16xi32>,
    tpu.vector_store %arg9[%swap3A_870, %swap3A_871], %get3A_868 {strides = array<i32>} : memref<10x128xi32, #tpu.memory_space<vmem>>, vector<16xi32>,
    %get3A_873 = arith.constant 448 : index
    %get3A_874 = tpu.vector_load %arg8[%get3A_873] {strides = array<i32>} : memref<1280xi32, #tpu.memory_space<vmem>>, vector<16xi32>,
    %swap3A_875 = arith.constant 3 : i32
    %swap3A_876 = arith.index_cast %swap3A_875 : i32 to index
    %swap3A_877 = arith.constant 64 : index
    %swap3A_878 = tpu.vector_load %arg9[%swap3A_876, %swap3A_877] {strides = array<i32>} : memref<10x128xi32, #tpu.memory_space<vmem>>, vector<16xi32>,
    tpu.vector_store %arg9[%swap3A_876, %swap3A_877], %get3A_874 {strides = array<i32>} : memref<10x128xi32, #tpu.memory_space<vmem>>, vector<16xi32>,
    %get3A_879 = arith.constant 464 : index
    %get3A_880 = tpu.vector_load %arg8[%get3A_879] {strides = array<i32>} : memref<1280xi32, #tpu.memory_space<vmem>>, vector<16xi32>,
    %swap3A_881 = arith.constant 3 : i32
    %swap3A_882 = arith.index_cast %swap3A_881 : i32 to index
    %swap3A_883 = arith.constant 80 : index
    %swap3A_884 = tpu.vector_load %arg9[%swap3A_882, %swap3A_883] {strides = array<i32>} : memref<10x128xi32, #tpu.memory_space<vmem>>, vector<16xi32>,
    tpu.vector_store %arg9[%swap3A_882, %swap3A_883], %get3A_880 {strides = array<i32>} : memref<10x128xi32, #tpu.memory_space<vmem>>, vector<16xi32>,
    %get3A_885 = arith.constant 480 : index
    %get3A_886 = tpu.vector_load %arg8[%get3A_885] {strides = array<i32>} : memref<1280xi32, #tpu.memory_space<vmem>>, vector<16xi32>,
    %swap3A_887 = arith.constant 3 : i32
    %swap3A_888 = arith.index_cast %swap3A_887 : i32 to index
    %swap3A_889 = arith.constant 96 : index
    %swap3A_890 = tpu.vector_load %arg9[%swap3A_888, %swap3A_889] {strides = array<i32>} : memref<10x128xi32, #tpu.memory_space<vmem>>, vector<16xi32>,
    tpu.vector_store %arg9[%swap3A_888, %swap3A_889], %get3A_886 {strides = array<i32>} : memref<10x128xi32, #tpu.memory_space<vmem>>, vector<16xi32>,
    %get3A_891 = arith.constant 496 : index
    %get3A_892 = tpu.vector_load %arg8[%get3A_891] {strides = array<i32>} : memref<1280xi32, #tpu.memory_space<vmem>>, vector<16xi32>,
    %swap3A_893 = arith.constant 3 : i32
    %swap3A_894 = arith.index_cast %swap3A_893 : i32 to index
    %swap3A_895 = arith.constant 112 : index
    %swap3A_896 = tpu.vector_load %arg9[%swap3A_894, %swap3A_895] {strides = array<i32>} : memref<10x128xi32, #tpu.memory_space<vmem>>, vector<16xi32>,
    tpu.vector_store %arg9[%swap3A_894, %swap3A_895], %get3A_892 {strides = array<i32>} : memref<10x128xi32, #tpu.memory_space<vmem>>, vector<16xi32>,
    %get3A_897 = arith.constant 512 : index
    %get3A_898 = tpu.vector_load %arg8[%get3A_897] {strides = array<i32>} : memref<1280xi32, #tpu.memory_space<vmem>>, vector<16xi32>,
    %swap3A_899 = arith.constant 4 : i32
    %swap3A_900 = arith.index_cast %swap3A_899 : i32 to index
    %swap3A_901 = arith.constant 0 : index
    %swap3A_902 = tpu.vector_load %arg9[%swap3A_900, %swap3A_901] {strides = array<i32>} : memref<10x128xi32, #tpu.memory_space<vmem>>, vector<16xi32>,
    tpu.vector_store %arg9[%swap3A_900, %swap3A_901], %get3A_898 {strides = array<i32>} : memref<10x128xi32, #tpu.memory_space<vmem>>, vector<16xi32>,
    %get3A_903 = arith.constant 528 : index
    %get3A_904 = tpu.vector_load %arg8[%get3A_903] {strides = array<i32>} : memref<1280xi32, #tpu.memory_space<vmem>>, vector<16xi32>,
    %swap3A_905 = arith.constant 4 : i32
    %swap3A_906 = arith.index_cast %swap3A_905 : i32 to index
    %swap3A_907 = arith.constant 16 : index
    %swap3A_908 = tpu.vector_load %arg9[%swap3A_906, %swap3A_907] {strides = array<i32>} : memref<10x128xi32, #tpu.memory_space<vmem>>, vector<16xi32>,
    tpu.vector_store %arg9[%swap3A_906, %swap3A_907], %get3A_904 {strides = array<i32>} : memref<10x128xi32, #tpu.memory_space<vmem>>, vector<16xi32>,
    %get3A_909 = arith.constant 544 : index
    %get3A_910 = tpu.vector_load %arg8[%get3A_909] {strides = array<i32>} : memref<1280xi32, #tpu.memory_space<vmem>>, vector<16xi32>,
    %swap3A_911 = arith.constant 4 : i32
    %swap3A_912 = arith.index_cast %swap3A_911 : i32 to index
    %swap3A_913 = arith.constant 32 : index
    %swap3A_914 = tpu.vector_load %arg9[%swap3A_912, %swap3A_913] {strides = array<i32>} : memref<10x128xi32, #tpu.memory_space<vmem>>, vector<16xi32>,
    tpu.vector_store %arg9[%swap3A_912, %swap3A_913], %get3A_910 {strides = array<i32>} : memref<10x128xi32, #tpu.memory_space<vmem>>, vector<16xi32>,
    %get3A_915 = arith.constant 560 : index
    %get3A_916 = tpu.vector_load %arg8[%get3A_915] {strides = array<i32>} : memref<1280xi32, #tpu.memory_space<vmem>>, vector<16xi32>,
    %swap3A_917 = arith.constant 4 : i32
    %swap3A_918 = arith.index_cast %swap3A_917 : i32 to index
    %swap3A_919 = arith.constant 48 : index
    %swap3A_920 = tpu.vector_load %arg9[%swap3A_918, %swap3A_919] {strides = array<i32>} : memref<10x128xi32, #tpu.memory_space<vmem>>, vector<16xi32>,
    tpu.vector_store %arg9[%swap3A_918, %swap3A_919], %get3A_916 {strides = array<i32>} : memref<10x128xi32, #tpu.memory_space<vmem>>, vector<16xi32>,
    %get3A_921 = arith.constant 576 : index
    %get3A_922 = tpu.vector_load %arg8[%get3A_921] {strides = array<i32>} : memref<1280xi32, #tpu.memory_space<vmem>>, vector<16xi32>,
    %swap3A_923 = arith.constant 4 : i32
    %swap3A_924 = arith.index_cast %swap3A_923 : i32 to index
    %swap3A_925 = arith.constant 64 : index
    %swap3A_926 = tpu.vector_load %arg9[%swap3A_924, %swap3A_925] {strides = array<i32>} : memref<10x128xi32, #tpu.memory_space<vmem>>, vector<16xi32>,
    tpu.vector_store %arg9[%swap3A_924, %swap3A_925], %get3A_922 {strides = array<i32>} : memref<10x128xi32, #tpu.memory_space<vmem>>, vector<16xi32>,
    %get3A_927 = arith.constant 592 : index
    %get3A_928 = tpu.vector_load %arg8[%get3A_927] {strides = array<i32>} : memref<1280xi32, #tpu.memory_space<vmem>>, vector<16xi32>,
    %swap3A_929 = arith.constant 4 : i32
    %swap3A_930 = arith.index_cast %swap3A_929 : i32 to index
    %swap3A_931 = arith.constant 80 : index
    %swap3A_932 = tpu.vector_load %arg9[%swap3A_930, %swap3A_931] {strides = array<i32>} : memref<10x128xi32, #tpu.memory_space<vmem>>, vector<16xi32>,
    tpu.vector_store %arg9[%swap3A_930, %swap3A_931], %get3A_928 {strides = array<i32>} : memref<10x128xi32, #tpu.memory_space<vmem>>, vector<16xi32>,
    %get3A_933 = arith.constant 608 : index
    %get3A_934 = tpu.vector_load %arg8[%get3A_933] {strides = array<i32>} : memref<1280xi32, #tpu.memory_space<vmem>>, vector<16xi32>,
    %swap3A_935 = arith.constant 4 : i32
    %swap3A_936 = arith.index_cast %swap3A_935 : i32 to index
    %swap3A_937 = arith.constant 96 : index
    %swap3A_938 = tpu.vector_load %arg9[%swap3A_936, %swap3A_937] {strides = array<i32>} : memref<10x128xi32, #tpu.memory_space<vmem>>, vector<16xi32>,
    tpu.vector_store %arg9[%swap3A_936, %swap3A_937], %get3A_934 {strides = array<i32>} : memref<10x128xi32, #tpu.memory_space<vmem>>, vector<16xi32>,
    %get3A_939 = arith.constant 624 : index
    %get3A_940 = tpu.vector_load %arg8[%get3A_939] {strides = array<i32>} : memref<1280xi32, #tpu.memory_space<vmem>>, vector<16xi32>,
    %swap3A_941 = arith.constant 4 : i32
    %swap3A_942 = arith.index_cast %swap3A_941 : i32 to index
    %swap3A_943 = arith.constant 112 : index
    %swap3A_944 = tpu.vector_load %arg9[%swap3A_942, %swap3A_943] {strides = array<i32>} : memref<10x128xi32, #tpu.memory_space<vmem>>, vector<16xi32>,
    tpu.vector_store %arg9[%swap3A_942, %swap3A_943], %get3A_940 {strides = array<i32>} : memref<10x128xi32, #tpu.memory_space<vmem>>, vector<16xi32>,
    %get3A_945 = arith.constant 640 : index
    %get3A_946 = tpu.vector_load %arg8[%get3A_945] {strides = array<i32>} : memref<1280xi32, #tpu.memory_space<vmem>>, vector<16xi32>,
    %swap3A_947 = arith.constant 5 : i32
    %swap3A_948 = arith.index_cast %swap3A_947 : i32 to index
    %swap3A_949 = arith.constant 0 : index
    %swap3A_950 = tpu.vector_load %arg9[%swap3A_948, %swap3A_949] {strides = array<i32>} : memref<10x128xi32, #tpu.memory_space<vmem>>, vector<16xi32>,
    tpu.vector_store %arg9[%swap3A_948, %swap3A_949], %get3A_946 {strides = array<i32>} : memref<10x128xi32, #tpu.memory_space<vmem>>, vector<16xi32>,
    %get3A_951 = arith.constant 656 : index
    %get3A_952 = tpu.vector_load %arg8[%get3A_951] {strides = array<i32>} : memref<1280xi32, #tpu.memory_space<vmem>>, vector<16xi32>,
    %swap3A_953 = arith.constant 5 : i32
    %swap3A_954 = arith.index_cast %swap3A_953 : i32 to index
    %swap3A_955 = arith.constant 16 : index
    %swap3A_956 = tpu.vector_load %arg9[%swap3A_954, %swap3A_955] {strides = array<i32>} : memref<10x128xi32, #tpu.memory_space<vmem>>, vector<16xi32>,
    tpu.vector_store %arg9[%swap3A_954, %swap3A_955], %get3A_952 {strides = array<i32>} : memref<10x128xi32, #tpu.memory_space<vmem>>, vector<16xi32>,
    %get3A_957 = arith.constant 672 : index
    %get3A_958 = tpu.vector_load %arg8[%get3A_957] {strides = array<i32>} : memref<1280xi32, #tpu.memory_space<vmem>>, vector<16xi32>,
    %swap3A_959 = arith.constant 5 : i32
    %swap3A_960 = arith.index_cast %swap3A_959 : i32 to index
    %swap3A_961 = arith.constant 32 : index
    %swap3A_962 = tpu.vector_load %arg9[%swap3A_960, %swap3A_961] {strides = array<i32>} : memref<10x128xi32, #tpu.memory_space<vmem>>, vector<16xi32>,
    tpu.vector_store %arg9[%swap3A_960, %swap3A_961], %get3A_958 {strides = array<i32>} : memref<10x128xi32, #tpu.memory_space<vmem>>, vector<16xi32>,
    %get3A_963 = arith.constant 688 : index
    %get3A_964 = tpu.vector_load %arg8[%get3A_963] {strides = array<i32>} : memref<1280xi32, #tpu.memory_space<vmem>>, vector<16xi32>,
    %swap3A_965 = arith.constant 5 : i32
    %swap3A_966 = arith.index_cast %swap3A_965 : i32 to index
    %swap3A_967 = arith.constant 48 : index
    %swap3A_968 = tpu.vector_load %arg9[%swap3A_966, %swap3A_967] {strides = array<i32>} : memref<10x128xi32, #tpu.memory_space<vmem>>, vector<16xi32>,
    tpu.vector_store %arg9[%swap3A_966, %swap3A_967], %get3A_964 {strides = array<i32>} : memref<10x128xi32, #tpu.memory_space<vmem>>, vector<16xi32>,
    %get3A_969 = arith.constant 704 : index
    %get3A_970 = tpu.vector_load %arg8[%get3A_969] {strides = array<i32>} : memref<1280xi32, #tpu.memory_space<vmem>>, vector<16xi32>,
    %swap3A_971 = arith.constant 5 : i32
    %swap3A_972 = arith.index_cast %swap3A_971 : i32 to index
    %swap3A_973 = arith.constant 64 : index
    %swap3A_974 = tpu.vector_load %arg9[%swap3A_972, %swap3A_973] {strides = array<i32>} : memref<10x128xi32, #tpu.memory_space<vmem>>, vector<16xi32>,
    tpu.vector_store %arg9[%swap3A_972, %swap3A_973], %get3A_970 {strides = array<i32>} : memref<10x128xi32, #tpu.memory_space<vmem>>, vector<16xi32>,
    %get3A_975 = arith.constant 720 : index
    %get3A_976 = tpu.vector_load %arg8[%get3A_975] {strides = array<i32>} : memref<1280xi32, #tpu.memory_space<vmem>>, vector<16xi32>,
    %swap3A_977 = arith.constant 5 : i32
    %swap3A_978 = arith.index_cast %swap3A_977 : i32 to index
    %swap3A_979 = arith.constant 80 : index
    %swap3A_980 = tpu.vector_load %arg9[%swap3A_978, %swap3A_979] {strides = array<i32>} : memref<10x128xi32, #tpu.memory_space<vmem>>, vector<16xi32>,
    tpu.vector_store %arg9[%swap3A_978, %swap3A_979], %get3A_976 {strides = array<i32>} : memref<10x128xi32, #tpu.memory_space<vmem>>, vector<16xi32>,
    %get3A_981 = arith.constant 736 : index
    %get3A_982 = tpu.vector_load %arg8[%get3A_981] {strides = array<i32>} : memref<1280xi32, #tpu.memory_space<vmem>>, vector<16xi32>,
    %swap3A_983 = arith.constant 5 : i32
    %swap3A_984 = arith.index_cast %swap3A_983 : i32 to index
    %swap3A_985 = arith.constant 96 : index
    %swap3A_986 = tpu.vector_load %arg9[%swap3A_984, %swap3A_985] {strides = array<i32>} : memref<10x128xi32, #tpu.memory_space<vmem>>, vector<16xi32>,
    tpu.vector_store %arg9[%swap3A_984, %swap3A_985], %get3A_982 {strides = array<i32>} : memref<10x128xi32, #tpu.memory_space<vmem>>, vector<16xi32>,
    %get3A_987 = arith.constant 752 : index
    %get3A_988 = tpu.vector_load %arg8[%get3A_987] {strides = array<i32>} : memref<1280xi32, #tpu.memory_space<vmem>>, vector<16xi32>,
    %swap3A_989 = arith.constant 5 : i32
    %swap3A_990 = arith.index_cast %swap3A_989 : i32 to index
    %swap3A_991 = arith.constant 112 : index
    %swap3A_992 = tpu.vector_load %arg9[%swap3A_990, %swap3A_991] {strides = array<i32>} : memref<10x128xi32, #tpu.memory_space<vmem>>, vector<16xi32>,
    tpu.vector_store %arg9[%swap3A_990, %swap3A_991], %get3A_988 {strides = array<i32>} : memref<10x128xi32, #tpu.memory_space<vmem>>, vector<16xi32>,
    %get3A_993 = arith.constant 768 : index
    %get3A_994 = tpu.vector_load %arg8[%get3A_993] {strides = array<i32>} : memref<1280xi32, #tpu.memory_space<vmem>>, vector<16xi32>,
    %swap3A_995 = arith.constant 6 : i32
    %swap3A_996 = arith.index_cast %swap3A_995 : i32 to index
    %swap3A_997 = arith.constant 0 : index
    %swap3A_998 = tpu.vector_load %arg9[%swap3A_996, %swap3A_997] {strides = array<i32>} : memref<10x128xi32, #tpu.memory_space<vmem>>, vector<16xi32>,
    tpu.vector_store %arg9[%swap3A_996, %swap3A_997], %get3A_994 {strides = array<i32>} : memref<10x128xi32, #tpu.memory_space<vmem>>, vector<16xi32>,
    %get3A_999 = arith.constant 784 : index
    %get3A_1000 = tpu.vector_load %arg8[%get3A_999] {strides = array<i32>} : memref<1280xi32, #tpu.memory_space<vmem>>, vector<16xi32>,
    %swap3A_1001 = arith.constant 6 : i32
    %swap3A_1002 = arith.index_cast %swap3A_1001 : i32 to index
    %swap3A_1003 = arith.constant 16 : index
    %swap3A_1004 = tpu.vector_load %arg9[%swap3A_1002, %swap3A_1003] {strides = array<i32>} : memref<10x128xi32, #tpu.memory_space<vmem>>, vector<16xi32>,
    tpu.vector_store %arg9[%swap3A_1002, %swap3A_1003], %get3A_1000 {strides = array<i32>} : memref<10x128xi32, #tpu.memory_space<vmem>>, vector<16xi32>,
    %get3A_1005 = arith.constant 800 : index
    %get3A_1006 = tpu.vector_load %arg8[%get3A_1005] {strides = array<i32>} : memref<1280xi32, #tpu.memory_space<vmem>>, vector<16xi32>,
    %swap3A_1007 = arith.constant 6 : i32
    %swap3A_1008 = arith.index_cast %swap3A_1007 : i32 to index
    %swap3A_1009 = arith.constant 32 : index
    %swap3A_1010 = tpu.vector_load %arg9[%swap3A_1008, %swap3A_1009] {strides = array<i32>} : memref<10x128xi32, #tpu.memory_space<vmem>>, vector<16xi32>,
    tpu.vector_store %arg9[%swap3A_1008, %swap3A_1009], %get3A_1006 {strides = array<i32>} : memref<10x128xi32, #tpu.memory_space<vmem>>, vector<16xi32>,
    %get3A_1011 = arith.constant 816 : index
    %get3A_1012 = tpu.vector_load %arg8[%get3A_1011] {strides = array<i32>} : memref<1280xi32, #tpu.memory_space<vmem>>, vector<16xi32>,
    %swap3A_1013 = arith.constant 6 : i32
    %swap3A_1014 = arith.index_cast %swap3A_1013 : i32 to index
    %swap3A_1015 = arith.constant 48 : index
    %swap3A_1016 = tpu.vector_load %arg9[%swap3A_1014, %swap3A_1015] {strides = array<i32>} : memref<10x128xi32, #tpu.memory_space<vmem>>, vector<16xi32>,
    tpu.vector_store %arg9[%swap3A_1014, %swap3A_1015], %get3A_1012 {strides = array<i32>} : memref<10x128xi32, #tpu.memory_space<vmem>>, vector<16xi32>,
    %get3A_1017 = arith.constant 832 : index
    %get3A_1018 = tpu.vector_load %arg8[%get3A_1017] {strides = array<i32>} : memref<1280xi32, #tpu.memory_space<vmem>>, vector<16xi32>,
    %swap3A_1019 = arith.constant 6 : i32
    %swap3A_1020 = arith.index_cast %swap3A_1019 : i32 to index
    %swap3A_1021 = arith.constant 64 : index
    %swap3A_1022 = tpu.vector_load %arg9[%swap3A_1020, %swap3A_1021] {strides = array<i32>} : memref<10x128xi32, #tpu.memory_space<vmem>>, vector<16xi32>,
    tpu.vector_store %arg9[%swap3A_1020, %swap3A_1021], %get3A_1018 {strides = array<i32>} : memref<10x128xi32, #tpu.memory_space<vmem>>, vector<16xi32>,
    %get3A_1023 = arith.constant 848 : index
    %get3A_1024 = tpu.vector_load %arg8[%get3A_1023] {strides = array<i32>} : memref<1280xi32, #tpu.memory_space<vmem>>, vector<16xi32>,
    %swap3A_1025 = arith.constant 6 : i32
    %swap3A_1026 = arith.index_cast %swap3A_1025 : i32 to index
    %swap3A_1027 = arith.constant 80 : index
    %swap3A_1028 = tpu.vector_load %arg9[%swap3A_1026, %swap3A_1027] {strides = array<i32>} : memref<10x128xi32, #tpu.memory_space<vmem>>, vector<16xi32>,
    tpu.vector_store %arg9[%swap3A_1026, %swap3A_1027], %get3A_1024 {strides = array<i32>} : memref<10x128xi32, #tpu.memory_space<vmem>>, vector<16xi32>,
    %get3A_1029 = arith.constant 864 : index
    %get3A_1030 = tpu.vector_load %arg8[%get3A_1029] {strides = array<i32>} : memref<1280xi32, #tpu.memory_space<vmem>>, vector<16xi32>,
    %swap3A_1031 = arith.constant 6 : i32
    %swap3A_1032 = arith.index_cast %swap3A_1031 : i32 to index
    %swap3A_1033 = arith.constant 96 : index
    %swap3A_1034 = tpu.vector_load %arg9[%swap3A_1032, %swap3A_1033] {strides = array<i32>} : memref<10x128xi32, #tpu.memory_space<vmem>>, vector<16xi32>,
    tpu.vector_store %arg9[%swap3A_1032, %swap3A_1033], %get3A_1030 {strides = array<i32>} : memref<10x128xi32, #tpu.memory_space<vmem>>, vector<16xi32>,
    %get3A_1035 = arith.constant 880 : index
    %get3A_1036 = tpu.vector_load %arg8[%get3A_1035] {strides = array<i32>} : memref<1280xi32, #tpu.memory_space<vmem>>, vector<16xi32>,
    %swap3A_1037 = arith.constant 6 : i32
    %swap3A_1038 = arith.index_cast %swap3A_1037 : i32 to index
    %swap3A_1039 = arith.constant 112 : index
    %swap3A_1040 = tpu.vector_load %arg9[%swap3A_1038, %swap3A_1039] {strides = array<i32>} : memref<10x128xi32, #tpu.memory_space<vmem>>, vector<16xi32>,
    tpu.vector_store %arg9[%swap3A_1038, %swap3A_1039], %get3A_1036 {strides = array<i32>} : memref<10x128xi32, #tpu.memory_space<vmem>>, vector<16xi32>,
    %get3A_1041 = arith.constant 896 : index
    %get3A_1042 = tpu.vector_load %arg8[%get3A_1041] {strides = array<i32>} : memref<1280xi32, #tpu.memory_space<vmem>>, vector<16xi32>,
    %swap3A_1043 = arith.constant 7 : i32
    %swap3A_1044 = arith.index_cast %swap3A_1043 : i32 to index
    %swap3A_1045 = arith.constant 0 : index
    %swap3A_1046 = tpu.vector_load %arg9[%swap3A_1044, %swap3A_1045] {strides = array<i32>} : memref<10x128xi32, #tpu.memory_space<vmem>>, vector<16xi32>,
    tpu.vector_store %arg9[%swap3A_1044, %swap3A_1045], %get3A_1042 {strides = array<i32>} : memref<10x128xi32, #tpu.memory_space<vmem>>, vector<16xi32>,
    %get3A_1047 = arith.constant 912 : index
    %get3A_1048 = tpu.vector_load %arg8[%get3A_1047] {strides = array<i32>} : memref<1280xi32, #tpu.memory_space<vmem>>, vector<16xi32>,
    %swap3A_1049 = arith.constant 7 : i32
    %swap3A_1050 = arith.index_cast %swap3A_1049 : i32 to index
    %swap3A_1051 = arith.constant 16 : index
    %swap3A_1052 = tpu.vector_load %arg9[%swap3A_1050, %swap3A_1051] {strides = array<i32>} : memref<10x128xi32, #tpu.memory_space<vmem>>, vector<16xi32>,
    tpu.vector_store %arg9[%swap3A_1050, %swap3A_1051], %get3A_1048 {strides = array<i32>} : memref<10x128xi32, #tpu.memory_space<vmem>>, vector<16xi32>,
    %get3A_1053 = arith.constant 928 : index
    %get3A_1054 = tpu.vector_load %arg8[%get3A_1053] {strides = array<i32>} : memref<1280xi32, #tpu.memory_space<vmem>>, vector<16xi32>,
    %swap3A_1055 = arith.constant 7 : i32
    %swap3A_1056 = arith.index_cast %swap3A_1055 : i32 to index
    %swap3A_1057 = arith.constant 32 : index
    %swap3A_1058 = tpu.vector_load %arg9[%swap3A_1056, %swap3A_1057] {strides = array<i32>} : memref<10x128xi32, #tpu.memory_space<vmem>>, vector<16xi32>,
    tpu.vector_store %arg9[%swap3A_1056, %swap3A_1057], %get3A_1054 {strides = array<i32>} : memref<10x128xi32, #tpu.memory_space<vmem>>, vector<16xi32>,
    %get3A_1059 = arith.constant 944 : index
    %get3A_1060 = tpu.vector_load %arg8[%get3A_1059] {strides = array<i32>} : memref<1280xi32, #tpu.memory_space<vmem>>, vector<16xi32>,
    %swap3A_1061 = arith.constant 7 : i32
    %swap3A_1062 = arith.index_cast %swap3A_1061 : i32 to index
    %swap3A_1063 = arith.constant 48 : index
    %swap3A_1064 = tpu.vector_load %arg9[%swap3A_1062, %swap3A_1063] {strides = array<i32>} : memref<10x128xi32, #tpu.memory_space<vmem>>, vector<16xi32>,
    tpu.vector_store %arg9[%swap3A_1062, %swap3A_1063], %get3A_1060 {strides = array<i32>} : memref<10x128xi32, #tpu.memory_space<vmem>>, vector<16xi32>,
    %get3A_1065 = arith.constant 960 : index
    %get3A_1066 = tpu.vector_load %arg8[%get3A_1065] {strides = array<i32>} : memref<1280xi32, #tpu.memory_space<vmem>>, vector<16xi32>,
    %swap3A_1067 = arith.constant 7 : i32
    %swap3A_1068 = arith.index_cast %swap3A_1067 : i32 to index
    %swap3A_1069 = arith.constant 64 : index
    %swap3A_1070 = tpu.vector_load %arg9[%swap3A_1068, %swap3A_1069] {strides = array<i32>} : memref<10x128xi32, #tpu.memory_space<vmem>>, vector<16xi32>,
    tpu.vector_store %arg9[%swap3A_1068, %swap3A_1069], %get3A_1066 {strides = array<i32>} : memref<10x128xi32, #tpu.memory_space<vmem>>, vector<16xi32>,
    %get3A_1071 = arith.constant 976 : index
    %get3A_1072 = tpu.vector_load %arg8[%get3A_1071] {strides = array<i32>} : memref<1280xi32, #tpu.memory_space<vmem>>, vector<16xi32>,
    %swap3A_1073 = arith.constant 7 : i32
    %swap3A_1074 = arith.index_cast %swap3A_1073 : i32 to index
    %swap3A_1075 = arith.constant 80 : index
    %swap3A_1076 = tpu.vector_load %arg9[%swap3A_1074, %swap3A_1075] {strides = array<i32>} : memref<10x128xi32, #tpu.memory_space<vmem>>, vector<16xi32>,
    tpu.vector_store %arg9[%swap3A_1074, %swap3A_1075], %get3A_1072 {strides = array<i32>} : memref<10x128xi32, #tpu.memory_space<vmem>>, vector<16xi32>,
    %get3A_1077 = arith.constant 992 : index
    %get3A_1078 = tpu.vector_load %arg8[%get3A_1077] {strides = array<i32>} : memref<1280xi32, #tpu.memory_space<vmem>>, vector<16xi32>,
    %swap3A_1079 = arith.constant 7 : i32
    %swap3A_1080 = arith.index_cast %swap3A_1079 : i32 to index
    %swap3A_1081 = arith.constant 96 : index
    %swap3A_1082 = tpu.vector_load %arg9[%swap3A_1080, %swap3A_1081] {strides = array<i32>} : memref<10x128xi32, #tpu.memory_space<vmem>>, vector<16xi32>,
    tpu.vector_store %arg9[%swap3A_1080, %swap3A_1081], %get3A_1078 {strides = array<i32>} : memref<10x128xi32, #tpu.memory_space<vmem>>, vector<16xi32>,
    %get3A_1083 = arith.constant 1008 : index
    %get3A_1084 = tpu.vector_load %arg8[%get3A_1083] {strides = array<i32>} : memref<1280xi32, #tpu.memory_space<vmem>>, vector<16xi32>,
    %swap3A_1085 = arith.constant 7 : i32
    %swap3A_1086 = arith.index_cast %swap3A_1085 : i32 to index
    %swap3A_1087 = arith.constant 112 : index
    %swap3A_1088 = tpu.vector_load %arg9[%swap3A_1086, %swap3A_1087] {strides = array<i32>} : memref<10x128xi32, #tpu.memory_space<vmem>>, vector<16xi32>,
    tpu.vector_store %arg9[%swap3A_1086, %swap3A_1087], %get3A_1084 {strides = array<i32>} : memref<10x128xi32, #tpu.memory_space<vmem>>, vector<16xi32>,
    %get3A_1089 = arith.constant 1024 : index
    %get3A_1090 = tpu.vector_load %arg8[%get3A_1089] {strides = array<i32>} : memref<1280xi32, #tpu.memory_space<vmem>>, vector<16xi32>,
    %swap3A_1091 = arith.constant 8 : i32
    %swap3A_1092 = arith.index_cast %swap3A_1091 : i32 to index
    %swap3A_1093 = arith.constant 0 : index
    %swap3A_1094 = tpu.vector_load %arg9[%swap3A_1092, %swap3A_1093] {strides = array<i32>} : memref<10x128xi32, #tpu.memory_space<vmem>>, vector<16xi32>,
    tpu.vector_store %arg9[%swap3A_1092, %swap3A_1093], %get3A_1090 {strides = array<i32>} : memref<10x128xi32, #tpu.memory_space<vmem>>, vector<16xi32>,
    %get3A_1095 = arith.constant 1040 : index
    %get3A_1096 = tpu.vector_load %arg8[%get3A_1095] {strides = array<i32>} : memref<1280xi32, #tpu.memory_space<vmem>>, vector<16xi32>,
    %swap3A_1097 = arith.constant 8 : i32
    %swap3A_1098 = arith.index_cast %swap3A_1097 : i32 to index
    %swap3A_1099 = arith.constant 16 : index
    %swap3A_1100 = tpu.vector_load %arg9[%swap3A_1098, %swap3A_1099] {strides = array<i32>} : memref<10x128xi32, #tpu.memory_space<vmem>>, vector<16xi32>,
    tpu.vector_store %arg9[%swap3A_1098, %swap3A_1099], %get3A_1096 {strides = array<i32>} : memref<10x128xi32, #tpu.memory_space<vmem>>, vector<16xi32>,
    %get3A_1101 = arith.constant 1056 : index
    %get3A_1102 = tpu.vector_load %arg8[%get3A_1101] {strides = array<i32>} : memref<1280xi32, #tpu.memory_space<vmem>>, vector<16xi32>,
    %swap3A_1103 = arith.constant 8 : i32
    %swap3A_1104 = arith.index_cast %swap3A_1103 : i32 to index
    %swap3A_1105 = arith.constant 32 : index
    %swap3A_1106 = tpu.vector_load %arg9[%swap3A_1104, %swap3A_1105] {strides = array<i32>} : memref<10x128xi32, #tpu.memory_space<vmem>>, vector<16xi32>,
    tpu.vector_store %arg9[%swap3A_1104, %swap3A_1105], %get3A_1102 {strides = array<i32>} : memref<10x128xi32, #tpu.memory_space<vmem>>, vector<16xi32>,
    %get3A_1107 = arith.constant 1072 : index
    %get3A_1108 = tpu.vector_load %arg8[%get3A_1107] {strides = array<i32>} : memref<1280xi32, #tpu.memory_space<vmem>>, vector<16xi32>,
    %swap3A_1109 = arith.constant 8 : i32
    %swap3A_1110 = arith.index_cast %swap3A_1109 : i32 to index
    %swap3A_1111 = arith.constant 48 : index
    %swap3A_1112 = tpu.vector_load %arg9[%swap3A_1110, %swap3A_1111] {strides = array<i32>} : memref<10x128xi32, #tpu.memory_space<vmem>>, vector<16xi32>,
    tpu.vector_store %arg9[%swap3A_1110, %swap3A_1111], %get3A_1108 {strides = array<i32>} : memref<10x128xi32, #tpu.memory_space<vmem>>, vector<16xi32>,
    %get3A_1113 = arith.constant 1088 : index
    %get3A_1114 = tpu.vector_load %arg8[%get3A_1113] {strides = array<i32>} : memref<1280xi32, #tpu.memory_space<vmem>>, vector<16xi32>,
    %swap3A_1115 = arith.constant 8 : i32
    %swap3A_1116 = arith.index_cast %swap3A_1115 : i32 to index
    %swap3A_1117 = arith.constant 64 : index
    %swap3A_1118 = tpu.vector_load %arg9[%swap3A_1116, %swap3A_1117] {strides = array<i32>} : memref<10x128xi32, #tpu.memory_space<vmem>>, vector<16xi32>,
    tpu.vector_store %arg9[%swap3A_1116, %swap3A_1117], %get3A_1114 {strides = array<i32>} : memref<10x128xi32, #tpu.memory_space<vmem>>, vector<16xi32>,
    %get3A_1119 = arith.constant 1104 : index
    %get3A_1120 = tpu.vector_load %arg8[%get3A_1119] {strides = array<i32>} : memref<1280xi32, #tpu.memory_space<vmem>>, vector<16xi32>,
    %swap3A_1121 = arith.constant 8 : i32
    %swap3A_1122 = arith.index_cast %swap3A_1121 : i32 to index
    %swap3A_1123 = arith.constant 80 : index
    %swap3A_1124 = tpu.vector_load %arg9[%swap3A_1122, %swap3A_1123] {strides = array<i32>} : memref<10x128xi32, #tpu.memory_space<vmem>>, vector<16xi32>,
    tpu.vector_store %arg9[%swap3A_1122, %swap3A_1123], %get3A_1120 {strides = array<i32>} : memref<10x128xi32, #tpu.memory_space<vmem>>, vector<16xi32>,
    %get3A_1125 = arith.constant 1120 : index
    %get3A_1126 = tpu.vector_load %arg8[%get3A_1125] {strides = array<i32>} : memref<1280xi32, #tpu.memory_space<vmem>>, vector<16xi32>,
    %swap3A_1127 = arith.constant 8 : i32
    %swap3A_1128 = arith.index_cast %swap3A_1127 : i32 to index
    %swap3A_1129 = arith.constant 96 : index
    %swap3A_1130 = tpu.vector_load %arg9[%swap3A_1128, %swap3A_1129] {strides = array<i32>} : memref<10x128xi32, #tpu.memory_space<vmem>>, vector<16xi32>,
    tpu.vector_store %arg9[%swap3A_1128, %swap3A_1129], %get3A_1126 {strides = array<i32>} : memref<10x128xi32, #tpu.memory_space<vmem>>, vector<16xi32>,
    %get3A_1131 = arith.constant 1136 : index
    %get3A_1132 = tpu.vector_load %arg8[%get3A_1131] {strides = array<i32>} : memref<1280xi32, #tpu.memory_space<vmem>>, vector<16xi32>,
    %swap3A_1133 = arith.constant 8 : i32
    %swap3A_1134 = arith.index_cast %swap3A_1133 : i32 to index
    %swap3A_1135 = arith.constant 112 : index
    %swap3A_1136 = tpu.vector_load %arg9[%swap3A_1134, %swap3A_1135] {strides = array<i32>} : memref<10x128xi32, #tpu.memory_space<vmem>>, vector<16xi32>,
    tpu.vector_store %arg9[%swap3A_1134, %swap3A_1135], %get3A_1132 {strides = array<i32>} : memref<10x128xi32, #tpu.memory_space<vmem>>, vector<16xi32>,
    %get3A_1137 = arith.constant 1152 : index
    %get3A_1138 = tpu.vector_load %arg8[%get3A_1137] {strides = array<i32>} : memref<1280xi32, #tpu.memory_space<vmem>>, vector<16xi32>,
    %swap3A_1139 = arith.constant 9 : i32
    %swap3A_1140 = arith.index_cast %swap3A_1139 : i32 to index
    %swap3A_1141 = arith.constant 0 : index
    %swap3A_1142 = tpu.vector_load %arg9[%swap3A_1140, %swap3A_1141] {strides = array<i32>} : memref<10x128xi32, #tpu.memory_space<vmem>>, vector<16xi32>,
    tpu.vector_store %arg9[%swap3A_1140, %swap3A_1141], %get3A_1138 {strides = array<i32>} : memref<10x128xi32, #tpu.memory_space<vmem>>, vector<16xi32>,
    %get3A_1143 = arith.constant 1168 : index
    %get3A_1144 = tpu.vector_load %arg8[%get3A_1143] {strides = array<i32>} : memref<1280xi32, #tpu.memory_space<vmem>>, vector<16xi32>,
    %swap3A_1145 = arith.constant 9 : i32
    %swap3A_1146 = arith.index_cast %swap3A_1145 : i32 to index
    %swap3A_1147 = arith.constant 16 : index
    %swap3A_1148 = tpu.vector_load %arg9[%swap3A_1146, %swap3A_1147] {strides = array<i32>} : memref<10x128xi32, #tpu.memory_space<vmem>>, vector<16xi32>,
    tpu.vector_store %arg9[%swap3A_1146, %swap3A_1147], %get3A_1144 {strides = array<i32>} : memref<10x128xi32, #tpu.memory_space<vmem>>, vector<16xi32>,
    %get3A_1149 = arith.constant 1184 : index
    %get3A_1150 = tpu.vector_load %arg8[%get3A_1149] {strides = array<i32>} : memref<1280xi32, #tpu.memory_space<vmem>>, vector<16xi32>,
    %swap3A_1151 = arith.constant 9 : i32
    %swap3A_1152 = arith.index_cast %swap3A_1151 : i32 to index
    %swap3A_1153 = arith.constant 32 : index
    %swap3A_1154 = tpu.vector_load %arg9[%swap3A_1152, %swap3A_1153] {strides = array<i32>} : memref<10x128xi32, #tpu.memory_space<vmem>>, vector<16xi32>,
    tpu.vector_store %arg9[%swap3A_1152, %swap3A_1153], %get3A_1150 {strides = array<i32>} : memref<10x128xi32, #tpu.memory_space<vmem>>, vector<16xi32>,
    %get3A_1155 = arith.constant 1200 : index
    %get3A_1156 = tpu.vector_load %arg8[%get3A_1155] {strides = array<i32>} : memref<1280xi32, #tpu.memory_space<vmem>>, vector<16xi32>,
    %swap3A_1157 = arith.constant 9 : i32
    %swap3A_1158 = arith.index_cast %swap3A_1157 : i32 to index
    %swap3A_1159 = arith.constant 48 : index
    %swap3A_1160 = tpu.vector_load %arg9[%swap3A_1158, %swap3A_1159] {strides = array<i32>} : memref<10x128xi32, #tpu.memory_space<vmem>>, vector<16xi32>,
    tpu.vector_store %arg9[%swap3A_1158, %swap3A_1159], %get3A_1156 {strides = array<i32>} : memref<10x128xi32, #tpu.memory_space<vmem>>, vector<16xi32>,
    %get3A_1161 = arith.constant 1216 : index
    %get3A_1162 = tpu.vector_load %arg8[%get3A_1161] {strides = array<i32>} : memref<1280xi32, #tpu.memory_space<vmem>>, vector<16xi32>,
    %swap3A_1163 = arith.constant 9 : i32
    %swap3A_1164 = arith.index_cast %swap3A_1163 : i32 to index
    %swap3A_1165 = arith.constant 64 : index
    %swap3A_1166 = tpu.vector_load %arg9[%swap3A_1164, %swap3A_1165] {strides = array<i32>} : memref<10x128xi32, #tpu.memory_space<vmem>>, vector<16xi32>,
    tpu.vector_store %arg9[%swap3A_1164, %swap3A_1165], %get3A_1162 {strides = array<i32>} : memref<10x128xi32, #tpu.memory_space<vmem>>, vector<16xi32>,
    %get3A_1167 = arith.constant 1232 : index
    %get3A_1168 = tpu.vector_load %arg8[%get3A_1167] {strides = array<i32>} : memref<1280xi32, #tpu.memory_space<vmem>>, vector<16xi32>,
    %swap3A_1169 = arith.constant 9 : i32
    %swap3A_1170 = arith.index_cast %swap3A_1169 : i32 to index
    %swap3A_1171 = arith.constant 80 : index
    %swap3A_1172 = tpu.vector_load %arg9[%swap3A_1170, %swap3A_1171] {strides = array<i32>} : memref<10x128xi32, #tpu.memory_space<vmem>>, vector<16xi32>,
    tpu.vector_store %arg9[%swap3A_1170, %swap3A_1171], %get3A_1168 {strides = array<i32>} : memref<10x128xi32, #tpu.memory_space<vmem>>, vector<16xi32>,
    %get3A_1173 = arith.constant 1248 : index
    %get3A_1174 = tpu.vector_load %arg8[%get3A_1173] {strides = array<i32>} : memref<1280xi32, #tpu.memory_space<vmem>>, vector<16xi32>,
    %swap3A_1175 = arith.constant 9 : i32
    %swap3A_1176 = arith.index_cast %swap3A_1175 : i32 to index
    %swap3A_1177 = arith.constant 96 : index
    %swap3A_1178 = tpu.vector_load %arg9[%swap3A_1176, %swap3A_1177] {strides = array<i32>} : memref<10x128xi32, #tpu.memory_space<vmem>>, vector<16xi32>,
    tpu.vector_store %arg9[%swap3A_1176, %swap3A_1177], %get3A_1174 {strides = array<i32>} : memref<10x128xi32, #tpu.memory_space<vmem>>, vector<16xi32>,
    %get3A_1179 = arith.constant 1264 : index
    %get3A_1180 = tpu.vector_load %arg8[%get3A_1179] {strides = array<i32>} : memref<1280xi32, #tpu.memory_space<vmem>>, vector<16xi32>,
    %swap3A_1181 = arith.constant 9 : i32
    %swap3A_1182 = arith.index_cast %swap3A_1181 : i32 to index
    %swap3A_1183 = arith.constant 112 : index
    %swap3A_1184 = tpu.vector_load %arg9[%swap3A_1182, %swap3A_1183] {strides = array<i32>} : memref<10x128xi32, #tpu.memory_space<vmem>>, vector<16xi32>,
    tpu.vector_store %arg9[%swap3A_1182, %swap3A_1183], %get3A_1180 {strides = array<i32>} : memref<10x128xi32, #tpu.memory_space<vmem>>, vector<16xi32>,
    %dma_start3A_1185 = arith.constant 0 : i32
    %dma_start3A_1186 = arith.constant 0 : i32
    %dma_start3A_1187 = tpu.memref_slice %arg7[%dma_start3A_1186] : memref<1280xi32, #tpu.memory_space<vmem>> -> memref<128xi32, #tpu.memory_space<vmem>>
    %dma_start3A_1188 = arith.constant 0 : i32
    %dma_start3A_1189 = tpu.memref_slice %arg9[%dma_start3A_1185, %dma_start3A_1188] : memref<10x128xi32, #tpu.memory_space<vmem>> -> memref<1x128xi32, #tpu.memory_space<vmem>>
    %dma_start3A_1190 = tpu.memref_squeeze %dma_start3A_1189 : memref<1x128xi32, #tpu.memory_space<vmem>> -> memref<128xi32, #tpu.memory_space<vmem>>
    %dma_start3A_1191 = arith.constant 0 : i32
    %dma_start3A_1192 = tpu.memref_slice %arg16[%dma_start3A_1191] : memref<20480xi32, #tpu.memory_space<vmem_shared>> -> memref<20480xi32, #tpu.memory_space<vmem_shared>>
    tpu.enqueue_indirect_dma source(%dma_start3A_1187 : memref<128xi32, #tpu.memory_space<vmem>>) target(%dma_start3A_1192 : memref<20480xi32, #tpu.memory_space<vmem_shared>>) offsets(%dma_start3A_1190 : memref<128xi32, #tpu.memory_space<vmem>>) semaphore(%arg19 : memref<!tpu.dma_semaphore, #tpu.memory_space<semaphore_mem>>)
    %dma_start3A_1193 = arith.constant 1 : i32
    %dma_start3A_1194 = arith.constant 128 : i32
    %dma_start3A_1195 = tpu.memref_slice %arg7[%dma_start3A_1194] : memref<1280xi32, #tpu.memory_space<vmem>> -> memref<128xi32, #tpu.memory_space<vmem>>
    %dma_start3A_1196 = arith.constant 0 : i32
    %dma_start3A_1197 = tpu.memref_slice %arg9[%dma_start3A_1193, %dma_start3A_1196] : memref<10x128xi32, #tpu.memory_space<vmem>> -> memref<1x128xi32, #tpu.memory_space<vmem>>
    %dma_start3A_1198 = tpu.memref_squeeze %dma_start3A_1197 : memref<1x128xi32, #tpu.memory_space<vmem>> -> memref<128xi32, #tpu.memory_space<vmem>>
    %dma_start3A_1199 = arith.constant 0 : i32
    %dma_start3A_1200 = tpu.memref_slice %arg16[%dma_start3A_1199] : memref<20480xi32, #tpu.memory_space<vmem_shared>> -> memref<20480xi32, #tpu.memory_space<vmem_shared>>
    tpu.enqueue_indirect_dma source(%dma_start3A_1195 : memref<128xi32, #tpu.memory_space<vmem>>) target(%dma_start3A_1200 : memref<20480xi32, #tpu.memory_space<vmem_shared>>) offsets(%dma_start3A_1198 : memref<128xi32, #tpu.memory_space<vmem>>) semaphore(%arg19 : memref<!tpu.dma_semaphore, #tpu.memory_space<semaphore_mem>>)
    %dma_start3A_1201 = arith.constant 2 : i32
    %dma_start3A_1202 = arith.constant 256 : i32
    %dma_start3A_1203 = tpu.memref_slice %arg7[%dma_start3A_1202] : memref<1280xi32, #tpu.memory_space<vmem>> -> memref<128xi32, #tpu.memory_space<vmem>>
    %dma_start3A_1204 = arith.constant 0 : i32
    %dma_start3A_1205 = tpu.memref_slice %arg9[%dma_start3A_1201, %dma_start3A_1204] : memref<10x128xi32, #tpu.memory_space<vmem>> -> memref<1x128xi32, #tpu.memory_space<vmem>>
    %dma_start3A_1206 = tpu.memref_squeeze %dma_start3A_1205 : memref<1x128xi32, #tpu.memory_space<vmem>> -> memref<128xi32, #tpu.memory_space<vmem>>
    %dma_start3A_1207 = arith.constant 0 : i32
    %dma_start3A_1208 = tpu.memref_slice %arg16[%dma_start3A_1207] : memref<20480xi32, #tpu.memory_space<vmem_shared>> -> memref<20480xi32, #tpu.memory_space<vmem_shared>>
    tpu.enqueue_indirect_dma source(%dma_start3A_1203 : memref<128xi32, #tpu.memory_space<vmem>>) target(%dma_start3A_1208 : memref<20480xi32, #tpu.memory_space<vmem_shared>>) offsets(%dma_start3A_1206 : memref<128xi32, #tpu.memory_space<vmem>>) semaphore(%arg19 : memref<!tpu.dma_semaphore, #tpu.memory_space<semaphore_mem>>)
    %dma_start3A_1209 = arith.constant 3 : i32
    %dma_start3A_1210 = arith.constant 384 : i32
    %dma_start3A_1211 = tpu.memref_slice %arg7[%dma_start3A_1210] : memref<1280xi32, #tpu.memory_space<vmem>> -> memref<128xi32, #tpu.memory_space<vmem>>
    %dma_start3A_1212 = arith.constant 0 : i32
    %dma_start3A_1213 = tpu.memref_slice %arg9[%dma_start3A_1209, %dma_start3A_1212] : memref<10x128xi32, #tpu.memory_space<vmem>> -> memref<1x128xi32, #tpu.memory_space<vmem>>
    %dma_start3A_1214 = tpu.memref_squeeze %dma_start3A_1213 : memref<1x128xi32, #tpu.memory_space<vmem>> -> memref<128xi32, #tpu.memory_space<vmem>>
    %dma_start3A_1215 = arith.constant 0 : i32
    %dma_start3A_1216 = tpu.memref_slice %arg16[%dma_start3A_1215] : memref<20480xi32, #tpu.memory_space<vmem_shared>> -> memref<20480xi32, #tpu.memory_space<vmem_shared>>
    tpu.enqueue_indirect_dma source(%dma_start3A_1211 : memref<128xi32, #tpu.memory_space<vmem>>) target(%dma_start3A_1216 : memref<20480xi32, #tpu.memory_space<vmem_shared>>) offsets(%dma_start3A_1214 : memref<128xi32, #tpu.memory_space<vmem>>) semaphore(%arg19 : memref<!tpu.dma_semaphore, #tpu.memory_space<semaphore_mem>>)
    %dma_start3A_1217 = arith.constant 4 : i32
    %dma_start3A_1218 = arith.constant 512 : i32
    %dma_start3A_1219 = tpu.memref_slice %arg7[%dma_start3A_1218] : memref<1280xi32, #tpu.memory_space<vmem>> -> memref<128xi32, #tpu.memory_space<vmem>>
    %dma_start3A_1220 = arith.constant 0 : i32
    %dma_start3A_1221 = tpu.memref_slice %arg9[%dma_start3A_1217, %dma_start3A_1220] : memref<10x128xi32, #tpu.memory_space<vmem>> -> memref<1x128xi32, #tpu.memory_space<vmem>>
    %dma_start3A_1222 = tpu.memref_squeeze %dma_start3A_1221 : memref<1x128xi32, #tpu.memory_space<vmem>> -> memref<128xi32, #tpu.memory_space<vmem>>
    %dma_start3A_1223 = arith.constant 0 : i32
    %dma_start3A_1224 = tpu.memref_slice %arg16[%dma_start3A_1223] : memref<20480xi32, #tpu.memory_space<vmem_shared>> -> memref<20480xi32, #tpu.memory_space<vmem_shared>>
    tpu.enqueue_indirect_dma source(%dma_start3A_1219 : memref<128xi32, #tpu.memory_space<vmem>>) target(%dma_start3A_1224 : memref<20480xi32, #tpu.memory_space<vmem_shared>>) offsets(%dma_start3A_1222 : memref<128xi32, #tpu.memory_space<vmem>>) semaphore(%arg19 : memref<!tpu.dma_semaphore, #tpu.memory_space<semaphore_mem>>)
    %dma_start3A_1225 = arith.constant 5 : i32
    %dma_start3A_1226 = arith.constant 640 : i32
    %dma_start3A_1227 = tpu.memref_slice %arg7[%dma_start3A_1226] : memref<1280xi32, #tpu.memory_space<vmem>> -> memref<128xi32, #tpu.memory_space<vmem>>
    %dma_start3A_1228 = arith.constant 0 : i32
    %dma_start3A_1229 = tpu.memref_slice %arg9[%dma_start3A_1225, %dma_start3A_1228] : memref<10x128xi32, #tpu.memory_space<vmem>> -> memref<1x128xi32, #tpu.memory_space<vmem>>
    %dma_start3A_1230 = tpu.memref_squeeze %dma_start3A_1229 : memref<1x128xi32, #tpu.memory_space<vmem>> -> memref<128xi32, #tpu.memory_space<vmem>>
    %dma_start3A_1231 = arith.constant 0 : i32
    %dma_start3A_1232 = tpu.memref_slice %arg16[%dma_start3A_1231] : memref<20480xi32, #tpu.memory_space<vmem_shared>> -> memref<20480xi32, #tpu.memory_space<vmem_shared>>
    tpu.enqueue_indirect_dma source(%dma_start3A_1227 : memref<128xi32, #tpu.memory_space<vmem>>) target(%dma_start3A_1232 : memref<20480xi32, #tpu.memory_space<vmem_shared>>) offsets(%dma_start3A_1230 : memref<128xi32, #tpu.memory_space<vmem>>) semaphore(%arg19 : memref<!tpu.dma_semaphore, #tpu.memory_space<semaphore_mem>>)
    %dma_start3A_1233 = arith.constant 6 : i32
    %dma_start3A_1234 = arith.constant 768 : i32
    %dma_start3A_1235 = tpu.memref_slice %arg7[%dma_start3A_1234] : memref<1280xi32, #tpu.memory_space<vmem>> -> memref<128xi32, #tpu.memory_space<vmem>>
    %dma_start3A_1236 = arith.constant 0 : i32
    %dma_start3A_1237 = tpu.memref_slice %arg9[%dma_start3A_1233, %dma_start3A_1236] : memref<10x128xi32, #tpu.memory_space<vmem>> -> memref<1x128xi32, #tpu.memory_space<vmem>>
    %dma_start3A_1238 = tpu.memref_squeeze %dma_start3A_1237 : memref<1x128xi32, #tpu.memory_space<vmem>> -> memref<128xi32, #tpu.memory_space<vmem>>
    %dma_start3A_1239 = arith.constant 0 : i32
    %dma_start3A_1240 = tpu.memref_slice %arg16[%dma_start3A_1239] : memref<20480xi32, #tpu.memory_space<vmem_shared>> -> memref<20480xi32, #tpu.memory_space<vmem_shared>>
    tpu.enqueue_indirect_dma source(%dma_start3A_1235 : memref<128xi32, #tpu.memory_space<vmem>>) target(%dma_start3A_1240 : memref<20480xi32, #tpu.memory_space<vmem_shared>>) offsets(%dma_start3A_1238 : memref<128xi32, #tpu.memory_space<vmem>>) semaphore(%arg19 : memref<!tpu.dma_semaphore, #tpu.memory_space<semaphore_mem>>)
    %dma_start3A_1241 = arith.constant 7 : i32
    %dma_start3A_1242 = arith.constant 896 : i32
    %dma_start3A_1243 = tpu.memref_slice %arg7[%dma_start3A_1242] : memref<1280xi32, #tpu.memory_space<vmem>> -> memref<128xi32, #tpu.memory_space<vmem>>
    %dma_start3A_1244 = arith.constant 0 : i32
    %dma_start3A_1245 = tpu.memref_slice %arg9[%dma_start3A_1241, %dma_start3A_1244] : memref<10x128xi32, #tpu.memory_space<vmem>> -> memref<1x128xi32, #tpu.memory_space<vmem>>
    %dma_start3A_1246 = tpu.memref_squeeze %dma_start3A_1245 : memref<1x128xi32, #tpu.memory_space<vmem>> -> memref<128xi32, #tpu.memory_space<vmem>>
    %dma_start3A_1247 = arith.constant 0 : i32
    %dma_start3A_1248 = tpu.memref_slice %arg16[%dma_start3A_1247] : memref<20480xi32, #tpu.memory_space<vmem_shared>> -> memref<20480xi32, #tpu.memory_space<vmem_shared>>
    tpu.enqueue_indirect_dma source(%dma_start3A_1243 : memref<128xi32, #tpu.memory_space<vmem>>) target(%dma_start3A_1248 : memref<20480xi32, #tpu.memory_space<vmem_shared>>) offsets(%dma_start3A_1246 : memref<128xi32, #tpu.memory_space<vmem>>) semaphore(%arg19 : memref<!tpu.dma_semaphore, #tpu.memory_space<semaphore_mem>>)
    %dma_start3A_1249 = arith.constant 8 : i32
    %dma_start3A_1250 = arith.constant 1024 : i32
    %dma_start3A_1251 = tpu.memref_slice %arg7[%dma_start3A_1250] : memref<1280xi32, #tpu.memory_space<vmem>> -> memref<128xi32, #tpu.memory_space<vmem>>
    %dma_start3A_1252 = arith.constant 0 : i32
    %dma_start3A_1253 = tpu.memref_slice %arg9[%dma_start3A_1249, %dma_start3A_1252] : memref<10x128xi32, #tpu.memory_space<vmem>> -> memref<1x128xi32, #tpu.memory_space<vmem>>
    %dma_start3A_1254 = tpu.memref_squeeze %dma_start3A_1253 : memref<1x128xi32, #tpu.memory_space<vmem>> -> memref<128xi32, #tpu.memory_space<vmem>>
    %dma_start3A_1255 = arith.constant 0 : i32
    %dma_start3A_1256 = tpu.memref_slice %arg16[%dma_start3A_1255] : memref<20480xi32, #tpu.memory_space<vmem_shared>> -> memref<20480xi32, #tpu.memory_space<vmem_shared>>
    tpu.enqueue_indirect_dma source(%dma_start3A_1251 : memref<128xi32, #tpu.memory_space<vmem>>) target(%dma_start3A_1256 : memref<20480xi32, #tpu.memory_space<vmem_shared>>) offsets(%dma_start3A_1254 : memref<128xi32, #tpu.memory_space<vmem>>) semaphore(%arg19 : memref<!tpu.dma_semaphore, #tpu.memory_space<semaphore_mem>>)
    %dma_start3A_1257 = arith.constant 9 : i32
    %dma_start3A_1258 = arith.constant 1152 : i32
    %dma_start3A_1259 = tpu.memref_slice %arg7[%dma_start3A_1258] : memref<1280xi32, #tpu.memory_space<vmem>> -> memref<128xi32, #tpu.memory_space<vmem>>
    %dma_start3A_1260 = arith.constant 0 : i32
    %dma_start3A_1261 = tpu.memref_slice %arg9[%dma_start3A_1257, %dma_start3A_1260] : memref<10x128xi32, #tpu.memory_space<vmem>> -> memref<1x128xi32, #tpu.memory_space<vmem>>
    %dma_start3A_1262 = tpu.memref_squeeze %dma_start3A_1261 : memref<1x128xi32, #tpu.memory_space<vmem>> -> memref<128xi32, #tpu.memory_space<vmem>>
    %dma_start3A_1263 = arith.constant 0 : i32
    %dma_start3A_1264 = tpu.memref_slice %arg16[%dma_start3A_1263] : memref<20480xi32, #tpu.memory_space<vmem_shared>> -> memref<20480xi32, #tpu.memory_space<vmem_shared>>
    tpu.enqueue_indirect_dma source(%dma_start3A_1259 : memref<128xi32, #tpu.memory_space<vmem>>) target(%dma_start3A_1264 : memref<20480xi32, #tpu.memory_space<vmem_shared>>) offsets(%dma_start3A_1262 : memref<128xi32, #tpu.memory_space<vmem>>) semaphore(%arg19 : memref<!tpu.dma_semaphore, #tpu.memory_space<semaphore_mem>>)
    %dma_wait3A_1265 = arith.constant 0 : i32
    %dma_wait3A_1266 = arith.constant 0 : i32
    %dma_wait3A_1267 = tpu.memref_slice %arg7[%dma_wait3A_1266] : memref<1280xi32, #tpu.memory_space<vmem>> -> memref<128xi32, #tpu.memory_space<vmem>>
    %dma_wait3A_1268 = arith.constant 0 : i32
    %dma_wait3A_1269 = tpu.memref_slice %arg9[%dma_wait3A_1265, %dma_wait3A_1268] : memref<10x128xi32, #tpu.memory_space<vmem>> -> memref<1x128xi32, #tpu.memory_space<vmem>>
    %dma_wait3A_1270 = tpu.memref_squeeze %dma_wait3A_1269 : memref<1x128xi32, #tpu.memory_space<vmem>> -> memref<128xi32, #tpu.memory_space<vmem>>
    %dma_wait3A_1271 = arith.constant 0 : i32
    %dma_wait3A_1272 = tpu.memref_slice %arg16[%dma_wait3A_1271] : memref<20480xi32, #tpu.memory_space<vmem_shared>> -> memref<20480xi32, #tpu.memory_space<vmem_shared>>
    tpu.wait_indirect_dma semaphore(%arg19 : memref<!tpu.dma_semaphore, #tpu.memory_space<semaphore_mem>>) src(%dma_wait3A_1267 : memref<128xi32, #tpu.memory_space<vmem>>) dst(%dma_wait3A_1272 : memref<20480xi32, #tpu.memory_space<vmem_shared>>)
    %dma_wait3A_1273 = arith.constant 1 : i32
    %dma_wait3A_1274 = arith.constant 128 : i32
    %dma_wait3A_1275 = tpu.memref_slice %arg7[%dma_wait3A_1274] : memref<1280xi32, #tpu.memory_space<vmem>> -> memref<128xi32, #tpu.memory_space<vmem>>
    %dma_wait3A_1276 = arith.constant 0 : i32
    %dma_wait3A_1277 = tpu.memref_slice %arg9[%dma_wait3A_1273, %dma_wait3A_1276] : memref<10x128xi32, #tpu.memory_space<vmem>> -> memref<1x128xi32, #tpu.memory_space<vmem>>
    %dma_wait3A_1278 = tpu.memref_squeeze %dma_wait3A_1277 : memref<1x128xi32, #tpu.memory_space<vmem>> -> memref<128xi32, #tpu.memory_space<vmem>>
    %dma_wait3A_1279 = arith.constant 0 : i32
    %dma_wait3A_1280 = tpu.memref_slice %arg16[%dma_wait3A_1279] : memref<20480xi32, #tpu.memory_space<vmem_shared>> -> memref<20480xi32, #tpu.memory_space<vmem_shared>>
    tpu.wait_indirect_dma semaphore(%arg19 : memref<!tpu.dma_semaphore, #tpu.memory_space<semaphore_mem>>) src(%dma_wait3A_1275 : memref<128xi32, #tpu.memory_space<vmem>>) dst(%dma_wait3A_1280 : memref<20480xi32, #tpu.memory_space<vmem_shared>>)
    %dma_wait3A_1281 = arith.constant 2 : i32
    %dma_wait3A_1282 = arith.constant 256 : i32
    %dma_wait3A_1283 = tpu.memref_slice %arg7[%dma_wait3A_1282] : memref<1280xi32, #tpu.memory_space<vmem>> -> memref<128xi32, #tpu.memory_space<vmem>>
    %dma_wait3A_1284 = arith.constant 0 : i32
    %dma_wait3A_1285 = tpu.memref_slice %arg9[%dma_wait3A_1281, %dma_wait3A_1284] : memref<10x128xi32, #tpu.memory_space<vmem>> -> memref<1x128xi32, #tpu.memory_space<vmem>>
    %dma_wait3A_1286 = tpu.memref_squeeze %dma_wait3A_1285 : memref<1x128xi32, #tpu.memory_space<vmem>> -> memref<128xi32, #tpu.memory_space<vmem>>
    %dma_wait3A_1287 = arith.constant 0 : i32
    %dma_wait3A_1288 = tpu.memref_slice %arg16[%dma_wait3A_1287] : memref<20480xi32, #tpu.memory_space<vmem_shared>> -> memref<20480xi32, #tpu.memory_space<vmem_shared>>
    tpu.wait_indirect_dma semaphore(%arg19 : memref<!tpu.dma_semaphore, #tpu.memory_space<semaphore_mem>>) src(%dma_wait3A_1283 : memref<128xi32, #tpu.memory_space<vmem>>) dst(%dma_wait3A_1288 : memref<20480xi32, #tpu.memory_space<vmem_shared>>)
    %dma_wait3A_1289 = arith.constant 3 : i32
    %dma_wait3A_1290 = arith.constant 384 : i32
    %dma_wait3A_1291 = tpu.memref_slice %arg7[%dma_wait3A_1290] : memref<1280xi32, #tpu.memory_space<vmem>> -> memref<128xi32, #tpu.memory_space<vmem>>
    %dma_wait3A_1292 = arith.constant 0 : i32
    %dma_wait3A_1293 = tpu.memref_slice %arg9[%dma_wait3A_1289, %dma_wait3A_1292] : memref<10x128xi32, #tpu.memory_space<vmem>> -> memref<1x128xi32, #tpu.memory_space<vmem>>
    %dma_wait3A_1294 = tpu.memref_squeeze %dma_wait3A_1293 : memref<1x128xi32, #tpu.memory_space<vmem>> -> memref<128xi32, #tpu.memory_space<vmem>>
    %dma_wait3A_1295 = arith.constant 0 : i32
    %dma_wait3A_1296 = tpu.memref_slice %arg16[%dma_wait3A_1295] : memref<20480xi32, #tpu.memory_space<vmem_shared>> -> memref<20480xi32, #tpu.memory_space<vmem_shared>>
    tpu.wait_indirect_dma semaphore(%arg19 : memref<!tpu.dma_semaphore, #tpu.memory_space<semaphore_mem>>) src(%dma_wait3A_1291 : memref<128xi32, #tpu.memory_space<vmem>>) dst(%dma_wait3A_1296 : memref<20480xi32, #tpu.memory_space<vmem_shared>>)
    %dma_wait3A_1297 = arith.constant 4 : i32
    %dma_wait3A_1298 = arith.constant 512 : i32
    %dma_wait3A_1299 = tpu.memref_slice %arg7[%dma_wait3A_1298] : memref<1280xi32, #tpu.memory_space<vmem>> -> memref<128xi32, #tpu.memory_space<vmem>>
    %dma_wait3A_1300 = arith.constant 0 : i32
    %dma_wait3A_1301 = tpu.memref_slice %arg9[%dma_wait3A_1297, %dma_wait3A_1300] : memref<10x128xi32, #tpu.memory_space<vmem>> -> memref<1x128xi32, #tpu.memory_space<vmem>>
    %dma_wait3A_1302 = tpu.memref_squeeze %dma_wait3A_1301 : memref<1x128xi32, #tpu.memory_space<vmem>> -> memref<128xi32, #tpu.memory_space<vmem>>
    %dma_wait3A_1303 = arith.constant 0 : i32
    %dma_wait3A_1304 = tpu.memref_slice %arg16[%dma_wait3A_1303] : memref<20480xi32, #tpu.memory_space<vmem_shared>> -> memref<20480xi32, #tpu.memory_space<vmem_shared>>
    tpu.wait_indirect_dma semaphore(%arg19 : memref<!tpu.dma_semaphore, #tpu.memory_space<semaphore_mem>>) src(%dma_wait3A_1299 : memref<128xi32, #tpu.memory_space<vmem>>) dst(%dma_wait3A_1304 : memref<20480xi32, #tpu.memory_space<vmem_shared>>)
    %dma_wait3A_1305 = arith.constant 5 : i32
    %dma_wait3A_1306 = arith.constant 640 : i32
    %dma_wait3A_1307 = tpu.memref_slice %arg7[%dma_wait3A_1306] : memref<1280xi32, #tpu.memory_space<vmem>> -> memref<128xi32, #tpu.memory_space<vmem>>
    %dma_wait3A_1308 = arith.constant 0 : i32
    %dma_wait3A_1309 = tpu.memref_slice %arg9[%dma_wait3A_1305, %dma_wait3A_1308] : memref<10x128xi32, #tpu.memory_space<vmem>> -> memref<1x128xi32, #tpu.memory_space<vmem>>
    %dma_wait3A_1310 = tpu.memref_squeeze %dma_wait3A_1309 : memref<1x128xi32, #tpu.memory_space<vmem>> -> memref<128xi32, #tpu.memory_space<vmem>>
    %dma_wait3A_1311 = arith.constant 0 : i32
    %dma_wait3A_1312 = tpu.memref_slice %arg16[%dma_wait3A_1311] : memref<20480xi32, #tpu.memory_space<vmem_shared>> -> memref<20480xi32, #tpu.memory_space<vmem_shared>>
    tpu.wait_indirect_dma semaphore(%arg19 : memref<!tpu.dma_semaphore, #tpu.memory_space<semaphore_mem>>) src(%dma_wait3A_1307 : memref<128xi32, #tpu.memory_space<vmem>>) dst(%dma_wait3A_1312 : memref<20480xi32, #tpu.memory_space<vmem_shared>>)
    %dma_wait3A_1313 = arith.constant 6 : i32
    %dma_wait3A_1314 = arith.constant 768 : i32
    %dma_wait3A_1315 = tpu.memref_slice %arg7[%dma_wait3A_1314] : memref<1280xi32, #tpu.memory_space<vmem>> -> memref<128xi32, #tpu.memory_space<vmem>>
    %dma_wait3A_1316 = arith.constant 0 : i32
    %dma_wait3A_1317 = tpu.memref_slice %arg9[%dma_wait3A_1313, %dma_wait3A_1316] : memref<10x128xi32, #tpu.memory_space<vmem>> -> memref<1x128xi32, #tpu.memory_space<vmem>>
    %dma_wait3A_1318 = tpu.memref_squeeze %dma_wait3A_1317 : memref<1x128xi32, #tpu.memory_space<vmem>> -> memref<128xi32, #tpu.memory_space<vmem>>
    %dma_wait3A_1319 = arith.constant 0 : i32
    %dma_wait3A_1320 = tpu.memref_slice %arg16[%dma_wait3A_1319] : memref<20480xi32, #tpu.memory_space<vmem_shared>> -> memref<20480xi32, #tpu.memory_space<vmem_shared>>
    tpu.wait_indirect_dma semaphore(%arg19 : memref<!tpu.dma_semaphore, #tpu.memory_space<semaphore_mem>>) src(%dma_wait3A_1315 : memref<128xi32, #tpu.memory_space<vmem>>) dst(%dma_wait3A_1320 : memref<20480xi32, #tpu.memory_space<vmem_shared>>)
    %dma_wait3A_1321 = arith.constant 7 : i32
    %dma_wait3A_1322 = arith.constant 896 : i32
    %dma_wait3A_1323 = tpu.memref_slice %arg7[%dma_wait3A_1322] : memref<1280xi32, #tpu.memory_space<vmem>> -> memref<128xi32, #tpu.memory_space<vmem>>
    %dma_wait3A_1324 = arith.constant 0 : i32
    %dma_wait3A_1325 = tpu.memref_slice %arg9[%dma_wait3A_1321, %dma_wait3A_1324] : memref<10x128xi32, #tpu.memory_space<vmem>> -> memref<1x128xi32, #tpu.memory_space<vmem>>
    %dma_wait3A_1326 = tpu.memref_squeeze %dma_wait3A_1325 : memref<1x128xi32, #tpu.memory_space<vmem>> -> memref<128xi32, #tpu.memory_space<vmem>>
    %dma_wait3A_1327 = arith.constant 0 : i32
    %dma_wait3A_1328 = tpu.memref_slice %arg16[%dma_wait3A_1327] : memref<20480xi32, #tpu.memory_space<vmem_shared>> -> memref<20480xi32, #tpu.memory_space<vmem_shared>>
    tpu.wait_indirect_dma semaphore(%arg19 : memref<!tpu.dma_semaphore, #tpu.memory_space<semaphore_mem>>) src(%dma_wait3A_1323 : memref<128xi32, #tpu.memory_space<vmem>>) dst(%dma_wait3A_1328 : memref<20480xi32, #tpu.memory_space<vmem_shared>>)
    %dma_wait3A_1329 = arith.constant 8 : i32
    %dma_wait3A_1330 = arith.constant 1024 : i32
    %dma_wait3A_1331 = tpu.memref_slice %arg7[%dma_wait3A_1330] : memref<1280xi32, #tpu.memory_space<vmem>> -> memref<128xi32, #tpu.memory_space<vmem>>
    %dma_wait3A_1332 = arith.constant 0 : i32
    %dma_wait3A_1333 = tpu.memref_slice %arg9[%dma_wait3A_1329, %dma_wait3A_1332] : memref<10x128xi32, #tpu.memory_space<vmem>> -> memref<1x128xi32, #tpu.memory_space<vmem>>
    %dma_wait3A_1334 = tpu.memref_squeeze %dma_wait3A_1333 : memref<1x128xi32, #tpu.memory_space<vmem>> -> memref<128xi32, #tpu.memory_space<vmem>>
    %dma_wait3A_1335 = arith.constant 0 : i32
    %dma_wait3A_1336 = tpu.memref_slice %arg16[%dma_wait3A_1335] : memref<20480xi32, #tpu.memory_space<vmem_shared>> -> memref<20480xi32, #tpu.memory_space<vmem_shared>>
    tpu.wait_indirect_dma semaphore(%arg19 : memref<!tpu.dma_semaphore, #tpu.memory_space<semaphore_mem>>) src(%dma_wait3A_1331 : memref<128xi32, #tpu.memory_space<vmem>>) dst(%dma_wait3A_1336 : memref<20480xi32, #tpu.memory_space<vmem_shared>>)
    %dma_wait3A_1337 = arith.constant 9 : i32
    %dma_wait3A_1338 = arith.constant 1152 : i32
    %dma_wait3A_1339 = tpu.memref_slice %arg7[%dma_wait3A_1338] : memref<1280xi32, #tpu.memory_space<vmem>> -> memref<128xi32, #tpu.memory_space<vmem>>
    %dma_wait3A_1340 = arith.constant 0 : i32
    %dma_wait3A_1341 = tpu.memref_slice %arg9[%dma_wait3A_1337, %dma_wait3A_1340] : memref<10x128xi32, #tpu.memory_space<vmem>> -> memref<1x128xi32, #tpu.memory_space<vmem>>
    %dma_wait3A_1342 = tpu.memref_squeeze %dma_wait3A_1341 : memref<1x128xi32, #tpu.memory_space<vmem>> -> memref<128xi32, #tpu.memory_space<vmem>>
    %dma_wait3A_1343 = arith.constant 0 : i32
    %dma_wait3A_1344 = tpu.memref_slice %arg16[%dma_wait3A_1343] : memref<20480xi32, #tpu.memory_space<vmem_shared>> -> memref<20480xi32, #tpu.memory_space<vmem_shared>>
    tpu.wait_indirect_dma semaphore(%arg19 : memref<!tpu.dma_semaphore, #tpu.memory_space<semaphore_mem>>) src(%dma_wait3A_1339 : memref<128xi32, #tpu.memory_space<vmem>>) dst(%dma_wait3A_1344 : memref<20480xi32, #tpu.memory_space<vmem_shared>>)
    %barrier3A_1345 = arith.constant 0 : index
    tpu.barrier barrier_id(%barrier3A_1345)
    %scan3A_1346 = arith.constant 0 : i32
    %scan3A_1347 = arith.constant 0 : i32
    %scan3A_1348 = arith.constant 16 : i32
    %scan3A_1349 = arith.addi %scan3A_1347, %scan3A_1348 : i32
    %scan3A_1350 = arith.constant 1 : i32
    scf.for %scan3A_2066 = %scan3A_1347 to %scan3A_1349 step %scan3A_1350  : i32 {
      %broadcast_in_dim3A_2067 = arith.constant 0 : i32
      %broadcast_in_dim3A_2068 = vector.broadcast %broadcast_in_dim3A_2067 : i32 to vector<16xi32>
      %mul3A_2069 = arith.constant 16 : i32
      %mul3A_2070 = arith.muli %scan3A_2066, %mul3A_2069 : i32
      %swap3A_2071 = arith.index_cast %mul3A_2070 : i32 to index
      %swap3A_2072 = tpu.vector_load %arg10[%swap3A_2071] {strides = array<i32>} : memref<512xi32, #tpu.memory_space<vmem>>, vector<16xi32>,
      tpu.vector_store %arg10[%swap3A_2071], %broadcast_in_dim3A_2068 {strides = array<i32>} : memref<512xi32, #tpu.memory_space<vmem>>, vector<16xi32>,
    }
    %scan3A_1351 = arith.constant 16 : i32
    "tpu.region"() ({
      %run_scoped3A_2066 = tpu.sem_alloc : memref<!tpu.dma_semaphore, #tpu.memory_space<semaphore_mem>>
      %dma_start3A_2067 = tpu.memref_slice %arg16[%mul3A_0] : memref<20480xi32, #tpu.memory_space<vmem_shared>> -> memref<1280xi32, #tpu.memory_space<vmem_shared>>
      %dma_start3A_2068 = tpu.memref_slice %arg16[%mul3A_0] : memref<20480xi32, #tpu.memory_space<vmem_shared>> -> memref<1280xi32, #tpu.memory_space<vmem_shared>>
      tpu.enqueue_dma source(%dma_start3A_2068 : memref<1280xi32, #tpu.memory_space<vmem_shared>>) target(%arg7 : memref<1280xi32, #tpu.memory_space<vmem>>) target_semaphore(%run_scoped3A_2066 : memref<!tpu.dma_semaphore, #tpu.memory_space<semaphore_mem>>)
      %dma_wait3A_2069 = tpu.memref_slice %arg16[%mul3A_0] : memref<20480xi32, #tpu.memory_space<vmem_shared>> -> memref<1280xi32, #tpu.memory_space<vmem_shared>>
      %dma_wait3A_2070 = tpu.memref_slice %arg16[%mul3A_0] : memref<20480xi32, #tpu.memory_space<vmem_shared>> -> memref<1280xi32, #tpu.memory_space<vmem_shared>>
      tpu.wait_dma2 semaphore(%run_scoped3A_2066 : memref<!tpu.dma_semaphore, #tpu.memory_space<semaphore_mem>>) src(%dma_wait3A_2070 : memref<1280xi32, #tpu.memory_space<vmem_shared>>) dst(%arg7 : memref<1280xi32, #tpu.memory_space<vmem>>)
      tpu.yield
    }) : () -> ()
    %scan3A_1352 = arith.constant 0 : i32
    %scan3A_1353 = arith.constant 0 : i32
    %scan3A_1354 = arith.constant 80 : i32
    %scan3A_1355 = arith.addi %scan3A_1353, %scan3A_1354 : i32
    %scan3A_1356 = arith.constant 1 : i32
    scf.for %scan3A_2066 = %scan3A_1353 to %scan3A_1355 step %scan3A_1356  : i32 {
      %mul3A_2067 = arith.constant 16 : i32
      %mul3A_2068 = arith.muli %scan3A_2066, %mul3A_2067 : i32
      %get3A_2069 = arith.index_cast %mul3A_2068 : i32 to index
      %get3A_2070 = tpu.vector_load %arg7[%get3A_2069] {strides = array<i32>} : memref<1280xi32, #tpu.memory_space<vmem>>, vector<16xi32>,
      %gather3A = tpu.vector_load_idx %arg5[%get3A_2070] : memref<20480xi32, #tpu.memory_space<vmem>>[vector<16xi32>], vector<16xi32>,
      %shift_right_arithmetic3A = arith.constant 17 : i32
      %shift_right_arithmetic3A_2071 = vector.broadcast %shift_right_arithmetic3A : i32 to vector<16xi32>
      %shift_right_arithmetic3A_2072 = arith.shrsi %gather3A, %shift_right_arithmetic3A_2071 : vector<16xi32>
      %and3A = arith.constant 255 : i32
      %and3A_2073 = vector.broadcast %and3A : i32 to vector<16xi32>
      %and3A_2074 = arith.andi %shift_right_arithmetic3A_2072, %and3A_2073 : vector<16xi32>
      %broadcast_in_dim3A_2075 = arith.constant true
      %broadcast_in_dim3A_2076 = vector.broadcast %broadcast_in_dim3A_2075 : i1 to vector<16xi1>
      %unique3A, %unique3A_2077 = tpu.scan_count mask(%broadcast_in_dim3A_2076 : vector<16xi1>) value(%and3A_2074 : vector<16xi32>) : vector<16xi1>, vector<16xi32>
      tpu.vector_store_idx %arg10[%and3A_2074], %unique3A_2077 masked %unique3A {add = true} : memref<512xi32, #tpu.memory_space<vmem>>[vector<16xi32>], vector<16xi32>, vector<16xi1>
    }
    %scan3A_1357 = arith.constant 80 : i32
    %mul3A_1358 = arith.constant 256 : i32
    %mul3A_1359 = arith.muli %arg1, %mul3A_1358 : i32
    "tpu.region"() ({
      %run_scoped3A_2066 = tpu.sem_alloc : memref<!tpu.dma_semaphore, #tpu.memory_space<semaphore_mem>>
      %dma_start3A_2067 = arith.constant 0 : i32
      %dma_start3A_2068 = tpu.memref_slice %arg10[%dma_start3A_2067] : memref<512xi32, #tpu.memory_space<vmem>> -> memref<256xi32, #tpu.memory_space<vmem>>
      %dma_start3A_2069 = tpu.memref_slice %arg18[%mul3A_1359] : memref<8192xi32, #tpu.memory_space<vmem_shared>> -> memref<256xi32, #tpu.memory_space<vmem_shared>>
      %dma_start3A_2070 = tpu.memref_slice %arg18[%mul3A_1359] : memref<8192xi32, #tpu.memory_space<vmem_shared>> -> memref<256xi32, #tpu.memory_space<vmem_shared>>
      %dma_start3A_2071 = arith.constant 0 : i32
      %dma_start3A_2072 = tpu.memref_slice %arg10[%dma_start3A_2071] : memref<512xi32, #tpu.memory_space<vmem>> -> memref<256xi32, #tpu.memory_space<vmem>>
      tpu.enqueue_dma source(%dma_start3A_2072 : memref<256xi32, #tpu.memory_space<vmem>>) target(%dma_start3A_2070 : memref<256xi32, #tpu.memory_space<vmem_shared>>) target_semaphore(%run_scoped3A_2066 : memref<!tpu.dma_semaphore, #tpu.memory_space<semaphore_mem>>)
      %dma_wait3A_2073 = arith.constant 0 : i32
      %dma_wait3A_2074 = tpu.memref_slice %arg10[%dma_wait3A_2073] : memref<512xi32, #tpu.memory_space<vmem>> -> memref<256xi32, #tpu.memory_space<vmem>>
      %dma_wait3A_2075 = tpu.memref_slice %arg18[%mul3A_1359] : memref<8192xi32, #tpu.memory_space<vmem_shared>> -> memref<256xi32, #tpu.memory_space<vmem_shared>>
      %dma_wait3A_2076 = tpu.memref_slice %arg18[%mul3A_1359] : memref<8192xi32, #tpu.memory_space<vmem_shared>> -> memref<256xi32, #tpu.memory_space<vmem_shared>>
      %dma_wait3A_2077 = arith.constant 0 : i32
      %dma_wait3A_2078 = tpu.memref_slice %arg10[%dma_wait3A_2077] : memref<512xi32, #tpu.memory_space<vmem>> -> memref<256xi32, #tpu.memory_space<vmem>>
      tpu.wait_dma2 semaphore(%run_scoped3A_2066 : memref<!tpu.dma_semaphore, #tpu.memory_space<semaphore_mem>>) src(%dma_wait3A_2078 : memref<256xi32, #tpu.memory_space<vmem>>) dst(%dma_wait3A_2076 : memref<256xi32, #tpu.memory_space<vmem_shared>>)
      tpu.yield
    }) : () -> ()
    %barrier3A_1360 = arith.constant 0 : index
    tpu.barrier barrier_id(%barrier3A_1360)
    "tpu.region"() ({
      %run_scoped3A_2066 = tpu.sem_alloc : memref<!tpu.dma_semaphore, #tpu.memory_space<semaphore_mem>>
      %dma_start3A_2067 = arith.constant 0 : i32
      %dma_start3A_2068 = tpu.memref_slice %arg12[%dma_start3A_2067] : memref<8192xi32, #tpu.memory_space<vmem>> -> memref<4096xi32, #tpu.memory_space<vmem>>
      %dma_start3A_2069 = arith.constant 0 : i32
      %dma_start3A_2070 = tpu.memref_slice %arg18[%dma_start3A_2069] : memref<8192xi32, #tpu.memory_space<vmem_shared>> -> memref<4096xi32, #tpu.memory_space<vmem_shared>>
      %dma_start3A_2071 = arith.constant 0 : i32
      %dma_start3A_2072 = tpu.memref_slice %arg12[%dma_start3A_2071] : memref<8192xi32, #tpu.memory_space<vmem>> -> memref<4096xi32, #tpu.memory_space<vmem>>
      %dma_start3A_2073 = arith.constant 0 : i32
      %dma_start3A_2074 = tpu.memref_slice %arg18[%dma_start3A_2073] : memref<8192xi32, #tpu.memory_space<vmem_shared>> -> memref<4096xi32, #tpu.memory_space<vmem_shared>>
      tpu.enqueue_dma source(%dma_start3A_2074 : memref<4096xi32, #tpu.memory_space<vmem_shared>>) target(%dma_start3A_2072 : memref<4096xi32, #tpu.memory_space<vmem>>) target_semaphore(%run_scoped3A_2066 : memref<!tpu.dma_semaphore, #tpu.memory_space<semaphore_mem>>)
      %dma_wait3A_2075 = arith.constant 0 : i32
      %dma_wait3A_2076 = tpu.memref_slice %arg12[%dma_wait3A_2075] : memref<8192xi32, #tpu.memory_space<vmem>> -> memref<4096xi32, #tpu.memory_space<vmem>>
      %dma_wait3A_2077 = arith.constant 0 : i32
      %dma_wait3A_2078 = tpu.memref_slice %arg18[%dma_wait3A_2077] : memref<8192xi32, #tpu.memory_space<vmem_shared>> -> memref<4096xi32, #tpu.memory_space<vmem_shared>>
      %dma_wait3A_2079 = arith.constant 0 : i32
      %dma_wait3A_2080 = tpu.memref_slice %arg12[%dma_wait3A_2079] : memref<8192xi32, #tpu.memory_space<vmem>> -> memref<4096xi32, #tpu.memory_space<vmem>>
      %dma_wait3A_2081 = arith.constant 0 : i32
      %dma_wait3A_2082 = tpu.memref_slice %arg18[%dma_wait3A_2081] : memref<8192xi32, #tpu.memory_space<vmem_shared>> -> memref<4096xi32, #tpu.memory_space<vmem_shared>>
      tpu.wait_dma2 semaphore(%run_scoped3A_2066 : memref<!tpu.dma_semaphore, #tpu.memory_space<semaphore_mem>>) src(%dma_wait3A_2082 : memref<4096xi32, #tpu.memory_space<vmem_shared>>) dst(%dma_wait3A_2080 : memref<4096xi32, #tpu.memory_space<vmem>>)
      tpu.yield
    }) : () -> ()
    %broadcast_in_dim3A_1361 = arith.constant 0 : i32
    %broadcast_in_dim3A_1362 = vector.broadcast %broadcast_in_dim3A_1361 : i32 to vector<16xi32>
    %add3A_1363 = vector.broadcast %arg1 : i32 to vector<16xi32>
    %add3A_1364 = arith.addi %broadcast_in_dim3A_1362, %add3A_1363 : vector<16xi32>
    %scan3A_1365 = arith.constant 0 : i32
    %scan3A_1366 = arith.constant 0 : i32
    %scan3A_1367 = arith.constant 16 : i32
    %scan3A_1368 = arith.addi %scan3A_1366, %scan3A_1367 : i32
    %scan3A_1369 = arith.constant 1 : i32
    %scan3A_1370 = scf.for %scan3A_2066 = %scan3A_1366 to %scan3A_1368 step %scan3A_1369 iter_args(%scan3A_2067 = %scan3A_1365) -> (i32)  : i32 {
      %broadcast_in_dim3A_2068 = arith.constant 0 : i32
      %broadcast_in_dim3A_2069 = vector.broadcast %broadcast_in_dim3A_2068 : i32 to vector<16xi32>
      %broadcast_in_dim3A_2070 = arith.constant 0 : i32
      %broadcast_in_dim3A_2071 = vector.broadcast %broadcast_in_dim3A_2070 : i32 to vector<16xi32>
      %mul3A_2072 = arith.constant 16 : i32
      %mul3A_2073 = arith.muli %scan3A_2066, %mul3A_2072 : i32
      %add3A_2074 = arith.constant 0 : i32
      %add3A_2075 = arith.addi %add3A_2074, %mul3A_2073 : i32
      %get3A_2076 = arith.index_cast %add3A_2075 : i32 to index
      %get3A_2077 = tpu.vector_load %arg12[%get3A_2076] {strides = array<i32>} : memref<8192xi32, #tpu.memory_space<vmem>>, vector<16xi32>,
      %add3A_2078 = arith.addi %broadcast_in_dim3A_2069, %get3A_2077 : vector<16xi32>
      %broadcast_in_dim3A_2079 = arith.constant 0 : i32
      %broadcast_in_dim3A_2080 = vector.broadcast %broadcast_in_dim3A_2079 : i32 to vector<16xi32>
      %add3A_2081 = arith.constant 0 : i32
      %add3A_2082 = vector.broadcast %add3A_2081 : i32 to vector<16xi32>
      %add3A_2083 = arith.addi %broadcast_in_dim3A_2080, %add3A_2082 : vector<16xi32>
      %lt3A = arith.cmpi slt, %add3A_2083, %add3A_1364 : vector<16xi32>
      %jit3A = arith.constant 0 : i32
      %broadcast_in_dim3A_2084 = vector.broadcast %jit3A : i32 to vector<16xi32>
      %select_n3A = arith.select %lt3A, %get3A_2077, %broadcast_in_dim3A_2084 : vector<16xi1>, vector<16xi32>
      %add3A_2085 = arith.addi %broadcast_in_dim3A_2071, %select_n3A : vector<16xi32>
      %mul3A_2086 = arith.constant 16 : i32
      %mul3A_2087 = arith.muli %scan3A_2066, %mul3A_2086 : i32
      %add3A_2088 = arith.constant 256 : i32
      %add3A_2089 = arith.addi %add3A_2088, %mul3A_2087 : i32
      %get3A_2090 = arith.index_cast %add3A_2089 : i32 to index
      %get3A_2091 = tpu.vector_load %arg12[%get3A_2090] {strides = array<i32>} : memref<8192xi32, #tpu.memory_space<vmem>>, vector<16xi32>,
      %add3A_2092 = arith.addi %add3A_2078, %get3A_2091 : vector<16xi32>
      %broadcast_in_dim3A_2093 = arith.constant 0 : i32
      %broadcast_in_dim3A_2094 = vector.broadcast %broadcast_in_dim3A_2093 : i32 to vector<16xi32>
      %add3A_2095 = arith.constant 1 : i32
      %add3A_2096 = vector.broadcast %add3A_2095 : i32 to vector<16xi32>
      %add3A_2097 = arith.addi %broadcast_in_dim3A_2094, %add3A_2096 : vector<16xi32>
      %lt3A_2098 = arith.cmpi slt, %add3A_2097, %add3A_1364 : vector<16xi32>
      %jit3A_2099 = arith.constant 0 : i32
      %broadcast_in_dim3A_2100 = vector.broadcast %jit3A_2099 : i32 to vector<16xi32>
      %select_n3A_2101 = arith.select %lt3A_2098, %get3A_2091, %broadcast_in_dim3A_2100 : vector<16xi1>, vector<16xi32>
      %add3A_2102 = arith.addi %add3A_2085, %select_n3A_2101 : vector<16xi32>
      %mul3A_2103 = arith.constant 16 : i32
      %mul3A_2104 = arith.muli %scan3A_2066, %mul3A_2103 : i32
      %add3A_2105 = arith.constant 512 : i32
      %add3A_2106 = arith.addi %add3A_2105, %mul3A_2104 : i32
      %get3A_2107 = arith.index_cast %add3A_2106 : i32 to index
      %get3A_2108 = tpu.vector_load %arg12[%get3A_2107] {strides = array<i32>} : memref<8192xi32, #tpu.memory_space<vmem>>, vector<16xi32>,
      %add3A_2109 = arith.addi %add3A_2092, %get3A_2108 : vector<16xi32>
      %broadcast_in_dim3A_2110 = arith.constant 0 : i32
      %broadcast_in_dim3A_2111 = vector.broadcast %broadcast_in_dim3A_2110 : i32 to vector<16xi32>
      %add3A_2112 = arith.constant 2 : i32
      %add3A_2113 = vector.broadcast %add3A_2112 : i32 to vector<16xi32>
      %add3A_2114 = arith.addi %broadcast_in_dim3A_2111, %add3A_2113 : vector<16xi32>
      %lt3A_2115 = arith.cmpi slt, %add3A_2114, %add3A_1364 : vector<16xi32>
      %jit3A_2116 = arith.constant 0 : i32
      %broadcast_in_dim3A_2117 = vector.broadcast %jit3A_2116 : i32 to vector<16xi32>
      %select_n3A_2118 = arith.select %lt3A_2115, %get3A_2108, %broadcast_in_dim3A_2117 : vector<16xi1>, vector<16xi32>
      %add3A_2119 = arith.addi %add3A_2102, %select_n3A_2118 : vector<16xi32>
      %mul3A_2120 = arith.constant 16 : i32
      %mul3A_2121 = arith.muli %scan3A_2066, %mul3A_2120 : i32
      %add3A_2122 = arith.constant 768 : i32
      %add3A_2123 = arith.addi %add3A_2122, %mul3A_2121 : i32
      %get3A_2124 = arith.index_cast %add3A_2123 : i32 to index
      %get3A_2125 = tpu.vector_load %arg12[%get3A_2124] {strides = array<i32>} : memref<8192xi32, #tpu.memory_space<vmem>>, vector<16xi32>,
      %add3A_2126 = arith.addi %add3A_2109, %get3A_2125 : vector<16xi32>
      %broadcast_in_dim3A_2127 = arith.constant 0 : i32
      %broadcast_in_dim3A_2128 = vector.broadcast %broadcast_in_dim3A_2127 : i32 to vector<16xi32>
      %add3A_2129 = arith.constant 3 : i32
      %add3A_2130 = vector.broadcast %add3A_2129 : i32 to vector<16xi32>
      %add3A_2131 = arith.addi %broadcast_in_dim3A_2128, %add3A_2130 : vector<16xi32>
      %lt3A_2132 = arith.cmpi slt, %add3A_2131, %add3A_1364 : vector<16xi32>
      %jit3A_2133 = arith.constant 0 : i32
      %broadcast_in_dim3A_2134 = vector.broadcast %jit3A_2133 : i32 to vector<16xi32>
      %select_n3A_2135 = arith.select %lt3A_2132, %get3A_2125, %broadcast_in_dim3A_2134 : vector<16xi1>, vector<16xi32>
      %add3A_2136 = arith.addi %add3A_2119, %select_n3A_2135 : vector<16xi32>
      %mul3A_2137 = arith.constant 16 : i32
      %mul3A_2138 = arith.muli %scan3A_2066, %mul3A_2137 : i32
      %add3A_2139 = arith.constant 1024 : i32
      %add3A_2140 = arith.addi %add3A_2139, %mul3A_2138 : i32
      %get3A_2141 = arith.index_cast %add3A_2140 : i32 to index
      %get3A_2142 = tpu.vector_load %arg12[%get3A_2141] {strides = array<i32>} : memref<8192xi32, #tpu.memory_space<vmem>>, vector<16xi32>,
      %add3A_2143 = arith.addi %add3A_2126, %get3A_2142 : vector<16xi32>
      %broadcast_in_dim3A_2144 = arith.constant 0 : i32
      %broadcast_in_dim3A_2145 = vector.broadcast %broadcast_in_dim3A_2144 : i32 to vector<16xi32>
      %add3A_2146 = arith.constant 4 : i32
      %add3A_2147 = vector.broadcast %add3A_2146 : i32 to vector<16xi32>
      %add3A_2148 = arith.addi %broadcast_in_dim3A_2145, %add3A_2147 : vector<16xi32>
      %lt3A_2149 = arith.cmpi slt, %add3A_2148, %add3A_1364 : vector<16xi32>
      %jit3A_2150 = arith.constant 0 : i32
      %broadcast_in_dim3A_2151 = vector.broadcast %jit3A_2150 : i32 to vector<16xi32>
      %select_n3A_2152 = arith.select %lt3A_2149, %get3A_2142, %broadcast_in_dim3A_2151 : vector<16xi1>, vector<16xi32>
      %add3A_2153 = arith.addi %add3A_2136, %select_n3A_2152 : vector<16xi32>
      %mul3A_2154 = arith.constant 16 : i32
      %mul3A_2155 = arith.muli %scan3A_2066, %mul3A_2154 : i32
      %add3A_2156 = arith.constant 1280 : i32
      %add3A_2157 = arith.addi %add3A_2156, %mul3A_2155 : i32
      %get3A_2158 = arith.index_cast %add3A_2157 : i32 to index
      %get3A_2159 = tpu.vector_load %arg12[%get3A_2158] {strides = array<i32>} : memref<8192xi32, #tpu.memory_space<vmem>>, vector<16xi32>,
      %add3A_2160 = arith.addi %add3A_2143, %get3A_2159 : vector<16xi32>
      %broadcast_in_dim3A_2161 = arith.constant 0 : i32
      %broadcast_in_dim3A_2162 = vector.broadcast %broadcast_in_dim3A_2161 : i32 to vector<16xi32>
      %add3A_2163 = arith.constant 5 : i32
      %add3A_2164 = vector.broadcast %add3A_2163 : i32 to vector<16xi32>
      %add3A_2165 = arith.addi %broadcast_in_dim3A_2162, %add3A_2164 : vector<16xi32>
      %lt3A_2166 = arith.cmpi slt, %add3A_2165, %add3A_1364 : vector<16xi32>
      %jit3A_2167 = arith.constant 0 : i32
      %broadcast_in_dim3A_2168 = vector.broadcast %jit3A_2167 : i32 to vector<16xi32>
      %select_n3A_2169 = arith.select %lt3A_2166, %get3A_2159, %broadcast_in_dim3A_2168 : vector<16xi1>, vector<16xi32>
      %add3A_2170 = arith.addi %add3A_2153, %select_n3A_2169 : vector<16xi32>
      %mul3A_2171 = arith.constant 16 : i32
      %mul3A_2172 = arith.muli %scan3A_2066, %mul3A_2171 : i32
      %add3A_2173 = arith.constant 1536 : i32
      %add3A_2174 = arith.addi %add3A_2173, %mul3A_2172 : i32
      %get3A_2175 = arith.index_cast %add3A_2174 : i32 to index
      %get3A_2176 = tpu.vector_load %arg12[%get3A_2175] {strides = array<i32>} : memref<8192xi32, #tpu.memory_space<vmem>>, vector<16xi32>,
      %add3A_2177 = arith.addi %add3A_2160, %get3A_2176 : vector<16xi32>
      %broadcast_in_dim3A_2178 = arith.constant 0 : i32
      %broadcast_in_dim3A_2179 = vector.broadcast %broadcast_in_dim3A_2178 : i32 to vector<16xi32>
      %add3A_2180 = arith.constant 6 : i32
      %add3A_2181 = vector.broadcast %add3A_2180 : i32 to vector<16xi32>
      %add3A_2182 = arith.addi %broadcast_in_dim3A_2179, %add3A_2181 : vector<16xi32>
      %lt3A_2183 = arith.cmpi slt, %add3A_2182, %add3A_1364 : vector<16xi32>
      %jit3A_2184 = arith.constant 0 : i32
      %broadcast_in_dim3A_2185 = vector.broadcast %jit3A_2184 : i32 to vector<16xi32>
      %select_n3A_2186 = arith.select %lt3A_2183, %get3A_2176, %broadcast_in_dim3A_2185 : vector<16xi1>, vector<16xi32>
      %add3A_2187 = arith.addi %add3A_2170, %select_n3A_2186 : vector<16xi32>
      %mul3A_2188 = arith.constant 16 : i32
      %mul3A_2189 = arith.muli %scan3A_2066, %mul3A_2188 : i32
      %add3A_2190 = arith.constant 1792 : i32
      %add3A_2191 = arith.addi %add3A_2190, %mul3A_2189 : i32
      %get3A_2192 = arith.index_cast %add3A_2191 : i32 to index
      %get3A_2193 = tpu.vector_load %arg12[%get3A_2192] {strides = array<i32>} : memref<8192xi32, #tpu.memory_space<vmem>>, vector<16xi32>,
      %add3A_2194 = arith.addi %add3A_2177, %get3A_2193 : vector<16xi32>
      %broadcast_in_dim3A_2195 = arith.constant 0 : i32
      %broadcast_in_dim3A_2196 = vector.broadcast %broadcast_in_dim3A_2195 : i32 to vector<16xi32>
      %add3A_2197 = arith.constant 7 : i32
      %add3A_2198 = vector.broadcast %add3A_2197 : i32 to vector<16xi32>
      %add3A_2199 = arith.addi %broadcast_in_dim3A_2196, %add3A_2198 : vector<16xi32>
      %lt3A_2200 = arith.cmpi slt, %add3A_2199, %add3A_1364 : vector<16xi32>
      %jit3A_2201 = arith.constant 0 : i32
      %broadcast_in_dim3A_2202 = vector.broadcast %jit3A_2201 : i32 to vector<16xi32>
      %select_n3A_2203 = arith.select %lt3A_2200, %get3A_2193, %broadcast_in_dim3A_2202 : vector<16xi1>, vector<16xi32>
      %add3A_2204 = arith.addi %add3A_2187, %select_n3A_2203 : vector<16xi32>
      %mul3A_2205 = arith.constant 16 : i32
      %mul3A_2206 = arith.muli %scan3A_2066, %mul3A_2205 : i32
      %add3A_2207 = arith.constant 2048 : i32
      %add3A_2208 = arith.addi %add3A_2207, %mul3A_2206 : i32
      %get3A_2209 = arith.index_cast %add3A_2208 : i32 to index
      %get3A_2210 = tpu.vector_load %arg12[%get3A_2209] {strides = array<i32>} : memref<8192xi32, #tpu.memory_space<vmem>>, vector<16xi32>,
      %add3A_2211 = arith.addi %add3A_2194, %get3A_2210 : vector<16xi32>
      %broadcast_in_dim3A_2212 = arith.constant 0 : i32
      %broadcast_in_dim3A_2213 = vector.broadcast %broadcast_in_dim3A_2212 : i32 to vector<16xi32>
      %add3A_2214 = arith.constant 8 : i32
      %add3A_2215 = vector.broadcast %add3A_2214 : i32 to vector<16xi32>
      %add3A_2216 = arith.addi %broadcast_in_dim3A_2213, %add3A_2215 : vector<16xi32>
      %lt3A_2217 = arith.cmpi slt, %add3A_2216, %add3A_1364 : vector<16xi32>
      %jit3A_2218 = arith.constant 0 : i32
      %broadcast_in_dim3A_2219 = vector.broadcast %jit3A_2218 : i32 to vector<16xi32>
      %select_n3A_2220 = arith.select %lt3A_2217, %get3A_2210, %broadcast_in_dim3A_2219 : vector<16xi1>, vector<16xi32>
      %add3A_2221 = arith.addi %add3A_2204, %select_n3A_2220 : vector<16xi32>
      %mul3A_2222 = arith.constant 16 : i32
      %mul3A_2223 = arith.muli %scan3A_2066, %mul3A_2222 : i32
      %add3A_2224 = arith.constant 2304 : i32
      %add3A_2225 = arith.addi %add3A_2224, %mul3A_2223 : i32
      %get3A_2226 = arith.index_cast %add3A_2225 : i32 to index
      %get3A_2227 = tpu.vector_load %arg12[%get3A_2226] {strides = array<i32>} : memref<8192xi32, #tpu.memory_space<vmem>>, vector<16xi32>,
      %add3A_2228 = arith.addi %add3A_2211, %get3A_2227 : vector<16xi32>
      %broadcast_in_dim3A_2229 = arith.constant 0 : i32
      %broadcast_in_dim3A_2230 = vector.broadcast %broadcast_in_dim3A_2229 : i32 to vector<16xi32>
      %add3A_2231 = arith.constant 9 : i32
      %add3A_2232 = vector.broadcast %add3A_2231 : i32 to vector<16xi32>
      %add3A_2233 = arith.addi %broadcast_in_dim3A_2230, %add3A_2232 : vector<16xi32>
      %lt3A_2234 = arith.cmpi slt, %add3A_2233, %add3A_1364 : vector<16xi32>
      %jit3A_2235 = arith.constant 0 : i32
      %broadcast_in_dim3A_2236 = vector.broadcast %jit3A_2235 : i32 to vector<16xi32>
      %select_n3A_2237 = arith.select %lt3A_2234, %get3A_2227, %broadcast_in_dim3A_2236 : vector<16xi1>, vector<16xi32>
      %add3A_2238 = arith.addi %add3A_2221, %select_n3A_2237 : vector<16xi32>
      %mul3A_2239 = arith.constant 16 : i32
      %mul3A_2240 = arith.muli %scan3A_2066, %mul3A_2239 : i32
      %add3A_2241 = arith.constant 2560 : i32
      %add3A_2242 = arith.addi %add3A_2241, %mul3A_2240 : i32
      %get3A_2243 = arith.index_cast %add3A_2242 : i32 to index
      %get3A_2244 = tpu.vector_load %arg12[%get3A_2243] {strides = array<i32>} : memref<8192xi32, #tpu.memory_space<vmem>>, vector<16xi32>,
      %add3A_2245 = arith.addi %add3A_2228, %get3A_2244 : vector<16xi32>
      %broadcast_in_dim3A_2246 = arith.constant 0 : i32
      %broadcast_in_dim3A_2247 = vector.broadcast %broadcast_in_dim3A_2246 : i32 to vector<16xi32>
      %add3A_2248 = arith.constant 10 : i32
      %add3A_2249 = vector.broadcast %add3A_2248 : i32 to vector<16xi32>
      %add3A_2250 = arith.addi %broadcast_in_dim3A_2247, %add3A_2249 : vector<16xi32>
      %lt3A_2251 = arith.cmpi slt, %add3A_2250, %add3A_1364 : vector<16xi32>
      %jit3A_2252 = arith.constant 0 : i32
      %broadcast_in_dim3A_2253 = vector.broadcast %jit3A_2252 : i32 to vector<16xi32>
      %select_n3A_2254 = arith.select %lt3A_2251, %get3A_2244, %broadcast_in_dim3A_2253 : vector<16xi1>, vector<16xi32>
      %add3A_2255 = arith.addi %add3A_2238, %select_n3A_2254 : vector<16xi32>
      %mul3A_2256 = arith.constant 16 : i32
      %mul3A_2257 = arith.muli %scan3A_2066, %mul3A_2256 : i32
      %add3A_2258 = arith.constant 2816 : i32
      %add3A_2259 = arith.addi %add3A_2258, %mul3A_2257 : i32
      %get3A_2260 = arith.index_cast %add3A_2259 : i32 to index
      %get3A_2261 = tpu.vector_load %arg12[%get3A_2260] {strides = array<i32>} : memref<8192xi32, #tpu.memory_space<vmem>>, vector<16xi32>,
      %add3A_2262 = arith.addi %add3A_2245, %get3A_2261 : vector<16xi32>
      %broadcast_in_dim3A_2263 = arith.constant 0 : i32
      %broadcast_in_dim3A_2264 = vector.broadcast %broadcast_in_dim3A_2263 : i32 to vector<16xi32>
      %add3A_2265 = arith.constant 11 : i32
      %add3A_2266 = vector.broadcast %add3A_2265 : i32 to vector<16xi32>
      %add3A_2267 = arith.addi %broadcast_in_dim3A_2264, %add3A_2266 : vector<16xi32>
      %lt3A_2268 = arith.cmpi slt, %add3A_2267, %add3A_1364 : vector<16xi32>
      %jit3A_2269 = arith.constant 0 : i32
      %broadcast_in_dim3A_2270 = vector.broadcast %jit3A_2269 : i32 to vector<16xi32>
      %select_n3A_2271 = arith.select %lt3A_2268, %get3A_2261, %broadcast_in_dim3A_2270 : vector<16xi1>, vector<16xi32>
      %add3A_2272 = arith.addi %add3A_2255, %select_n3A_2271 : vector<16xi32>
      %mul3A_2273 = arith.constant 16 : i32
      %mul3A_2274 = arith.muli %scan3A_2066, %mul3A_2273 : i32
      %add3A_2275 = arith.constant 3072 : i32
      %add3A_2276 = arith.addi %add3A_2275, %mul3A_2274 : i32
      %get3A_2277 = arith.index_cast %add3A_2276 : i32 to index
      %get3A_2278 = tpu.vector_load %arg12[%get3A_2277] {strides = array<i32>} : memref<8192xi32, #tpu.memory_space<vmem>>, vector<16xi32>,
      %add3A_2279 = arith.addi %add3A_2262, %get3A_2278 : vector<16xi32>
      %broadcast_in_dim3A_2280 = arith.constant 0 : i32
      %broadcast_in_dim3A_2281 = vector.broadcast %broadcast_in_dim3A_2280 : i32 to vector<16xi32>
      %add3A_2282 = arith.constant 12 : i32
      %add3A_2283 = vector.broadcast %add3A_2282 : i32 to vector<16xi32>
      %add3A_2284 = arith.addi %broadcast_in_dim3A_2281, %add3A_2283 : vector<16xi32>
      %lt3A_2285 = arith.cmpi slt, %add3A_2284, %add3A_1364 : vector<16xi32>
      %jit3A_2286 = arith.constant 0 : i32
      %broadcast_in_dim3A_2287 = vector.broadcast %jit3A_2286 : i32 to vector<16xi32>
      %select_n3A_2288 = arith.select %lt3A_2285, %get3A_2278, %broadcast_in_dim3A_2287 : vector<16xi1>, vector<16xi32>
      %add3A_2289 = arith.addi %add3A_2272, %select_n3A_2288 : vector<16xi32>
      %mul3A_2290 = arith.constant 16 : i32
      %mul3A_2291 = arith.muli %scan3A_2066, %mul3A_2290 : i32
      %add3A_2292 = arith.constant 3328 : i32
      %add3A_2293 = arith.addi %add3A_2292, %mul3A_2291 : i32
      %get3A_2294 = arith.index_cast %add3A_2293 : i32 to index
      %get3A_2295 = tpu.vector_load %arg12[%get3A_2294] {strides = array<i32>} : memref<8192xi32, #tpu.memory_space<vmem>>, vector<16xi32>,
      %add3A_2296 = arith.addi %add3A_2279, %get3A_2295 : vector<16xi32>
      %broadcast_in_dim3A_2297 = arith.constant 0 : i32
      %broadcast_in_dim3A_2298 = vector.broadcast %broadcast_in_dim3A_2297 : i32 to vector<16xi32>
      %add3A_2299 = arith.constant 13 : i32
      %add3A_2300 = vector.broadcast %add3A_2299 : i32 to vector<16xi32>
      %add3A_2301 = arith.addi %broadcast_in_dim3A_2298, %add3A_2300 : vector<16xi32>
      %lt3A_2302 = arith.cmpi slt, %add3A_2301, %add3A_1364 : vector<16xi32>
      %jit3A_2303 = arith.constant 0 : i32
      %broadcast_in_dim3A_2304 = vector.broadcast %jit3A_2303 : i32 to vector<16xi32>
      %select_n3A_2305 = arith.select %lt3A_2302, %get3A_2295, %broadcast_in_dim3A_2304 : vector<16xi1>, vector<16xi32>
      %add3A_2306 = arith.addi %add3A_2289, %select_n3A_2305 : vector<16xi32>
      %mul3A_2307 = arith.constant 16 : i32
      %mul3A_2308 = arith.muli %scan3A_2066, %mul3A_2307 : i32
      %add3A_2309 = arith.constant 3584 : i32
      %add3A_2310 = arith.addi %add3A_2309, %mul3A_2308 : i32
      %get3A_2311 = arith.index_cast %add3A_2310 : i32 to index
      %get3A_2312 = tpu.vector_load %arg12[%get3A_2311] {strides = array<i32>} : memref<8192xi32, #tpu.memory_space<vmem>>, vector<16xi32>,
      %add3A_2313 = arith.addi %add3A_2296, %get3A_2312 : vector<16xi32>
      %broadcast_in_dim3A_2314 = arith.constant 0 : i32
      %broadcast_in_dim3A_2315 = vector.broadcast %broadcast_in_dim3A_2314 : i32 to vector<16xi32>
      %add3A_2316 = arith.constant 14 : i32
      %add3A_2317 = vector.broadcast %add3A_2316 : i32 to vector<16xi32>
      %add3A_2318 = arith.addi %broadcast_in_dim3A_2315, %add3A_2317 : vector<16xi32>
      %lt3A_2319 = arith.cmpi slt, %add3A_2318, %add3A_1364 : vector<16xi32>
      %jit3A_2320 = arith.constant 0 : i32
      %broadcast_in_dim3A_2321 = vector.broadcast %jit3A_2320 : i32 to vector<16xi32>
      %select_n3A_2322 = arith.select %lt3A_2319, %get3A_2312, %broadcast_in_dim3A_2321 : vector<16xi1>, vector<16xi32>
      %add3A_2323 = arith.addi %add3A_2306, %select_n3A_2322 : vector<16xi32>
      %mul3A_2324 = arith.constant 16 : i32
      %mul3A_2325 = arith.muli %scan3A_2066, %mul3A_2324 : i32
      %add3A_2326 = arith.constant 3840 : i32
      %add3A_2327 = arith.addi %add3A_2326, %mul3A_2325 : i32
      %get3A_2328 = arith.index_cast %add3A_2327 : i32 to index
      %get3A_2329 = tpu.vector_load %arg12[%get3A_2328] {strides = array<i32>} : memref<8192xi32, #tpu.memory_space<vmem>>, vector<16xi32>,
      %add3A_2330 = arith.addi %add3A_2313, %get3A_2329 : vector<16xi32>
      %broadcast_in_dim3A_2331 = arith.constant 0 : i32
      %broadcast_in_dim3A_2332 = vector.broadcast %broadcast_in_dim3A_2331 : i32 to vector<16xi32>
      %add3A_2333 = arith.constant 15 : i32
      %add3A_2334 = vector.broadcast %add3A_2333 : i32 to vector<16xi32>
      %add3A_2335 = arith.addi %broadcast_in_dim3A_2332, %add3A_2334 : vector<16xi32>
      %lt3A_2336 = arith.cmpi slt, %add3A_2335, %add3A_1364 : vector<16xi32>
      %jit3A_2337 = arith.constant 0 : i32
      %broadcast_in_dim3A_2338 = vector.broadcast %jit3A_2337 : i32 to vector<16xi32>
      %select_n3A_2339 = arith.select %lt3A_2336, %get3A_2329, %broadcast_in_dim3A_2338 : vector<16xi1>, vector<16xi32>
      %add3A_2340 = arith.addi %add3A_2323, %select_n3A_2339 : vector<16xi32>
      %broadcast_in_dim3A_2341 = arith.constant true
      %broadcast_in_dim3A_2342 = vector.broadcast %broadcast_in_dim3A_2341 : i1 to vector<16xi1>
      %masked_cumsum3A = tpu.scan <sum>, %add3A_2330 masked %broadcast_in_dim3A_2342 : vector<16xi32>, vector<16xi1> -> vector<16xi32>
      %sub3A = arith.subi %masked_cumsum3A, %add3A_2330 : vector<16xi32>
      %add3A_2343 = vector.broadcast %scan3A_2067 : i32 to vector<16xi32>
      %add3A_2344 = arith.addi %add3A_2343, %sub3A : vector<16xi32>
      %add3A_2345 = arith.addi %add3A_2344, %add3A_2340 : vector<16xi32>
      %mul3A_2346 = arith.constant 16 : i32
      %mul3A_2347 = arith.muli %scan3A_2066, %mul3A_2346 : i32
      %swap3A_2348 = arith.index_cast %mul3A_2347 : i32 to index
      %swap3A_2349 = tpu.vector_load %arg11[%swap3A_2348] {strides = array<i32>} : memref<512xi32, #tpu.memory_space<vmem>>, vector<16xi32>,
      tpu.vector_store %arg11[%swap3A_2348], %add3A_2345 {strides = array<i32>} : memref<512xi32, #tpu.memory_space<vmem>>, vector<16xi32>,
      %reduce_sum3A = arith.constant true
      %reduce_sum3A_2350 = vector.broadcast %reduce_sum3A : i1 to vector<16xi1>
      %reduce_sum3A_2351 = tpu.scan <sum>, %add3A_2330 masked %reduce_sum3A_2350 : vector<16xi32>, vector<16xi1> -> vector<16xi32>
      %reduce_sum3A_2352 = vector.extract %reduce_sum3A_2351[15] : i32 from vector<16xi32>
      %add3A_2353 = arith.addi %scan3A_2067, %reduce_sum3A_2352 : i32
      scf.yield %add3A_2353 : i32
    }
    %scan3A_1371 = arith.constant 16 : i32
    %scan3A_1372 = arith.constant 0 : i32
    %scan3A_1373 = arith.constant 0 : i32
    %scan3A_1374 = arith.constant 80 : i32
    %scan3A_1375 = arith.addi %scan3A_1373, %scan3A_1374 : i32
    %scan3A_1376 = arith.constant 1 : i32
    scf.for %scan3A_2066 = %scan3A_1373 to %scan3A_1375 step %scan3A_1376  : i32 {
      %mul3A_2067 = arith.constant 16 : i32
      %mul3A_2068 = arith.muli %scan3A_2066, %mul3A_2067 : i32
      %get3A_2069 = arith.index_cast %mul3A_2068 : i32 to index
      %get3A_2070 = tpu.vector_load %arg7[%get3A_2069] {strides = array<i32>} : memref<1280xi32, #tpu.memory_space<vmem>>, vector<16xi32>,
      %gather3A = tpu.vector_load_idx %arg5[%get3A_2070] : memref<20480xi32, #tpu.memory_space<vmem>>[vector<16xi32>], vector<16xi32>,
      %shift_right_arithmetic3A = arith.constant 17 : i32
      %shift_right_arithmetic3A_2071 = vector.broadcast %shift_right_arithmetic3A : i32 to vector<16xi32>
      %shift_right_arithmetic3A_2072 = arith.shrsi %gather3A, %shift_right_arithmetic3A_2071 : vector<16xi32>
      %and3A = arith.constant 255 : i32
      %and3A_2073 = vector.broadcast %and3A : i32 to vector<16xi32>
      %and3A_2074 = arith.andi %shift_right_arithmetic3A_2072, %and3A_2073 : vector<16xi32>
      %broadcast_in_dim3A_2075 = arith.constant true
      %broadcast_in_dim3A_2076 = vector.broadcast %broadcast_in_dim3A_2075 : i1 to vector<16xi1>
      %unique3A, %unique3A_2077 = tpu.scan_count mask(%broadcast_in_dim3A_2076 : vector<16xi1>) value(%and3A_2074 : vector<16xi32>) : vector<16xi1>, vector<16xi32>
      %gather3A_2078 = tpu.vector_load_idx %arg11[%and3A_2074] : memref<512xi32, #tpu.memory_space<vmem>>[vector<16xi32>], vector<16xi32>,
      %add3A_2079 = arith.addi %gather3A_2078, %unique3A_2077 : vector<16xi32>
      %sub3A = arith.constant 1 : i32
      %sub3A_2080 = vector.broadcast %sub3A : i32 to vector<16xi32>
      %sub3A_2081 = arith.subi %add3A_2079, %sub3A_2080 : vector<16xi32>
      %mul3A_2082 = arith.constant 16 : i32
      %mul3A_2083 = arith.muli %scan3A_2066, %mul3A_2082 : i32
      %swap3A_2084 = arith.index_cast %mul3A_2083 : i32 to index
      %swap3A_2085 = tpu.vector_load %arg8[%swap3A_2084] {strides = array<i32>} : memref<1280xi32, #tpu.memory_space<vmem>>, vector<16xi32>,
      tpu.vector_store %arg8[%swap3A_2084], %sub3A_2081 {strides = array<i32>} : memref<1280xi32, #tpu.memory_space<vmem>>, vector<16xi32>,
      tpu.vector_store_idx %arg11[%and3A_2074], %unique3A_2077 masked %unique3A {add = true} : memref<512xi32, #tpu.memory_space<vmem>>[vector<16xi32>], vector<16xi32>, vector<16xi1>
    }
    %scan3A_1377 = arith.constant 80 : i32
    %get3A_1378 = arith.constant 0 : index
    %get3A_1379 = tpu.vector_load %arg8[%get3A_1378] {strides = array<i32>} : memref<1280xi32, #tpu.memory_space<vmem>>, vector<16xi32>,
    %swap3A_1380 = arith.constant 0 : i32
    %swap3A_1381 = arith.index_cast %swap3A_1380 : i32 to index
    %swap3A_1382 = arith.constant 0 : index
    %swap3A_1383 = tpu.vector_load %arg9[%swap3A_1381, %swap3A_1382] {strides = array<i32>} : memref<10x128xi32, #tpu.memory_space<vmem>>, vector<16xi32>,
    tpu.vector_store %arg9[%swap3A_1381, %swap3A_1382], %get3A_1379 {strides = array<i32>} : memref<10x128xi32, #tpu.memory_space<vmem>>, vector<16xi32>,
    %get3A_1384 = arith.constant 16 : index
    %get3A_1385 = tpu.vector_load %arg8[%get3A_1384] {strides = array<i32>} : memref<1280xi32, #tpu.memory_space<vmem>>, vector<16xi32>,
    %swap3A_1386 = arith.constant 0 : i32
    %swap3A_1387 = arith.index_cast %swap3A_1386 : i32 to index
    %swap3A_1388 = arith.constant 16 : index
    %swap3A_1389 = tpu.vector_load %arg9[%swap3A_1387, %swap3A_1388] {strides = array<i32>} : memref<10x128xi32, #tpu.memory_space<vmem>>, vector<16xi32>,
    tpu.vector_store %arg9[%swap3A_1387, %swap3A_1388], %get3A_1385 {strides = array<i32>} : memref<10x128xi32, #tpu.memory_space<vmem>>, vector<16xi32>,
    %get3A_1390 = arith.constant 32 : index
    %get3A_1391 = tpu.vector_load %arg8[%get3A_1390] {strides = array<i32>} : memref<1280xi32, #tpu.memory_space<vmem>>, vector<16xi32>,
    %swap3A_1392 = arith.constant 0 : i32
    %swap3A_1393 = arith.index_cast %swap3A_1392 : i32 to index
    %swap3A_1394 = arith.constant 32 : index
    %swap3A_1395 = tpu.vector_load %arg9[%swap3A_1393, %swap3A_1394] {strides = array<i32>} : memref<10x128xi32, #tpu.memory_space<vmem>>, vector<16xi32>,
    tpu.vector_store %arg9[%swap3A_1393, %swap3A_1394], %get3A_1391 {strides = array<i32>} : memref<10x128xi32, #tpu.memory_space<vmem>>, vector<16xi32>,
    %get3A_1396 = arith.constant 48 : index
    %get3A_1397 = tpu.vector_load %arg8[%get3A_1396] {strides = array<i32>} : memref<1280xi32, #tpu.memory_space<vmem>>, vector<16xi32>,
    %swap3A_1398 = arith.constant 0 : i32
    %swap3A_1399 = arith.index_cast %swap3A_1398 : i32 to index
    %swap3A_1400 = arith.constant 48 : index
    %swap3A_1401 = tpu.vector_load %arg9[%swap3A_1399, %swap3A_1400] {strides = array<i32>} : memref<10x128xi32, #tpu.memory_space<vmem>>, vector<16xi32>,
    tpu.vector_store %arg9[%swap3A_1399, %swap3A_1400], %get3A_1397 {strides = array<i32>} : memref<10x128xi32, #tpu.memory_space<vmem>>, vector<16xi32>,
    %get3A_1402 = arith.constant 64 : index
    %get3A_1403 = tpu.vector_load %arg8[%get3A_1402] {strides = array<i32>} : memref<1280xi32, #tpu.memory_space<vmem>>, vector<16xi32>,
    %swap3A_1404 = arith.constant 0 : i32
    %swap3A_1405 = arith.index_cast %swap3A_1404 : i32 to index
    %swap3A_1406 = arith.constant 64 : index
    %swap3A_1407 = tpu.vector_load %arg9[%swap3A_1405, %swap3A_1406] {strides = array<i32>} : memref<10x128xi32, #tpu.memory_space<vmem>>, vector<16xi32>,
    tpu.vector_store %arg9[%swap3A_1405, %swap3A_1406], %get3A_1403 {strides = array<i32>} : memref<10x128xi32, #tpu.memory_space<vmem>>, vector<16xi32>,
    %get3A_1408 = arith.constant 80 : index
    %get3A_1409 = tpu.vector_load %arg8[%get3A_1408] {strides = array<i32>} : memref<1280xi32, #tpu.memory_space<vmem>>, vector<16xi32>,
    %swap3A_1410 = arith.constant 0 : i32
    %swap3A_1411 = arith.index_cast %swap3A_1410 : i32 to index
    %swap3A_1412 = arith.constant 80 : index
    %swap3A_1413 = tpu.vector_load %arg9[%swap3A_1411, %swap3A_1412] {strides = array<i32>} : memref<10x128xi32, #tpu.memory_space<vmem>>, vector<16xi32>,
    tpu.vector_store %arg9[%swap3A_1411, %swap3A_1412], %get3A_1409 {strides = array<i32>} : memref<10x128xi32, #tpu.memory_space<vmem>>, vector<16xi32>,
    %get3A_1414 = arith.constant 96 : index
    %get3A_1415 = tpu.vector_load %arg8[%get3A_1414] {strides = array<i32>} : memref<1280xi32, #tpu.memory_space<vmem>>, vector<16xi32>,
    %swap3A_1416 = arith.constant 0 : i32
    %swap3A_1417 = arith.index_cast %swap3A_1416 : i32 to index
    %swap3A_1418 = arith.constant 96 : index
    %swap3A_1419 = tpu.vector_load %arg9[%swap3A_1417, %swap3A_1418] {strides = array<i32>} : memref<10x128xi32, #tpu.memory_space<vmem>>, vector<16xi32>,
    tpu.vector_store %arg9[%swap3A_1417, %swap3A_1418], %get3A_1415 {strides = array<i32>} : memref<10x128xi32, #tpu.memory_space<vmem>>, vector<16xi32>,
    %get3A_1420 = arith.constant 112 : index
    %get3A_1421 = tpu.vector_load %arg8[%get3A_1420] {strides = array<i32>} : memref<1280xi32, #tpu.memory_space<vmem>>, vector<16xi32>,
    %swap3A_1422 = arith.constant 0 : i32
    %swap3A_1423 = arith.index_cast %swap3A_1422 : i32 to index
    %swap3A_1424 = arith.constant 112 : index
    %swap3A_1425 = tpu.vector_load %arg9[%swap3A_1423, %swap3A_1424] {strides = array<i32>} : memref<10x128xi32, #tpu.memory_space<vmem>>, vector<16xi32>,
    tpu.vector_store %arg9[%swap3A_1423, %swap3A_1424], %get3A_1421 {strides = array<i32>} : memref<10x128xi32, #tpu.memory_space<vmem>>, vector<16xi32>,
    %get3A_1426 = arith.constant 128 : index
    %get3A_1427 = tpu.vector_load %arg8[%get3A_1426] {strides = array<i32>} : memref<1280xi32, #tpu.memory_space<vmem>>, vector<16xi32>,
    %swap3A_1428 = arith.constant 1 : i32
    %swap3A_1429 = arith.index_cast %swap3A_1428 : i32 to index
    %swap3A_1430 = arith.constant 0 : index
    %swap3A_1431 = tpu.vector_load %arg9[%swap3A_1429, %swap3A_1430] {strides = array<i32>} : memref<10x128xi32, #tpu.memory_space<vmem>>, vector<16xi32>,
    tpu.vector_store %arg9[%swap3A_1429, %swap3A_1430], %get3A_1427 {strides = array<i32>} : memref<10x128xi32, #tpu.memory_space<vmem>>, vector<16xi32>,
    %get3A_1432 = arith.constant 144 : index
    %get3A_1433 = tpu.vector_load %arg8[%get3A_1432] {strides = array<i32>} : memref<1280xi32, #tpu.memory_space<vmem>>, vector<16xi32>,
    %swap3A_1434 = arith.constant 1 : i32
    %swap3A_1435 = arith.index_cast %swap3A_1434 : i32 to index
    %swap3A_1436 = arith.constant 16 : index
    %swap3A_1437 = tpu.vector_load %arg9[%swap3A_1435, %swap3A_1436] {strides = array<i32>} : memref<10x128xi32, #tpu.memory_space<vmem>>, vector<16xi32>,
    tpu.vector_store %arg9[%swap3A_1435, %swap3A_1436], %get3A_1433 {strides = array<i32>} : memref<10x128xi32, #tpu.memory_space<vmem>>, vector<16xi32>,
    %get3A_1438 = arith.constant 160 : index
    %get3A_1439 = tpu.vector_load %arg8[%get3A_1438] {strides = array<i32>} : memref<1280xi32, #tpu.memory_space<vmem>>, vector<16xi32>,
    %swap3A_1440 = arith.constant 1 : i32
    %swap3A_1441 = arith.index_cast %swap3A_1440 : i32 to index
    %swap3A_1442 = arith.constant 32 : index
    %swap3A_1443 = tpu.vector_load %arg9[%swap3A_1441, %swap3A_1442] {strides = array<i32>} : memref<10x128xi32, #tpu.memory_space<vmem>>, vector<16xi32>,
    tpu.vector_store %arg9[%swap3A_1441, %swap3A_1442], %get3A_1439 {strides = array<i32>} : memref<10x128xi32, #tpu.memory_space<vmem>>, vector<16xi32>,
    %get3A_1444 = arith.constant 176 : index
    %get3A_1445 = tpu.vector_load %arg8[%get3A_1444] {strides = array<i32>} : memref<1280xi32, #tpu.memory_space<vmem>>, vector<16xi32>,
    %swap3A_1446 = arith.constant 1 : i32
    %swap3A_1447 = arith.index_cast %swap3A_1446 : i32 to index
    %swap3A_1448 = arith.constant 48 : index
    %swap3A_1449 = tpu.vector_load %arg9[%swap3A_1447, %swap3A_1448] {strides = array<i32>} : memref<10x128xi32, #tpu.memory_space<vmem>>, vector<16xi32>,
    tpu.vector_store %arg9[%swap3A_1447, %swap3A_1448], %get3A_1445 {strides = array<i32>} : memref<10x128xi32, #tpu.memory_space<vmem>>, vector<16xi32>,
    %get3A_1450 = arith.constant 192 : index
    %get3A_1451 = tpu.vector_load %arg8[%get3A_1450] {strides = array<i32>} : memref<1280xi32, #tpu.memory_space<vmem>>, vector<16xi32>,
    %swap3A_1452 = arith.constant 1 : i32
    %swap3A_1453 = arith.index_cast %swap3A_1452 : i32 to index
    %swap3A_1454 = arith.constant 64 : index
    %swap3A_1455 = tpu.vector_load %arg9[%swap3A_1453, %swap3A_1454] {strides = array<i32>} : memref<10x128xi32, #tpu.memory_space<vmem>>, vector<16xi32>,
    tpu.vector_store %arg9[%swap3A_1453, %swap3A_1454], %get3A_1451 {strides = array<i32>} : memref<10x128xi32, #tpu.memory_space<vmem>>, vector<16xi32>,
    %get3A_1456 = arith.constant 208 : index
    %get3A_1457 = tpu.vector_load %arg8[%get3A_1456] {strides = array<i32>} : memref<1280xi32, #tpu.memory_space<vmem>>, vector<16xi32>,
    %swap3A_1458 = arith.constant 1 : i32
    %swap3A_1459 = arith.index_cast %swap3A_1458 : i32 to index
    %swap3A_1460 = arith.constant 80 : index
    %swap3A_1461 = tpu.vector_load %arg9[%swap3A_1459, %swap3A_1460] {strides = array<i32>} : memref<10x128xi32, #tpu.memory_space<vmem>>, vector<16xi32>,
    tpu.vector_store %arg9[%swap3A_1459, %swap3A_1460], %get3A_1457 {strides = array<i32>} : memref<10x128xi32, #tpu.memory_space<vmem>>, vector<16xi32>,
    %get3A_1462 = arith.constant 224 : index
    %get3A_1463 = tpu.vector_load %arg8[%get3A_1462] {strides = array<i32>} : memref<1280xi32, #tpu.memory_space<vmem>>, vector<16xi32>,
    %swap3A_1464 = arith.constant 1 : i32
    %swap3A_1465 = arith.index_cast %swap3A_1464 : i32 to index
    %swap3A_1466 = arith.constant 96 : index
    %swap3A_1467 = tpu.vector_load %arg9[%swap3A_1465, %swap3A_1466] {strides = array<i32>} : memref<10x128xi32, #tpu.memory_space<vmem>>, vector<16xi32>,
    tpu.vector_store %arg9[%swap3A_1465, %swap3A_1466], %get3A_1463 {strides = array<i32>} : memref<10x128xi32, #tpu.memory_space<vmem>>, vector<16xi32>,
    %get3A_1468 = arith.constant 240 : index
    %get3A_1469 = tpu.vector_load %arg8[%get3A_1468] {strides = array<i32>} : memref<1280xi32, #tpu.memory_space<vmem>>, vector<16xi32>,
    %swap3A_1470 = arith.constant 1 : i32
    %swap3A_1471 = arith.index_cast %swap3A_1470 : i32 to index
    %swap3A_1472 = arith.constant 112 : index
    %swap3A_1473 = tpu.vector_load %arg9[%swap3A_1471, %swap3A_1472] {strides = array<i32>} : memref<10x128xi32, #tpu.memory_space<vmem>>, vector<16xi32>,
    tpu.vector_store %arg9[%swap3A_1471, %swap3A_1472], %get3A_1469 {strides = array<i32>} : memref<10x128xi32, #tpu.memory_space<vmem>>, vector<16xi32>,
    %get3A_1474 = arith.constant 256 : index
    %get3A_1475 = tpu.vector_load %arg8[%get3A_1474] {strides = array<i32>} : memref<1280xi32, #tpu.memory_space<vmem>>, vector<16xi32>,
    %swap3A_1476 = arith.constant 2 : i32
    %swap3A_1477 = arith.index_cast %swap3A_1476 : i32 to index
    %swap3A_1478 = arith.constant 0 : index
    %swap3A_1479 = tpu.vector_load %arg9[%swap3A_1477, %swap3A_1478] {strides = array<i32>} : memref<10x128xi32, #tpu.memory_space<vmem>>, vector<16xi32>,
    tpu.vector_store %arg9[%swap3A_1477, %swap3A_1478], %get3A_1475 {strides = array<i32>} : memref<10x128xi32, #tpu.memory_space<vmem>>, vector<16xi32>,
    %get3A_1480 = arith.constant 272 : index
    %get3A_1481 = tpu.vector_load %arg8[%get3A_1480] {strides = array<i32>} : memref<1280xi32, #tpu.memory_space<vmem>>, vector<16xi32>,
    %swap3A_1482 = arith.constant 2 : i32
    %swap3A_1483 = arith.index_cast %swap3A_1482 : i32 to index
    %swap3A_1484 = arith.constant 16 : index
    %swap3A_1485 = tpu.vector_load %arg9[%swap3A_1483, %swap3A_1484] {strides = array<i32>} : memref<10x128xi32, #tpu.memory_space<vmem>>, vector<16xi32>,
    tpu.vector_store %arg9[%swap3A_1483, %swap3A_1484], %get3A_1481 {strides = array<i32>} : memref<10x128xi32, #tpu.memory_space<vmem>>, vector<16xi32>,
    %get3A_1486 = arith.constant 288 : index
    %get3A_1487 = tpu.vector_load %arg8[%get3A_1486] {strides = array<i32>} : memref<1280xi32, #tpu.memory_space<vmem>>, vector<16xi32>,
    %swap3A_1488 = arith.constant 2 : i32
    %swap3A_1489 = arith.index_cast %swap3A_1488 : i32 to index
    %swap3A_1490 = arith.constant 32 : index
    %swap3A_1491 = tpu.vector_load %arg9[%swap3A_1489, %swap3A_1490] {strides = array<i32>} : memref<10x128xi32, #tpu.memory_space<vmem>>, vector<16xi32>,
    tpu.vector_store %arg9[%swap3A_1489, %swap3A_1490], %get3A_1487 {strides = array<i32>} : memref<10x128xi32, #tpu.memory_space<vmem>>, vector<16xi32>,
    %get3A_1492 = arith.constant 304 : index
    %get3A_1493 = tpu.vector_load %arg8[%get3A_1492] {strides = array<i32>} : memref<1280xi32, #tpu.memory_space<vmem>>, vector<16xi32>,
    %swap3A_1494 = arith.constant 2 : i32
    %swap3A_1495 = arith.index_cast %swap3A_1494 : i32 to index
    %swap3A_1496 = arith.constant 48 : index
    %swap3A_1497 = tpu.vector_load %arg9[%swap3A_1495, %swap3A_1496] {strides = array<i32>} : memref<10x128xi32, #tpu.memory_space<vmem>>, vector<16xi32>,
    tpu.vector_store %arg9[%swap3A_1495, %swap3A_1496], %get3A_1493 {strides = array<i32>} : memref<10x128xi32, #tpu.memory_space<vmem>>, vector<16xi32>,
    %get3A_1498 = arith.constant 320 : index
    %get3A_1499 = tpu.vector_load %arg8[%get3A_1498] {strides = array<i32>} : memref<1280xi32, #tpu.memory_space<vmem>>, vector<16xi32>,
    %swap3A_1500 = arith.constant 2 : i32
    %swap3A_1501 = arith.index_cast %swap3A_1500 : i32 to index
    %swap3A_1502 = arith.constant 64 : index
    %swap3A_1503 = tpu.vector_load %arg9[%swap3A_1501, %swap3A_1502] {strides = array<i32>} : memref<10x128xi32, #tpu.memory_space<vmem>>, vector<16xi32>,
    tpu.vector_store %arg9[%swap3A_1501, %swap3A_1502], %get3A_1499 {strides = array<i32>} : memref<10x128xi32, #tpu.memory_space<vmem>>, vector<16xi32>,
    %get3A_1504 = arith.constant 336 : index
    %get3A_1505 = tpu.vector_load %arg8[%get3A_1504] {strides = array<i32>} : memref<1280xi32, #tpu.memory_space<vmem>>, vector<16xi32>,
    %swap3A_1506 = arith.constant 2 : i32
    %swap3A_1507 = arith.index_cast %swap3A_1506 : i32 to index
    %swap3A_1508 = arith.constant 80 : index
    %swap3A_1509 = tpu.vector_load %arg9[%swap3A_1507, %swap3A_1508] {strides = array<i32>} : memref<10x128xi32, #tpu.memory_space<vmem>>, vector<16xi32>,
    tpu.vector_store %arg9[%swap3A_1507, %swap3A_1508], %get3A_1505 {strides = array<i32>} : memref<10x128xi32, #tpu.memory_space<vmem>>, vector<16xi32>,
    %get3A_1510 = arith.constant 352 : index
    %get3A_1511 = tpu.vector_load %arg8[%get3A_1510] {strides = array<i32>} : memref<1280xi32, #tpu.memory_space<vmem>>, vector<16xi32>,
    %swap3A_1512 = arith.constant 2 : i32
    %swap3A_1513 = arith.index_cast %swap3A_1512 : i32 to index
    %swap3A_1514 = arith.constant 96 : index
    %swap3A_1515 = tpu.vector_load %arg9[%swap3A_1513, %swap3A_1514] {strides = array<i32>} : memref<10x128xi32, #tpu.memory_space<vmem>>, vector<16xi32>,
    tpu.vector_store %arg9[%swap3A_1513, %swap3A_1514], %get3A_1511 {strides = array<i32>} : memref<10x128xi32, #tpu.memory_space<vmem>>, vector<16xi32>,
    %get3A_1516 = arith.constant 368 : index
    %get3A_1517 = tpu.vector_load %arg8[%get3A_1516] {strides = array<i32>} : memref<1280xi32, #tpu.memory_space<vmem>>, vector<16xi32>,
    %swap3A_1518 = arith.constant 2 : i32
    %swap3A_1519 = arith.index_cast %swap3A_1518 : i32 to index
    %swap3A_1520 = arith.constant 112 : index
    %swap3A_1521 = tpu.vector_load %arg9[%swap3A_1519, %swap3A_1520] {strides = array<i32>} : memref<10x128xi32, #tpu.memory_space<vmem>>, vector<16xi32>,
    tpu.vector_store %arg9[%swap3A_1519, %swap3A_1520], %get3A_1517 {strides = array<i32>} : memref<10x128xi32, #tpu.memory_space<vmem>>, vector<16xi32>,
    %get3A_1522 = arith.constant 384 : index
    %get3A_1523 = tpu.vector_load %arg8[%get3A_1522] {strides = array<i32>} : memref<1280xi32, #tpu.memory_space<vmem>>, vector<16xi32>,
    %swap3A_1524 = arith.constant 3 : i32
    %swap3A_1525 = arith.index_cast %swap3A_1524 : i32 to index
    %swap3A_1526 = arith.constant 0 : index
    %swap3A_1527 = tpu.vector_load %arg9[%swap3A_1525, %swap3A_1526] {strides = array<i32>} : memref<10x128xi32, #tpu.memory_space<vmem>>, vector<16xi32>,
    tpu.vector_store %arg9[%swap3A_1525, %swap3A_1526], %get3A_1523 {strides = array<i32>} : memref<10x128xi32, #tpu.memory_space<vmem>>, vector<16xi32>,
    %get3A_1528 = arith.constant 400 : index
    %get3A_1529 = tpu.vector_load %arg8[%get3A_1528] {strides = array<i32>} : memref<1280xi32, #tpu.memory_space<vmem>>, vector<16xi32>,
    %swap3A_1530 = arith.constant 3 : i32
    %swap3A_1531 = arith.index_cast %swap3A_1530 : i32 to index
    %swap3A_1532 = arith.constant 16 : index
    %swap3A_1533 = tpu.vector_load %arg9[%swap3A_1531, %swap3A_1532] {strides = array<i32>} : memref<10x128xi32, #tpu.memory_space<vmem>>, vector<16xi32>,
    tpu.vector_store %arg9[%swap3A_1531, %swap3A_1532], %get3A_1529 {strides = array<i32>} : memref<10x128xi32, #tpu.memory_space<vmem>>, vector<16xi32>,
    %get3A_1534 = arith.constant 416 : index
    %get3A_1535 = tpu.vector_load %arg8[%get3A_1534] {strides = array<i32>} : memref<1280xi32, #tpu.memory_space<vmem>>, vector<16xi32>,
    %swap3A_1536 = arith.constant 3 : i32
    %swap3A_1537 = arith.index_cast %swap3A_1536 : i32 to index
    %swap3A_1538 = arith.constant 32 : index
    %swap3A_1539 = tpu.vector_load %arg9[%swap3A_1537, %swap3A_1538] {strides = array<i32>} : memref<10x128xi32, #tpu.memory_space<vmem>>, vector<16xi32>,
    tpu.vector_store %arg9[%swap3A_1537, %swap3A_1538], %get3A_1535 {strides = array<i32>} : memref<10x128xi32, #tpu.memory_space<vmem>>, vector<16xi32>,
    %get3A_1540 = arith.constant 432 : index
    %get3A_1541 = tpu.vector_load %arg8[%get3A_1540] {strides = array<i32>} : memref<1280xi32, #tpu.memory_space<vmem>>, vector<16xi32>,
    %swap3A_1542 = arith.constant 3 : i32
    %swap3A_1543 = arith.index_cast %swap3A_1542 : i32 to index
    %swap3A_1544 = arith.constant 48 : index
    %swap3A_1545 = tpu.vector_load %arg9[%swap3A_1543, %swap3A_1544] {strides = array<i32>} : memref<10x128xi32, #tpu.memory_space<vmem>>, vector<16xi32>,
    tpu.vector_store %arg9[%swap3A_1543, %swap3A_1544], %get3A_1541 {strides = array<i32>} : memref<10x128xi32, #tpu.memory_space<vmem>>, vector<16xi32>,
    %get3A_1546 = arith.constant 448 : index
    %get3A_1547 = tpu.vector_load %arg8[%get3A_1546] {strides = array<i32>} : memref<1280xi32, #tpu.memory_space<vmem>>, vector<16xi32>,
    %swap3A_1548 = arith.constant 3 : i32
    %swap3A_1549 = arith.index_cast %swap3A_1548 : i32 to index
    %swap3A_1550 = arith.constant 64 : index
    %swap3A_1551 = tpu.vector_load %arg9[%swap3A_1549, %swap3A_1550] {strides = array<i32>} : memref<10x128xi32, #tpu.memory_space<vmem>>, vector<16xi32>,
    tpu.vector_store %arg9[%swap3A_1549, %swap3A_1550], %get3A_1547 {strides = array<i32>} : memref<10x128xi32, #tpu.memory_space<vmem>>, vector<16xi32>,
    %get3A_1552 = arith.constant 464 : index
    %get3A_1553 = tpu.vector_load %arg8[%get3A_1552] {strides = array<i32>} : memref<1280xi32, #tpu.memory_space<vmem>>, vector<16xi32>,
    %swap3A_1554 = arith.constant 3 : i32
    %swap3A_1555 = arith.index_cast %swap3A_1554 : i32 to index
    %swap3A_1556 = arith.constant 80 : index
    %swap3A_1557 = tpu.vector_load %arg9[%swap3A_1555, %swap3A_1556] {strides = array<i32>} : memref<10x128xi32, #tpu.memory_space<vmem>>, vector<16xi32>,
    tpu.vector_store %arg9[%swap3A_1555, %swap3A_1556], %get3A_1553 {strides = array<i32>} : memref<10x128xi32, #tpu.memory_space<vmem>>, vector<16xi32>,
    %get3A_1558 = arith.constant 480 : index
    %get3A_1559 = tpu.vector_load %arg8[%get3A_1558] {strides = array<i32>} : memref<1280xi32, #tpu.memory_space<vmem>>, vector<16xi32>,
    %swap3A_1560 = arith.constant 3 : i32
    %swap3A_1561 = arith.index_cast %swap3A_1560 : i32 to index
    %swap3A_1562 = arith.constant 96 : index
    %swap3A_1563 = tpu.vector_load %arg9[%swap3A_1561, %swap3A_1562] {strides = array<i32>} : memref<10x128xi32, #tpu.memory_space<vmem>>, vector<16xi32>,
    tpu.vector_store %arg9[%swap3A_1561, %swap3A_1562], %get3A_1559 {strides = array<i32>} : memref<10x128xi32, #tpu.memory_space<vmem>>, vector<16xi32>,
    %get3A_1564 = arith.constant 496 : index
    %get3A_1565 = tpu.vector_load %arg8[%get3A_1564] {strides = array<i32>} : memref<1280xi32, #tpu.memory_space<vmem>>, vector<16xi32>,
    %swap3A_1566 = arith.constant 3 : i32
    %swap3A_1567 = arith.index_cast %swap3A_1566 : i32 to index
    %swap3A_1568 = arith.constant 112 : index
    %swap3A_1569 = tpu.vector_load %arg9[%swap3A_1567, %swap3A_1568] {strides = array<i32>} : memref<10x128xi32, #tpu.memory_space<vmem>>, vector<16xi32>,
    tpu.vector_store %arg9[%swap3A_1567, %swap3A_1568], %get3A_1565 {strides = array<i32>} : memref<10x128xi32, #tpu.memory_space<vmem>>, vector<16xi32>,
    %get3A_1570 = arith.constant 512 : index
    %get3A_1571 = tpu.vector_load %arg8[%get3A_1570] {strides = array<i32>} : memref<1280xi32, #tpu.memory_space<vmem>>, vector<16xi32>,
    %swap3A_1572 = arith.constant 4 : i32
    %swap3A_1573 = arith.index_cast %swap3A_1572 : i32 to index
    %swap3A_1574 = arith.constant 0 : index
    %swap3A_1575 = tpu.vector_load %arg9[%swap3A_1573, %swap3A_1574] {strides = array<i32>} : memref<10x128xi32, #tpu.memory_space<vmem>>, vector<16xi32>,
    tpu.vector_store %arg9[%swap3A_1573, %swap3A_1574], %get3A_1571 {strides = array<i32>} : memref<10x128xi32, #tpu.memory_space<vmem>>, vector<16xi32>,
    %get3A_1576 = arith.constant 528 : index
    %get3A_1577 = tpu.vector_load %arg8[%get3A_1576] {strides = array<i32>} : memref<1280xi32, #tpu.memory_space<vmem>>, vector<16xi32>,
    %swap3A_1578 = arith.constant 4 : i32
    %swap3A_1579 = arith.index_cast %swap3A_1578 : i32 to index
    %swap3A_1580 = arith.constant 16 : index
    %swap3A_1581 = tpu.vector_load %arg9[%swap3A_1579, %swap3A_1580] {strides = array<i32>} : memref<10x128xi32, #tpu.memory_space<vmem>>, vector<16xi32>,
    tpu.vector_store %arg9[%swap3A_1579, %swap3A_1580], %get3A_1577 {strides = array<i32>} : memref<10x128xi32, #tpu.memory_space<vmem>>, vector<16xi32>,
    %get3A_1582 = arith.constant 544 : index
    %get3A_1583 = tpu.vector_load %arg8[%get3A_1582] {strides = array<i32>} : memref<1280xi32, #tpu.memory_space<vmem>>, vector<16xi32>,
    %swap3A_1584 = arith.constant 4 : i32
    %swap3A_1585 = arith.index_cast %swap3A_1584 : i32 to index
    %swap3A_1586 = arith.constant 32 : index
    %swap3A_1587 = tpu.vector_load %arg9[%swap3A_1585, %swap3A_1586] {strides = array<i32>} : memref<10x128xi32, #tpu.memory_space<vmem>>, vector<16xi32>,
    tpu.vector_store %arg9[%swap3A_1585, %swap3A_1586], %get3A_1583 {strides = array<i32>} : memref<10x128xi32, #tpu.memory_space<vmem>>, vector<16xi32>,
    %get3A_1588 = arith.constant 560 : index
    %get3A_1589 = tpu.vector_load %arg8[%get3A_1588] {strides = array<i32>} : memref<1280xi32, #tpu.memory_space<vmem>>, vector<16xi32>,
    %swap3A_1590 = arith.constant 4 : i32
    %swap3A_1591 = arith.index_cast %swap3A_1590 : i32 to index
    %swap3A_1592 = arith.constant 48 : index
    %swap3A_1593 = tpu.vector_load %arg9[%swap3A_1591, %swap3A_1592] {strides = array<i32>} : memref<10x128xi32, #tpu.memory_space<vmem>>, vector<16xi32>,
    tpu.vector_store %arg9[%swap3A_1591, %swap3A_1592], %get3A_1589 {strides = array<i32>} : memref<10x128xi32, #tpu.memory_space<vmem>>, vector<16xi32>,
    %get3A_1594 = arith.constant 576 : index
    %get3A_1595 = tpu.vector_load %arg8[%get3A_1594] {strides = array<i32>} : memref<1280xi32, #tpu.memory_space<vmem>>, vector<16xi32>,
    %swap3A_1596 = arith.constant 4 : i32
    %swap3A_1597 = arith.index_cast %swap3A_1596 : i32 to index
    %swap3A_1598 = arith.constant 64 : index
    %swap3A_1599 = tpu.vector_load %arg9[%swap3A_1597, %swap3A_1598] {strides = array<i32>} : memref<10x128xi32, #tpu.memory_space<vmem>>, vector<16xi32>,
    tpu.vector_store %arg9[%swap3A_1597, %swap3A_1598], %get3A_1595 {strides = array<i32>} : memref<10x128xi32, #tpu.memory_space<vmem>>, vector<16xi32>,
    %get3A_1600 = arith.constant 592 : index
    %get3A_1601 = tpu.vector_load %arg8[%get3A_1600] {strides = array<i32>} : memref<1280xi32, #tpu.memory_space<vmem>>, vector<16xi32>,
    %swap3A_1602 = arith.constant 4 : i32
    %swap3A_1603 = arith.index_cast %swap3A_1602 : i32 to index
    %swap3A_1604 = arith.constant 80 : index
    %swap3A_1605 = tpu.vector_load %arg9[%swap3A_1603, %swap3A_1604] {strides = array<i32>} : memref<10x128xi32, #tpu.memory_space<vmem>>, vector<16xi32>,
    tpu.vector_store %arg9[%swap3A_1603, %swap3A_1604], %get3A_1601 {strides = array<i32>} : memref<10x128xi32, #tpu.memory_space<vmem>>, vector<16xi32>,
    %get3A_1606 = arith.constant 608 : index
    %get3A_1607 = tpu.vector_load %arg8[%get3A_1606] {strides = array<i32>} : memref<1280xi32, #tpu.memory_space<vmem>>, vector<16xi32>,
    %swap3A_1608 = arith.constant 4 : i32
    %swap3A_1609 = arith.index_cast %swap3A_1608 : i32 to index
    %swap3A_1610 = arith.constant 96 : index
    %swap3A_1611 = tpu.vector_load %arg9[%swap3A_1609, %swap3A_1610] {strides = array<i32>} : memref<10x128xi32, #tpu.memory_space<vmem>>, vector<16xi32>,
    tpu.vector_store %arg9[%swap3A_1609, %swap3A_1610], %get3A_1607 {strides = array<i32>} : memref<10x128xi32, #tpu.memory_space<vmem>>, vector<16xi32>,
    %get3A_1612 = arith.constant 624 : index
    %get3A_1613 = tpu.vector_load %arg8[%get3A_1612] {strides = array<i32>} : memref<1280xi32, #tpu.memory_space<vmem>>, vector<16xi32>,
    %swap3A_1614 = arith.constant 4 : i32
    %swap3A_1615 = arith.index_cast %swap3A_1614 : i32 to index
    %swap3A_1616 = arith.constant 112 : index
    %swap3A_1617 = tpu.vector_load %arg9[%swap3A_1615, %swap3A_1616] {strides = array<i32>} : memref<10x128xi32, #tpu.memory_space<vmem>>, vector<16xi32>,
    tpu.vector_store %arg9[%swap3A_1615, %swap3A_1616], %get3A_1613 {strides = array<i32>} : memref<10x128xi32, #tpu.memory_space<vmem>>, vector<16xi32>,
    %get3A_1618 = arith.constant 640 : index
    %get3A_1619 = tpu.vector_load %arg8[%get3A_1618] {strides = array<i32>} : memref<1280xi32, #tpu.memory_space<vmem>>, vector<16xi32>,
    %swap3A_1620 = arith.constant 5 : i32
    %swap3A_1621 = arith.index_cast %swap3A_1620 : i32 to index
    %swap3A_1622 = arith.constant 0 : index
    %swap3A_1623 = tpu.vector_load %arg9[%swap3A_1621, %swap3A_1622] {strides = array<i32>} : memref<10x128xi32, #tpu.memory_space<vmem>>, vector<16xi32>,
    tpu.vector_store %arg9[%swap3A_1621, %swap3A_1622], %get3A_1619 {strides = array<i32>} : memref<10x128xi32, #tpu.memory_space<vmem>>, vector<16xi32>,
    %get3A_1624 = arith.constant 656 : index
    %get3A_1625 = tpu.vector_load %arg8[%get3A_1624] {strides = array<i32>} : memref<1280xi32, #tpu.memory_space<vmem>>, vector<16xi32>,
    %swap3A_1626 = arith.constant 5 : i32
    %swap3A_1627 = arith.index_cast %swap3A_1626 : i32 to index
    %swap3A_1628 = arith.constant 16 : index
    %swap3A_1629 = tpu.vector_load %arg9[%swap3A_1627, %swap3A_1628] {strides = array<i32>} : memref<10x128xi32, #tpu.memory_space<vmem>>, vector<16xi32>,
    tpu.vector_store %arg9[%swap3A_1627, %swap3A_1628], %get3A_1625 {strides = array<i32>} : memref<10x128xi32, #tpu.memory_space<vmem>>, vector<16xi32>,
    %get3A_1630 = arith.constant 672 : index
    %get3A_1631 = tpu.vector_load %arg8[%get3A_1630] {strides = array<i32>} : memref<1280xi32, #tpu.memory_space<vmem>>, vector<16xi32>,
    %swap3A_1632 = arith.constant 5 : i32
    %swap3A_1633 = arith.index_cast %swap3A_1632 : i32 to index
    %swap3A_1634 = arith.constant 32 : index
    %swap3A_1635 = tpu.vector_load %arg9[%swap3A_1633, %swap3A_1634] {strides = array<i32>} : memref<10x128xi32, #tpu.memory_space<vmem>>, vector<16xi32>,
    tpu.vector_store %arg9[%swap3A_1633, %swap3A_1634], %get3A_1631 {strides = array<i32>} : memref<10x128xi32, #tpu.memory_space<vmem>>, vector<16xi32>,
    %get3A_1636 = arith.constant 688 : index
    %get3A_1637 = tpu.vector_load %arg8[%get3A_1636] {strides = array<i32>} : memref<1280xi32, #tpu.memory_space<vmem>>, vector<16xi32>,
    %swap3A_1638 = arith.constant 5 : i32
    %swap3A_1639 = arith.index_cast %swap3A_1638 : i32 to index
    %swap3A_1640 = arith.constant 48 : index
    %swap3A_1641 = tpu.vector_load %arg9[%swap3A_1639, %swap3A_1640] {strides = array<i32>} : memref<10x128xi32, #tpu.memory_space<vmem>>, vector<16xi32>,
    tpu.vector_store %arg9[%swap3A_1639, %swap3A_1640], %get3A_1637 {strides = array<i32>} : memref<10x128xi32, #tpu.memory_space<vmem>>, vector<16xi32>,
    %get3A_1642 = arith.constant 704 : index
    %get3A_1643 = tpu.vector_load %arg8[%get3A_1642] {strides = array<i32>} : memref<1280xi32, #tpu.memory_space<vmem>>, vector<16xi32>,
    %swap3A_1644 = arith.constant 5 : i32
    %swap3A_1645 = arith.index_cast %swap3A_1644 : i32 to index
    %swap3A_1646 = arith.constant 64 : index
    %swap3A_1647 = tpu.vector_load %arg9[%swap3A_1645, %swap3A_1646] {strides = array<i32>} : memref<10x128xi32, #tpu.memory_space<vmem>>, vector<16xi32>,
    tpu.vector_store %arg9[%swap3A_1645, %swap3A_1646], %get3A_1643 {strides = array<i32>} : memref<10x128xi32, #tpu.memory_space<vmem>>, vector<16xi32>,
    %get3A_1648 = arith.constant 720 : index
    %get3A_1649 = tpu.vector_load %arg8[%get3A_1648] {strides = array<i32>} : memref<1280xi32, #tpu.memory_space<vmem>>, vector<16xi32>,
    %swap3A_1650 = arith.constant 5 : i32
    %swap3A_1651 = arith.index_cast %swap3A_1650 : i32 to index
    %swap3A_1652 = arith.constant 80 : index
    %swap3A_1653 = tpu.vector_load %arg9[%swap3A_1651, %swap3A_1652] {strides = array<i32>} : memref<10x128xi32, #tpu.memory_space<vmem>>, vector<16xi32>,
    tpu.vector_store %arg9[%swap3A_1651, %swap3A_1652], %get3A_1649 {strides = array<i32>} : memref<10x128xi32, #tpu.memory_space<vmem>>, vector<16xi32>,
    %get3A_1654 = arith.constant 736 : index
    %get3A_1655 = tpu.vector_load %arg8[%get3A_1654] {strides = array<i32>} : memref<1280xi32, #tpu.memory_space<vmem>>, vector<16xi32>,
    %swap3A_1656 = arith.constant 5 : i32
    %swap3A_1657 = arith.index_cast %swap3A_1656 : i32 to index
    %swap3A_1658 = arith.constant 96 : index
    %swap3A_1659 = tpu.vector_load %arg9[%swap3A_1657, %swap3A_1658] {strides = array<i32>} : memref<10x128xi32, #tpu.memory_space<vmem>>, vector<16xi32>,
    tpu.vector_store %arg9[%swap3A_1657, %swap3A_1658], %get3A_1655 {strides = array<i32>} : memref<10x128xi32, #tpu.memory_space<vmem>>, vector<16xi32>,
    %get3A_1660 = arith.constant 752 : index
    %get3A_1661 = tpu.vector_load %arg8[%get3A_1660] {strides = array<i32>} : memref<1280xi32, #tpu.memory_space<vmem>>, vector<16xi32>,
    %swap3A_1662 = arith.constant 5 : i32
    %swap3A_1663 = arith.index_cast %swap3A_1662 : i32 to index
    %swap3A_1664 = arith.constant 112 : index
    %swap3A_1665 = tpu.vector_load %arg9[%swap3A_1663, %swap3A_1664] {strides = array<i32>} : memref<10x128xi32, #tpu.memory_space<vmem>>, vector<16xi32>,
    tpu.vector_store %arg9[%swap3A_1663, %swap3A_1664], %get3A_1661 {strides = array<i32>} : memref<10x128xi32, #tpu.memory_space<vmem>>, vector<16xi32>,
    %get3A_1666 = arith.constant 768 : index
    %get3A_1667 = tpu.vector_load %arg8[%get3A_1666] {strides = array<i32>} : memref<1280xi32, #tpu.memory_space<vmem>>, vector<16xi32>,
    %swap3A_1668 = arith.constant 6 : i32
    %swap3A_1669 = arith.index_cast %swap3A_1668 : i32 to index
    %swap3A_1670 = arith.constant 0 : index
    %swap3A_1671 = tpu.vector_load %arg9[%swap3A_1669, %swap3A_1670] {strides = array<i32>} : memref<10x128xi32, #tpu.memory_space<vmem>>, vector<16xi32>,
    tpu.vector_store %arg9[%swap3A_1669, %swap3A_1670], %get3A_1667 {strides = array<i32>} : memref<10x128xi32, #tpu.memory_space<vmem>>, vector<16xi32>,
    %get3A_1672 = arith.constant 784 : index
    %get3A_1673 = tpu.vector_load %arg8[%get3A_1672] {strides = array<i32>} : memref<1280xi32, #tpu.memory_space<vmem>>, vector<16xi32>,
    %swap3A_1674 = arith.constant 6 : i32
    %swap3A_1675 = arith.index_cast %swap3A_1674 : i32 to index
    %swap3A_1676 = arith.constant 16 : index
    %swap3A_1677 = tpu.vector_load %arg9[%swap3A_1675, %swap3A_1676] {strides = array<i32>} : memref<10x128xi32, #tpu.memory_space<vmem>>, vector<16xi32>,
    tpu.vector_store %arg9[%swap3A_1675, %swap3A_1676], %get3A_1673 {strides = array<i32>} : memref<10x128xi32, #tpu.memory_space<vmem>>, vector<16xi32>,
    %get3A_1678 = arith.constant 800 : index
    %get3A_1679 = tpu.vector_load %arg8[%get3A_1678] {strides = array<i32>} : memref<1280xi32, #tpu.memory_space<vmem>>, vector<16xi32>,
    %swap3A_1680 = arith.constant 6 : i32
    %swap3A_1681 = arith.index_cast %swap3A_1680 : i32 to index
    %swap3A_1682 = arith.constant 32 : index
    %swap3A_1683 = tpu.vector_load %arg9[%swap3A_1681, %swap3A_1682] {strides = array<i32>} : memref<10x128xi32, #tpu.memory_space<vmem>>, vector<16xi32>,
    tpu.vector_store %arg9[%swap3A_1681, %swap3A_1682], %get3A_1679 {strides = array<i32>} : memref<10x128xi32, #tpu.memory_space<vmem>>, vector<16xi32>,
    %get3A_1684 = arith.constant 816 : index
    %get3A_1685 = tpu.vector_load %arg8[%get3A_1684] {strides = array<i32>} : memref<1280xi32, #tpu.memory_space<vmem>>, vector<16xi32>,
    %swap3A_1686 = arith.constant 6 : i32
    %swap3A_1687 = arith.index_cast %swap3A_1686 : i32 to index
    %swap3A_1688 = arith.constant 48 : index
    %swap3A_1689 = tpu.vector_load %arg9[%swap3A_1687, %swap3A_1688] {strides = array<i32>} : memref<10x128xi32, #tpu.memory_space<vmem>>, vector<16xi32>,
    tpu.vector_store %arg9[%swap3A_1687, %swap3A_1688], %get3A_1685 {strides = array<i32>} : memref<10x128xi32, #tpu.memory_space<vmem>>, vector<16xi32>,
    %get3A_1690 = arith.constant 832 : index
    %get3A_1691 = tpu.vector_load %arg8[%get3A_1690] {strides = array<i32>} : memref<1280xi32, #tpu.memory_space<vmem>>, vector<16xi32>,
    %swap3A_1692 = arith.constant 6 : i32
    %swap3A_1693 = arith.index_cast %swap3A_1692 : i32 to index
    %swap3A_1694 = arith.constant 64 : index
    %swap3A_1695 = tpu.vector_load %arg9[%swap3A_1693, %swap3A_1694] {strides = array<i32>} : memref<10x128xi32, #tpu.memory_space<vmem>>, vector<16xi32>,
    tpu.vector_store %arg9[%swap3A_1693, %swap3A_1694], %get3A_1691 {strides = array<i32>} : memref<10x128xi32, #tpu.memory_space<vmem>>, vector<16xi32>,
    %get3A_1696 = arith.constant 848 : index
    %get3A_1697 = tpu.vector_load %arg8[%get3A_1696] {strides = array<i32>} : memref<1280xi32, #tpu.memory_space<vmem>>, vector<16xi32>,
    %swap3A_1698 = arith.constant 6 : i32
    %swap3A_1699 = arith.index_cast %swap3A_1698 : i32 to index
    %swap3A_1700 = arith.constant 80 : index
    %swap3A_1701 = tpu.vector_load %arg9[%swap3A_1699, %swap3A_1700] {strides = array<i32>} : memref<10x128xi32, #tpu.memory_space<vmem>>, vector<16xi32>,
    tpu.vector_store %arg9[%swap3A_1699, %swap3A_1700], %get3A_1697 {strides = array<i32>} : memref<10x128xi32, #tpu.memory_space<vmem>>, vector<16xi32>,
    %get3A_1702 = arith.constant 864 : index
    %get3A_1703 = tpu.vector_load %arg8[%get3A_1702] {strides = array<i32>} : memref<1280xi32, #tpu.memory_space<vmem>>, vector<16xi32>,
    %swap3A_1704 = arith.constant 6 : i32
    %swap3A_1705 = arith.index_cast %swap3A_1704 : i32 to index
    %swap3A_1706 = arith.constant 96 : index
    %swap3A_1707 = tpu.vector_load %arg9[%swap3A_1705, %swap3A_1706] {strides = array<i32>} : memref<10x128xi32, #tpu.memory_space<vmem>>, vector<16xi32>,
    tpu.vector_store %arg9[%swap3A_1705, %swap3A_1706], %get3A_1703 {strides = array<i32>} : memref<10x128xi32, #tpu.memory_space<vmem>>, vector<16xi32>,
    %get3A_1708 = arith.constant 880 : index
    %get3A_1709 = tpu.vector_load %arg8[%get3A_1708] {strides = array<i32>} : memref<1280xi32, #tpu.memory_space<vmem>>, vector<16xi32>,
    %swap3A_1710 = arith.constant 6 : i32
    %swap3A_1711 = arith.index_cast %swap3A_1710 : i32 to index
    %swap3A_1712 = arith.constant 112 : index
    %swap3A_1713 = tpu.vector_load %arg9[%swap3A_1711, %swap3A_1712] {strides = array<i32>} : memref<10x128xi32, #tpu.memory_space<vmem>>, vector<16xi32>,
    tpu.vector_store %arg9[%swap3A_1711, %swap3A_1712], %get3A_1709 {strides = array<i32>} : memref<10x128xi32, #tpu.memory_space<vmem>>, vector<16xi32>,
    %get3A_1714 = arith.constant 896 : index
    %get3A_1715 = tpu.vector_load %arg8[%get3A_1714] {strides = array<i32>} : memref<1280xi32, #tpu.memory_space<vmem>>, vector<16xi32>,
    %swap3A_1716 = arith.constant 7 : i32
    %swap3A_1717 = arith.index_cast %swap3A_1716 : i32 to index
    %swap3A_1718 = arith.constant 0 : index
    %swap3A_1719 = tpu.vector_load %arg9[%swap3A_1717, %swap3A_1718] {strides = array<i32>} : memref<10x128xi32, #tpu.memory_space<vmem>>, vector<16xi32>,
    tpu.vector_store %arg9[%swap3A_1717, %swap3A_1718], %get3A_1715 {strides = array<i32>} : memref<10x128xi32, #tpu.memory_space<vmem>>, vector<16xi32>,
    %get3A_1720 = arith.constant 912 : index
    %get3A_1721 = tpu.vector_load %arg8[%get3A_1720] {strides = array<i32>} : memref<1280xi32, #tpu.memory_space<vmem>>, vector<16xi32>,
    %swap3A_1722 = arith.constant 7 : i32
    %swap3A_1723 = arith.index_cast %swap3A_1722 : i32 to index
    %swap3A_1724 = arith.constant 16 : index
    %swap3A_1725 = tpu.vector_load %arg9[%swap3A_1723, %swap3A_1724] {strides = array<i32>} : memref<10x128xi32, #tpu.memory_space<vmem>>, vector<16xi32>,
    tpu.vector_store %arg9[%swap3A_1723, %swap3A_1724], %get3A_1721 {strides = array<i32>} : memref<10x128xi32, #tpu.memory_space<vmem>>, vector<16xi32>,
    %get3A_1726 = arith.constant 928 : index
    %get3A_1727 = tpu.vector_load %arg8[%get3A_1726] {strides = array<i32>} : memref<1280xi32, #tpu.memory_space<vmem>>, vector<16xi32>,
    %swap3A_1728 = arith.constant 7 : i32
    %swap3A_1729 = arith.index_cast %swap3A_1728 : i32 to index
    %swap3A_1730 = arith.constant 32 : index
    %swap3A_1731 = tpu.vector_load %arg9[%swap3A_1729, %swap3A_1730] {strides = array<i32>} : memref<10x128xi32, #tpu.memory_space<vmem>>, vector<16xi32>,
    tpu.vector_store %arg9[%swap3A_1729, %swap3A_1730], %get3A_1727 {strides = array<i32>} : memref<10x128xi32, #tpu.memory_space<vmem>>, vector<16xi32>,
    %get3A_1732 = arith.constant 944 : index
    %get3A_1733 = tpu.vector_load %arg8[%get3A_1732] {strides = array<i32>} : memref<1280xi32, #tpu.memory_space<vmem>>, vector<16xi32>,
    %swap3A_1734 = arith.constant 7 : i32
    %swap3A_1735 = arith.index_cast %swap3A_1734 : i32 to index
    %swap3A_1736 = arith.constant 48 : index
    %swap3A_1737 = tpu.vector_load %arg9[%swap3A_1735, %swap3A_1736] {strides = array<i32>} : memref<10x128xi32, #tpu.memory_space<vmem>>, vector<16xi32>,
    tpu.vector_store %arg9[%swap3A_1735, %swap3A_1736], %get3A_1733 {strides = array<i32>} : memref<10x128xi32, #tpu.memory_space<vmem>>, vector<16xi32>,
    %get3A_1738 = arith.constant 960 : index
    %get3A_1739 = tpu.vector_load %arg8[%get3A_1738] {strides = array<i32>} : memref<1280xi32, #tpu.memory_space<vmem>>, vector<16xi32>,
    %swap3A_1740 = arith.constant 7 : i32
    %swap3A_1741 = arith.index_cast %swap3A_1740 : i32 to index
    %swap3A_1742 = arith.constant 64 : index
    %swap3A_1743 = tpu.vector_load %arg9[%swap3A_1741, %swap3A_1742] {strides = array<i32>} : memref<10x128xi32, #tpu.memory_space<vmem>>, vector<16xi32>,
    tpu.vector_store %arg9[%swap3A_1741, %swap3A_1742], %get3A_1739 {strides = array<i32>} : memref<10x128xi32, #tpu.memory_space<vmem>>, vector<16xi32>,
    %get3A_1744 = arith.constant 976 : index
    %get3A_1745 = tpu.vector_load %arg8[%get3A_1744] {strides = array<i32>} : memref<1280xi32, #tpu.memory_space<vmem>>, vector<16xi32>,
    %swap3A_1746 = arith.constant 7 : i32
    %swap3A_1747 = arith.index_cast %swap3A_1746 : i32 to index
    %swap3A_1748 = arith.constant 80 : index
    %swap3A_1749 = tpu.vector_load %arg9[%swap3A_1747, %swap3A_1748] {strides = array<i32>} : memref<10x128xi32, #tpu.memory_space<vmem>>, vector<16xi32>,
    tpu.vector_store %arg9[%swap3A_1747, %swap3A_1748], %get3A_1745 {strides = array<i32>} : memref<10x128xi32, #tpu.memory_space<vmem>>, vector<16xi32>,
    %get3A_1750 = arith.constant 992 : index
    %get3A_1751 = tpu.vector_load %arg8[%get3A_1750] {strides = array<i32>} : memref<1280xi32, #tpu.memory_space<vmem>>, vector<16xi32>,
    %swap3A_1752 = arith.constant 7 : i32
    %swap3A_1753 = arith.index_cast %swap3A_1752 : i32 to index
    %swap3A_1754 = arith.constant 96 : index
    %swap3A_1755 = tpu.vector_load %arg9[%swap3A_1753, %swap3A_1754] {strides = array<i32>} : memref<10x128xi32, #tpu.memory_space<vmem>>, vector<16xi32>,
    tpu.vector_store %arg9[%swap3A_1753, %swap3A_1754], %get3A_1751 {strides = array<i32>} : memref<10x128xi32, #tpu.memory_space<vmem>>, vector<16xi32>,
    %get3A_1756 = arith.constant 1008 : index
    %get3A_1757 = tpu.vector_load %arg8[%get3A_1756] {strides = array<i32>} : memref<1280xi32, #tpu.memory_space<vmem>>, vector<16xi32>,
    %swap3A_1758 = arith.constant 7 : i32
    %swap3A_1759 = arith.index_cast %swap3A_1758 : i32 to index
    %swap3A_1760 = arith.constant 112 : index
    %swap3A_1761 = tpu.vector_load %arg9[%swap3A_1759, %swap3A_1760] {strides = array<i32>} : memref<10x128xi32, #tpu.memory_space<vmem>>, vector<16xi32>,
    tpu.vector_store %arg9[%swap3A_1759, %swap3A_1760], %get3A_1757 {strides = array<i32>} : memref<10x128xi32, #tpu.memory_space<vmem>>, vector<16xi32>,
    %get3A_1762 = arith.constant 1024 : index
    %get3A_1763 = tpu.vector_load %arg8[%get3A_1762] {strides = array<i32>} : memref<1280xi32, #tpu.memory_space<vmem>>, vector<16xi32>,
    %swap3A_1764 = arith.constant 8 : i32
    %swap3A_1765 = arith.index_cast %swap3A_1764 : i32 to index
    %swap3A_1766 = arith.constant 0 : index
    %swap3A_1767 = tpu.vector_load %arg9[%swap3A_1765, %swap3A_1766] {strides = array<i32>} : memref<10x128xi32, #tpu.memory_space<vmem>>, vector<16xi32>,
    tpu.vector_store %arg9[%swap3A_1765, %swap3A_1766], %get3A_1763 {strides = array<i32>} : memref<10x128xi32, #tpu.memory_space<vmem>>, vector<16xi32>,
    %get3A_1768 = arith.constant 1040 : index
    %get3A_1769 = tpu.vector_load %arg8[%get3A_1768] {strides = array<i32>} : memref<1280xi32, #tpu.memory_space<vmem>>, vector<16xi32>,
    %swap3A_1770 = arith.constant 8 : i32
    %swap3A_1771 = arith.index_cast %swap3A_1770 : i32 to index
    %swap3A_1772 = arith.constant 16 : index
    %swap3A_1773 = tpu.vector_load %arg9[%swap3A_1771, %swap3A_1772] {strides = array<i32>} : memref<10x128xi32, #tpu.memory_space<vmem>>, vector<16xi32>,
    tpu.vector_store %arg9[%swap3A_1771, %swap3A_1772], %get3A_1769 {strides = array<i32>} : memref<10x128xi32, #tpu.memory_space<vmem>>, vector<16xi32>,
    %get3A_1774 = arith.constant 1056 : index
    %get3A_1775 = tpu.vector_load %arg8[%get3A_1774] {strides = array<i32>} : memref<1280xi32, #tpu.memory_space<vmem>>, vector<16xi32>,
    %swap3A_1776 = arith.constant 8 : i32
    %swap3A_1777 = arith.index_cast %swap3A_1776 : i32 to index
    %swap3A_1778 = arith.constant 32 : index
    %swap3A_1779 = tpu.vector_load %arg9[%swap3A_1777, %swap3A_1778] {strides = array<i32>} : memref<10x128xi32, #tpu.memory_space<vmem>>, vector<16xi32>,
    tpu.vector_store %arg9[%swap3A_1777, %swap3A_1778], %get3A_1775 {strides = array<i32>} : memref<10x128xi32, #tpu.memory_space<vmem>>, vector<16xi32>,
    %get3A_1780 = arith.constant 1072 : index
    %get3A_1781 = tpu.vector_load %arg8[%get3A_1780] {strides = array<i32>} : memref<1280xi32, #tpu.memory_space<vmem>>, vector<16xi32>,
    %swap3A_1782 = arith.constant 8 : i32
    %swap3A_1783 = arith.index_cast %swap3A_1782 : i32 to index
    %swap3A_1784 = arith.constant 48 : index
    %swap3A_1785 = tpu.vector_load %arg9[%swap3A_1783, %swap3A_1784] {strides = array<i32>} : memref<10x128xi32, #tpu.memory_space<vmem>>, vector<16xi32>,
    tpu.vector_store %arg9[%swap3A_1783, %swap3A_1784], %get3A_1781 {strides = array<i32>} : memref<10x128xi32, #tpu.memory_space<vmem>>, vector<16xi32>,
    %get3A_1786 = arith.constant 1088 : index
    %get3A_1787 = tpu.vector_load %arg8[%get3A_1786] {strides = array<i32>} : memref<1280xi32, #tpu.memory_space<vmem>>, vector<16xi32>,
    %swap3A_1788 = arith.constant 8 : i32
    %swap3A_1789 = arith.index_cast %swap3A_1788 : i32 to index
    %swap3A_1790 = arith.constant 64 : index
    %swap3A_1791 = tpu.vector_load %arg9[%swap3A_1789, %swap3A_1790] {strides = array<i32>} : memref<10x128xi32, #tpu.memory_space<vmem>>, vector<16xi32>,
    tpu.vector_store %arg9[%swap3A_1789, %swap3A_1790], %get3A_1787 {strides = array<i32>} : memref<10x128xi32, #tpu.memory_space<vmem>>, vector<16xi32>,
    %get3A_1792 = arith.constant 1104 : index
    %get3A_1793 = tpu.vector_load %arg8[%get3A_1792] {strides = array<i32>} : memref<1280xi32, #tpu.memory_space<vmem>>, vector<16xi32>,
    %swap3A_1794 = arith.constant 8 : i32
    %swap3A_1795 = arith.index_cast %swap3A_1794 : i32 to index
    %swap3A_1796 = arith.constant 80 : index
    %swap3A_1797 = tpu.vector_load %arg9[%swap3A_1795, %swap3A_1796] {strides = array<i32>} : memref<10x128xi32, #tpu.memory_space<vmem>>, vector<16xi32>,
    tpu.vector_store %arg9[%swap3A_1795, %swap3A_1796], %get3A_1793 {strides = array<i32>} : memref<10x128xi32, #tpu.memory_space<vmem>>, vector<16xi32>,
    %get3A_1798 = arith.constant 1120 : index
    %get3A_1799 = tpu.vector_load %arg8[%get3A_1798] {strides = array<i32>} : memref<1280xi32, #tpu.memory_space<vmem>>, vector<16xi32>,
    %swap3A_1800 = arith.constant 8 : i32
    %swap3A_1801 = arith.index_cast %swap3A_1800 : i32 to index
    %swap3A_1802 = arith.constant 96 : index
    %swap3A_1803 = tpu.vector_load %arg9[%swap3A_1801, %swap3A_1802] {strides = array<i32>} : memref<10x128xi32, #tpu.memory_space<vmem>>, vector<16xi32>,
    tpu.vector_store %arg9[%swap3A_1801, %swap3A_1802], %get3A_1799 {strides = array<i32>} : memref<10x128xi32, #tpu.memory_space<vmem>>, vector<16xi32>,
    %get3A_1804 = arith.constant 1136 : index
    %get3A_1805 = tpu.vector_load %arg8[%get3A_1804] {strides = array<i32>} : memref<1280xi32, #tpu.memory_space<vmem>>, vector<16xi32>,
    %swap3A_1806 = arith.constant 8 : i32
    %swap3A_1807 = arith.index_cast %swap3A_1806 : i32 to index
    %swap3A_1808 = arith.constant 112 : index
    %swap3A_1809 = tpu.vector_load %arg9[%swap3A_1807, %swap3A_1808] {strides = array<i32>} : memref<10x128xi32, #tpu.memory_space<vmem>>, vector<16xi32>,
    tpu.vector_store %arg9[%swap3A_1807, %swap3A_1808], %get3A_1805 {strides = array<i32>} : memref<10x128xi32, #tpu.memory_space<vmem>>, vector<16xi32>,
    %get3A_1810 = arith.constant 1152 : index
    %get3A_1811 = tpu.vector_load %arg8[%get3A_1810] {strides = array<i32>} : memref<1280xi32, #tpu.memory_space<vmem>>, vector<16xi32>,
    %swap3A_1812 = arith.constant 9 : i32
    %swap3A_1813 = arith.index_cast %swap3A_1812 : i32 to index
    %swap3A_1814 = arith.constant 0 : index
    %swap3A_1815 = tpu.vector_load %arg9[%swap3A_1813, %swap3A_1814] {strides = array<i32>} : memref<10x128xi32, #tpu.memory_space<vmem>>, vector<16xi32>,
    tpu.vector_store %arg9[%swap3A_1813, %swap3A_1814], %get3A_1811 {strides = array<i32>} : memref<10x128xi32, #tpu.memory_space<vmem>>, vector<16xi32>,
    %get3A_1816 = arith.constant 1168 : index
    %get3A_1817 = tpu.vector_load %arg8[%get3A_1816] {strides = array<i32>} : memref<1280xi32, #tpu.memory_space<vmem>>, vector<16xi32>,
    %swap3A_1818 = arith.constant 9 : i32
    %swap3A_1819 = arith.index_cast %swap3A_1818 : i32 to index
    %swap3A_1820 = arith.constant 16 : index
    %swap3A_1821 = tpu.vector_load %arg9[%swap3A_1819, %swap3A_1820] {strides = array<i32>} : memref<10x128xi32, #tpu.memory_space<vmem>>, vector<16xi32>,
    tpu.vector_store %arg9[%swap3A_1819, %swap3A_1820], %get3A_1817 {strides = array<i32>} : memref<10x128xi32, #tpu.memory_space<vmem>>, vector<16xi32>,
    %get3A_1822 = arith.constant 1184 : index
    %get3A_1823 = tpu.vector_load %arg8[%get3A_1822] {strides = array<i32>} : memref<1280xi32, #tpu.memory_space<vmem>>, vector<16xi32>,
    %swap3A_1824 = arith.constant 9 : i32
    %swap3A_1825 = arith.index_cast %swap3A_1824 : i32 to index
    %swap3A_1826 = arith.constant 32 : index
    %swap3A_1827 = tpu.vector_load %arg9[%swap3A_1825, %swap3A_1826] {strides = array<i32>} : memref<10x128xi32, #tpu.memory_space<vmem>>, vector<16xi32>,
    tpu.vector_store %arg9[%swap3A_1825, %swap3A_1826], %get3A_1823 {strides = array<i32>} : memref<10x128xi32, #tpu.memory_space<vmem>>, vector<16xi32>,
    %get3A_1828 = arith.constant 1200 : index
    %get3A_1829 = tpu.vector_load %arg8[%get3A_1828] {strides = array<i32>} : memref<1280xi32, #tpu.memory_space<vmem>>, vector<16xi32>,
    %swap3A_1830 = arith.constant 9 : i32
    %swap3A_1831 = arith.index_cast %swap3A_1830 : i32 to index
    %swap3A_1832 = arith.constant 48 : index
    %swap3A_1833 = tpu.vector_load %arg9[%swap3A_1831, %swap3A_1832] {strides = array<i32>} : memref<10x128xi32, #tpu.memory_space<vmem>>, vector<16xi32>,
    tpu.vector_store %arg9[%swap3A_1831, %swap3A_1832], %get3A_1829 {strides = array<i32>} : memref<10x128xi32, #tpu.memory_space<vmem>>, vector<16xi32>,
    %get3A_1834 = arith.constant 1216 : index
    %get3A_1835 = tpu.vector_load %arg8[%get3A_1834] {strides = array<i32>} : memref<1280xi32, #tpu.memory_space<vmem>>, vector<16xi32>,
    %swap3A_1836 = arith.constant 9 : i32
    %swap3A_1837 = arith.index_cast %swap3A_1836 : i32 to index
    %swap3A_1838 = arith.constant 64 : index
    %swap3A_1839 = tpu.vector_load %arg9[%swap3A_1837, %swap3A_1838] {strides = array<i32>} : memref<10x128xi32, #tpu.memory_space<vmem>>, vector<16xi32>,
    tpu.vector_store %arg9[%swap3A_1837, %swap3A_1838], %get3A_1835 {strides = array<i32>} : memref<10x128xi32, #tpu.memory_space<vmem>>, vector<16xi32>,
    %get3A_1840 = arith.constant 1232 : index
    %get3A_1841 = tpu.vector_load %arg8[%get3A_1840] {strides = array<i32>} : memref<1280xi32, #tpu.memory_space<vmem>>, vector<16xi32>,
    %swap3A_1842 = arith.constant 9 : i32
    %swap3A_1843 = arith.index_cast %swap3A_1842 : i32 to index
    %swap3A_1844 = arith.constant 80 : index
    %swap3A_1845 = tpu.vector_load %arg9[%swap3A_1843, %swap3A_1844] {strides = array<i32>} : memref<10x128xi32, #tpu.memory_space<vmem>>, vector<16xi32>,
    tpu.vector_store %arg9[%swap3A_1843, %swap3A_1844], %get3A_1841 {strides = array<i32>} : memref<10x128xi32, #tpu.memory_space<vmem>>, vector<16xi32>,
    %get3A_1846 = arith.constant 1248 : index
    %get3A_1847 = tpu.vector_load %arg8[%get3A_1846] {strides = array<i32>} : memref<1280xi32, #tpu.memory_space<vmem>>, vector<16xi32>,
    %swap3A_1848 = arith.constant 9 : i32
    %swap3A_1849 = arith.index_cast %swap3A_1848 : i32 to index
    %swap3A_1850 = arith.constant 96 : index
    %swap3A_1851 = tpu.vector_load %arg9[%swap3A_1849, %swap3A_1850] {strides = array<i32>} : memref<10x128xi32, #tpu.memory_space<vmem>>, vector<16xi32>,
    tpu.vector_store %arg9[%swap3A_1849, %swap3A_1850], %get3A_1847 {strides = array<i32>} : memref<10x128xi32, #tpu.memory_space<vmem>>, vector<16xi32>,
    %get3A_1852 = arith.constant 1264 : index
    %get3A_1853 = tpu.vector_load %arg8[%get3A_1852] {strides = array<i32>} : memref<1280xi32, #tpu.memory_space<vmem>>, vector<16xi32>,
    %swap3A_1854 = arith.constant 9 : i32
    %swap3A_1855 = arith.index_cast %swap3A_1854 : i32 to index
    %swap3A_1856 = arith.constant 112 : index
    %swap3A_1857 = tpu.vector_load %arg9[%swap3A_1855, %swap3A_1856] {strides = array<i32>} : memref<10x128xi32, #tpu.memory_space<vmem>>, vector<16xi32>,
    tpu.vector_store %arg9[%swap3A_1855, %swap3A_1856], %get3A_1853 {strides = array<i32>} : memref<10x128xi32, #tpu.memory_space<vmem>>, vector<16xi32>,
    %dma_start3A_1858 = arith.constant 0 : i32
    %dma_start3A_1859 = arith.constant 0 : i32
    %dma_start3A_1860 = tpu.memref_slice %arg7[%dma_start3A_1859] : memref<1280xi32, #tpu.memory_space<vmem>> -> memref<128xi32, #tpu.memory_space<vmem>>
    %dma_start3A_1861 = arith.constant 0 : i32
    %dma_start3A_1862 = tpu.memref_slice %arg9[%dma_start3A_1858, %dma_start3A_1861] : memref<10x128xi32, #tpu.memory_space<vmem>> -> memref<1x128xi32, #tpu.memory_space<vmem>>
    %dma_start3A_1863 = tpu.memref_squeeze %dma_start3A_1862 : memref<1x128xi32, #tpu.memory_space<vmem>> -> memref<128xi32, #tpu.memory_space<vmem>>
    %dma_start3A_1864 = arith.constant 0 : i32
    %dma_start3A_1865 = tpu.memref_slice %arg17[%dma_start3A_1864] : memref<20480xi32, #tpu.memory_space<vmem_shared>> -> memref<20480xi32, #tpu.memory_space<vmem_shared>>
    tpu.enqueue_indirect_dma source(%dma_start3A_1860 : memref<128xi32, #tpu.memory_space<vmem>>) target(%dma_start3A_1865 : memref<20480xi32, #tpu.memory_space<vmem_shared>>) offsets(%dma_start3A_1863 : memref<128xi32, #tpu.memory_space<vmem>>) semaphore(%arg19 : memref<!tpu.dma_semaphore, #tpu.memory_space<semaphore_mem>>)
    %dma_start3A_1866 = arith.constant 1 : i32
    %dma_start3A_1867 = arith.constant 128 : i32
    %dma_start3A_1868 = tpu.memref_slice %arg7[%dma_start3A_1867] : memref<1280xi32, #tpu.memory_space<vmem>> -> memref<128xi32, #tpu.memory_space<vmem>>
    %dma_start3A_1869 = arith.constant 0 : i32
    %dma_start3A_1870 = tpu.memref_slice %arg9[%dma_start3A_1866, %dma_start3A_1869] : memref<10x128xi32, #tpu.memory_space<vmem>> -> memref<1x128xi32, #tpu.memory_space<vmem>>
    %dma_start3A_1871 = tpu.memref_squeeze %dma_start3A_1870 : memref<1x128xi32, #tpu.memory_space<vmem>> -> memref<128xi32, #tpu.memory_space<vmem>>
    %dma_start3A_1872 = arith.constant 0 : i32
    %dma_start3A_1873 = tpu.memref_slice %arg17[%dma_start3A_1872] : memref<20480xi32, #tpu.memory_space<vmem_shared>> -> memref<20480xi32, #tpu.memory_space<vmem_shared>>
    tpu.enqueue_indirect_dma source(%dma_start3A_1868 : memref<128xi32, #tpu.memory_space<vmem>>) target(%dma_start3A_1873 : memref<20480xi32, #tpu.memory_space<vmem_shared>>) offsets(%dma_start3A_1871 : memref<128xi32, #tpu.memory_space<vmem>>) semaphore(%arg19 : memref<!tpu.dma_semaphore, #tpu.memory_space<semaphore_mem>>)
    %dma_start3A_1874 = arith.constant 2 : i32
    %dma_start3A_1875 = arith.constant 256 : i32
    %dma_start3A_1876 = tpu.memref_slice %arg7[%dma_start3A_1875] : memref<1280xi32, #tpu.memory_space<vmem>> -> memref<128xi32, #tpu.memory_space<vmem>>
    %dma_start3A_1877 = arith.constant 0 : i32
    %dma_start3A_1878 = tpu.memref_slice %arg9[%dma_start3A_1874, %dma_start3A_1877] : memref<10x128xi32, #tpu.memory_space<vmem>> -> memref<1x128xi32, #tpu.memory_space<vmem>>
    %dma_start3A_1879 = tpu.memref_squeeze %dma_start3A_1878 : memref<1x128xi32, #tpu.memory_space<vmem>> -> memref<128xi32, #tpu.memory_space<vmem>>
    %dma_start3A_1880 = arith.constant 0 : i32
    %dma_start3A_1881 = tpu.memref_slice %arg17[%dma_start3A_1880] : memref<20480xi32, #tpu.memory_space<vmem_shared>> -> memref<20480xi32, #tpu.memory_space<vmem_shared>>
    tpu.enqueue_indirect_dma source(%dma_start3A_1876 : memref<128xi32, #tpu.memory_space<vmem>>) target(%dma_start3A_1881 : memref<20480xi32, #tpu.memory_space<vmem_shared>>) offsets(%dma_start3A_1879 : memref<128xi32, #tpu.memory_space<vmem>>) semaphore(%arg19 : memref<!tpu.dma_semaphore, #tpu.memory_space<semaphore_mem>>)
    %dma_start3A_1882 = arith.constant 3 : i32
    %dma_start3A_1883 = arith.constant 384 : i32
    %dma_start3A_1884 = tpu.memref_slice %arg7[%dma_start3A_1883] : memref<1280xi32, #tpu.memory_space<vmem>> -> memref<128xi32, #tpu.memory_space<vmem>>
    %dma_start3A_1885 = arith.constant 0 : i32
    %dma_start3A_1886 = tpu.memref_slice %arg9[%dma_start3A_1882, %dma_start3A_1885] : memref<10x128xi32, #tpu.memory_space<vmem>> -> memref<1x128xi32, #tpu.memory_space<vmem>>
    %dma_start3A_1887 = tpu.memref_squeeze %dma_start3A_1886 : memref<1x128xi32, #tpu.memory_space<vmem>> -> memref<128xi32, #tpu.memory_space<vmem>>
    %dma_start3A_1888 = arith.constant 0 : i32
    %dma_start3A_1889 = tpu.memref_slice %arg17[%dma_start3A_1888] : memref<20480xi32, #tpu.memory_space<vmem_shared>> -> memref<20480xi32, #tpu.memory_space<vmem_shared>>
    tpu.enqueue_indirect_dma source(%dma_start3A_1884 : memref<128xi32, #tpu.memory_space<vmem>>) target(%dma_start3A_1889 : memref<20480xi32, #tpu.memory_space<vmem_shared>>) offsets(%dma_start3A_1887 : memref<128xi32, #tpu.memory_space<vmem>>) semaphore(%arg19 : memref<!tpu.dma_semaphore, #tpu.memory_space<semaphore_mem>>)
    %dma_start3A_1890 = arith.constant 4 : i32
    %dma_start3A_1891 = arith.constant 512 : i32
    %dma_start3A_1892 = tpu.memref_slice %arg7[%dma_start3A_1891] : memref<1280xi32, #tpu.memory_space<vmem>> -> memref<128xi32, #tpu.memory_space<vmem>>
    %dma_start3A_1893 = arith.constant 0 : i32
    %dma_start3A_1894 = tpu.memref_slice %arg9[%dma_start3A_1890, %dma_start3A_1893] : memref<10x128xi32, #tpu.memory_space<vmem>> -> memref<1x128xi32, #tpu.memory_space<vmem>>
    %dma_start3A_1895 = tpu.memref_squeeze %dma_start3A_1894 : memref<1x128xi32, #tpu.memory_space<vmem>> -> memref<128xi32, #tpu.memory_space<vmem>>
    %dma_start3A_1896 = arith.constant 0 : i32
    %dma_start3A_1897 = tpu.memref_slice %arg17[%dma_start3A_1896] : memref<20480xi32, #tpu.memory_space<vmem_shared>> -> memref<20480xi32, #tpu.memory_space<vmem_shared>>
    tpu.enqueue_indirect_dma source(%dma_start3A_1892 : memref<128xi32, #tpu.memory_space<vmem>>) target(%dma_start3A_1897 : memref<20480xi32, #tpu.memory_space<vmem_shared>>) offsets(%dma_start3A_1895 : memref<128xi32, #tpu.memory_space<vmem>>) semaphore(%arg19 : memref<!tpu.dma_semaphore, #tpu.memory_space<semaphore_mem>>)
    %dma_start3A_1898 = arith.constant 5 : i32
    %dma_start3A_1899 = arith.constant 640 : i32
    %dma_start3A_1900 = tpu.memref_slice %arg7[%dma_start3A_1899] : memref<1280xi32, #tpu.memory_space<vmem>> -> memref<128xi32, #tpu.memory_space<vmem>>
    %dma_start3A_1901 = arith.constant 0 : i32
    %dma_start3A_1902 = tpu.memref_slice %arg9[%dma_start3A_1898, %dma_start3A_1901] : memref<10x128xi32, #tpu.memory_space<vmem>> -> memref<1x128xi32, #tpu.memory_space<vmem>>
    %dma_start3A_1903 = tpu.memref_squeeze %dma_start3A_1902 : memref<1x128xi32, #tpu.memory_space<vmem>> -> memref<128xi32, #tpu.memory_space<vmem>>
    %dma_start3A_1904 = arith.constant 0 : i32
    %dma_start3A_1905 = tpu.memref_slice %arg17[%dma_start3A_1904] : memref<20480xi32, #tpu.memory_space<vmem_shared>> -> memref<20480xi32, #tpu.memory_space<vmem_shared>>
    tpu.enqueue_indirect_dma source(%dma_start3A_1900 : memref<128xi32, #tpu.memory_space<vmem>>) target(%dma_start3A_1905 : memref<20480xi32, #tpu.memory_space<vmem_shared>>) offsets(%dma_start3A_1903 : memref<128xi32, #tpu.memory_space<vmem>>) semaphore(%arg19 : memref<!tpu.dma_semaphore, #tpu.memory_space<semaphore_mem>>)
    %dma_start3A_1906 = arith.constant 6 : i32
    %dma_start3A_1907 = arith.constant 768 : i32
    %dma_start3A_1908 = tpu.memref_slice %arg7[%dma_start3A_1907] : memref<1280xi32, #tpu.memory_space<vmem>> -> memref<128xi32, #tpu.memory_space<vmem>>
    %dma_start3A_1909 = arith.constant 0 : i32
    %dma_start3A_1910 = tpu.memref_slice %arg9[%dma_start3A_1906, %dma_start3A_1909] : memref<10x128xi32, #tpu.memory_space<vmem>> -> memref<1x128xi32, #tpu.memory_space<vmem>>
    %dma_start3A_1911 = tpu.memref_squeeze %dma_start3A_1910 : memref<1x128xi32, #tpu.memory_space<vmem>> -> memref<128xi32, #tpu.memory_space<vmem>>
    %dma_start3A_1912 = arith.constant 0 : i32
    %dma_start3A_1913 = tpu.memref_slice %arg17[%dma_start3A_1912] : memref<20480xi32, #tpu.memory_space<vmem_shared>> -> memref<20480xi32, #tpu.memory_space<vmem_shared>>
    tpu.enqueue_indirect_dma source(%dma_start3A_1908 : memref<128xi32, #tpu.memory_space<vmem>>) target(%dma_start3A_1913 : memref<20480xi32, #tpu.memory_space<vmem_shared>>) offsets(%dma_start3A_1911 : memref<128xi32, #tpu.memory_space<vmem>>) semaphore(%arg19 : memref<!tpu.dma_semaphore, #tpu.memory_space<semaphore_mem>>)
    %dma_start3A_1914 = arith.constant 7 : i32
    %dma_start3A_1915 = arith.constant 896 : i32
    %dma_start3A_1916 = tpu.memref_slice %arg7[%dma_start3A_1915] : memref<1280xi32, #tpu.memory_space<vmem>> -> memref<128xi32, #tpu.memory_space<vmem>>
    %dma_start3A_1917 = arith.constant 0 : i32
    %dma_start3A_1918 = tpu.memref_slice %arg9[%dma_start3A_1914, %dma_start3A_1917] : memref<10x128xi32, #tpu.memory_space<vmem>> -> memref<1x128xi32, #tpu.memory_space<vmem>>
    %dma_start3A_1919 = tpu.memref_squeeze %dma_start3A_1918 : memref<1x128xi32, #tpu.memory_space<vmem>> -> memref<128xi32, #tpu.memory_space<vmem>>
    %dma_start3A_1920 = arith.constant 0 : i32
    %dma_start3A_1921 = tpu.memref_slice %arg17[%dma_start3A_1920] : memref<20480xi32, #tpu.memory_space<vmem_shared>> -> memref<20480xi32, #tpu.memory_space<vmem_shared>>
    tpu.enqueue_indirect_dma source(%dma_start3A_1916 : memref<128xi32, #tpu.memory_space<vmem>>) target(%dma_start3A_1921 : memref<20480xi32, #tpu.memory_space<vmem_shared>>) offsets(%dma_start3A_1919 : memref<128xi32, #tpu.memory_space<vmem>>) semaphore(%arg19 : memref<!tpu.dma_semaphore, #tpu.memory_space<semaphore_mem>>)
    %dma_start3A_1922 = arith.constant 8 : i32
    %dma_start3A_1923 = arith.constant 1024 : i32
    %dma_start3A_1924 = tpu.memref_slice %arg7[%dma_start3A_1923] : memref<1280xi32, #tpu.memory_space<vmem>> -> memref<128xi32, #tpu.memory_space<vmem>>
    %dma_start3A_1925 = arith.constant 0 : i32
    %dma_start3A_1926 = tpu.memref_slice %arg9[%dma_start3A_1922, %dma_start3A_1925] : memref<10x128xi32, #tpu.memory_space<vmem>> -> memref<1x128xi32, #tpu.memory_space<vmem>>
    %dma_start3A_1927 = tpu.memref_squeeze %dma_start3A_1926 : memref<1x128xi32, #tpu.memory_space<vmem>> -> memref<128xi32, #tpu.memory_space<vmem>>
    %dma_start3A_1928 = arith.constant 0 : i32
    %dma_start3A_1929 = tpu.memref_slice %arg17[%dma_start3A_1928] : memref<20480xi32, #tpu.memory_space<vmem_shared>> -> memref<20480xi32, #tpu.memory_space<vmem_shared>>
    tpu.enqueue_indirect_dma source(%dma_start3A_1924 : memref<128xi32, #tpu.memory_space<vmem>>) target(%dma_start3A_1929 : memref<20480xi32, #tpu.memory_space<vmem_shared>>) offsets(%dma_start3A_1927 : memref<128xi32, #tpu.memory_space<vmem>>) semaphore(%arg19 : memref<!tpu.dma_semaphore, #tpu.memory_space<semaphore_mem>>)
    %dma_start3A_1930 = arith.constant 9 : i32
    %dma_start3A_1931 = arith.constant 1152 : i32
    %dma_start3A_1932 = tpu.memref_slice %arg7[%dma_start3A_1931] : memref<1280xi32, #tpu.memory_space<vmem>> -> memref<128xi32, #tpu.memory_space<vmem>>
    %dma_start3A_1933 = arith.constant 0 : i32
    %dma_start3A_1934 = tpu.memref_slice %arg9[%dma_start3A_1930, %dma_start3A_1933] : memref<10x128xi32, #tpu.memory_space<vmem>> -> memref<1x128xi32, #tpu.memory_space<vmem>>
    %dma_start3A_1935 = tpu.memref_squeeze %dma_start3A_1934 : memref<1x128xi32, #tpu.memory_space<vmem>> -> memref<128xi32, #tpu.memory_space<vmem>>
    %dma_start3A_1936 = arith.constant 0 : i32
    %dma_start3A_1937 = tpu.memref_slice %arg17[%dma_start3A_1936] : memref<20480xi32, #tpu.memory_space<vmem_shared>> -> memref<20480xi32, #tpu.memory_space<vmem_shared>>
    tpu.enqueue_indirect_dma source(%dma_start3A_1932 : memref<128xi32, #tpu.memory_space<vmem>>) target(%dma_start3A_1937 : memref<20480xi32, #tpu.memory_space<vmem_shared>>) offsets(%dma_start3A_1935 : memref<128xi32, #tpu.memory_space<vmem>>) semaphore(%arg19 : memref<!tpu.dma_semaphore, #tpu.memory_space<semaphore_mem>>)
    %dma_wait3A_1938 = arith.constant 0 : i32
    %dma_wait3A_1939 = arith.constant 0 : i32
    %dma_wait3A_1940 = tpu.memref_slice %arg7[%dma_wait3A_1939] : memref<1280xi32, #tpu.memory_space<vmem>> -> memref<128xi32, #tpu.memory_space<vmem>>
    %dma_wait3A_1941 = arith.constant 0 : i32
    %dma_wait3A_1942 = tpu.memref_slice %arg9[%dma_wait3A_1938, %dma_wait3A_1941] : memref<10x128xi32, #tpu.memory_space<vmem>> -> memref<1x128xi32, #tpu.memory_space<vmem>>
    %dma_wait3A_1943 = tpu.memref_squeeze %dma_wait3A_1942 : memref<1x128xi32, #tpu.memory_space<vmem>> -> memref<128xi32, #tpu.memory_space<vmem>>
    %dma_wait3A_1944 = arith.constant 0 : i32
    %dma_wait3A_1945 = tpu.memref_slice %arg17[%dma_wait3A_1944] : memref<20480xi32, #tpu.memory_space<vmem_shared>> -> memref<20480xi32, #tpu.memory_space<vmem_shared>>
    tpu.wait_indirect_dma semaphore(%arg19 : memref<!tpu.dma_semaphore, #tpu.memory_space<semaphore_mem>>) src(%dma_wait3A_1940 : memref<128xi32, #tpu.memory_space<vmem>>) dst(%dma_wait3A_1945 : memref<20480xi32, #tpu.memory_space<vmem_shared>>)
    %dma_wait3A_1946 = arith.constant 1 : i32
    %dma_wait3A_1947 = arith.constant 128 : i32
    %dma_wait3A_1948 = tpu.memref_slice %arg7[%dma_wait3A_1947] : memref<1280xi32, #tpu.memory_space<vmem>> -> memref<128xi32, #tpu.memory_space<vmem>>
    %dma_wait3A_1949 = arith.constant 0 : i32
    %dma_wait3A_1950 = tpu.memref_slice %arg9[%dma_wait3A_1946, %dma_wait3A_1949] : memref<10x128xi32, #tpu.memory_space<vmem>> -> memref<1x128xi32, #tpu.memory_space<vmem>>
    %dma_wait3A_1951 = tpu.memref_squeeze %dma_wait3A_1950 : memref<1x128xi32, #tpu.memory_space<vmem>> -> memref<128xi32, #tpu.memory_space<vmem>>
    %dma_wait3A_1952 = arith.constant 0 : i32
    %dma_wait3A_1953 = tpu.memref_slice %arg17[%dma_wait3A_1952] : memref<20480xi32, #tpu.memory_space<vmem_shared>> -> memref<20480xi32, #tpu.memory_space<vmem_shared>>
    tpu.wait_indirect_dma semaphore(%arg19 : memref<!tpu.dma_semaphore, #tpu.memory_space<semaphore_mem>>) src(%dma_wait3A_1948 : memref<128xi32, #tpu.memory_space<vmem>>) dst(%dma_wait3A_1953 : memref<20480xi32, #tpu.memory_space<vmem_shared>>)
    %dma_wait3A_1954 = arith.constant 2 : i32
    %dma_wait3A_1955 = arith.constant 256 : i32
    %dma_wait3A_1956 = tpu.memref_slice %arg7[%dma_wait3A_1955] : memref<1280xi32, #tpu.memory_space<vmem>> -> memref<128xi32, #tpu.memory_space<vmem>>
    %dma_wait3A_1957 = arith.constant 0 : i32
    %dma_wait3A_1958 = tpu.memref_slice %arg9[%dma_wait3A_1954, %dma_wait3A_1957] : memref<10x128xi32, #tpu.memory_space<vmem>> -> memref<1x128xi32, #tpu.memory_space<vmem>>
    %dma_wait3A_1959 = tpu.memref_squeeze %dma_wait3A_1958 : memref<1x128xi32, #tpu.memory_space<vmem>> -> memref<128xi32, #tpu.memory_space<vmem>>
    %dma_wait3A_1960 = arith.constant 0 : i32
    %dma_wait3A_1961 = tpu.memref_slice %arg17[%dma_wait3A_1960] : memref<20480xi32, #tpu.memory_space<vmem_shared>> -> memref<20480xi32, #tpu.memory_space<vmem_shared>>
    tpu.wait_indirect_dma semaphore(%arg19 : memref<!tpu.dma_semaphore, #tpu.memory_space<semaphore_mem>>) src(%dma_wait3A_1956 : memref<128xi32, #tpu.memory_space<vmem>>) dst(%dma_wait3A_1961 : memref<20480xi32, #tpu.memory_space<vmem_shared>>)
    %dma_wait3A_1962 = arith.constant 3 : i32
    %dma_wait3A_1963 = arith.constant 384 : i32
    %dma_wait3A_1964 = tpu.memref_slice %arg7[%dma_wait3A_1963] : memref<1280xi32, #tpu.memory_space<vmem>> -> memref<128xi32, #tpu.memory_space<vmem>>
    %dma_wait3A_1965 = arith.constant 0 : i32
    %dma_wait3A_1966 = tpu.memref_slice %arg9[%dma_wait3A_1962, %dma_wait3A_1965] : memref<10x128xi32, #tpu.memory_space<vmem>> -> memref<1x128xi32, #tpu.memory_space<vmem>>
    %dma_wait3A_1967 = tpu.memref_squeeze %dma_wait3A_1966 : memref<1x128xi32, #tpu.memory_space<vmem>> -> memref<128xi32, #tpu.memory_space<vmem>>
    %dma_wait3A_1968 = arith.constant 0 : i32
    %dma_wait3A_1969 = tpu.memref_slice %arg17[%dma_wait3A_1968] : memref<20480xi32, #tpu.memory_space<vmem_shared>> -> memref<20480xi32, #tpu.memory_space<vmem_shared>>
    tpu.wait_indirect_dma semaphore(%arg19 : memref<!tpu.dma_semaphore, #tpu.memory_space<semaphore_mem>>) src(%dma_wait3A_1964 : memref<128xi32, #tpu.memory_space<vmem>>) dst(%dma_wait3A_1969 : memref<20480xi32, #tpu.memory_space<vmem_shared>>)
    %dma_wait3A_1970 = arith.constant 4 : i32
    %dma_wait3A_1971 = arith.constant 512 : i32
    %dma_wait3A_1972 = tpu.memref_slice %arg7[%dma_wait3A_1971] : memref<1280xi32, #tpu.memory_space<vmem>> -> memref<128xi32, #tpu.memory_space<vmem>>
    %dma_wait3A_1973 = arith.constant 0 : i32
    %dma_wait3A_1974 = tpu.memref_slice %arg9[%dma_wait3A_1970, %dma_wait3A_1973] : memref<10x128xi32, #tpu.memory_space<vmem>> -> memref<1x128xi32, #tpu.memory_space<vmem>>
    %dma_wait3A_1975 = tpu.memref_squeeze %dma_wait3A_1974 : memref<1x128xi32, #tpu.memory_space<vmem>> -> memref<128xi32, #tpu.memory_space<vmem>>
    %dma_wait3A_1976 = arith.constant 0 : i32
    %dma_wait3A_1977 = tpu.memref_slice %arg17[%dma_wait3A_1976] : memref<20480xi32, #tpu.memory_space<vmem_shared>> -> memref<20480xi32, #tpu.memory_space<vmem_shared>>
    tpu.wait_indirect_dma semaphore(%arg19 : memref<!tpu.dma_semaphore, #tpu.memory_space<semaphore_mem>>) src(%dma_wait3A_1972 : memref<128xi32, #tpu.memory_space<vmem>>) dst(%dma_wait3A_1977 : memref<20480xi32, #tpu.memory_space<vmem_shared>>)
    %dma_wait3A_1978 = arith.constant 5 : i32
    %dma_wait3A_1979 = arith.constant 640 : i32
    %dma_wait3A_1980 = tpu.memref_slice %arg7[%dma_wait3A_1979] : memref<1280xi32, #tpu.memory_space<vmem>> -> memref<128xi32, #tpu.memory_space<vmem>>
    %dma_wait3A_1981 = arith.constant 0 : i32
    %dma_wait3A_1982 = tpu.memref_slice %arg9[%dma_wait3A_1978, %dma_wait3A_1981] : memref<10x128xi32, #tpu.memory_space<vmem>> -> memref<1x128xi32, #tpu.memory_space<vmem>>
    %dma_wait3A_1983 = tpu.memref_squeeze %dma_wait3A_1982 : memref<1x128xi32, #tpu.memory_space<vmem>> -> memref<128xi32, #tpu.memory_space<vmem>>
    %dma_wait3A_1984 = arith.constant 0 : i32
    %dma_wait3A_1985 = tpu.memref_slice %arg17[%dma_wait3A_1984] : memref<20480xi32, #tpu.memory_space<vmem_shared>> -> memref<20480xi32, #tpu.memory_space<vmem_shared>>
    tpu.wait_indirect_dma semaphore(%arg19 : memref<!tpu.dma_semaphore, #tpu.memory_space<semaphore_mem>>) src(%dma_wait3A_1980 : memref<128xi32, #tpu.memory_space<vmem>>) dst(%dma_wait3A_1985 : memref<20480xi32, #tpu.memory_space<vmem_shared>>)
    %dma_wait3A_1986 = arith.constant 6 : i32
    %dma_wait3A_1987 = arith.constant 768 : i32
    %dma_wait3A_1988 = tpu.memref_slice %arg7[%dma_wait3A_1987] : memref<1280xi32, #tpu.memory_space<vmem>> -> memref<128xi32, #tpu.memory_space<vmem>>
    %dma_wait3A_1989 = arith.constant 0 : i32
    %dma_wait3A_1990 = tpu.memref_slice %arg9[%dma_wait3A_1986, %dma_wait3A_1989] : memref<10x128xi32, #tpu.memory_space<vmem>> -> memref<1x128xi32, #tpu.memory_space<vmem>>
    %dma_wait3A_1991 = tpu.memref_squeeze %dma_wait3A_1990 : memref<1x128xi32, #tpu.memory_space<vmem>> -> memref<128xi32, #tpu.memory_space<vmem>>
    %dma_wait3A_1992 = arith.constant 0 : i32
    %dma_wait3A_1993 = tpu.memref_slice %arg17[%dma_wait3A_1992] : memref<20480xi32, #tpu.memory_space<vmem_shared>> -> memref<20480xi32, #tpu.memory_space<vmem_shared>>
    tpu.wait_indirect_dma semaphore(%arg19 : memref<!tpu.dma_semaphore, #tpu.memory_space<semaphore_mem>>) src(%dma_wait3A_1988 : memref<128xi32, #tpu.memory_space<vmem>>) dst(%dma_wait3A_1993 : memref<20480xi32, #tpu.memory_space<vmem_shared>>)
    %dma_wait3A_1994 = arith.constant 7 : i32
    %dma_wait3A_1995 = arith.constant 896 : i32
    %dma_wait3A_1996 = tpu.memref_slice %arg7[%dma_wait3A_1995] : memref<1280xi32, #tpu.memory_space<vmem>> -> memref<128xi32, #tpu.memory_space<vmem>>
    %dma_wait3A_1997 = arith.constant 0 : i32
    %dma_wait3A_1998 = tpu.memref_slice %arg9[%dma_wait3A_1994, %dma_wait3A_1997] : memref<10x128xi32, #tpu.memory_space<vmem>> -> memref<1x128xi32, #tpu.memory_space<vmem>>
    %dma_wait3A_1999 = tpu.memref_squeeze %dma_wait3A_1998 : memref<1x128xi32, #tpu.memory_space<vmem>> -> memref<128xi32, #tpu.memory_space<vmem>>
    %dma_wait3A_2000 = arith.constant 0 : i32
    %dma_wait3A_2001 = tpu.memref_slice %arg17[%dma_wait3A_2000] : memref<20480xi32, #tpu.memory_space<vmem_shared>> -> memref<20480xi32, #tpu.memory_space<vmem_shared>>
    tpu.wait_indirect_dma semaphore(%arg19 : memref<!tpu.dma_semaphore, #tpu.memory_space<semaphore_mem>>) src(%dma_wait3A_1996 : memref<128xi32, #tpu.memory_space<vmem>>) dst(%dma_wait3A_2001 : memref<20480xi32, #tpu.memory_space<vmem_shared>>)
    %dma_wait3A_2002 = arith.constant 8 : i32
    %dma_wait3A_2003 = arith.constant 1024 : i32
    %dma_wait3A_2004 = tpu.memref_slice %arg7[%dma_wait3A_2003] : memref<1280xi32, #tpu.memory_space<vmem>> -> memref<128xi32, #tpu.memory_space<vmem>>
    %dma_wait3A_2005 = arith.constant 0 : i32
    %dma_wait3A_2006 = tpu.memref_slice %arg9[%dma_wait3A_2002, %dma_wait3A_2005] : memref<10x128xi32, #tpu.memory_space<vmem>> -> memref<1x128xi32, #tpu.memory_space<vmem>>
    %dma_wait3A_2007 = tpu.memref_squeeze %dma_wait3A_2006 : memref<1x128xi32, #tpu.memory_space<vmem>> -> memref<128xi32, #tpu.memory_space<vmem>>
    %dma_wait3A_2008 = arith.constant 0 : i32
    %dma_wait3A_2009 = tpu.memref_slice %arg17[%dma_wait3A_2008] : memref<20480xi32, #tpu.memory_space<vmem_shared>> -> memref<20480xi32, #tpu.memory_space<vmem_shared>>
    tpu.wait_indirect_dma semaphore(%arg19 : memref<!tpu.dma_semaphore, #tpu.memory_space<semaphore_mem>>) src(%dma_wait3A_2004 : memref<128xi32, #tpu.memory_space<vmem>>) dst(%dma_wait3A_2009 : memref<20480xi32, #tpu.memory_space<vmem_shared>>)
    %dma_wait3A_2010 = arith.constant 9 : i32
    %dma_wait3A_2011 = arith.constant 1152 : i32
    %dma_wait3A_2012 = tpu.memref_slice %arg7[%dma_wait3A_2011] : memref<1280xi32, #tpu.memory_space<vmem>> -> memref<128xi32, #tpu.memory_space<vmem>>
    %dma_wait3A_2013 = arith.constant 0 : i32
    %dma_wait3A_2014 = tpu.memref_slice %arg9[%dma_wait3A_2010, %dma_wait3A_2013] : memref<10x128xi32, #tpu.memory_space<vmem>> -> memref<1x128xi32, #tpu.memory_space<vmem>>
    %dma_wait3A_2015 = tpu.memref_squeeze %dma_wait3A_2014 : memref<1x128xi32, #tpu.memory_space<vmem>> -> memref<128xi32, #tpu.memory_space<vmem>>
    %dma_wait3A_2016 = arith.constant 0 : i32
    %dma_wait3A_2017 = tpu.memref_slice %arg17[%dma_wait3A_2016] : memref<20480xi32, #tpu.memory_space<vmem_shared>> -> memref<20480xi32, #tpu.memory_space<vmem_shared>>
    tpu.wait_indirect_dma semaphore(%arg19 : memref<!tpu.dma_semaphore, #tpu.memory_space<semaphore_mem>>) src(%dma_wait3A_2012 : memref<128xi32, #tpu.memory_space<vmem>>) dst(%dma_wait3A_2017 : memref<20480xi32, #tpu.memory_space<vmem_shared>>)
    %barrier3A_2018 = arith.constant 0 : index
    tpu.barrier barrier_id(%barrier3A_2018)
    %mul3A_2019 = arith.constant 256 : i32
    %mul3A_2020 = arith.muli %arg1, %mul3A_2019 : i32
    %add3A_2021 = arith.constant 0 : i32
    %add3A_2022 = arith.addi %mul3A_2020, %add3A_2021 : i32
    %run_scoped3A = arith.constant 0 : i32
    "tpu.region"() ({
      %run_scoped3A_2066 = tpu.sem_alloc : memref<!tpu.dma_semaphore, #tpu.memory_space<semaphore_mem>>
      %dma_start3A_2067 = arith.constant 0 : i32
      %dma_start3A_2068 = tpu.memref_slice %arg13[%run_scoped3A, %dma_start3A_2067] : memref<2x128xi32, #tpu.memory_space<vmem>> -> memref<1x128xi32, #tpu.memory_space<vmem>>
      %dma_start3A_2069 = tpu.memref_squeeze %dma_start3A_2068 : memref<1x128xi32, #tpu.memory_space<vmem>> -> memref<128xi32, #tpu.memory_space<vmem>>
      %dma_start3A_2070 = tpu.memref_slice %arg17[%add3A_2022] : memref<20480xi32, #tpu.memory_space<vmem_shared>> -> memref<128xi32, #tpu.memory_space<vmem_shared>>
      %dma_start3A_2071 = arith.constant 0 : i32
      %dma_start3A_2072 = tpu.memref_slice %arg13[%run_scoped3A, %dma_start3A_2071] : memref<2x128xi32, #tpu.memory_space<vmem>> -> memref<1x128xi32, #tpu.memory_space<vmem>>
      %dma_start3A_2073 = tpu.memref_squeeze %dma_start3A_2072 : memref<1x128xi32, #tpu.memory_space<vmem>> -> memref<128xi32, #tpu.memory_space<vmem>>
      %dma_start3A_2074 = tpu.memref_slice %arg17[%add3A_2022] : memref<20480xi32, #tpu.memory_space<vmem_shared>> -> memref<128xi32, #tpu.memory_space<vmem_shared>>
      tpu.enqueue_dma source(%dma_start3A_2074 : memref<128xi32, #tpu.memory_space<vmem_shared>>) target(%dma_start3A_2073 : memref<128xi32, #tpu.memory_space<vmem>>) target_semaphore(%run_scoped3A_2066 : memref<!tpu.dma_semaphore, #tpu.memory_space<semaphore_mem>>)
      %dma_wait3A_2075 = arith.constant 0 : i32
      %dma_wait3A_2076 = tpu.memref_slice %arg13[%run_scoped3A, %dma_wait3A_2075] : memref<2x128xi32, #tpu.memory_space<vmem>> -> memref<1x128xi32, #tpu.memory_space<vmem>>
      %dma_wait3A_2077 = tpu.memref_squeeze %dma_wait3A_2076 : memref<1x128xi32, #tpu.memory_space<vmem>> -> memref<128xi32, #tpu.memory_space<vmem>>
      %dma_wait3A_2078 = tpu.memref_slice %arg17[%add3A_2022] : memref<20480xi32, #tpu.memory_space<vmem_shared>> -> memref<128xi32, #tpu.memory_space<vmem_shared>>
      %dma_wait3A_2079 = arith.constant 0 : i32
      %dma_wait3A_2080 = tpu.memref_slice %arg13[%run_scoped3A, %dma_wait3A_2079] : memref<2x128xi32, #tpu.memory_space<vmem>> -> memref<1x128xi32, #tpu.memory_space<vmem>>
      %dma_wait3A_2081 = tpu.memref_squeeze %dma_wait3A_2080 : memref<1x128xi32, #tpu.memory_space<vmem>> -> memref<128xi32, #tpu.memory_space<vmem>>
      %dma_wait3A_2082 = tpu.memref_slice %arg17[%add3A_2022] : memref<20480xi32, #tpu.memory_space<vmem_shared>> -> memref<128xi32, #tpu.memory_space<vmem_shared>>
      tpu.wait_dma2 semaphore(%run_scoped3A_2066 : memref<!tpu.dma_semaphore, #tpu.memory_space<semaphore_mem>>) src(%dma_wait3A_2082 : memref<128xi32, #tpu.memory_space<vmem_shared>>) dst(%dma_wait3A_2081 : memref<128xi32, #tpu.memory_space<vmem>>)
      tpu.yield
    }) : () -> ()
    %add3A_2023 = arith.constant 128 : i32
    %add3A_2024 = arith.addi %mul3A_2020, %add3A_2023 : i32
    %run_scoped3A_2025 = arith.constant 1 : i32
    "tpu.region"() ({
      %run_scoped3A_2066 = tpu.sem_alloc : memref<!tpu.dma_semaphore, #tpu.memory_space<semaphore_mem>>
      %dma_start3A_2067 = arith.constant 0 : i32
      %dma_start3A_2068 = tpu.memref_slice %arg13[%run_scoped3A_2025, %dma_start3A_2067] : memref<2x128xi32, #tpu.memory_space<vmem>> -> memref<1x128xi32, #tpu.memory_space<vmem>>
      %dma_start3A_2069 = tpu.memref_squeeze %dma_start3A_2068 : memref<1x128xi32, #tpu.memory_space<vmem>> -> memref<128xi32, #tpu.memory_space<vmem>>
      %dma_start3A_2070 = tpu.memref_slice %arg17[%add3A_2024] : memref<20480xi32, #tpu.memory_space<vmem_shared>> -> memref<128xi32, #tpu.memory_space<vmem_shared>>
      %dma_start3A_2071 = arith.constant 0 : i32
      %dma_start3A_2072 = tpu.memref_slice %arg13[%run_scoped3A_2025, %dma_start3A_2071] : memref<2x128xi32, #tpu.memory_space<vmem>> -> memref<1x128xi32, #tpu.memory_space<vmem>>
      %dma_start3A_2073 = tpu.memref_squeeze %dma_start3A_2072 : memref<1x128xi32, #tpu.memory_space<vmem>> -> memref<128xi32, #tpu.memory_space<vmem>>
      %dma_start3A_2074 = tpu.memref_slice %arg17[%add3A_2024] : memref<20480xi32, #tpu.memory_space<vmem_shared>> -> memref<128xi32, #tpu.memory_space<vmem_shared>>
      tpu.enqueue_dma source(%dma_start3A_2074 : memref<128xi32, #tpu.memory_space<vmem_shared>>) target(%dma_start3A_2073 : memref<128xi32, #tpu.memory_space<vmem>>) target_semaphore(%run_scoped3A_2066 : memref<!tpu.dma_semaphore, #tpu.memory_space<semaphore_mem>>)
      %dma_wait3A_2075 = arith.constant 0 : i32
      %dma_wait3A_2076 = tpu.memref_slice %arg13[%run_scoped3A_2025, %dma_wait3A_2075] : memref<2x128xi32, #tpu.memory_space<vmem>> -> memref<1x128xi32, #tpu.memory_space<vmem>>
      %dma_wait3A_2077 = tpu.memref_squeeze %dma_wait3A_2076 : memref<1x128xi32, #tpu.memory_space<vmem>> -> memref<128xi32, #tpu.memory_space<vmem>>
      %dma_wait3A_2078 = tpu.memref_slice %arg17[%add3A_2024] : memref<20480xi32, #tpu.memory_space<vmem_shared>> -> memref<128xi32, #tpu.memory_space<vmem_shared>>
      %dma_wait3A_2079 = arith.constant 0 : i32
      %dma_wait3A_2080 = tpu.memref_slice %arg13[%run_scoped3A_2025, %dma_wait3A_2079] : memref<2x128xi32, #tpu.memory_space<vmem>> -> memref<1x128xi32, #tpu.memory_space<vmem>>
      %dma_wait3A_2081 = tpu.memref_squeeze %dma_wait3A_2080 : memref<1x128xi32, #tpu.memory_space<vmem>> -> memref<128xi32, #tpu.memory_space<vmem>>
      %dma_wait3A_2082 = tpu.memref_slice %arg17[%add3A_2024] : memref<20480xi32, #tpu.memory_space<vmem_shared>> -> memref<128xi32, #tpu.memory_space<vmem_shared>>
      tpu.wait_dma2 semaphore(%run_scoped3A_2066 : memref<!tpu.dma_semaphore, #tpu.memory_space<semaphore_mem>>) src(%dma_wait3A_2082 : memref<128xi32, #tpu.memory_space<vmem_shared>>) dst(%dma_wait3A_2081 : memref<128xi32, #tpu.memory_space<vmem>>)
      tpu.yield
    }) : () -> ()
    %dma_start3A_2026 = arith.constant 0 : i32
    %dma_start3A_2027 = arith.constant 0 : i32
    %dma_start3A_2028 = arith.constant 0 : i32
    %dma_start3A_2029 = tpu.memref_slice %arg14[%dma_start3A_2027, %dma_start3A_2028] : memref<256x8xf32, #tpu.memory_space<vmem>> -> memref<128x8xf32, #tpu.memory_space<vmem>>
    %dma_start3A_2030 = arith.constant 0 : i32
    %dma_start3A_2031 = tpu.memref_slice %arg13[%dma_start3A_2026, %dma_start3A_2030] : memref<2x128xi32, #tpu.memory_space<vmem>> -> memref<1x128xi32, #tpu.memory_space<vmem>>
    %dma_start3A_2032 = tpu.memref_squeeze %dma_start3A_2031 : memref<1x128xi32, #tpu.memory_space<vmem>> -> memref<128xi32, #tpu.memory_space<vmem>>
    %dma_start3A_2033 = arith.constant 0 : i32
    %dma_start3A_2034 = arith.constant 0 : i32
    %dma_start3A_2035 = tpu.memref_slice %arg3[%dma_start3A_2033, %dma_start3A_2034] : memref<20480x8xf32, #tpu.memory_space<hbm>> -> memref<20480x8xf32, #tpu.memory_space<hbm>>
    tpu.enqueue_indirect_dma source(%dma_start3A_2035 : memref<20480x8xf32, #tpu.memory_space<hbm>>) target(%dma_start3A_2029 : memref<128x8xf32, #tpu.memory_space<vmem>>) offsets(%dma_start3A_2032 : memref<128xi32, #tpu.memory_space<vmem>>) semaphore(%arg19 : memref<!tpu.dma_semaphore, #tpu.memory_space<semaphore_mem>>)
    %dma_wait3A_2036 = arith.constant 0 : i32
    %dma_wait3A_2037 = arith.constant 0 : i32
    %dma_wait3A_2038 = arith.constant 0 : i32
    %dma_wait3A_2039 = tpu.memref_slice %arg14[%dma_wait3A_2037, %dma_wait3A_2038] : memref<256x8xf32, #tpu.memory_space<vmem>> -> memref<128x8xf32, #tpu.memory_space<vmem>>
    %dma_wait3A_2040 = arith.constant 0 : i32
    %dma_wait3A_2041 = tpu.memref_slice %arg13[%dma_wait3A_2036, %dma_wait3A_2040] : memref<2x128xi32, #tpu.memory_space<vmem>> -> memref<1x128xi32, #tpu.memory_space<vmem>>
    %dma_wait3A_2042 = tpu.memref_squeeze %dma_wait3A_2041 : memref<1x128xi32, #tpu.memory_space<vmem>> -> memref<128xi32, #tpu.memory_space<vmem>>
    %dma_wait3A_2043 = arith.constant 0 : i32
    %dma_wait3A_2044 = arith.constant 0 : i32
    %dma_wait3A_2045 = tpu.memref_slice %arg3[%dma_wait3A_2043, %dma_wait3A_2044] : memref<20480x8xf32, #tpu.memory_space<hbm>> -> memref<20480x8xf32, #tpu.memory_space<hbm>>
    tpu.wait_indirect_dma semaphore(%arg19 : memref<!tpu.dma_semaphore, #tpu.memory_space<semaphore_mem>>) src(%dma_wait3A_2045 : memref<20480x8xf32, #tpu.memory_space<hbm>>) dst(%dma_wait3A_2039 : memref<128x8xf32, #tpu.memory_space<vmem>>)
    %dma_start3A_2046 = arith.constant 1 : i32
    %dma_start3A_2047 = arith.constant 128 : i32
    %dma_start3A_2048 = arith.constant 0 : i32
    %dma_start3A_2049 = tpu.memref_slice %arg14[%dma_start3A_2047, %dma_start3A_2048] : memref<256x8xf32, #tpu.memory_space<vmem>> -> memref<128x8xf32, #tpu.memory_space<vmem>>
    %dma_start3A_2050 = arith.constant 0 : i32
    %dma_start3A_2051 = tpu.memref_slice %arg13[%dma_start3A_2046, %dma_start3A_2050] : memref<2x128xi32, #tpu.memory_space<vmem>> -> memref<1x128xi32, #tpu.memory_space<vmem>>
    %dma_start3A_2052 = tpu.memref_squeeze %dma_start3A_2051 : memref<1x128xi32, #tpu.memory_space<vmem>> -> memref<128xi32, #tpu.memory_space<vmem>>
    %dma_start3A_2053 = arith.constant 0 : i32
    %dma_start3A_2054 = arith.constant 0 : i32
    %dma_start3A_2055 = tpu.memref_slice %arg3[%dma_start3A_2053, %dma_start3A_2054] : memref<20480x8xf32, #tpu.memory_space<hbm>> -> memref<20480x8xf32, #tpu.memory_space<hbm>>
    tpu.enqueue_indirect_dma source(%dma_start3A_2055 : memref<20480x8xf32, #tpu.memory_space<hbm>>) target(%dma_start3A_2049 : memref<128x8xf32, #tpu.memory_space<vmem>>) offsets(%dma_start3A_2052 : memref<128xi32, #tpu.memory_space<vmem>>) semaphore(%arg19 : memref<!tpu.dma_semaphore, #tpu.memory_space<semaphore_mem>>)
    %dma_wait3A_2056 = arith.constant 1 : i32
    %dma_wait3A_2057 = arith.constant 128 : i32
    %dma_wait3A_2058 = arith.constant 0 : i32
    %dma_wait3A_2059 = tpu.memref_slice %arg14[%dma_wait3A_2057, %dma_wait3A_2058] : memref<256x8xf32, #tpu.memory_space<vmem>> -> memref<128x8xf32, #tpu.memory_space<vmem>>
    %dma_wait3A_2060 = arith.constant 0 : i32
    %dma_wait3A_2061 = tpu.memref_slice %arg13[%dma_wait3A_2056, %dma_wait3A_2060] : memref<2x128xi32, #tpu.memory_space<vmem>> -> memref<1x128xi32, #tpu.memory_space<vmem>>
    %dma_wait3A_2062 = tpu.memref_squeeze %dma_wait3A_2061 : memref<1x128xi32, #tpu.memory_space<vmem>> -> memref<128xi32, #tpu.memory_space<vmem>>
    %dma_wait3A_2063 = arith.constant 0 : i32
    %dma_wait3A_2064 = arith.constant 0 : i32
    %dma_wait3A_2065 = tpu.memref_slice %arg3[%dma_wait3A_2063, %dma_wait3A_2064] : memref<20480x8xf32, #tpu.memory_space<hbm>> -> memref<20480x8xf32, #tpu.memory_space<hbm>>
    tpu.wait_indirect_dma semaphore(%arg19 : memref<!tpu.dma_semaphore, #tpu.memory_space<semaphore_mem>>) src(%dma_wait3A_2065 : memref<20480x8xf32, #tpu.memory_space<hbm>>) dst(%dma_wait3A_2059 : memref<128x8xf32, #tpu.memory_space<vmem>>)
    "tpu.region"() ({
      %run_scoped3A_2066 = tpu.sem_alloc : memref<!tpu.dma_semaphore, #tpu.memory_space<semaphore_mem>>
      %dma_start3A_2067 = arith.constant 0 : i32
      %dma_start3A_2068 = tpu.memref_slice %arg4[%mul3A_2020, %dma_start3A_2067] : memref<4096x8xf32, #tpu.memory_space<hbm>> -> memref<256x8xf32, #tpu.memory_space<hbm>>
      %dma_start3A_2069 = arith.constant 0 : i32
      %dma_start3A_2070 = tpu.memref_slice %arg4[%mul3A_2020, %dma_start3A_2069] : memref<4096x8xf32, #tpu.memory_space<hbm>> -> memref<256x8xf32, #tpu.memory_space<hbm>>
      tpu.enqueue_dma source(%arg14 : memref<256x8xf32, #tpu.memory_space<vmem>>) target(%dma_start3A_2070 : memref<256x8xf32, #tpu.memory_space<hbm>>) target_semaphore(%run_scoped3A_2066 : memref<!tpu.dma_semaphore, #tpu.memory_space<semaphore_mem>>)
      %dma_wait3A_2071 = arith.constant 0 : i32
      %dma_wait3A_2072 = tpu.memref_slice %arg4[%mul3A_2020, %dma_wait3A_2071] : memref<4096x8xf32, #tpu.memory_space<hbm>> -> memref<256x8xf32, #tpu.memory_space<hbm>>
      %dma_wait3A_2073 = arith.constant 0 : i32
      %dma_wait3A_2074 = tpu.memref_slice %arg4[%mul3A_2020, %dma_wait3A_2073] : memref<4096x8xf32, #tpu.memory_space<hbm>> -> memref<256x8xf32, #tpu.memory_space<hbm>>
      tpu.wait_dma2 semaphore(%run_scoped3A_2066 : memref<!tpu.dma_semaphore, #tpu.memory_space<semaphore_mem>>) src(%arg14 : memref<256x8xf32, #tpu.memory_space<vmem>>) dst(%dma_wait3A_2074 : memref<256x8xf32, #tpu.memory_space<hbm>>)
      tpu.yield
    }) : () -> ()
    return
  }
}

module attributes {stable_mosaic.version = 14 : i64} {
  func.func @_nms_body(%arg0: memref<16x256x8xf32, #tpu.memory_space<vmem>>, %arg1: memref<16x8x256xf32, #tpu.memory_space<vmem>>, %arg2: memref<512x8xf32, #tpu.memory_space<vmem>>, %arg3: memref<8x768xf32, #tpu.memory_space<vmem>>, %arg4: memref<256x1xf32, #tpu.memory_space<vmem>>, %arg5: memref<256x1xf32, #tpu.memory_space<vmem>>, %arg6: memref<256x256xf32, #tpu.memory_space<vmem>>) attributes {dimension_semantics = [], scalar_prefetch = 0 : i64, scratch_operands = 4 : i64, tpu.core_type = #tpu.core_type<tc>} {
    %broadcast_in_dim3A = arith.constant 0.000000e+00 : f32
    %broadcast_in_dim3A_0 = vector.broadcast %broadcast_in_dim3A : f32 to vector<8x768xf32>
    %swap3A = arith.constant 0 : index
    %swap3A_1 = arith.constant 0 : index
    %swap3A_2 = vector.load %arg3[%swap3A, %swap3A_1] : memref<8x768xf32, #tpu.memory_space<vmem>>, vector<8x768xf32>
    tpu.vector_store %arg3[%swap3A, %swap3A_1], %broadcast_in_dim3A_0 {strides = array<i32>} : memref<8x768xf32, #tpu.memory_space<vmem>>, vector<8x768xf32>,
    %while3A = arith.constant 0 : i32
    %while3A_3 = arith.constant 0 : i32
    %while3A_4:2 = scf.while (%while3A_10 = %while3A, %while3A_11 = %while3A_3) : (i32, i32) -> (i32, i32) {
      %lt3A = arith.constant 16 : i32
      %lt3A_12 = arith.cmpi slt, %while3A_10, %lt3A : i32
      %lt3A_13 = arith.constant 500 : i32
      %lt3A_14 = arith.cmpi slt, %while3A_11, %lt3A_13 : i32
      %and3A = arith.andi %lt3A_12, %lt3A_14 : i1
      scf.condition(%and3A) %while3A_10, %while3A_11 : i32, i32
    } do {
    ^bb0(%while3A_10: i32, %while3A_11: i32):
      %get3A_12 = arith.index_cast %while3A_10 : i32 to index
      %get3A_13 = arith.constant 0 : index
      %get3A_14 = arith.constant 0 : index
      %get3A_15 = vector.load %arg0[%get3A_12, %get3A_13, %get3A_14] : memref<16x256x8xf32, #tpu.memory_space<vmem>>, vector<1x256x8xf32>
      %get3A_16 = vector.shape_cast %get3A_15 : vector<1x256x8xf32> to vector<256x8xf32>
      %get3A_17 = arith.index_cast %while3A_10 : i32 to index
      %get3A_18 = arith.constant 0 : index
      %get3A_19 = arith.constant 0 : index
      %get3A_20 = vector.load %arg1[%get3A_17, %get3A_18, %get3A_19] : memref<16x8x256xf32, #tpu.memory_space<vmem>>, vector<1x8x256xf32>
      %get3A_21 = vector.shape_cast %get3A_20 : vector<1x8x256xf32> to vector<8x256xf32>
      %slice3A = vector.extract_strided_slice %get3A_16 {offsets = [0, 0], sizes = [256, 1], strides = [1, 1]} : vector<256x8xf32> to vector<256x1xf32>
      %slice3A_22 = vector.extract_strided_slice %get3A_16 {offsets = [0, 1], sizes = [256, 1], strides = [1, 1]} : vector<256x8xf32> to vector<256x1xf32>
      %slice3A_23 = vector.extract_strided_slice %get3A_16 {offsets = [0, 3], sizes = [256, 1], strides = [1, 1]} : vector<256x8xf32> to vector<256x1xf32>
      %slice3A_24 = vector.extract_strided_slice %get3A_16 {offsets = [0, 4], sizes = [256, 1], strides = [1, 1]} : vector<256x8xf32> to vector<256x1xf32>
      %slice3A_25 = vector.extract_strided_slice %get3A_16 {offsets = [0, 7], sizes = [256, 1], strides = [1, 1]} : vector<256x8xf32> to vector<256x1xf32>
      %mul3A = arith.constant 5.000000e-01 : f32
      %mul3A_26 = vector.broadcast %mul3A : f32 to vector<256x1xf32>
      %mul3A_27 = arith.mulf %slice3A_23, %mul3A_26 : vector<256x1xf32>
      %sub3A = arith.subf %slice3A, %mul3A_27 : vector<256x1xf32>
      %mul3A_28 = arith.constant 5.000000e-01 : f32
      %mul3A_29 = vector.broadcast %mul3A_28 : f32 to vector<256x1xf32>
      %mul3A_30 = arith.mulf %slice3A_23, %mul3A_29 : vector<256x1xf32>
      %add3A = arith.addf %slice3A, %mul3A_30 : vector<256x1xf32>
      %mul3A_31 = arith.constant 5.000000e-01 : f32
      %mul3A_32 = vector.broadcast %mul3A_31 : f32 to vector<256x1xf32>
      %mul3A_33 = arith.mulf %slice3A_24, %mul3A_32 : vector<256x1xf32>
      %sub3A_34 = arith.subf %slice3A_22, %mul3A_33 : vector<256x1xf32>
      %mul3A_35 = arith.constant 5.000000e-01 : f32
      %mul3A_36 = vector.broadcast %mul3A_35 : f32 to vector<256x1xf32>
      %mul3A_37 = arith.mulf %slice3A_24, %mul3A_36 : vector<256x1xf32>
      %add3A_38 = arith.addf %slice3A_22, %mul3A_37 : vector<256x1xf32>
      %mul3A_39 = arith.mulf %slice3A_23, %slice3A_24 : vector<256x1xf32>
      %get3A_40 = arith.constant 0 : index
      %get3A_41 = arith.constant 0 : index
      %get3A_42 = vector.load %arg3[%get3A_40, %get3A_41] : memref<8x768xf32, #tpu.memory_space<vmem>>, vector<1x768xf32>
      %get3A_43 = arith.constant 1 : index
      %get3A_44 = arith.constant 0 : index
      %get3A_45 = vector.load %arg3[%get3A_43, %get3A_44] : memref<8x768xf32, #tpu.memory_space<vmem>>, vector<1x768xf32>
      %get3A_46 = arith.constant 3 : index
      %get3A_47 = arith.constant 0 : index
      %get3A_48 = vector.load %arg3[%get3A_46, %get3A_47] : memref<8x768xf32, #tpu.memory_space<vmem>>, vector<1x768xf32>
      %get3A_49 = arith.constant 4 : index
      %get3A_50 = arith.constant 0 : index
      %get3A_51 = vector.load %arg3[%get3A_49, %get3A_50] : memref<8x768xf32, #tpu.memory_space<vmem>>, vector<1x768xf32>
      %mul3A_52 = arith.constant 5.000000e-01 : f32
      %mul3A_53 = vector.broadcast %mul3A_52 : f32 to vector<1x768xf32>
      %mul3A_54 = arith.mulf %get3A_48, %mul3A_53 : vector<1x768xf32>
      %sub3A_55 = arith.subf %get3A_42, %mul3A_54 : vector<1x768xf32>
      %mul3A_56 = arith.constant 5.000000e-01 : f32
      %mul3A_57 = vector.broadcast %mul3A_56 : f32 to vector<1x768xf32>
      %mul3A_58 = arith.mulf %get3A_48, %mul3A_57 : vector<1x768xf32>
      %add3A_59 = arith.addf %get3A_42, %mul3A_58 : vector<1x768xf32>
      %mul3A_60 = arith.constant 5.000000e-01 : f32
      %mul3A_61 = vector.broadcast %mul3A_60 : f32 to vector<1x768xf32>
      %mul3A_62 = arith.mulf %get3A_51, %mul3A_61 : vector<1x768xf32>
      %sub3A_63 = arith.subf %get3A_45, %mul3A_62 : vector<1x768xf32>
      %mul3A_64 = arith.constant 5.000000e-01 : f32
      %mul3A_65 = vector.broadcast %mul3A_64 : f32 to vector<1x768xf32>
      %mul3A_66 = arith.mulf %get3A_51, %mul3A_65 : vector<1x768xf32>
      %add3A_67 = arith.addf %get3A_45, %mul3A_66 : vector<1x768xf32>
      %mul3A_68 = arith.mulf %get3A_48, %get3A_51 : vector<1x768xf32>
      %min3A = vector.broadcast %add3A : vector<256x1xf32> to vector<256x768xf32>
      %min3A_69 = vector.broadcast %add3A_59 : vector<1x768xf32> to vector<256x768xf32>
      %min3A_70 = arith.minimumf %min3A, %min3A_69 : vector<256x768xf32>
      %max3A = vector.broadcast %sub3A : vector<256x1xf32> to vector<256x768xf32>
      %max3A_71 = vector.broadcast %sub3A_55 : vector<1x768xf32> to vector<256x768xf32>
      %max3A_72 = arith.maximumf %max3A, %max3A_71 : vector<256x768xf32>
      %sub3A_73 = arith.subf %min3A_70, %max3A_72 : vector<256x768xf32>
      %max3A_74 = arith.constant 0.000000e+00 : f32
      %max3A_75 = vector.broadcast %max3A_74 : f32 to vector<256x768xf32>
      %max3A_76 = arith.maximumf %max3A_75, %sub3A_73 : vector<256x768xf32>
      %min3A_77 = vector.broadcast %add3A_38 : vector<256x1xf32> to vector<256x768xf32>
      %min3A_78 = vector.broadcast %add3A_67 : vector<1x768xf32> to vector<256x768xf32>
      %min3A_79 = arith.minimumf %min3A_77, %min3A_78 : vector<256x768xf32>
      %max3A_80 = vector.broadcast %sub3A_34 : vector<256x1xf32> to vector<256x768xf32>
      %max3A_81 = vector.broadcast %sub3A_63 : vector<1x768xf32> to vector<256x768xf32>
      %max3A_82 = arith.maximumf %max3A_80, %max3A_81 : vector<256x768xf32>
      %sub3A_83 = arith.subf %min3A_79, %max3A_82 : vector<256x768xf32>
      %max3A_84 = arith.constant 0.000000e+00 : f32
      %max3A_85 = vector.broadcast %max3A_84 : f32 to vector<256x768xf32>
      %max3A_86 = arith.maximumf %max3A_85, %sub3A_83 : vector<256x768xf32>
      %mul3A_87 = arith.mulf %max3A_76, %max3A_86 : vector<256x768xf32>
      %add3A_88 = vector.broadcast %mul3A_39 : vector<256x1xf32> to vector<256x768xf32>
      %add3A_89 = vector.broadcast %mul3A_68 : vector<1x768xf32> to vector<256x768xf32>
      %add3A_90 = arith.addf %add3A_88, %add3A_89 : vector<256x768xf32>
      %sub3A_91 = arith.subf %add3A_90, %mul3A_87 : vector<256x768xf32>
      %max3A_92 = arith.constant 9.99999997E-7 : f32
      %max3A_93 = vector.broadcast %max3A_92 : f32 to vector<256x768xf32>
      %max3A_94 = arith.maximumf %sub3A_91, %max3A_93 : vector<256x768xf32>
      %div3A = arith.divf %mul3A_87, %max3A_94 : vector<256x768xf32>
      %gt3A = arith.constant 1.000000e-01 : f32
      %gt3A_95 = vector.broadcast %gt3A : f32 to vector<256x768xf32>
      %gt3A_96 = arith.cmpf ogt, %div3A, %gt3A_95 : vector<256x768xf32>
      %reduce_or3A = arith.constant 1.000000e+00 : f32
      %reduce_or3A_97 = arith.constant 0.000000e+00 : f32
      %reduce_or3A_98 = vector.broadcast %reduce_or3A : f32 to vector<256x768xf32>
      %reduce_or3A_99 = vector.broadcast %reduce_or3A_97 : f32 to vector<256x768xf32>
      %reduce_or3A_100 = arith.select %gt3A_96, %reduce_or3A_98, %reduce_or3A_99 : vector<256x768xi1>, vector<256x768xf32>
      %reduce_or3A_101 = arith.constant dense<0xFF800000> : vector<256xf32>
      %reduce_or3A_102 = vector.multi_reduction <maximumf>, %reduce_or3A_100, %reduce_or3A_101 [1] : vector<256x768xf32> to vector<256xf32>
      %reduce_or3A_103 = arith.constant 0.000000e+00 : f32
      %reduce_or3A_104 = vector.broadcast %reduce_or3A_103 : f32 to vector<256xf32>
      %reduce_or3A_105 = arith.cmpf ogt, %reduce_or3A_102, %reduce_or3A_104 : vector<256xf32>
      %broadcast_in_dim3A_106 = vector.shape_cast %reduce_or3A_105 : vector<256xi1> to vector<256x1xi1>
      %gt3A_107 = arith.constant 1.000000e-01 : f32
      %gt3A_108 = vector.broadcast %gt3A_107 : f32 to vector<256x1xf32>
      %gt3A_109 = arith.cmpf ogt, %slice3A_25, %gt3A_108 : vector<256x1xf32>
      %not3A = arith.constant dense<true> : vector<256x1xi1>
      %not3A_110 = arith.xori %broadcast_in_dim3A_106, %not3A : vector<256x1xi1>
      %and3A = arith.andi %gt3A_109, %not3A_110 : vector<256x1xi1>
      %jit3A = arith.constant 1.000000e+00 : f32
      %jit3A_111 = arith.constant 0.000000e+00 : f32
      %broadcast_in_dim3A_112 = vector.broadcast %jit3A : f32 to vector<256x1xf32>
      %broadcast_in_dim3A_113 = vector.broadcast %jit3A_111 : f32 to vector<256x1xf32>
      %select_n3A = arith.select %and3A, %broadcast_in_dim3A_112, %broadcast_in_dim3A_113 : vector<256x1xi1>, vector<256x1xf32>
      %slice3A_114 = vector.extract_strided_slice %get3A_21 {offsets = [0, 0], sizes = [1, 256], strides = [1, 1]} : vector<8x256xf32> to vector<1x256xf32>
      %slice3A_115 = vector.extract_strided_slice %get3A_21 {offsets = [1, 0], sizes = [1, 256], strides = [1, 1]} : vector<8x256xf32> to vector<1x256xf32>
      %slice3A_116 = vector.extract_strided_slice %get3A_21 {offsets = [3, 0], sizes = [1, 256], strides = [1, 1]} : vector<8x256xf32> to vector<1x256xf32>
      %slice3A_117 = vector.extract_strided_slice %get3A_21 {offsets = [4, 0], sizes = [1, 256], strides = [1, 1]} : vector<8x256xf32> to vector<1x256xf32>
      %mul3A_118 = arith.constant 5.000000e-01 : f32
      %mul3A_119 = vector.broadcast %mul3A_118 : f32 to vector<1x256xf32>
      %mul3A_120 = arith.mulf %slice3A_116, %mul3A_119 : vector<1x256xf32>
      %sub3A_121 = arith.subf %slice3A_114, %mul3A_120 : vector<1x256xf32>
      %mul3A_122 = arith.constant 5.000000e-01 : f32
      %mul3A_123 = vector.broadcast %mul3A_122 : f32 to vector<1x256xf32>
      %mul3A_124 = arith.mulf %slice3A_116, %mul3A_123 : vector<1x256xf32>
      %add3A_125 = arith.addf %slice3A_114, %mul3A_124 : vector<1x256xf32>
      %mul3A_126 = arith.constant 5.000000e-01 : f32
      %mul3A_127 = vector.broadcast %mul3A_126 : f32 to vector<1x256xf32>
      %mul3A_128 = arith.mulf %slice3A_117, %mul3A_127 : vector<1x256xf32>
      %sub3A_129 = arith.subf %slice3A_115, %mul3A_128 : vector<1x256xf32>
      %mul3A_130 = arith.constant 5.000000e-01 : f32
      %mul3A_131 = vector.broadcast %mul3A_130 : f32 to vector<1x256xf32>
      %mul3A_132 = arith.mulf %slice3A_117, %mul3A_131 : vector<1x256xf32>
      %add3A_133 = arith.addf %slice3A_115, %mul3A_132 : vector<1x256xf32>
      %mul3A_134 = arith.mulf %slice3A_116, %slice3A_117 : vector<1x256xf32>
      %min3A_135 = vector.broadcast %add3A : vector<256x1xf32> to vector<256x256xf32>
      %min3A_136 = vector.broadcast %add3A_125 : vector<1x256xf32> to vector<256x256xf32>
      %min3A_137 = arith.minimumf %min3A_135, %min3A_136 : vector<256x256xf32>
      %max3A_138 = vector.broadcast %sub3A : vector<256x1xf32> to vector<256x256xf32>
      %max3A_139 = vector.broadcast %sub3A_121 : vector<1x256xf32> to vector<256x256xf32>
      %max3A_140 = arith.maximumf %max3A_138, %max3A_139 : vector<256x256xf32>
      %sub3A_141 = arith.subf %min3A_137, %max3A_140 : vector<256x256xf32>
      %max3A_142 = arith.constant 0.000000e+00 : f32
      %max3A_143 = vector.broadcast %max3A_142 : f32 to vector<256x256xf32>
      %max3A_144 = arith.maximumf %max3A_143, %sub3A_141 : vector<256x256xf32>
      %min3A_145 = vector.broadcast %add3A_38 : vector<256x1xf32> to vector<256x256xf32>
      %min3A_146 = vector.broadcast %add3A_133 : vector<1x256xf32> to vector<256x256xf32>
      %min3A_147 = arith.minimumf %min3A_145, %min3A_146 : vector<256x256xf32>
      %max3A_148 = vector.broadcast %sub3A_34 : vector<256x1xf32> to vector<256x256xf32>
      %max3A_149 = vector.broadcast %sub3A_129 : vector<1x256xf32> to vector<256x256xf32>
      %max3A_150 = arith.maximumf %max3A_148, %max3A_149 : vector<256x256xf32>
      %sub3A_151 = arith.subf %min3A_147, %max3A_150 : vector<256x256xf32>
      %max3A_152 = arith.constant 0.000000e+00 : f32
      %max3A_153 = vector.broadcast %max3A_152 : f32 to vector<256x256xf32>
      %max3A_154 = arith.maximumf %max3A_153, %sub3A_151 : vector<256x256xf32>
      %mul3A_155 = arith.mulf %max3A_144, %max3A_154 : vector<256x256xf32>
      %add3A_156 = vector.broadcast %mul3A_39 : vector<256x1xf32> to vector<256x256xf32>
      %add3A_157 = vector.broadcast %mul3A_134 : vector<1x256xf32> to vector<256x256xf32>
      %add3A_158 = arith.addf %add3A_156, %add3A_157 : vector<256x256xf32>
      %sub3A_159 = arith.subf %add3A_158, %mul3A_155 : vector<256x256xf32>
      %max3A_160 = arith.constant 9.99999997E-7 : f32
      %max3A_161 = vector.broadcast %max3A_160 : f32 to vector<256x256xf32>
      %max3A_162 = arith.maximumf %sub3A_159, %max3A_161 : vector<256x256xf32>
      %div3A_163 = arith.divf %mul3A_155, %max3A_162 : vector<256x256xf32>
      %iota3A = tpu.iota {dimensions = array<i32: 0>} : vector<256x256xi32>
      %iota3A_164 = tpu.iota {dimensions = array<i32: 1>} : vector<256x256xi32>
      %gt3A_165 = arith.constant 1.000000e-01 : f32
      %gt3A_166 = vector.broadcast %gt3A_165 : f32 to vector<256x256xf32>
      %gt3A_167 = arith.cmpf ogt, %div3A_163, %gt3A_166 : vector<256x256xf32>
      %gt3A_168 = arith.cmpi sgt, %iota3A, %iota3A_164 : vector<256x256xi32>
      %and3A_169 = arith.andi %gt3A_167, %gt3A_168 : vector<256x256xi1>
      %jit3A_170 = arith.constant 1.000000e+00 : f32
      %jit3A_171 = arith.constant 0.000000e+00 : f32
      %broadcast_in_dim3A_172 = vector.broadcast %jit3A_170 : f32 to vector<256x256xf32>
      %broadcast_in_dim3A_173 = vector.broadcast %jit3A_171 : f32 to vector<256x256xf32>
      %select_n3A_174 = arith.select %and3A_169, %broadcast_in_dim3A_172, %broadcast_in_dim3A_173 : vector<256x256xi1>, vector<256x256xf32>
      %swap3A_175 = arith.constant 0 : index
      %swap3A_176 = arith.constant 0 : index
      %swap3A_177 = vector.load %arg6[%swap3A_175, %swap3A_176] : memref<256x256xf32, #tpu.memory_space<vmem>>, vector<256x256xf32>
      tpu.vector_store %arg6[%swap3A_175, %swap3A_176], %select_n3A_174 {strides = array<i32>} : memref<256x256xf32, #tpu.memory_space<vmem>>, vector<256x256xf32>,
      %swap3A_178 = arith.constant 0 : index
      %swap3A_179 = arith.constant 0 : index
      %swap3A_180 = vector.load %arg5[%swap3A_178, %swap3A_179] : memref<256x1xf32, #tpu.memory_space<vmem>>, vector<256x1xf32>
      tpu.vector_store %arg5[%swap3A_178, %swap3A_179], %select_n3A {strides = array<i32>} : memref<256x1xf32, #tpu.memory_space<vmem>>, vector<256x1xf32>,
      %swap3A_181 = arith.constant 0 : index
      %swap3A_182 = arith.constant 0 : index
      %swap3A_183 = vector.load %arg4[%swap3A_181, %swap3A_182] : memref<256x1xf32, #tpu.memory_space<vmem>>, vector<256x1xf32>
      tpu.vector_store %arg4[%swap3A_181, %swap3A_182], %select_n3A {strides = array<i32>} : memref<256x1xf32, #tpu.memory_space<vmem>>, vector<256x1xf32>,
      %while3A_184 = arith.constant 1 : i32
      %while3A_185 = scf.while (%while3A_228 = %while3A_184) : (i32) -> i32 {
        %gt3A_229 = arith.constant 0 : i32
        %gt3A_230 = arith.cmpi sgt, %while3A_228, %gt3A_229 : i32
        scf.condition(%gt3A_230) %while3A_228 : i32
      } do {
      ^bb0(%while3A_228: i32):
        %get3A_229 = arith.constant 0 : index
        %get3A_230 = arith.constant 0 : index
        %get3A_231 = vector.load %arg4[%get3A_229, %get3A_230] : memref<256x1xf32, #tpu.memory_space<vmem>>, vector<256x1xf32>
        %get3A_232 = arith.constant 0 : index
        %get3A_233 = arith.constant 0 : index
        %get3A_234 = vector.load %arg6[%get3A_232, %get3A_233] : memref<256x256xf32, #tpu.memory_space<vmem>>, vector<256x256xf32>
        %dot_general3A_235 = arith.constant dense<0.000000e+00> : vector<256x1xf32>
        %dot_general3A_236 = tpu.matmul %get3A_234, %get3A_231, %dot_general3A_235 {dimension_numbers = #tpu.dot_dimension_numbers<[1], [0], [0], [1], [0, 0, 1, 1], [], []>, precision = #tpu.contract_precision<fp32>, transpose_lhs_hint = false} : vector<256x256xf32>, vector<256x1xf32>, vector<256x1xf32> -> vector<256x1xf32>
        %gt3A_237 = arith.constant 5.000000e-01 : f32
        %gt3A_238 = vector.broadcast %gt3A_237 : f32 to vector<256x1xf32>
        %gt3A_239 = arith.cmpf ogt, %dot_general3A_236, %gt3A_238 : vector<256x1xf32>
        %get3A_240 = arith.constant 0 : index
        %get3A_241 = arith.constant 0 : index
        %get3A_242 = vector.load %arg5[%get3A_240, %get3A_241] : memref<256x1xf32, #tpu.memory_space<vmem>>, vector<256x1xf32>
        %jit3A_243 = arith.constant 0.000000e+00 : f32
        %broadcast_in_dim3A_244 = vector.broadcast %jit3A_243 : f32 to vector<256x1xf32>
        %select_n3A_245 = arith.select %gt3A_239, %broadcast_in_dim3A_244, %get3A_242 : vector<256x1xi1>, vector<256x1xf32>
        %swap3A_246 = arith.constant 0 : index
        %swap3A_247 = arith.constant 0 : index
        %swap3A_248 = vector.load %arg4[%swap3A_246, %swap3A_247] : memref<256x1xf32, #tpu.memory_space<vmem>>, vector<256x1xf32>
        tpu.vector_store %arg4[%swap3A_246, %swap3A_247], %select_n3A_245 {strides = array<i32>} : memref<256x1xf32, #tpu.memory_space<vmem>>, vector<256x1xf32>,
        %sub3A_249 = arith.subf %select_n3A_245, %get3A_231 : vector<256x1xf32>
        %abs3A = math.absf %sub3A_249 : vector<256x1xf32>
        %reduce_sum3A_250 = vector.shape_cast %abs3A : vector<256x1xf32> to vector<1x256x1xf32>
        %reduce_sum3A_251 = arith.constant dense<0.000000e+00> : vector<1xf32>
        %reduce_sum3A_252 = vector.multi_reduction <add>, %reduce_sum3A_250, %reduce_sum3A_251 [1, 2] : vector<1x256x1xf32> to vector<1xf32>
        %reduce_sum3A_253 = vector.shape_cast %reduce_sum3A_252 : vector<1xf32> to vector<1x1x1xf32>
        %reduce_sum3A_254 = vector.extract %reduce_sum3A_253[0, 0, 0] : f32 from vector<1x1x1xf32>
        %gt3A_255 = arith.constant 0.000000e+00 : f32
        %gt3A_256 = arith.cmpf ogt, %reduce_sum3A_254, %gt3A_255 : f32
        %convert_element_type3A_257 = arith.extui %gt3A_256 : i1 to i32
        scf.yield %convert_element_type3A_257 : i32
      }
      %get3A_186 = arith.constant 0 : index
      %get3A_187 = arith.constant 0 : index
      %get3A_188 = vector.load %arg4[%get3A_186, %get3A_187] : memref<256x1xf32, #tpu.memory_space<vmem>>, vector<256x1xf32>
      %gt3A_189 = arith.cmpi sgt, %iota3A, %iota3A_164 : vector<256x256xi32>
      %jit3A_190 = arith.constant 1.000000e+00 : f32
      %jit3A_191 = arith.constant 0.000000e+00 : f32
      %broadcast_in_dim3A_192 = vector.broadcast %jit3A_190 : f32 to vector<256x256xf32>
      %broadcast_in_dim3A_193 = vector.broadcast %jit3A_191 : f32 to vector<256x256xf32>
      %select_n3A_194 = arith.select %gt3A_189, %broadcast_in_dim3A_192, %broadcast_in_dim3A_193 : vector<256x256xi1>, vector<256x256xf32>
      %convert_element_type3A = arith.sitofp %while3A_11 : i32 to f32
      %dot_general3A = arith.constant dense<0.000000e+00> : vector<256x1xf32>
      %dot_general3A_195 = tpu.matmul %select_n3A_194, %get3A_188, %dot_general3A {dimension_numbers = #tpu.dot_dimension_numbers<[1], [0], [0], [1], [0, 0, 1, 1], [], []>, precision = #tpu.contract_precision<fp32>, transpose_lhs_hint = false} : vector<256x256xf32>, vector<256x1xf32>, vector<256x1xf32> -> vector<256x1xf32>
      %add3A_196 = vector.broadcast %convert_element_type3A : f32 to vector<256x1xf32>
      %add3A_197 = arith.addf %add3A_196, %dot_general3A_195 : vector<256x1xf32>
      %iota3A_198 = tpu.iota {dimensions = array<i32: 1>} : vector<256x768xi32>
      %convert_element_type3A_199 = arith.sitofp %iota3A_198 : vector<256x768xi32> to vector<256x768xf32>
      %eq3A = vector.broadcast %add3A_197 : vector<256x1xf32> to vector<256x768xf32>
      %eq3A_200 = arith.cmpf oeq, %convert_element_type3A_199, %eq3A : vector<256x768xf32>
      %gt3A_201 = arith.constant 5.000000e-01 : f32
      %gt3A_202 = vector.broadcast %gt3A_201 : f32 to vector<256x1xf32>
      %gt3A_203 = arith.cmpf ogt, %get3A_188, %gt3A_202 : vector<256x1xf32>
      %and3A_204 = vector.broadcast %gt3A_203 : vector<256x1xi1> to vector<256x768xi1>
      %and3A_205 = arith.andi %eq3A_200, %and3A_204 : vector<256x768xi1>
      %jit3A_206 = arith.constant 1.000000e+00 : f32
      %jit3A_207 = arith.constant 0.000000e+00 : f32
      %broadcast_in_dim3A_208 = vector.broadcast %jit3A_206 : f32 to vector<256x768xf32>
      %broadcast_in_dim3A_209 = vector.broadcast %jit3A_207 : f32 to vector<256x768xf32>
      %select_n3A_210 = arith.select %and3A_205, %broadcast_in_dim3A_208, %broadcast_in_dim3A_209 : vector<256x768xi1>, vector<256x768xf32>
      %dot_general3A_211 = arith.constant dense<0.000000e+00> : vector<8x768xf32>
      %dot_general3A_212 = tpu.matmul %get3A_21, %select_n3A_210, %dot_general3A_211 {dimension_numbers = #tpu.dot_dimension_numbers<[1], [0], [0], [1], [0, 0, 1, 1], [], []>, precision = #tpu.contract_precision<fp32>, transpose_lhs_hint = false} : vector<8x256xf32>, vector<256x768xf32>, vector<8x768xf32> -> vector<8x768xf32>
      %get3A_213 = arith.constant 0 : index
      %get3A_214 = arith.constant 0 : index
      %get3A_215 = vector.load %arg3[%get3A_213, %get3A_214] : memref<8x768xf32, #tpu.memory_space<vmem>>, vector<8x768xf32>
      %add3A_216 = arith.addf %get3A_215, %dot_general3A_212 : vector<8x768xf32>
      %swap3A_217 = arith.constant 0 : index
      %swap3A_218 = arith.constant 0 : index
      %swap3A_219 = vector.load %arg3[%swap3A_217, %swap3A_218] : memref<8x768xf32, #tpu.memory_space<vmem>>, vector<8x768xf32>
      tpu.vector_store %arg3[%swap3A_217, %swap3A_218], %add3A_216 {strides = array<i32>} : memref<8x768xf32, #tpu.memory_space<vmem>>, vector<8x768xf32>,
      %reduce_sum3A = vector.shape_cast %get3A_188 : vector<256x1xf32> to vector<1x256x1xf32>
      %reduce_sum3A_220 = arith.constant dense<0.000000e+00> : vector<1xf32>
      %reduce_sum3A_221 = vector.multi_reduction <add>, %reduce_sum3A, %reduce_sum3A_220 [1, 2] : vector<1x256x1xf32> to vector<1xf32>
      %reduce_sum3A_222 = vector.shape_cast %reduce_sum3A_221 : vector<1xf32> to vector<1x1x1xf32>
      %reduce_sum3A_223 = vector.extract %reduce_sum3A_222[0, 0, 0] : f32 from vector<1x1x1xf32>
      %convert_element_type3A_224 = arith.fptosi %reduce_sum3A_223 : f32 to i32
      %add3A_225 = arith.constant 1 : i32
      %add3A_226 = arith.addi %while3A_10, %add3A_225 : i32
      %add3A_227 = arith.addi %while3A_11, %convert_element_type3A_224 : i32
      scf.yield %add3A_226, %add3A_227 : i32, i32
    }
    %get3A = arith.constant 0 : index
    %get3A_5 = arith.constant 0 : index
    %get3A_6 = vector.load %arg3[%get3A, %get3A_5] : memref<8x768xf32, #tpu.memory_space<vmem>>, vector<8x512xf32>
    %transpose3A = tpu.transpose %get3A_6, [1, 0] : vector<8x512xf32> -> vector<512x8xf32>
    %swap3A_7 = arith.constant 0 : index
    %swap3A_8 = arith.constant 0 : index
    %swap3A_9 = vector.load %arg2[%swap3A_7, %swap3A_8] : memref<512x8xf32, #tpu.memory_space<vmem>>, vector<512x8xf32>
    tpu.vector_store %arg2[%swap3A_7, %swap3A_8], %transpose3A {strides = array<i32>} : memref<512x8xf32, #tpu.memory_space<vmem>>, vector<512x8xf32>,
    return
  }
}

</mosaic_0001>

<sc_bundles>
// kernel: kernel.4.cloned.1.call-start
scs
__scs_entry_jumppad:
0x0: {  	(pc) =	sbr.rel $0x88, $3  }
0x1: {  	(tag) =	ssettag $0x0;
	lr =	simm.s32 $0x1  }
0x2: {  	[smem:$0x3F9F] =	sst lr;
	_ =	strace $0xD0000000  }
0x3: {  	_ = 	snop  }
0x4: {  	_ = 	snop  }
0x5: {  	_ = 	snop  }
0x6: {  	_ = 	snop  }
0x7: {  	_ = 	snop  }
__scs_overlays_trampoline_lowered:
0x8: {  	[smem:$0x3FAE] =	sst s0  }
0x9: {  	[smem:$0x3FAF] =	sst s1  }
0xa: {  	[smem:$0x3FB0] =	sst s2  }
0xb: {  	[smem:$0x3FB1] =	sst s3  }
0xc: {  	[smem:$0x3FB2] =	sst s4  }
0xd: {  	[smem:$0x3FB3] =	sst s5  }
0xe: {  	[smem:$0x3FB4] =	sst s6  }
0xf: {  	[smem:$0x3FB5] =	sst s7  }
0x10: {  	[smem:$0x3FB6] =	sst s8  }
0x11: {  	[smem:$0x3FB7] =	sst s9;
	s0 =	simm.s32 @!p0 $0x0  }
0x12: {  	s1 =	sld [smem:$0x3F9D];
	s0 =	simm.s32 @p0 $0x1  }
0x13: {  	[smem:$0x3FB8] =	sst s0;
	s0 =	simm.s32 @!p1 $0x0  }
0x14: {  	s2 =	sld [smem:$0x3F9C];
	s0 =	simm.s32 @p1 $0x1  }
0x15: {  	[smem:$0x3FB9] =	sst s0;
	s0 =	simm.s32 @!p2 $0x0  }
0x16: {  	s3 =	sld [smem:$0x3FDB];
	s0 =	simm.s32 @p2 $0x1  }
0x17: {  	s4 =	simm.s32 $0x1BF5;
	[smem:$0x3FBB] =	sst s0  }
0x18: {  	s0 =	sld [smem:$0x3F9E];
	_ =	swait.ge [sflag:s4], $0x0  }
0x19: {  	s7 =	sld [smem:$0x3F9F]  }
0x1a: {  	s8 =	sadd.s32 $0xFFFFE003, lr  }
0x1b: {  	s9 =	sadd.s32 $0xFFFFFEF7, lr;
	s5 =	simm.s32 $0xFFFFFFFF;
	p2 =	slt.u32 s8, $0xFFFFF086  }
0x1c: {  	p1 =	slt.u32 s9, $0xF7A;
	s5 =	simm.s32 @!p2 $0x0  }
0x1d: {  	s5 =	simm.s32 @p1 $0x1;
	p0 =	seq.s32 s7, s2  }
0x1e: {  	s7 =	smul.u32 @!p0 $0xF7A, s2;
	p2 =	seq.s32 @!p0 s5, $0x0  }
0x1f: {  	s9 =	smul.u32 $0xF7A, s1;
	s8 =	simm.s32 @!p0 $0x1BF5;
	p2 =	por !p2, p0  }
0x20: {  	[sflag:s8] =	ssyncset.s32 @!p0 $0xFFFFF086;
	s6 =	sadd.s32 @!p0 s3, s7;
	s7 =	simm.s32 @!p0 $0x108  }
0x21: {  	s3 =	sadd.s32 s3, s9;
	s6 =	sadd.s32 @!p0 $0x88, s6;
	s7 =	simm.s32 @p2 $0x1082  }
0x22: {  	[simem:s7], [sflag:s8] =	dma.local @!p0 [hbm:s6], $0xF7A  }
0x23: {  	s9 =	sor.u32 $0xD0000000, s2;
	s6 =	simm.s32 $0x108;
	_ =	swait.ge @!p0 [sflag:s8], $0x0  }
0x24: {  	s3 =	sadd.s32 $0x88, s3;
	s6 =	simm.s32 @!p1 $0x1082;
	[sflag:s4] =	ssyncset.s32 $0xFFFFF086  }
0x25: {  	[simem:s6], [sflag:s4] =	dma.local [hbm:s3], $0xF7A  }
0x26: {  	[smem:$0x3F9F] =	sst s1;
	(tag) =	ssettag s2;
	_ =	strace s9  }
0x27: {  	s1 =	sld [smem:$0x3FAF]  }
0x28: {  	s2 =	sld [smem:$0x3FB0]  }
0x29: {  	s4 =	sld [smem:$0x3FB2]  }
0x2a: {  	p0 =	seq.s32 s5, $0x0;
	s5 =	sld [smem:$0x3FB3]  }
0x2b: {  	s6 =	sld [smem:$0x3FB4]  }
0x2c: {  	s7 =	sld [smem:$0x3FB5]  }
0x2d: {  	s3 =	simm.s32 $0x108;
	s8 =	sld [smem:$0x3FB6]  }
0x2e: {  	s3 =	simm.s32 @!p0 $0x1082;
	s9 =	sld [smem:$0x3FB7]  }
0x2f: {  	lr =	sadd.s32 s0, s3;
	s0 =	sld [smem:$0x3FAE]  }
0x30: {  	s3 =	sld [smem:$0x3FB1]  }
0x31: {  	[smem:$0x3FBA] =	sst s10  }
0x32: {  	s10 =	sld [smem:$0x3FB8];
	_ =	sdelay $0x3  }
0x33: {  	p0 =	seq.s32 s10, $0x1;
	s10 =	sld [smem:$0x3FBA];
	_ =	sdelay $0x3  }
0x34: {  	[smem:$0x3FBA] =	sst s10  }
0x35: {  	s10 =	sld [smem:$0x3FB9];
	_ =	sdelay $0x3  }
0x36: {  	p1 =	seq.s32 s10, $0x1;
	s10 =	sld [smem:$0x3FBA];
	_ =	sdelay $0x3  }
0x37: {  	[smem:$0x3FBA] =	sst s10  }
0x38: {  	s10 =	sld [smem:$0x3FBB]  }
0x39: {  	_ = 	snop;
	(pc) =	sbr.ind lr, $3  }
0x3a: {  	_ = 	snop  }
0x3b: {  	_ = 	snop  }
0x3c: {  	p2 =	seq.s32 s10, $0x1;
	s10 =	sld [smem:$0x3FBA]  }
0x3d: {  	_ =	shalt  }
0x3e: {  	_ =	shalt  }
0x3f: {  	_ =	shalt  }
0x40: {  	_ =	shalt  }
0x41: {  	_ =	shalt  }
0x42: {  	_ =	shalt  }
0x43: {  	_ =	shalt  }
0x44: {  	_ =	shalt  }
0x45: {  	_ =	shalt  }
0x46: {  	_ =	shalt  }
0x47: {  	_ =	shalt  }
0x48: {  	_ =	shalt  }
0x49: {  	_ =	shalt  }
0x4a: {  	_ =	shalt  }
0x4b: {  	_ =	shalt  }
0x4c: {  	_ =	shalt  }
0x4d: {  	_ =	shalt  }
0x4e: {  	_ =	shalt  }
0x4f: {  	_ =	shalt  }
0x50: {  	_ =	shalt  }
0x51: {  	_ =	shalt  }
0x52: {  	_ =	shalt  }
0x53: {  	_ =	shalt  }
0x54: {  	_ =	shalt  }
0x55: {  	_ =	shalt  }
0x56: {  	_ =	shalt  }
0x57: {  	_ =	shalt  }
0x58: {  	_ =	shalt  }
0x59: {  	_ =	shalt  }
0x5a: {  	_ =	shalt  }
0x5b: {  	_ =	shalt  }
0x5c: {  	_ =	shalt  }
0x5d: {  	_ =	shalt  }
0x5e: {  	_ =	shalt  }
0x5f: {  	_ =	shalt  }
0x60: {  	_ =	shalt  }
0x61: {  	_ =	shalt  }
0x62: {  	_ =	shalt  }
0x63: {  	_ =	shalt  }
0x64: {  	_ =	shalt  }
0x65: {  	_ =	shalt  }
0x66: {  	_ =	shalt  }
0x67: {  	_ =	shalt  }
0x68: {  	_ =	shalt  }
0x69: {  	_ =	shalt  }
0x6a: {  	_ =	shalt  }
0x6b: {  	_ =	shalt  }
0x6c: {  	_ =	shalt  }
0x6d: {  	_ =	shalt  }
0x6e: {  	_ =	shalt  }
0x6f: {  	_ =	shalt  }
0x70: {  	_ =	shalt  }
0x71: {  	_ =	shalt  }
0x72: {  	_ =	shalt  }
0x73: {  	_ =	shalt  }
0x74: {  	_ =	shalt  }
0x75: {  	_ =	shalt  }
0x76: {  	_ =	shalt  }
0x77: {  	_ =	shalt  }
0x78: {  	_ =	shalt  }
0x79: {  	_ =	shalt  }
0x7a: {  	_ =	shalt  }
0x7b: {  	_ =	shalt  }
0x7c: {  	_ =	shalt  }
0x7d: {  	_ =	shalt  }
0x7e: {  	_ =	shalt  }
0x7f: {  	_ =	shalt  }
0x80: {  	_ =	shalt  }
0x81: {  	_ =	shalt  }
0x82: {  	_ =	shalt  }
0x83: {  	_ =	shalt  }
0x84: {  	_ =	shalt  }
0x85: {  	_ =	shalt  }
0x86: {  	_ =	shalt  }
0x87: {  	_ =	shalt  }
.Lfunc_end0:
.L_simem_size_0:
called_computation_lowered:
.L_overlay_start_0:
0x88: {  	s0 =	sld [smem:$0x3FD9]  }
0x89: {  	s1 =	sld [smem:$0x3FFE];
	_ =	sdelay $0x3  }
0x8a: {  	s0 =	sadd.s32 s1, s0  }
0x8b: {  	[smem:$0x3FC6] =	sst s0  }
0x8c: {  	_ = 	snop  }
0x8d: {  	(tm) =	ssettm $0x1  }
0x8e: {  	s15 =	sld [smem:$0x3FFB];
	_ =	sdelay $0x3  }
0x8f: {  	_ =	strace s15  }
0x90: {  	s0 =	sld [smem:$0x3FFC];
	_ =	sdelay $0x3  }
0x91: {  	_ =	strace s0  }
0x92: {  	s0 =	sld [smem:$0x3FFD];
	_ =	sdelay $0x3  }
0x93: {  	_ =	strace s0  }
0x94: {  	_ =	strace $0x8FFFFFFF  }
0x95: {  	s16 =	sld [smem:$0x3FDB];
	_ =	sdelay $0x1  }
0x96: {  	s17 =	simm.s32 $_scs_section_size  }
0x97: {  	s2 =	simm.s32 $_size__tile_overlayer_lowered;
	s3 =	simm.s32 $_tile_overlayer_lowered  }
0x98: {  	s20 =	simm.s32 $0x1BFF;
	s19 =	sshll.u32 s3, $0x1;
	s0 =	sadd.s32 s17, s16  }
0x99: {  	s4 =	simm.s32 $0x0;
	s18 =	sshll.u32 s2, $0x1;
	s2 =	sadd.s32 s19, s0  }
0x9a: {  	[timem:s4], [sflag:s20] =	dma.local [hbm:s2], s18  }
0x9b: {  	_ =	swait.ge [sflag:s20], s18  }
0x9c: {  	s1 =	ssub.s32 $0x0, s18;
	[sflag:s20] =	ssyncset.done $0x0  }
0x9d: {  	[sflag:s20] =	ssyncadd.s32 s1;
	_ =	sdelay $0x1  }
0x9e: {  	s21 =	simm.s32 $0x1B8B  }
0x9f: {  	_ =	swait.ge [sflag:s21], $0x1  }
0xa0: {  	[sflag:s21] =	ssyncset.done $0x0  }
0xa1: {  	s23 =	simm.s32 $0x1B8E;
	s22 =	sld [smem:$0x3FFE];
	[sflag:s21] =	ssyncadd.s32 $0xFFFFFFFF  }
0xa2: {  	s24 =	simm.s32 $execute0_lowered;
	[smem:$0x3FD2] =	sst s23  }
0xa3: {  	s2 =	sshll.u32 s24, $0x1;
	_ =	strace $0x80000046;
	[dreg:$0x1] =	wrdreg $0xFFFFFFFF  }
0xa4: {  	s25 =	simm.s32 $_size_execute0_lowered;
	s0 =	sadd.s32 s0, s2;
	[dreg:$0x0] =	wrdreg $0x0  }
0xa5: {  	s2 =	sshll.u32 s25, $0x1;
	[dreg:$0x2] =	wrdreg s0  }
0xa6: {  	[dreg:$0x3] =	wrdreg s2  }
0xa7: {  	[dreg:$0x4] =	wrdreg $0xC0  }
0xa8: {  	_ =	task [dreg:s4], $0x5FFFF  }
0xa9: {  	[dreg:$0x1] =	wrdreg $0xFFFFFFFF  }
0xaa: {  	[dreg:$0x0] =	wrdreg $0x60  }
0xab: {  	[dreg:$0x2] =	wrdreg s22  }
0xac: {  	[dreg:$0x3] =	wrdreg $0x91000  }
0xad: {  	[dreg:$0x4] =	wrdreg $0x96000  }
0xae: {  	[dreg:$0x5] =	wrdreg $0xA0000  }
0xaf: {  	[dreg:$0x6] =	wrdreg $0x9B000  }
0xb0: {  	[dreg:$0x7] =	wrdreg $0x9  }
0xb1: {  	_ =	task.clear_ibuf [dreg:s4], $0x8FFFF;
	_ =	strace $0x90000046  }
0xb2: {  	s26 =	simm.s32 $0x9;
	_ =	strace $0x80000048  }
0xb3: {  	_ =	swait.ge [sflag:s26], $0x1  }
0xb4: {  	[sflag:s26] =	ssyncadd.s32 $0xFFFFFFFF  }
0xb5: {  	_ =	strace $0x90000048  }
0xb6: {  	_ =	sfence  }
0xb7: {  	s28 =	sld [smem:$0x0];
	_ =	sdelay $0x1  }
0xb8: {  	s29 =	srdreg.scid  }
0xb9: {  	s30 =	sshll.u32 s29, $0xD;
	s31 =	sshrl.u32 s29, $0x2  }
0xba: {  	s1 =	sand.u32 $0x1, s29;
	s2 =	sand.u32 $0x4000, s30;
	s0 =	sadd.s32 s31, s28  }
0xbb: {  	s1 =	sor.u32 s2, s1;
	s0 =	sshll.u32 s0, $0x11  }
0xbc: {  	s0 =	sor.u32 s0, s1  }
0xbd: {  	s0 =	sadd.s32 $0x8F2B, s0  }
0xbe: {  	[sflag:s0] =	ssyncadd.remote.s32 $0x1  }
0xbf: {  	_ =	sfence.sel $0xFFFF  }
0xc0: {  	[dreg:$0x0] =	wrdreg $0xFFFFFFFF;
	(pc) =	sbr.abs _section_cstart, $3  }
0xc1: {  	[dreg:$0x1] =	wrdreg $0xFFFFFFFF  }
0xc2: {  	_ =	task.clear_ibuf [dreg:s4], $0x2FFFF;
	_ =	strace $0x9FFFFFFF  }
0xc3: {  	(tm) =	ssettm $0x7FFFFFFF  }
tec
execute0_lowered:
.L_overlay_start_1:
0x0: {  	(tag) =	ssettag $0x1  }
0x1: {  	s4 =	rddreg [dreg:$0x0]  }
0x2: {  	s9 =	rddreg [dreg:$0x1]  }
0x3: {  	s6 =	rddreg [dreg:$0x2];
	s0 =	stileid.u32  }
0x4: {  	s5 =	rddreg [dreg:$0x3];
	s8 =	smul.u32 $0x500, s0  }
0x5: {  	s2 =	rddreg [dreg:$0x4]  }
0x6: {  	s1 =	rddreg [dreg:$0x5];
	s3 =	simm.s32 $0x0;
	s7 =	sshrl.u32 s8, $0x3  }
0x7: {  	s10 =	simm.s32 $0x5000;
	[smem:$0x7FF] =	sst s3;
	s7 =	sadd.s32 s7, s4  }
0x8: {  	s30 =	simm.s32 $0x2;
	_ =	strace $0x80000047;
	s7 =	sadd.s32 $0x5600, s7  }
0x9: {  	[tilespmem:s10], [sflag:$0x2] =	stream.linear.gather [hbm4b:s7+s3], $0x500, $0x38;
	[tilespmem:$0xA200] =	vst v63  }
0xa: {  	_ =	swait.ge [sflag:s30], $0x500  }
0xb: {  	[sflag:s30] =	ssyncset.done $0x0  }
0xc: {  	s7 =	simm.s32 $0x0;
	[sflag:s30] =	ssyncadd.s32 $0xFFFFFB00  }
0xd: {  	v1 =	vld [tilespmem:s7+$0x5000]  }
0xe: {  	s31 =	smul.u32 $0x1400, s0;
	_ =	sdelay $0x1  }
0xf: {  	s3 =	sshrl.u32 s31, $0x2  }
0x10: {  	v0 =	vmov s3  }
0x11: {  	v2 =	vsub.s32 $0x3F800001, v1  }
0x12: {  	vm0 =	vgt.s32 v2, $0x1  }
0x13: {  	vm1 =	vgt.f32 v1, $1.000000010e-01;
	v2 =	vnsel vm0, $0x1, v2  }
0x14: {  	s12 =	simm.s32 $0x10;
	s11 =	simm.s32 $0x80;
	v1 =	vlaneseq.u32;
	v2 =	vnsel vm1, $0x1B33334, v2  }
0x15: {  	s10 =	smov.u32 s8;
	s3 =	sadd.s32 $0x600, s4;
	s4 =	sadd.s32 $0x6000, s4;
	[tilespmem:v0+s7+$0x0 ss:$0x1] =	vst.idx.msk $0xffff, v2;
	v2 =	vor.u32 s8, v1  }
.LBB2_1:
0x16: {  	p0 =	sne.s32 s11, $0x13C0;
	v3 =	vld [tilespmem:s12+$0x5000];
	[tilespmem:s7+$0x5500] =	vst v2;
	s7 =	smov.u32 s12;
	_ =	sdelay $0x4  }
.Ltmp0:
0x17: {  	v2 =	vsub.s32 $0x3F800001, v3;
	(pc) =	sbr.rel @p0 .LBB2_1-.Ltmp0, $4  }
0x18: {  	vm0 =	vgt.s32 v2, $0x1  }
0x19: {  	vm1 =	vgt.f32 v3, $1.000000010e-01;
	v2 =	vnsel vm0, $0x1, v2  }
0x1a: {  	s10 =	sadd.s32 $0x10, s10;
	v2 =	vnsel vm1, $0x1B33334, v2  }
0x1b: {  	s12 =	sshra.s32 s11, $0x2;
	s11 =	sadd.s32 $0x40, s11;
	[tilespmem:v0+s7+$0x0 ss:$0x1] =	vst.idx.msk $0xffff, v2;
	v2 =	vor.u32 s10, v1  }
0x1c: {  	v3 =	vld [tilespmem:s12+$0x5000];
	_ =	sdelay $0x4  }
0x1d: {  	v4 =	vsub.s32 $0x3F800001, v3  }
0x1e: {  	vm0 =	vgt.s32 v4, $0x1  }
0x1f: {  	vm1 =	vgt.f32 v3, $1.000000010e-01;
	v60 =	vnsel vm0, $0x1, v4  }
0x20: {  	[tilespmem:s7+$0x5500] =	vst v2;
	s29 =	sadd.s32 $0x10, s10;
	v61 =	vnsel vm1, $0x1B33334, v60  }
0x21: {  	v62 =	vor.u32 s29, v1;
	[tilespmem:v0+s12+$0x0 ss:$0x1] =	vst.idx.msk $0xffff, v61  }
0x22: {  	s30 =	sadd.s32 s8, s9;
	s11 =	simm.s32 $0x2;
	[tilespmem:s12+$0x5500] =	vst v62  }
0x23: {  	[spmem:s30] =	stream.linear.scatter [tilespmem:s8], [sflag:$0x2], $0x500, $0x38;
	[tilespmem:$0xA200] =	vst v63  }
0x24: {  	_ =	swait.ge [sflag:s11], $0x500  }
0x25: {  	[sflag:s11] =	ssyncset.done $0x0  }
0x26: {  	s7 =	sadd.s32 s8, s6;
	s31 =	simm.s32 $0x5500;
	[sflag:s11] =	ssyncadd.s32 $0xFFFFFB00  }
0x27: {  	[spmem:s7] =	stream.linear.scatter [tilespmem:s31], [sflag:$0x2], $0x500, $0x38;
	[tilespmem:$0xA200] =	vst v63  }
0x28: {  	_ =	swait.ge [sflag:s11], $0x500  }
0x29: {  	[sflag:s11] =	ssyncset.done $0x0  }
0x2a: {  	[sflag:s11] =	ssyncadd.s32 $0xFFFFFB00  }
0x2b: {  	s10 =	simm.s32 $0x0;
	[bflag:$0x0] =	sbarrier.arrive $0xFFFF  }
0x2c: {  	[tilespmem:s10], [sflag:$0x2] =	stream.linear.gather [spmem:s9], $0x5000, $0x38;
	[tilespmem:$0xA200] =	vst v63  }
0x2d: {  	_ =	swait.ge [sflag:s11], $0x5000  }
0x2e: {  	[sflag:s11] =	ssyncset.done $0x0  }
0x2f: {  	v63 =	vimm.s32 $0x0;
	[sflag:s11] =	ssyncadd.s32 $0xFFFFB000  }
0x30: {  	[tilespmem:$0x6400] =	vst v63  }
0x31: {  	[tilespmem:$0x6410] =	vst v63  }
0x32: {  	[tilespmem:$0x6420] =	vst v63  }
0x33: {  	[tilespmem:$0x6430] =	vst v63  }
0x34: {  	[tilespmem:$0x6440] =	vst v63  }
0x35: {  	[tilespmem:$0x6450] =	vst v63  }
0x36: {  	[tilespmem:$0x6460] =	vst v63  }
0x37: {  	[tilespmem:$0x6470] =	vst v63  }
0x38: {  	[tilespmem:$0x6480] =	vst v63  }
0x39: {  	[tilespmem:$0x6490] =	vst v63  }
0x3a: {  	[tilespmem:$0x64A0] =	vst v63  }
0x3b: {  	[tilespmem:$0x64B0] =	vst v63  }
0x3c: {  	[tilespmem:$0x64C0] =	vst v63  }
0x3d: {  	[tilespmem:$0x64D0] =	vst v63  }
0x3e: {  	[tilespmem:$0x64E0] =	vst v63  }
0x3f: {  	[tilespmem:$0x64F0] =	vst v63  }
0x40: {  	[tilespmem:$0x6500] =	vst v63  }
0x41: {  	[tilespmem:$0x6510] =	vst v63  }
0x42: {  	[tilespmem:$0x6520] =	vst v63  }
0x43: {  	[tilespmem:$0x6530] =	vst v63  }
0x44: {  	[tilespmem:$0x6540] =	vst v63  }
0x45: {  	[tilespmem:$0x6550] =	vst v63  }
0x46: {  	[tilespmem:$0x6560] =	vst v63  }
0x47: {  	[tilespmem:$0x6570] =	vst v63  }
0x48: {  	[tilespmem:$0x6580] =	vst v63  }
0x49: {  	[tilespmem:$0x6590] =	vst v63  }
0x4a: {  	[tilespmem:$0x65A0] =	vst v63  }
0x4b: {  	[tilespmem:$0x65B0] =	vst v63  }
0x4c: {  	[tilespmem:$0x65C0] =	vst v63  }
0x4d: {  	[tilespmem:$0x65D0] =	vst v63  }
0x4e: {  	[tilespmem:$0x65E0] =	vst v63  }
0x4f: {  	[tilespmem:$0x65F0] =	vst v63  }
0x50: {  	[tilespmem:s31], [sflag:$0x2] =	stream.linear.gather [spmem:s7], $0x500, $0x38;
	[tilespmem:$0xA200] =	vst v63  }
0x51: {  	_ =	swait.ge [sflag:s11], $0x500  }
0x52: {  	[sflag:s11] =	ssyncset.done $0x0  }
0x53: {  	s9 =	simm.s32 $0x6400;
	[sflag:s11] =	ssyncadd.s32 $0xFFFFFB00;
	s11 =	simm.s32 $0x0  }
.LBB2_3:
0x54: {  	s12 =	sshra.s32 s11, $0x2  }
0x55: {  	v0 =	vld [tilespmem:s12+$0x5500];
	_ =	sdelay $0x7  }
0x56: {  	v0 =	vld.idx.msk [tilespmem:v0+s10+$0x0], $0xffff;
	_ =	sdelay $0x4  }
0x57: {  	v0 =	vand.u32 $0x1FF, v0  }
0x58: {  	(xrf1) =	vunique.msk.u32 $0xffff, v0;
	_ =	sdelay $0xd  }
0x59: {  	_, v1, vm0 =	vpop (xrf1)  }
0x5a: {  	p0 =	sne.s32 s11, $0x13C0  }
.Ltmp1:
0x5b: {  	_ = 	snop;
	(pc) =	sbr.rel @p0 .LBB2_3-.Ltmp1, $2  }
0x5c: {  	_ =	sdelay $0x2  }
0x5d: {  	s11 =	sadd.s32 $0x40, s11;
	[tilespmem:v0+s9+$0x0] =	vst.idx.add.s32.msk vm0, v1  }
0x5e: {  	s9 =	sshll.u32 s0, $0x9  }
0x5f: {  	s10 =	simm.s32 $0x6400;
	s30 =	simm.s32 $0x2;
	s9 =	sadd.s32 s9, s5  }
0x60: {  	[spmem:s9] =	stream.linear.scatter [tilespmem:s10], [sflag:$0x2], $0x200, $0x38;
	[tilespmem:$0xA200] =	vst v63  }
0x61: {  	_ =	swait.ge [sflag:s30], $0x200  }
0x62: {  	[sflag:s30] =	ssyncset.done $0x0  }
0x63: {  	[sflag:s30] =	ssyncadd.s32 $0xFFFFFE00  }
0x64: {  	s31 =	simm.s32 $0x6800;
	[bflag:$0x0] =	sbarrier.arrive $0xFFFF  }
0x65: {  	[tilespmem:s31], [sflag:$0x2] =	stream.linear.gather [spmem:s5], $0x2000, $0x38;
	[tilespmem:$0xA200] =	vst v63  }
0x66: {  	_ =	swait.ge [sflag:s30], $0x2000  }
0x67: {  	[sflag:s30] =	ssyncset.done $0x0  }
0x68: {  	s9 =	simm.s32 $0x0;
	[sflag:s30] =	ssyncadd.s32 $0xFFFFE000  }
0x69: {  	v0 =	vld [tilespmem:s9+$0x6800]  }
0x6a: {  	v1 =	vld [tilespmem:s9+$0x6A00]  }
0x6b: {  	v2 =	vld [tilespmem:s9+$0x6C00]  }
0x6c: {  	v3 =	vld [tilespmem:s9+$0x6E00]  }
0x6d: {  	v4 =	vld [tilespmem:s9+$0x7000]  }
0x6e: {  	v5 =	vld [tilespmem:s9+$0x7200]  }
0x6f: {  	v7 =	vld [tilespmem:s9+$0x7400]  }
0x70: {  	v8 =	vld [tilespmem:s9+$0x7600];
	v6 =	vadd.s32 v0, v1  }
0x71: {  	v9 =	vld [tilespmem:s9+$0x7800];
	v6 =	vadd.s32 v2, v6  }
0x72: {  	v10 =	vld [tilespmem:s9+$0x7A00];
	v6 =	vadd.s32 v3, v6  }
0x73: {  	v11 =	vmov s0;
	v12 =	vld [tilespmem:s9+$0x7C00];
	v6 =	vadd.s32 v4, v6  }
0x74: {  	vm0 =	veq.s32 v11, $0xF;
	v13 =	vld [tilespmem:s9+$0x7E00];
	v6 =	vadd.s32 v5, v6  }
0x75: {  	vm1 =	vgt.u32 v11, $0xD;
	vm2 =	vgt.u32 v11, $0xC;
	v14 =	vld [tilespmem:s9+$0x8000];
	v6 =	vadd.s32 v7, v6  }
0x76: {  	vm3 =	vgt.u32 v11, $0xB;
	vm4 =	vgt.u32 v11, $0xA;
	v15 =	vld [tilespmem:s9+$0x8200];
	v6 =	vadd.s32 v8, v6  }
0x77: {  	vm5 =	vgt.u32 v11, $0x9;
	vm6 =	vgt.u32 v11, $0x8;
	v16 =	vld [tilespmem:s9+$0x8400];
	v6 =	vadd.s32 v9, v6  }
0x78: {  	vm7 =	vgt.u32 v11, $0x7;
	vm8 =	vgt.u32 v11, $0x6;
	s10 =	simm.s32 $0x10;
	v17 =	vld [tilespmem:s9+$0x8600];
	v6 =	vadd.s32 v10, v6  }
0x79: {  	vm9 =	vgt.u32 v11, $0x5;
	vm10 =	vgt.u32 v11, $0x4;
	v18 =	vld [tilespmem:s10+$0x6800];
	v6 =	vadd.s32 v12, v6  }
0x7a: {  	vm11 =	vgt.u32 v11, $0x3;
	vm12 =	vgt.u32 v11, $0x2;
	v19 =	vld [tilespmem:s10+$0x6A00];
	v6 =	vadd.s32 v13, v6  }
0x7b: {  	vm13 =	veq.s32 v11, $0x0;
	vm14 =	vgt.u32 v11, $0x1;
	v11 =	vld [tilespmem:s10+$0x6C00];
	v6 =	vadd.s32 v14, v6  }
0x7c: {  	v21 =	vnsel vm12, $0x0, v2;
	v2 =	vld [tilespmem:s10+$0x6E00];
	v6 =	vadd.s32 v15, v6  }
0x7d: {  	v20 =	vnsel vm14, $0x0, v1;
	v1 =	vadd.s32 v16, v6;
	v6 =	vnsel vm11, $0x0, v3;
	v3 =	vld [tilespmem:s10+$0x7000]  }
0x7e: {  	v0 =	vsel vm13, $0x0, v0;
	v22 =	vnsel vm10, $0x0, v4;
	v4 =	vld [tilespmem:s10+$0x7200];
	v1 =	vadd.s32 v17, v1  }
0x7f: {  	v23 =	vnsel vm7, $0x0, v8;
	v8 =	vld [tilespmem:s10+$0x7400];
	v17 =	vnsel vm8, $0x0, v7;
	v7 =	vadd.s32 v18, v19;
	(xrf0) =	vadd.scan.msk.s32 $0xffff, v1  }
0x80: {  	v24 =	vnsel vm4, $0x0, v12;
	v25 =	vnsel vm3, $0x0, v13;
	v12 =	vld [tilespmem:s10+$0x7600];
	v7 =	vadd.s32 v11, v7  }
0x81: {  	v26 =	vnsel vm2, $0x0, v14;
	v27 =	vnsel vm1, $0x0, v15;
	v13 =	vld [tilespmem:s10+$0x7800];
	v7 =	vadd.s32 v2, v7  }
0x82: {  	s11 =	simm.s32 $0x0;
	v29 =	vsel vm13, $0x0, v18;
	v30 =	vnsel vm14, $0x0, v19;
	v14 =	vld [tilespmem:s10+$0x7A00];
	v7 =	vadd.s32 v3, v7  }
0x83: {  	v33 =	vnsel vm12, $0x0, v11;
	v0 =	vadd.s32 s11, v0;
	v11 =	vld [tilespmem:s10+$0x7C00];
	v7 =	vadd.s32 v4, v7  }
0x84: {  	v0 =	vadd.s32 v20, v0;
	v35 =	vnsel vm11, $0x0, v2;
	v18 =	vld [tilespmem:s10+$0x7E00];
	v7 =	vadd.s32 v8, v7  }
0x85: {  	v19 =	vld [tilespmem:s10+$0x8000];
	v2 =	vnsel vm10, $0x0, v3;
	v3 =	vnsel vm9, $0x0, v4;
	v15, _, _ =	vpop (xrf0);
	v7 =	vadd.s32 v12, v7  }
0x86: {  	v4 =	vnsel vm8, $0x0, v8;
	v8 =	vld [tilespmem:s10+$0x8200];
	(v2sf) =	vpush v15, $0xF;
	v7 =	vadd.s32 v13, v7  }
0x87: {  	v31 =	vld [tilespmem:s10+$0x8400];
	v28 =	vnsel vm0, $0x0, v16;
	v0 =	vadd.s32 v21, v0;
	v7 =	vadd.s32 v14, v7  }
0x88: {  	s11 =	simm.s32 $0x20;
	v20 =	vld [tilespmem:s10+$0x8600];
	v5 =	vnsel vm9, $0x0, v5;
	v0 =	vadd.s32 v6, v0;
	v7 =	vadd.s32 v11, v7  }
0x89: {  	v32 =	vld [tilespmem:s11+$0x6A00];
	v9 =	vnsel vm6, $0x0, v9;
	v0 =	vadd.s32 v22, v0;
	v7 =	vadd.s32 v18, v7  }
0x8a: {  	v21 =	vld [tilespmem:s11+$0x6800];
	v16 =	vnsel vm6, $0x0, v13;
	v0 =	vadd.s32 v5, v0;
	v7 =	vadd.s32 v19, v7  }
0x8b: {  	v6 =	vnsel vm3, $0x0, v18;
	v13 =	vnsel vm5, $0x0, v14;
	v18 =	vld [tilespmem:s11+$0x6C00];
	v14 =	vadd.s32 v8, v7  }
0x8c: {  	v10 =	vnsel vm5, $0x0, v10;
	v5 =	vadd.s32 v31, v14;
	v14 =	vadd.s32 v17, v0  }
0x8d: {  	v12 =	vnsel vm7, $0x0, v12;
	v7 =	vnsel vm2, $0x0, v19;
	v19 =	vld [tilespmem:s11+$0x6E00];
	v17 =	vadd.s32 v23, v14  }
0x8e: {  	v22 =	vld [tilespmem:s11+$0x7000];
	v0 =	vadd.s32 v20, v5;
	v5 =	vnsel vm0, $0x0, v31;
	v9 =	vadd.s32 v9, v17  }
0x8f: {  	v14 =	vsel vm13, $0x0, v21;
	v20 =	vld [tilespmem:s11+$0x7200];
	v21 =	vadd.s32 v21, v32;
	(xrf0) =	vadd.scan.msk.s32 $0xffff, v0;
	v10 =	vadd.s32 v10, v9  }
0x90: {  	v31 =	vld [tilespmem:s11+$0x7400];
	v21 =	vadd.s32 v18, v21;
	v9 =	vnsel vm12, $0x0, v18;
	v18 =	vadd.s32 v24, v10  }
0x91: {  	v62 =	vld [tilespmem:s11+$0x7600];
	v11 =	vnsel vm4, $0x0, v11;
	v8 =	vnsel vm1, $0x0, v8;
	v18 =	vadd.s32 v25, v18  }
0x92: {  	v17 =	vnsel vm14, $0x0, v32;
	v21 =	vadd.s32 v19, v21;
	v24 =	vld [tilespmem:s11+$0x7800];
	v18 =	vadd.s32 v26, v18  }
0x93: {  	v10 =	vnsel vm11, $0x0, v19;
	v19 =	vadd.s32 v22, v21;
	v22 =	vnsel vm10, $0x0, v22;
	v21 =	vld [tilespmem:s11+$0x7A00]  }
0x94: {  	v19 =	vadd.s32 v20, v19;
	v23 =	vnsel vm9, $0x0, v20;
	v26 =	vld [tilespmem:s11+$0x7C00];
	v20 =	vadd.s32 v27, v18  }
0x95: {  	v36 =	vld [tilespmem:s11+$0x7E00];
	v25 =	vnsel vm8, $0x0, v31;
	v19 =	vadd.s32 v31, v19;
	v31 =	vadd.s32 v28, v20;
	v18, _, _ =	vpop (xrf0);
	s12 =	spop (v2sf)  }
0x96: {  	v27 =	vld [tilespmem:s11+$0x8000];
	v20 =	vadd.s32 v62, v19;
	v19 =	vnsel vm7, $0x0, v62;
	(v2sf) =	vpush v18, $0xF;
	s14 =	sadd.s32 $0x0, s12  }
0x97: {  	v28 =	vld [tilespmem:s11+$0x8200];
	v63 =	vadd.s32 v24, v20;
	v20 =	vnsel vm6, $0x0, v24;
	v24 =	vadd.s32 s14, v29  }
0x98: {  	v32 =	vadd.s32 v21, v63;
	v21 =	vnsel vm5, $0x0, v21;
	v29 =	vld [tilespmem:s11+$0x8400];
	v30 =	vadd.s32 v30, v24  }
0x99: {  	s13 =	simm.s32 $0x30;
	v34 =	vadd.s32 v26, v32;
	v32 =	vld [tilespmem:s11+$0x8600];
	v24 =	vnsel vm4, $0x0, v26;
	v33 =	vadd.s32 v33, v30  }
0x9a: {  	s16 =	simm.s32 $0x100;
	s15 =	simm.s32 $0x0;
	s12 =	simm.s32 $0x40;
	v34 =	vadd.s32 v36, v34;
	v26 =	vnsel vm3, $0x0, v36;
	v30 =	vld [tilespmem:s13+$0x6800];
	v33 =	vadd.s32 v35, v33  }
.LBB2_5:
0x9b: {  	p0 =	sne.s32 s16, $0x7C0;
	v35 =	vld [tilespmem:s13+$0x6A00];
	v34 =	vadd.s32 v27, v34;
	v27 =	vnsel vm2, $0x0, v27;
	v33 =	vadd.s32 v2, v33;
	v2 =	vmovc v22  }
0x9c: {  	v22 =	vld [tilespmem:s13+$0x6C00];
	v34 =	vadd.s32 v28, v34;
	v28 =	vnsel vm1, $0x0, v28;
	v33 =	vadd.s32 v3, v33;
	v3 =	vmovc v23  }
0x9d: {  	v23 =	vld [tilespmem:s13+$0x6E00];
	v34 =	vadd.s32 v29, v34;
	v29 =	vnsel vm0, $0x0, v29;
	v33 =	vadd.s32 v4, v33;
	v4 =	vmovc v25  }
0x9e: {  	v31 =	vsub.s32 v31, v1;
	v1 =	vmovc v0;
	v25 =	vld [tilespmem:s13+$0x7000];
	v37 =	vadd.s32 v12, v33;
	v0 =	vadd.s32 v32, v34  }
0x9f: {  	v36 =	vadd.s32 v15, v31;
	v15 =	vmovc v18;
	v32 =	vsel vm13, $0x0, v30;
	v33 =	vld [tilespmem:s13+$0x7200];
	(xrf0) =	vadd.scan.msk.s32 $0xffff, v0;
	v34 =	vadd.s32 v16, v37  }
0xa0: {  	v12 =	vmovc v19;
	v18 =	vadd.s32 v30, v35;
	v30 =	vnsel vm14, $0x0, v35;
	v31 =	vld [tilespmem:s13+$0x7400];
	v35 =	vadd.s32 v13, v34;
	[tilespmem:s15+$0x6600] =	vst v36;
	s15 =	smov.u32 s10;
	s10 =	smov.u32 s11;
	s11 =	smov.u32 s13  }
0xa1: {  	v16 =	vmovc v20;
	v13 =	vmovc v21;
	v18 =	vadd.s32 v22, v18;
	v34 =	vnsel vm12, $0x0, v22;
	v19 =	vld [tilespmem:s11+$0x7600];
	v22 =	vadd.s32 v11, v35  }
0xa2: {  	v11 =	vmovc v24;
	v18 =	vadd.s32 v23, v18;
	v35 =	vnsel vm11, $0x0, v23;
	v20 =	vld [tilespmem:s11+$0x7800];
	v21 =	vadd.s32 v6, v22;
	v6 =	vmovc v26  }
0xa3: {  	v37 =	vadd.s32 v25, v18;
	v22 =	vnsel vm10, $0x0, v25;
	v24 =	vld [tilespmem:s11+$0x7A00];
	v21 =	vadd.s32 v7, v21;
	v7 =	vmovc v27  }
0xa4: {  	v36 =	vadd.s32 v33, v37;
	v23 =	vnsel vm9, $0x0, v33;
	v26 =	vld [tilespmem:s11+$0x7C00];
	v21 =	vadd.s32 v8, v21;
	v8 =	vmovc v28  }
0xa5: {  	v27 =	vadd.s32 v31, v36;
	v25 =	vnsel vm8, $0x0, v31;
	v33 =	vld [tilespmem:s11+$0x7E00];
	v18, _, _ =	vpop (xrf0);
	v31 =	vadd.s32 v5, v21;
	s13 =	spop (v2sf)  }
.Ltmp2:
0xa6: {  	v5 =	vmovc v29;
	v21 =	vadd.s32 v19, v27;
	v19 =	vnsel vm7, $0x0, v19;
	v27 =	vld [tilespmem:s11+$0x8000];
	(v2sf) =	vpush v18, $0xF;
	s14 =	sadd.s32 s14, s13;
	(pc) =	sbr.rel @p0 .LBB2_5-.Ltmp2, $4  }
0xa7: {  	v21 =	vadd.s32 v20, v21;
	v20 =	vnsel vm6, $0x0, v20;
	v28 =	vld [tilespmem:s11+$0x8200];
	v36 =	vadd.s32 s14, v14;
	v14 =	vmovc v32  }
0xa8: {  	v32 =	vadd.s32 v24, v21;
	v21 =	vnsel vm5, $0x0, v24;
	v29 =	vld [tilespmem:s11+$0x8400];
	v36 =	vadd.s32 v17, v36;
	v17 =	vmovc v30  }
0xa9: {  	s13 =	sshra.s32 s16, $0x2;
	v37 =	vadd.s32 v26, v32;
	v24 =	vnsel vm4, $0x0, v26;
	v32 =	vld [tilespmem:s11+$0x8600];
	v36 =	vadd.s32 v9, v36;
	v9 =	vmovc v34  }
0xaa: {  	s16 =	sadd.s32 $0x40, s16;
	v30 =	vld [tilespmem:s13+$0x6800];
	v34 =	vadd.s32 v33, v37;
	v26 =	vnsel vm3, $0x0, v33;
	v33 =	vadd.s32 v10, v36;
	v10 =	vmovc v35  }
0xab: {  	v34 =	vadd.s32 v27, v34  }
0xac: {  	v34 =	vadd.s32 v28, v34  }
0xad: {  	v34 =	vadd.s32 v29, v34  }
0xae: {  	v35 =	vld [tilespmem:s13+$0x6A00];
	v32 =	vadd.s32 v32, v34  }
0xaf: {  	v36 =	vld [tilespmem:s13+$0x6C00];
	(xrf0) =	vadd.scan.msk.s32 $0xffff, v32  }
0xb0: {  	v55 =	vld [tilespmem:s13+$0x6E00]  }
0xb1: {  	v37 =	vld [tilespmem:s13+$0x7000];
	v1 =	vsub.s32 v31, v1  }
0xb2: {  	v56 =	vld [tilespmem:s13+$0x7200];
	v1 =	vadd.s32 v15, v1  }
0xb3: {  	v57 =	vld [tilespmem:s13+$0x7400];
	[tilespmem:s15+$0x6600] =	vst v1;
	v38 =	vadd.s32 v30, v35  }
0xb4: {  	v59 =	vld [tilespmem:s13+$0x7600];
	v58 =	vadd.s32 v36, v38  }
0xb5: {  	v39 =	vld [tilespmem:s13+$0x7800];
	v1 =	vadd.s32 v55, v58;
	v40, _, _ =	vpop (xrf0)  }
0xb6: {  	v41 =	vld [tilespmem:s13+$0x7A00];
	v1 =	vadd.s32 v37, v1;
	(v2sf) =	vpush v40, $0xF  }
0xb7: {  	v42 =	vld [tilespmem:s13+$0x7C00];
	v1 =	vadd.s32 v56, v1  }
0xb8: {  	v43 =	vld [tilespmem:s13+$0x7E00];
	v1 =	vadd.s32 v57, v1  }
0xb9: {  	v44 =	vld [tilespmem:s13+$0x8000];
	v1 =	vadd.s32 v59, v1  }
0xba: {  	v45 =	vld [tilespmem:s13+$0x8200];
	v1 =	vadd.s32 v39, v1  }
0xbb: {  	v60 =	vld [tilespmem:s13+$0x8400];
	v1 =	vadd.s32 v41, v1  }
0xbc: {  	v61 =	vld [tilespmem:s13+$0x8600];
	v1 =	vadd.s32 v42, v1  }
0xbd: {  	v1 =	vadd.s32 v43, v1  }
0xbe: {  	v2 =	vadd.s32 v2, v33;
	v1 =	vadd.s32 v44, v1  }
0xbf: {  	v2 =	vadd.s32 v3, v2;
	v1 =	vadd.s32 v45, v1  }
0xc0: {  	v2 =	vadd.s32 v4, v2;
	v1 =	vadd.s32 v60, v1  }
0xc1: {  	v2 =	vadd.s32 v12, v2;
	v1 =	vadd.s32 v61, v1  }
0xc2: {  	v63 =	vnsel vm2, $0x0, v27;
	v2 =	vadd.s32 v16, v2;
	(xrf0) =	vadd.scan.msk.s32 $0xffff, v1  }
0xc3: {  	v27 =	vnsel vm1, $0x0, v28;
	v28 =	vnsel vm0, $0x0, v29;
	v2 =	vadd.s32 v13, v2  }
0xc4: {  	v29 =	vsel vm13, $0x0, v30;
	v30 =	vnsel vm14, $0x0, v35;
	v2 =	vadd.s32 v11, v2;
	s29 =	spop (v2sf)  }
0xc5: {  	v35 =	vnsel vm12, $0x0, v36;
	v46 =	vnsel vm10, $0x0, v37;
	v2 =	vadd.s32 v6, v2;
	s14 =	sadd.s32 s14, s29;
	s30 =	spop (v2sf)  }
0xc6: {  	v47 =	vnsel vm9, $0x0, v56;
	v2 =	vadd.s32 v7, v2;
	v62 =	vadd.s32 s14, v14;
	s14 =	sadd.s32 s14, s30  }
0xc7: {  	v2 =	vadd.s32 v8, v2;
	v3 =	vadd.s32 v17, v62;
	v8 =	vadd.s32 s14, v29  }
0xc8: {  	v36 =	vnsel vm11, $0x0, v55;
	v3 =	vadd.s32 v9, v3;
	v48, _, _ =	vpop (xrf0);
	v8 =	vadd.s32 v30, v8  }
0xc9: {  	v3 =	vadd.s32 v10, v3;
	(v2sf) =	vpush v48, $0xF;
	v8 =	vadd.s32 v35, v8  }
0xca: {  	v49 =	vnsel vm8, $0x0, v57;
	v3 =	vadd.s32 v22, v3;
	v8 =	vadd.s32 v36, v8  }
0xcb: {  	v51 =	vnsel vm7, $0x0, v59;
	v3 =	vadd.s32 v23, v3;
	v50 =	vadd.s32 v46, v8  }
0xcc: {  	v2 =	vadd.s32 v5, v2;
	v3 =	vadd.s32 v25, v3;
	v5 =	vadd.s32 v47, v50  }
0xcd: {  	v52 =	vnsel vm6, $0x0, v39;
	v3 =	vadd.s32 v19, v3;
	v5 =	vadd.s32 v49, v5  }
0xce: {  	v53 =	vnsel vm5, $0x0, v41;
	v3 =	vadd.s32 v20, v3;
	v5 =	vadd.s32 v51, v5  }
0xcf: {  	v54 =	vnsel vm4, $0x0, v42;
	v3 =	vadd.s32 v21, v3;
	v5 =	vadd.s32 v52, v5  }
0xd0: {  	v55 =	vnsel vm3, $0x0, v43;
	v3 =	vadd.s32 v24, v3;
	v5 =	vadd.s32 v53, v5  }
0xd1: {  	v56 =	vnsel vm2, $0x0, v44;
	v3 =	vadd.s32 v26, v3;
	v5 =	vadd.s32 v54, v5  }
0xd2: {  	v57 =	vnsel vm1, $0x0, v45;
	v3 =	vadd.s32 v63, v3;
	v58 =	vadd.s32 v55, v5  }
0xd3: {  	v59 =	vnsel vm0, $0x0, v60;
	v3 =	vadd.s32 v27, v3;
	v4 =	vadd.s32 v56, v58  }
0xd4: {  	v0 =	vsub.s32 v2, v0;
	v60 =	vadd.s32 v28, v3;
	v61 =	vadd.s32 v57, v4  }
0xd5: {  	v0 =	vadd.s32 v18, v0;
	v2 =	vsub.s32 v60, v32;
	v3 =	vadd.s32 v59, v61  }
0xd6: {  	[tilespmem:s10+$0x6600] =	vst v0;
	v62 =	vadd.s32 v40, v2;
	v1 =	vsub.s32 v3, v1  }
0xd7: {  	[tilespmem:s11+$0x6600] =	vst v62;
	v63 =	vadd.s32 v48, v1  }
0xd8: {  	s10 =	simm.s32 $0x6600;
	s11 =	simm.s32 $0x0;
	s31 =	spop (v2sf);
	[tilespmem:s13+$0x6600] =	vst v63  }
.LBB2_7:
0xd9: {  	p0 =	sne.s32 s12, $0x13C0;
	v0 =	vld [tilespmem:s9+$0x5500];
	_ =	sdelay $0x7  }
0xda: {  	v0 =	vld.idx.msk [tilespmem:v0+s11+$0x0], $0xffff;
	_ =	sdelay $0x5  }
0xdb: {  	v0 =	vand.u32 $0x1FF, v0  }
0xdc: {  	(xrf1) =	vunique.msk.u32 $0xffff, v0;
	_ =	sdelay $0xa  }
0xdd: {  	v1 =	vld.idx.msk [tilespmem:v0+s10+$0x0], $0xffff;
	_ =	sdelay $0x2  }
0xde: {  	_, v2, vm15 =	vpop (xrf1);
	_ =	sdelay $0x1  }
.Ltmp3:
0xdf: {  	(pc) =	sbr.rel @p0 .LBB2_7-.Ltmp3, $4  }
0xe0: {  	v1 =	vadd.s32 v2, v1  }
0xe1: {  	v1 =	vadd.s32 $0xFFFFFFFF, v1  }
0xe2: {  	[tilespmem:s9+$0x5A00] =	vst v1  }
0xe3: {  	s9 =	sshra.s32 s12, $0x2;
	s12 =	sadd.s32 $0x40, s12;
	[tilespmem:v0+s10+$0x0] =	vst.idx.add.s32.msk vm15, v2  }
0xe4: {  	v0 =	vld [tilespmem:s9+$0x5500];
	_ =	sdelay $0x7  }
0xe5: {  	v0 =	vld.idx.msk [tilespmem:v0+s11+$0x0], $0xffff;
	_ =	sdelay $0x4  }
0xe6: {  	v0 =	vand.u32 $0x1FF, v0  }
0xe7: {  	(xrf1) =	vunique.msk.u32 $0xffff, v0;
	_ =	sdelay $0xb  }
0xe8: {  	v1 =	vld.idx.msk [tilespmem:v0+s10+$0x0], $0xffff;
	_ =	sdelay $0x1  }
0xe9: {  	_, v2, vm15 =	vpop (xrf1);
	_ =	sdelay $0x2  }
0xea: {  	v1 =	vadd.s32 v2, v1  }
0xeb: {  	v1 =	vadd.s32 $0xFFFFFFFF, v1  }
0xec: {  	[tilespmem:s9+$0x5A00] =	vst v1  }
0xed: {  	[tilespmem:v0+s10+$0x0] =	vst.idx.add.s32.msk vm15, v2  }
0xee: {  	v0 =	vld [tilespmem:$0x5A00]  }
0xef: {  	v1 =	vld [tilespmem:$0x5A10]  }
0xf0: {  	v2 =	vld [tilespmem:$0x5A20]  }
0xf1: {  	v3 =	vld [tilespmem:$0x5A30]  }
0xf2: {  	v4 =	vld [tilespmem:$0x5A40]  }
0xf3: {  	v44 =	vld [tilespmem:$0x5A50];
	[tilespmem:$0x5F00] =	vst v0  }
0xf4: {  	v45 =	vld [tilespmem:$0x5A60];
	[tilespmem:$0x5F10] =	vst v1  }
0xf5: {  	v46 =	vld [tilespmem:$0x5A70];
	[tilespmem:$0x5F20] =	vst v2  }
0xf6: {  	v47 =	vld [tilespmem:$0x5A80];
	[tilespmem:$0x5F30] =	vst v3  }
0xf7: {  	v48 =	vld [tilespmem:$0x5A90];
	[tilespmem:$0x5F40] =	vst v4  }
0xf8: {  	v49 =	vld [tilespmem:$0x5AA0];
	[tilespmem:$0x5F50] =	vst v44  }
0xf9: {  	v50 =	vld [tilespmem:$0x5AB0];
	[tilespmem:$0x5F60] =	vst v45  }
0xfa: {  	v51 =	vld [tilespmem:$0x5AC0];
	[tilespmem:$0x5F70] =	vst v46  }
0xfb: {  	v52 =	vld [tilespmem:$0x5AD0];
	[tilespmem:$0x5F80] =	vst v47  }
0xfc: {  	v53 =	vld [tilespmem:$0x5AE0];
	[tilespmem:$0x5F90] =	vst v48  }
0xfd: {  	v54 =	vld [tilespmem:$0x5AF0];
	[tilespmem:$0x5FA0] =	vst v49  }
0xfe: {  	v55 =	vld [tilespmem:$0x5B00];
	[tilespmem:$0x5FB0] =	vst v50  }
0xff: {  	v56 =	vld [tilespmem:$0x5B10];
	[tilespmem:$0x5FC0] =	vst v51  }
0x100: {  	v57 =	vld [tilespmem:$0x5B20];
	[tilespmem:$0x5FD0] =	vst v52  }
0x101: {  	v58 =	vld [tilespmem:$0x5B30];
	[tilespmem:$0x5FE0] =	vst v53  }
0x102: {  	v59 =	vld [tilespmem:$0x5B40];
	[tilespmem:$0x5FF0] =	vst v54  }
0x103: {  	v60 =	vld [tilespmem:$0x5B50];
	[tilespmem:$0x6000] =	vst v55  }
0x104: {  	v61 =	vld [tilespmem:$0x5B60];
	[tilespmem:$0x6010] =	vst v56  }
0x105: {  	v62 =	vld [tilespmem:$0x5B70];
	[tilespmem:$0x6020] =	vst v57  }
0x106: {  	v63 =	vld [tilespmem:$0x5B80];
	[tilespmem:$0x6030] =	vst v58  }
0x107: {  	v8 =	vld [tilespmem:$0x5B90];
	[tilespmem:$0x6040] =	vst v59  }
0x108: {  	v9 =	vld [tilespmem:$0x5BA0];
	[tilespmem:$0x6050] =	vst v60  }
0x109: {  	v10 =	vld [tilespmem:$0x5BB0];
	[tilespmem:$0x6060] =	vst v61  }
0x10a: {  	v11 =	vld [tilespmem:$0x5BC0];
	[tilespmem:$0x6070] =	vst v62  }
0x10b: {  	v12 =	vld [tilespmem:$0x5BD0];
	[tilespmem:$0x6080] =	vst v63  }
0x10c: {  	v13 =	vld [tilespmem:$0x5BE0];
	[tilespmem:$0x6090] =	vst v8  }
0x10d: {  	v14 =	vld [tilespmem:$0x5BF0];
	[tilespmem:$0x60A0] =	vst v9  }
0x10e: {  	v15 =	vld [tilespmem:$0x5C00];
	[tilespmem:$0x60B0] =	vst v10  }
0x10f: {  	v16 =	vld [tilespmem:$0x5C10];
	[tilespmem:$0x60C0] =	vst v11  }
0x110: {  	v17 =	vld [tilespmem:$0x5C20];
	[tilespmem:$0x60D0] =	vst v12  }
0x111: {  	v18 =	vld [tilespmem:$0x5C30];
	[tilespmem:$0x60E0] =	vst v13  }
0x112: {  	v19 =	vld [tilespmem:$0x5C40];
	[tilespmem:$0x60F0] =	vst v14  }
0x113: {  	v20 =	vld [tilespmem:$0x5C50];
	[tilespmem:$0x6100] =	vst v15  }
0x114: {  	v21 =	vld [tilespmem:$0x5C60];
	[tilespmem:$0x6110] =	vst v16  }
0x115: {  	v22 =	vld [tilespmem:$0x5C70];
	[tilespmem:$0x6120] =	vst v17  }
0x116: {  	v23 =	vld [tilespmem:$0x5C80];
	[tilespmem:$0x6130] =	vst v18  }
0x117: {  	v24 =	vld [tilespmem:$0x5C90];
	[tilespmem:$0x6140] =	vst v19  }
0x118: {  	v25 =	vld [tilespmem:$0x5CA0];
	[tilespmem:$0x6150] =	vst v20  }
0x119: {  	v26 =	vld [tilespmem:$0x5CB0];
	[tilespmem:$0x6160] =	vst v21  }
0x11a: {  	v27 =	vld [tilespmem:$0x5CC0];
	[tilespmem:$0x6170] =	vst v22  }
0x11b: {  	v28 =	vld [tilespmem:$0x5CD0];
	[tilespmem:$0x6180] =	vst v23  }
0x11c: {  	v29 =	vld [tilespmem:$0x5CE0];
	[tilespmem:$0x6190] =	vst v24  }
0x11d: {  	v30 =	vld [tilespmem:$0x5CF0];
	[tilespmem:$0x61A0] =	vst v25  }
0x11e: {  	v31 =	vld [tilespmem:$0x5D00];
	[tilespmem:$0x61B0] =	vst v26  }
0x11f: {  	v32 =	vld [tilespmem:$0x5D10];
	[tilespmem:$0x61C0] =	vst v27  }
0x120: {  	v33 =	vld [tilespmem:$0x5D20];
	[tilespmem:$0x61D0] =	vst v28  }
0x121: {  	v34 =	vld [tilespmem:$0x5D30];
	[tilespmem:$0x61E0] =	vst v29  }
0x122: {  	v35 =	vld [tilespmem:$0x5D40];
	[tilespmem:$0x61F0] =	vst v30  }
0x123: {  	v36 =	vld [tilespmem:$0x5D50];
	[tilespmem:$0x6200] =	vst v31  }
0x124: {  	v37 =	vld [tilespmem:$0x5D60];
	[tilespmem:$0x6210] =	vst v32  }
0x125: {  	v38 =	vld [tilespmem:$0x5D70];
	[tilespmem:$0x6220] =	vst v33  }
0x126: {  	v39 =	vld [tilespmem:$0x5D80];
	[tilespmem:$0x6230] =	vst v34  }
0x127: {  	v40 =	vld [tilespmem:$0x5D90];
	[tilespmem:$0x6240] =	vst v35  }
0x128: {  	v41 =	vld [tilespmem:$0x5DA0];
	[tilespmem:$0x6250] =	vst v36  }
0x129: {  	v42 =	vld [tilespmem:$0x5DB0];
	[tilespmem:$0x6260] =	vst v37  }
0x12a: {  	v43 =	vld [tilespmem:$0x5DC0];
	[tilespmem:$0x6270] =	vst v38  }
0x12b: {  	[tilespmem:$0x6280] =	vst v39;
	v44 =	vld [tilespmem:$0x5DD0]  }
0x12c: {  	[tilespmem:$0x6290] =	vst v40;
	v45 =	vld [tilespmem:$0x5DE0]  }
0x12d: {  	[tilespmem:$0x62A0] =	vst v41;
	v46 =	vld [tilespmem:$0x5DF0]  }
0x12e: {  	[tilespmem:$0x62B0] =	vst v42;
	v47 =	vld [tilespmem:$0x5E00]  }
0x12f: {  	[tilespmem:$0x62C0] =	vst v43;
	v48 =	vld [tilespmem:$0x5E10]  }
0x130: {  	v49 =	vld [tilespmem:$0x5E20];
	[tilespmem:$0x62D0] =	vst v44  }
0x131: {  	v50 =	vld [tilespmem:$0x5E30];
	[tilespmem:$0x62E0] =	vst v45  }
0x132: {  	v51 =	vld [tilespmem:$0x5E40];
	[tilespmem:$0x62F0] =	vst v46  }
0x133: {  	v52 =	vld [tilespmem:$0x5E50];
	[tilespmem:$0x6300] =	vst v47  }
0x134: {  	v53 =	vld [tilespmem:$0x5E60];
	[tilespmem:$0x6310] =	vst v48  }
0x135: {  	v54 =	vld [tilespmem:$0x5E70];
	[tilespmem:$0x6320] =	vst v49  }
0x136: {  	v55 =	vld [tilespmem:$0x5E80];
	[tilespmem:$0x6330] =	vst v50  }
0x137: {  	v56 =	vld [tilespmem:$0x5E90];
	[tilespmem:$0x6340] =	vst v51  }
0x138: {  	v57 =	vld [tilespmem:$0x5EA0];
	[tilespmem:$0x6350] =	vst v52  }
0x139: {  	v58 =	vld [tilespmem:$0x5EB0];
	[tilespmem:$0x6360] =	vst v53  }
0x13a: {  	v59 =	vld [tilespmem:$0x5EC0];
	[tilespmem:$0x6370] =	vst v54  }
0x13b: {  	v60 =	vld [tilespmem:$0x5ED0];
	[tilespmem:$0x6380] =	vst v55  }
0x13c: {  	v61 =	vld [tilespmem:$0x5EE0];
	[tilespmem:$0x6390] =	vst v56  }
0x13d: {  	v62 =	vld [tilespmem:$0x5EF0];
	[tilespmem:$0x63A0] =	vst v57  }
0x13e: {  	[tilespmem:$0x63B0] =	vst v58  }
0x13f: {  	[tilespmem:$0x63C0] =	vst v59  }
0x140: {  	[tilespmem:$0x63D0] =	vst v60  }
0x141: {  	[tilespmem:$0x63E0] =	vst v61  }
0x142: {  	s30 =	simm.s32 $0x5F00;
	s9 =	simm.s32 $0x5500;
	s10 =	simm.s32 $0x80;
	[tilespmem:$0x63F0] =	vst v62  }
0x143: {  	[spmem:s2] =	stream.indirect.scatter [tilespmem:s9], [sflag:$0x1], $0x1, s30, s10, $0xb8;
	[tilespmem:$0xA200] =	vst v63  }
0x144: {  	s31 =	simm.s32 $0x5F80;
	s12 =	simm.s32 $0x5580  }
0x145: {  	[spmem:s2] =	stream.indirect.scatter [tilespmem:s12], [sflag:$0x1], $0x1, s31, s10, $0xb8;
	[tilespmem:$0xA200] =	vst v63  }
0x146: {  	s13 =	simm.s32 $0x6000;
	s14 =	simm.s32 $0x5600  }
0x147: {  	[spmem:s2] =	stream.indirect.scatter [tilespmem:s14], [sflag:$0x1], $0x1, s13, s10, $0xb8;
	[tilespmem:$0xA200] =	vst v63  }
0x148: {  	s15 =	simm.s32 $0x6080;
	s16 =	simm.s32 $0x5680  }
0x149: {  	[spmem:s2] =	stream.indirect.scatter [tilespmem:s16], [sflag:$0x1], $0x1, s15, s10, $0xb8;
	[tilespmem:$0xA200] =	vst v63  }
0x14a: {  	s17 =	simm.s32 $0x6100;
	s18 =	simm.s32 $0x5700  }
0x14b: {  	[spmem:s2] =	stream.indirect.scatter [tilespmem:s18], [sflag:$0x1], $0x1, s17, s10, $0xb8;
	[tilespmem:$0xA200] =	vst v63  }
0x14c: {  	s19 =	simm.s32 $0x6180;
	s20 =	simm.s32 $0x5780  }
0x14d: {  	[spmem:s2] =	stream.indirect.scatter [tilespmem:s20], [sflag:$0x1], $0x1, s19, s10, $0xb8;
	[tilespmem:$0xA200] =	vst v63  }
0x14e: {  	s21 =	simm.s32 $0x6200;
	s22 =	simm.s32 $0x5800  }
0x14f: {  	[spmem:s2] =	stream.indirect.scatter [tilespmem:s22], [sflag:$0x1], $0x1, s21, s10, $0xb8;
	[tilespmem:$0xA200] =	vst v63  }
0x150: {  	s23 =	simm.s32 $0x6280;
	s24 =	simm.s32 $0x5880  }
0x151: {  	[spmem:s2] =	stream.indirect.scatter [tilespmem:s24], [sflag:$0x1], $0x1, s23, s10, $0xb8;
	[tilespmem:$0xA200] =	vst v63  }
0x152: {  	s25 =	simm.s32 $0x6300;
	s26 =	simm.s32 $0x5900  }
0x153: {  	[spmem:s2] =	stream.indirect.scatter [tilespmem:s26], [sflag:$0x1], $0x1, s25, s10, $0xb8;
	[tilespmem:$0xA200] =	vst v63  }
0x154: {  	s28 =	simm.s32 $0x6380;
	s29 =	simm.s32 $0x5980;
	s30 =	simm.s32 $0x1  }
0x155: {  	[spmem:s2] =	stream.indirect.scatter [tilespmem:s29], [sflag:$0x1], $0x1, s28, s10, $0xb8;
	[tilespmem:$0xA200] =	vst v63  }
0x156: {  	_ =	swait.ge [sflag:s30], $0x80  }
0x157: {  	[sflag:s30] =	ssyncset.done $0x0  }
0x158: {  	[sflag:s30] =	ssyncadd.s32 $0xFFFFFF80  }
0x159: {  	_ =	swait.ge [sflag:s30], $0x80  }
0x15a: {  	[sflag:s30] =	ssyncset.done $0x0  }
0x15b: {  	[sflag:s30] =	ssyncadd.s32 $0xFFFFFF80  }
0x15c: {  	_ =	swait.ge [sflag:s30], $0x80  }
0x15d: {  	[sflag:s30] =	ssyncset.done $0x0  }
0x15e: {  	[sflag:s30] =	ssyncadd.s32 $0xFFFFFF80  }
0x15f: {  	_ =	swait.ge [sflag:s30], $0x80  }
0x160: {  	[sflag:s30] =	ssyncset.done $0x0  }
0x161: {  	[sflag:s30] =	ssyncadd.s32 $0xFFFFFF80  }
0x162: {  	_ =	swait.ge [sflag:s30], $0x80  }
0x163: {  	[sflag:s30] =	ssyncset.done $0x0  }
0x164: {  	[sflag:s30] =	ssyncadd.s32 $0xFFFFFF80  }
0x165: {  	_ =	swait.ge [sflag:s30], $0x80  }
0x166: {  	[sflag:s30] =	ssyncset.done $0x0  }
0x167: {  	[sflag:s30] =	ssyncadd.s32 $0xFFFFFF80  }
0x168: {  	_ =	swait.ge [sflag:s30], $0x80  }
0x169: {  	[sflag:s30] =	ssyncset.done $0x0  }
0x16a: {  	[sflag:s30] =	ssyncadd.s32 $0xFFFFFF80  }
0x16b: {  	_ =	swait.ge [sflag:s30], $0x80  }
0x16c: {  	[sflag:s30] =	ssyncset.done $0x0  }
0x16d: {  	[sflag:s30] =	ssyncadd.s32 $0xFFFFFF80  }
0x16e: {  	_ =	swait.ge [sflag:s30], $0x80  }
0x16f: {  	[sflag:s30] =	ssyncset.done $0x0  }
0x170: {  	[sflag:s30] =	ssyncadd.s32 $0xFFFFFF80  }
0x171: {  	_ =	swait.ge [sflag:s30], $0x80  }
0x172: {  	[sflag:s30] =	ssyncset.done $0x0  }
0x173: {  	[sflag:s30] =	ssyncadd.s32 $0xFFFFFF80  }
0x174: {  	v63 =	vimm.s32 $0x0;
	[bflag:$0x0] =	sbarrier.arrive $0xFFFF  }
0x175: {  	[tilespmem:$0x6400] =	vst v63  }
0x176: {  	[tilespmem:$0x6410] =	vst v63  }
0x177: {  	[tilespmem:$0x6420] =	vst v63  }
0x178: {  	[tilespmem:$0x6430] =	vst v63  }
0x179: {  	[tilespmem:$0x6440] =	vst v63  }
0x17a: {  	[tilespmem:$0x6450] =	vst v63  }
0x17b: {  	[tilespmem:$0x6460] =	vst v63  }
0x17c: {  	[tilespmem:$0x6470] =	vst v63  }
0x17d: {  	[tilespmem:$0x6480] =	vst v63  }
0x17e: {  	[tilespmem:$0x6490] =	vst v63  }
0x17f: {  	[tilespmem:$0x64A0] =	vst v63  }
0x180: {  	[tilespmem:$0x64B0] =	vst v63  }
0x181: {  	[tilespmem:$0x64C0] =	vst v63  }
0x182: {  	[tilespmem:$0x64D0] =	vst v63  }
0x183: {  	[tilespmem:$0x64E0] =	vst v63  }
0x184: {  	s8 =	sadd.s32 s8, s2;
	s31 =	simm.s32 $0x2;
	[tilespmem:$0x64F0] =	vst v63  }
0x185: {  	[tilespmem:s9], [sflag:$0x2] =	stream.linear.gather [spmem:s8], $0x500, $0x38;
	[tilespmem:$0xA200] =	vst v63  }
0x186: {  	_ =	swait.ge [sflag:s31], $0x500  }
0x187: {  	s10 =	simm.s32 $0x0;
	[sflag:s31] =	ssyncset.done $0x0  }
0x188: {  	s8 =	simm.s32 $0x0;
	s9 =	simm.s32 $0x6400;
	[sflag:s31] =	ssyncadd.s32 $0xFFFFFB00  }
.LBB2_9:
0x189: {  	s11 =	sshra.s32 s10, $0x2  }
0x18a: {  	v0 =	vld [tilespmem:s11+$0x5500];
	_ =	sdelay $0x7  }
0x18b: {  	v0 =	vld.idx.msk [tilespmem:v0+s8+$0x0], $0xffff;
	_ =	sdelay $0x4  }
0x18c: {  	v0 =	vshrl.u32 v0, $0x9  }
0x18d: {  	v0 =	vand.u32 $0xFF, v0  }
0x18e: {  	(xrf1) =	vunique.msk.u32 $0xffff, v0;
	_ =	sdelay $0xd  }
0x18f: {  	_, v1, vm15 =	vpop (xrf1)  }
0x190: {  	p0 =	sne.s32 s10, $0x13C0  }
.Ltmp4:
0x191: {  	_ = 	snop;
	(pc) =	sbr.rel @p0 .LBB2_9-.Ltmp4, $2  }
0x192: {  	_ =	sdelay $0x2  }
0x193: {  	s10 =	sadd.s32 $0x40, s10;
	[tilespmem:v0+s9+$0x0] =	vst.idx.add.s32.msk vm15, v1  }
0x194: {  	s8 =	sshll.u32 s0, $0x8  }
0x195: {  	s10 =	simm.s32 $0x6400;
	s31 =	simm.s32 $0x2;
	s9 =	sadd.s32 s8, s5  }
0x196: {  	[spmem:s9] =	stream.linear.scatter [tilespmem:s10], [sflag:$0x2], $0x100, $0x38;
	[tilespmem:$0xA200] =	vst v63  }
0x197: {  	_ =	swait.ge [sflag:s31], $0x100  }
0x198: {  	[sflag:s31] =	ssyncset.done $0x0  }
0x199: {  	[sflag:s31] =	ssyncadd.s32 $0xFFFFFF00  }
0x19a: {  	s11 =	simm.s32 $0x6800;
	[bflag:$0x0] =	sbarrier.arrive $0xFFFF  }
0x19b: {  	[tilespmem:s11], [sflag:$0x2] =	stream.linear.gather [spmem:s5], $0x1000, $0x38;
	[tilespmem:$0xA200] =	vst v63  }
0x19c: {  	_ =	swait.ge [sflag:s31], $0x1000  }
0x19d: {  	[sflag:s31] =	ssyncset.done $0x0  }
0x19e: {  	s10 =	simm.s32 $0x0;
	[sflag:s31] =	ssyncadd.s32 $0xFFFFF000  }
0x19f: {  	v0 =	vld [tilespmem:s10+$0x6800]  }
0x1a0: {  	v1 =	vld [tilespmem:s10+$0x6900]  }
0x1a1: {  	v2 =	vld [tilespmem:s10+$0x6A00]  }
0x1a2: {  	v3 =	vld [tilespmem:s10+$0x6B00]  }
0x1a3: {  	v4 =	vld [tilespmem:s10+$0x6C00]  }
0x1a4: {  	v5 =	vld [tilespmem:s10+$0x6D00]  }
0x1a5: {  	v7 =	vld [tilespmem:s10+$0x6E00]  }
0x1a6: {  	v8 =	vld [tilespmem:s10+$0x6F00];
	v6 =	vadd.s32 v0, v1  }
0x1a7: {  	v9 =	vld [tilespmem:s10+$0x7000];
	v6 =	vadd.s32 v2, v6  }
0x1a8: {  	v10 =	vld [tilespmem:s10+$0x7100];
	v6 =	vadd.s32 v3, v6  }
0x1a9: {  	v11 =	vld [tilespmem:s10+$0x7200];
	v6 =	vadd.s32 v4, v6  }
0x1aa: {  	v12 =	vld [tilespmem:s10+$0x7300];
	v6 =	vadd.s32 v5, v6  }
0x1ab: {  	v13 =	vld [tilespmem:s10+$0x7400];
	v6 =	vadd.s32 v7, v6  }
0x1ac: {  	v14 =	vld [tilespmem:s10+$0x7500];
	v6 =	vadd.s32 v8, v6  }
0x1ad: {  	v15 =	vld [tilespmem:s10+$0x7600];
	v6 =	vadd.s32 v9, v6  }
0x1ae: {  	s11 =	simm.s32 $0x10;
	v16 =	vld [tilespmem:s10+$0x7700];
	v6 =	vadd.s32 v10, v6  }
0x1af: {  	v17 =	vld [tilespmem:s11+$0x6800];
	v6 =	vadd.s32 v11, v6  }
0x1b0: {  	v18 =	vld [tilespmem:s11+$0x6900];
	v6 =	vadd.s32 v12, v6  }
0x1b1: {  	v19 =	vld [tilespmem:s11+$0x6A00];
	v6 =	vadd.s32 v13, v6  }
0x1b2: {  	v0 =	vsel vm13, $0x0, v0;
	v21 =	vnsel vm12, $0x0, v2;
	v2 =	vld [tilespmem:s11+$0x6B00];
	v6 =	vadd.s32 v14, v6  }
0x1b3: {  	v20 =	vnsel vm14, $0x0, v1;
	v1 =	vadd.s32 v15, v6;
	v6 =	vnsel vm11, $0x0, v3;
	v3 =	vld [tilespmem:s11+$0x6C00]  }
0x1b4: {  	v22 =	vnsel vm10, $0x0, v4;
	v23 =	vnsel vm8, $0x0, v7;
	v4 =	vld [tilespmem:s11+$0x6D00];
	v1 =	vadd.s32 v16, v1  }
0x1b5: {  	v24 =	vnsel vm7, $0x0, v8;
	v25 =	vnsel vm4, $0x0, v11;
	v7 =	vadd.s32 v17, v18;
	v8 =	vld [tilespmem:s11+$0x6E00];
	(xrf0) =	vadd.scan.msk.s32 $0xffff, v1  }
0x1b6: {  	v26 =	vnsel vm3, $0x0, v12;
	v27 =	vnsel vm2, $0x0, v13;
	v7 =	vadd.s32 v19, v7;
	v11 =	vld [tilespmem:s11+$0x6F00]  }
0x1b7: {  	v28 =	vnsel vm1, $0x0, v14;
	v29 =	vnsel vm0, $0x0, v15;
	v7 =	vadd.s32 v2, v7;
	v13 =	vld [tilespmem:s11+$0x7000]  }
0x1b8: {  	s12 =	simm.s32 $0x0;
	v30 =	vsel vm13, $0x0, v17;
	v32 =	vnsel vm14, $0x0, v18;
	v14 =	vld [tilespmem:s11+$0x7100];
	v7 =	vadd.s32 v3, v7  }
0x1b9: {  	v33 =	vnsel vm12, $0x0, v19;
	v0 =	vadd.s32 s12, v0;
	v17 =	vld [tilespmem:s11+$0x7200];
	v7 =	vadd.s32 v4, v7  }
0x1ba: {  	v0 =	vadd.s32 v20, v0;
	v18 =	vld [tilespmem:s11+$0x7300];
	v35 =	vnsel vm11, $0x0, v2;
	v7 =	vadd.s32 v8, v7  }
0x1bb: {  	v19 =	vld [tilespmem:s11+$0x7400];
	v2 =	vnsel vm10, $0x0, v3;
	v3 =	vnsel vm9, $0x0, v4;
	v15, _, _ =	vpop (xrf0);
	v7 =	vadd.s32 v11, v7  }
0x1bc: {  	v4 =	vnsel vm8, $0x0, v8;
	v8 =	vld [tilespmem:s11+$0x7500];
	(v2sf) =	vpush v15, $0xF;
	v7 =	vadd.s32 v13, v7  }
0x1bd: {  	v31 =	vld [tilespmem:s11+$0x7600];
	v0 =	vadd.s32 v21, v0;
	v5 =	vnsel vm9, $0x0, v5;
	v7 =	vadd.s32 v14, v7  }
0x1be: {  	s12 =	simm.s32 $0x20;
	v20 =	vld [tilespmem:s11+$0x7700];
	v12 =	vnsel vm7, $0x0, v11;
	v0 =	vadd.s32 v6, v0;
	v7 =	vadd.s32 v17, v7  }
0x1bf: {  	v21 =	vld [tilespmem:s12+$0x6800];
	v6 =	vnsel vm3, $0x0, v18;
	v0 =	vadd.s32 v22, v0;
	v7 =	vadd.s32 v18, v7  }
0x1c0: {  	v16 =	vnsel vm6, $0x0, v13;
	v11 =	vnsel vm4, $0x0, v17;
	v17 =	vld [tilespmem:s12+$0x6900];
	v7 =	vadd.s32 v19, v7  }
0x1c1: {  	v0 =	vadd.s32 v5, v0;
	v13 =	vnsel vm5, $0x0, v14;
	v18 =	vld [tilespmem:s12+$0x6A00];
	v14 =	vadd.s32 v8, v7  }
0x1c2: {  	v9 =	vnsel vm6, $0x0, v9;
	v5 =	vadd.s32 v31, v14;
	v14 =	vadd.s32 v23, v0  }
0x1c3: {  	v7 =	vnsel vm2, $0x0, v19;
	v19 =	vld [tilespmem:s12+$0x6B00];
	v0 =	vadd.s32 v20, v5;
	v20 =	vadd.s32 v24, v14  }
0x1c4: {  	v10 =	vnsel vm5, $0x0, v10;
	v22 =	vld [tilespmem:s12+$0x6C00];
	v9 =	vadd.s32 v9, v20  }
0x1c5: {  	v23 =	vld [tilespmem:s12+$0x6D00];
	v14 =	vsel vm13, $0x0, v21;
	(xrf0) =	vadd.scan.msk.s32 $0xffff, v0;
	v20 =	vadd.s32 v21, v17;
	v10 =	vadd.s32 v10, v9  }
0x1c6: {  	v21 =	vld [tilespmem:s12+$0x6E00];
	v20 =	vadd.s32 v18, v20;
	v9 =	vnsel vm12, $0x0, v18;
	v18 =	vadd.s32 v25, v10  }
0x1c7: {  	v8 =	vnsel vm1, $0x0, v8;
	v5 =	vnsel vm0, $0x0, v31;
	v24 =	vld [tilespmem:s12+$0x6F00];
	v18 =	vadd.s32 v26, v18  }
0x1c8: {  	v34 =	vld [tilespmem:s12+$0x7000];
	v17 =	vnsel vm14, $0x0, v17;
	v20 =	vadd.s32 v19, v20;
	v18 =	vadd.s32 v27, v18  }
0x1c9: {  	v10 =	vnsel vm11, $0x0, v19;
	v19 =	vadd.s32 v22, v20;
	v22 =	vnsel vm10, $0x0, v22;
	v26 =	vld [tilespmem:s12+$0x7100]  }
0x1ca: {  	v36 =	vld [tilespmem:s12+$0x7200];
	v19 =	vadd.s32 v23, v19;
	v23 =	vnsel vm9, $0x0, v23;
	v20 =	vadd.s32 v28, v18  }
0x1cb: {  	v37 =	vld [tilespmem:s12+$0x7300];
	v19 =	vadd.s32 v21, v19;
	v25 =	vnsel vm8, $0x0, v21;
	v31 =	vadd.s32 v29, v20;
	v18, _, _ =	vpop (xrf0);
	s13 =	spop (v2sf)  }
0x1cc: {  	v27 =	vld [tilespmem:s12+$0x7400];
	v20 =	vadd.s32 v24, v19;
	v19 =	vnsel vm7, $0x0, v24;
	(v2sf) =	vpush v18, $0xF;
	s15 =	sadd.s32 $0x0, s13  }
0x1cd: {  	v28 =	vld [tilespmem:s12+$0x7500];
	v21 =	vadd.s32 v34, v20;
	v20 =	vnsel vm6, $0x0, v34;
	v24 =	vadd.s32 s15, v30  }
0x1ce: {  	v29 =	vld [tilespmem:s12+$0x7600];
	v30 =	vadd.s32 v26, v21;
	v21 =	vnsel vm5, $0x0, v26;
	v26 =	vadd.s32 v32, v24  }
0x1cf: {  	s14 =	simm.s32 $0x30;
	v63 =	vadd.s32 v36, v30;
	v24 =	vnsel vm4, $0x0, v36;
	v32 =	vld [tilespmem:s12+$0x7700];
	v33 =	vadd.s32 v33, v26  }
0x1d0: {  	s17 =	simm.s32 $0x100;
	s16 =	simm.s32 $0x0;
	s13 =	simm.s32 $0x40;
	v30 =	vld [tilespmem:s14+$0x6800];
	v34 =	vadd.s32 v37, v63;
	v26 =	vnsel vm3, $0x0, v37;
	v33 =	vadd.s32 v35, v33  }
.LBB2_11:
0x1d1: {  	p0 =	sne.s32 s17, $0x3C0;
	v35 =	vld [tilespmem:s14+$0x6900];
	v34 =	vadd.s32 v27, v34;
	v27 =	vnsel vm2, $0x0, v27;
	v33 =	vadd.s32 v2, v33;
	v2 =	vmovc v22  }
0x1d2: {  	v22 =	vld [tilespmem:s14+$0x6A00];
	v34 =	vadd.s32 v28, v34;
	v28 =	vnsel vm1, $0x0, v28;
	v33 =	vadd.s32 v3, v33;
	v3 =	vmovc v23  }
0x1d3: {  	v23 =	vld [tilespmem:s14+$0x6B00];
	v34 =	vadd.s32 v29, v34;
	v29 =	vnsel vm0, $0x0, v29;
	v33 =	vadd.s32 v4, v33;
	v4 =	vmovc v25  }
0x1d4: {  	v31 =	vsub.s32 v31, v1;
	v1 =	vmovc v0;
	v25 =	vld [tilespmem:s14+$0x6C00];
	v37 =	vadd.s32 v12, v33;
	v0 =	vadd.s32 v32, v34  }
0x1d5: {  	v36 =	vadd.s32 v15, v31;
	v15 =	vmovc v18;
	v32 =	vsel vm13, $0x0, v30;
	v33 =	vld [tilespmem:s14+$0x6D00];
	(xrf0) =	vadd.scan.msk.s32 $0xffff, v0;
	v34 =	vadd.s32 v16, v37  }
0x1d6: {  	v12 =	vmovc v19;
	v18 =	vadd.s32 v30, v35;
	v30 =	vnsel vm14, $0x0, v35;
	v31 =	vld [tilespmem:s14+$0x6E00];
	v35 =	vadd.s32 v13, v34;
	[tilespmem:s16+$0x6600] =	vst v36;
	s16 =	smov.u32 s11;
	s11 =	smov.u32 s12;
	s12 =	smov.u32 s14  }
0x1d7: {  	v16 =	vmovc v20;
	v13 =	vmovc v21;
	v18 =	vadd.s32 v22, v18;
	v34 =	vnsel vm12, $0x0, v22;
	v19 =	vld [tilespmem:s12+$0x6F00];
	v22 =	vadd.s32 v11, v35  }
0x1d8: {  	v11 =	vmovc v24;
	v18 =	vadd.s32 v23, v18;
	v35 =	vnsel vm11, $0x0, v23;
	v20 =	vld [tilespmem:s12+$0x7000];
	v21 =	vadd.s32 v6, v22;
	v6 =	vmovc v26  }
0x1d9: {  	v37 =	vadd.s32 v25, v18;
	v22 =	vnsel vm10, $0x0, v25;
	v24 =	vld [tilespmem:s12+$0x7100];
	v21 =	vadd.s32 v7, v21;
	v7 =	vmovc v27  }
0x1da: {  	v36 =	vadd.s32 v33, v37;
	v23 =	vnsel vm9, $0x0, v33;
	v26 =	vld [tilespmem:s12+$0x7200];
	v21 =	vadd.s32 v8, v21;
	v8 =	vmovc v28  }
0x1db: {  	v27 =	vadd.s32 v31, v36;
	v25 =	vnsel vm8, $0x0, v31;
	v33 =	vld [tilespmem:s12+$0x7300];
	v18, _, _ =	vpop (xrf0);
	v31 =	vadd.s32 v5, v21;
	s14 =	spop (v2sf)  }
.Ltmp5:
0x1dc: {  	v5 =	vmovc v29;
	v21 =	vadd.s32 v19, v27;
	v19 =	vnsel vm7, $0x0, v19;
	v27 =	vld [tilespmem:s12+$0x7400];
	(v2sf) =	vpush v18, $0xF;
	s15 =	sadd.s32 s15, s14;
	(pc) =	sbr.rel @p0 .LBB2_11-.Ltmp5, $4  }
0x1dd: {  	v21 =	vadd.s32 v20, v21;
	v20 =	vnsel vm6, $0x0, v20;
	v28 =	vld [tilespmem:s12+$0x7500];
	v36 =	vadd.s32 s15, v14;
	v14 =	vmovc v32  }
0x1de: {  	v32 =	vadd.s32 v24, v21;
	v21 =	vnsel vm5, $0x0, v24;
	v29 =	vld [tilespmem:s12+$0x7600];
	v36 =	vadd.s32 v17, v36;
	v17 =	vmovc v30  }
0x1df: {  	s14 =	sshra.s32 s17, $0x2;
	v37 =	vadd.s32 v26, v32;
	v24 =	vnsel vm4, $0x0, v26;
	v32 =	vld [tilespmem:s12+$0x7700];
	v36 =	vadd.s32 v9, v36;
	v9 =	vmovc v34  }
0x1e0: {  	s17 =	sadd.s32 $0x40, s17;
	v30 =	vld [tilespmem:s14+$0x6800];
	v34 =	vadd.s32 v33, v37;
	v26 =	vnsel vm3, $0x0, v33;
	v33 =	vadd.s32 v10, v36;
	v10 =	vmovc v35  }
0x1e1: {  	v34 =	vadd.s32 v27, v34  }
0x1e2: {  	v34 =	vadd.s32 v28, v34  }
0x1e3: {  	v34 =	vadd.s32 v29, v34  }
0x1e4: {  	v35 =	vld [tilespmem:s14+$0x6900];
	v32 =	vadd.s32 v32, v34  }
0x1e5: {  	v36 =	vld [tilespmem:s14+$0x6A00];
	(xrf0) =	vadd.scan.msk.s32 $0xffff, v32  }
0x1e6: {  	v55 =	vld [tilespmem:s14+$0x6B00]  }
0x1e7: {  	v37 =	vld [tilespmem:s14+$0x6C00];
	v1 =	vsub.s32 v31, v1  }
0x1e8: {  	v56 =	vld [tilespmem:s14+$0x6D00];
	v1 =	vadd.s32 v15, v1  }
0x1e9: {  	v57 =	vld [tilespmem:s14+$0x6E00];
	[tilespmem:s16+$0x6600] =	vst v1;
	v38 =	vadd.s32 v30, v35  }
0x1ea: {  	v59 =	vld [tilespmem:s14+$0x6F00];
	v58 =	vadd.s32 v36, v38  }
0x1eb: {  	v39 =	vld [tilespmem:s14+$0x7000];
	v1 =	vadd.s32 v55, v58;
	v40, _, _ =	vpop (xrf0)  }
0x1ec: {  	v41 =	vld [tilespmem:s14+$0x7100];
	v1 =	vadd.s32 v37, v1;
	(v2sf) =	vpush v40, $0xF  }
0x1ed: {  	v42 =	vld [tilespmem:s14+$0x7200];
	v1 =	vadd.s32 v56, v1  }
0x1ee: {  	v43 =	vld [tilespmem:s14+$0x7300];
	v1 =	vadd.s32 v57, v1  }
0x1ef: {  	v44 =	vld [tilespmem:s14+$0x7400];
	v1 =	vadd.s32 v59, v1  }
0x1f0: {  	v45 =	vld [tilespmem:s14+$0x7500];
	v1 =	vadd.s32 v39, v1  }
0x1f1: {  	v60 =	vld [tilespmem:s14+$0x7600];
	v1 =	vadd.s32 v41, v1  }
0x1f2: {  	v61 =	vld [tilespmem:s14+$0x7700];
	v1 =	vadd.s32 v42, v1  }
0x1f3: {  	v1 =	vadd.s32 v43, v1  }
0x1f4: {  	v2 =	vadd.s32 v2, v33;
	v1 =	vadd.s32 v44, v1  }
0x1f5: {  	v2 =	vadd.s32 v3, v2;
	v1 =	vadd.s32 v45, v1  }
0x1f6: {  	v2 =	vadd.s32 v4, v2;
	v1 =	vadd.s32 v60, v1  }
0x1f7: {  	v2 =	vadd.s32 v12, v2;
	v1 =	vadd.s32 v61, v1  }
0x1f8: {  	v63 =	vnsel vm2, $0x0, v27;
	v2 =	vadd.s32 v16, v2;
	(xrf0) =	vadd.scan.msk.s32 $0xffff, v1  }
0x1f9: {  	v27 =	vnsel vm1, $0x0, v28;
	v28 =	vnsel vm0, $0x0, v29;
	v2 =	vadd.s32 v13, v2  }
0x1fa: {  	v29 =	vsel vm13, $0x0, v30;
	v30 =	vnsel vm14, $0x0, v35;
	v2 =	vadd.s32 v11, v2;
	s29 =	spop (v2sf)  }
0x1fb: {  	v35 =	vnsel vm12, $0x0, v36;
	v46 =	vnsel vm10, $0x0, v37;
	v2 =	vadd.s32 v6, v2;
	s15 =	sadd.s32 s15, s29;
	s30 =	spop (v2sf)  }
0x1fc: {  	v47 =	vnsel vm9, $0x0, v56;
	v2 =	vadd.s32 v7, v2;
	v62 =	vadd.s32 s15, v14;
	s15 =	sadd.s32 s15, s30  }
0x1fd: {  	v2 =	vadd.s32 v8, v2;
	v3 =	vadd.s32 v17, v62;
	v8 =	vadd.s32 s15, v29  }
0x1fe: {  	v36 =	vnsel vm11, $0x0, v55;
	v3 =	vadd.s32 v9, v3;
	v48, _, _ =	vpop (xrf0);
	v8 =	vadd.s32 v30, v8  }
0x1ff: {  	v3 =	vadd.s32 v10, v3;
	(v2sf) =	vpush v48, $0xF;
	v8 =	vadd.s32 v35, v8  }
0x200: {  	v49 =	vnsel vm8, $0x0, v57;
	v3 =	vadd.s32 v22, v3;
	v8 =	vadd.s32 v36, v8  }
0x201: {  	v51 =	vnsel vm7, $0x0, v59;
	v3 =	vadd.s32 v23, v3;
	v50 =	vadd.s32 v46, v8  }
0x202: {  	v2 =	vadd.s32 v5, v2;
	v3 =	vadd.s32 v25, v3;
	v5 =	vadd.s32 v47, v50  }
0x203: {  	v52 =	vnsel vm6, $0x0, v39;
	v3 =	vadd.s32 v19, v3;
	v5 =	vadd.s32 v49, v5  }
0x204: {  	v53 =	vnsel vm5, $0x0, v41;
	v3 =	vadd.s32 v20, v3;
	v5 =	vadd.s32 v51, v5  }
0x205: {  	v54 =	vnsel vm4, $0x0, v42;
	v3 =	vadd.s32 v21, v3;
	v5 =	vadd.s32 v52, v5  }
0x206: {  	v55 =	vnsel vm3, $0x0, v43;
	v3 =	vadd.s32 v24, v3;
	v5 =	vadd.s32 v53, v5  }
0x207: {  	v56 =	vnsel vm2, $0x0, v44;
	v3 =	vadd.s32 v26, v3;
	v5 =	vadd.s32 v54, v5  }
0x208: {  	v57 =	vnsel vm1, $0x0, v45;
	v3 =	vadd.s32 v63, v3;
	v58 =	vadd.s32 v55, v5  }
0x209: {  	v59 =	vnsel vm0, $0x0, v60;
	v3 =	vadd.s32 v27, v3;
	v4 =	vadd.s32 v56, v58  }
0x20a: {  	v0 =	vsub.s32 v2, v0;
	v60 =	vadd.s32 v28, v3;
	v61 =	vadd.s32 v57, v4  }
0x20b: {  	v0 =	vadd.s32 v18, v0;
	v2 =	vsub.s32 v60, v32;
	v3 =	vadd.s32 v59, v61  }
0x20c: {  	[tilespmem:s11+$0x6600] =	vst v0;
	v62 =	vadd.s32 v40, v2;
	v1 =	vsub.s32 v3, v1  }
0x20d: {  	[tilespmem:s12+$0x6600] =	vst v62;
	v63 =	vadd.s32 v48, v1  }
0x20e: {  	s11 =	simm.s32 $0x6600;
	s12 =	simm.s32 $0x0;
	s31 =	spop (v2sf);
	[tilespmem:s14+$0x6600] =	vst v63  }
.LBB2_13:
0x20f: {  	p0 =	sne.s32 s13, $0x13C0;
	v0 =	vld [tilespmem:s10+$0x5500];
	_ =	sdelay $0x7  }
0x210: {  	v0 =	vld.idx.msk [tilespmem:v0+s12+$0x0], $0xffff;
	_ =	sdelay $0x5  }
0x211: {  	v0 =	vshrl.u32 v0, $0x9  }
0x212: {  	v0 =	vand.u32 $0xFF, v0  }
0x213: {  	(xrf1) =	vunique.msk.u32 $0xffff, v0;
	_ =	sdelay $0xa  }
0x214: {  	v1 =	vld.idx.msk [tilespmem:v0+s11+$0x0], $0xffff;
	_ =	sdelay $0x2  }
0x215: {  	_, v2, vm15 =	vpop (xrf1);
	_ =	sdelay $0x1  }
.Ltmp6:
0x216: {  	(pc) =	sbr.rel @p0 .LBB2_13-.Ltmp6, $4  }
0x217: {  	v1 =	vadd.s32 v2, v1  }
0x218: {  	v1 =	vadd.s32 $0xFFFFFFFF, v1  }
0x219: {  	[tilespmem:s10+$0x5A00] =	vst v1  }
0x21a: {  	s10 =	sshra.s32 s13, $0x2;
	s13 =	sadd.s32 $0x40, s13;
	[tilespmem:v0+s11+$0x0] =	vst.idx.add.s32.msk vm15, v2  }
0x21b: {  	v0 =	vld [tilespmem:s10+$0x5500];
	_ =	sdelay $0x7  }
0x21c: {  	v0 =	vld.idx.msk [tilespmem:v0+s12+$0x0], $0xffff;
	_ =	sdelay $0x4  }
0x21d: {  	v0 =	vshrl.u32 v0, $0x9  }
0x21e: {  	v0 =	vand.u32 $0xFF, v0  }
0x21f: {  	(xrf1) =	vunique.msk.u32 $0xffff, v0;
	_ =	sdelay $0xb  }
0x220: {  	v1 =	vld.idx.msk [tilespmem:v0+s11+$0x0], $0xffff;
	_ =	sdelay $0x1  }
0x221: {  	_, v2, vm15 =	vpop (xrf1);
	_ =	sdelay $0x2  }
0x222: {  	v1 =	vadd.s32 v2, v1  }
0x223: {  	v1 =	vadd.s32 $0xFFFFFFFF, v1  }
0x224: {  	[tilespmem:s10+$0x5A00] =	vst v1  }
0x225: {  	[tilespmem:v0+s11+$0x0] =	vst.idx.add.s32.msk vm15, v2  }
0x226: {  	v0 =	vld [tilespmem:$0x5A00]  }
0x227: {  	v1 =	vld [tilespmem:$0x5A10]  }
0x228: {  	v2 =	vld [tilespmem:$0x5A20]  }
0x229: {  	v3 =	vld [tilespmem:$0x5A30]  }
0x22a: {  	v4 =	vld [tilespmem:$0x5A40]  }
0x22b: {  	v44 =	vld [tilespmem:$0x5A50];
	[tilespmem:$0x5F00] =	vst v0  }
0x22c: {  	v45 =	vld [tilespmem:$0x5A60];
	[tilespmem:$0x5F10] =	vst v1  }
0x22d: {  	v46 =	vld [tilespmem:$0x5A70];
	[tilespmem:$0x5F20] =	vst v2  }
0x22e: {  	v47 =	vld [tilespmem:$0x5A80];
	[tilespmem:$0x5F30] =	vst v3  }
0x22f: {  	v48 =	vld [tilespmem:$0x5A90];
	[tilespmem:$0x5F40] =	vst v4  }
0x230: {  	v49 =	vld [tilespmem:$0x5AA0];
	[tilespmem:$0x5F50] =	vst v44  }
0x231: {  	v50 =	vld [tilespmem:$0x5AB0];
	[tilespmem:$0x5F60] =	vst v45  }
0x232: {  	v51 =	vld [tilespmem:$0x5AC0];
	[tilespmem:$0x5F70] =	vst v46  }
0x233: {  	v52 =	vld [tilespmem:$0x5AD0];
	[tilespmem:$0x5F80] =	vst v47  }
0x234: {  	v53 =	vld [tilespmem:$0x5AE0];
	[tilespmem:$0x5F90] =	vst v48  }
0x235: {  	v54 =	vld [tilespmem:$0x5AF0];
	[tilespmem:$0x5FA0] =	vst v49  }
0x236: {  	v55 =	vld [tilespmem:$0x5B00];
	[tilespmem:$0x5FB0] =	vst v50  }
0x237: {  	v56 =	vld [tilespmem:$0x5B10];
	[tilespmem:$0x5FC0] =	vst v51  }
0x238: {  	v57 =	vld [tilespmem:$0x5B20];
	[tilespmem:$0x5FD0] =	vst v52  }
0x239: {  	v58 =	vld [tilespmem:$0x5B30];
	[tilespmem:$0x5FE0] =	vst v53  }
0x23a: {  	v59 =	vld [tilespmem:$0x5B40];
	[tilespmem:$0x5FF0] =	vst v54  }
0x23b: {  	v60 =	vld [tilespmem:$0x5B50];
	[tilespmem:$0x6000] =	vst v55  }
0x23c: {  	v61 =	vld [tilespmem:$0x5B60];
	[tilespmem:$0x6010] =	vst v56  }
0x23d: {  	v62 =	vld [tilespmem:$0x5B70];
	[tilespmem:$0x6020] =	vst v57  }
0x23e: {  	v63 =	vld [tilespmem:$0x5B80];
	[tilespmem:$0x6030] =	vst v58  }
0x23f: {  	v8 =	vld [tilespmem:$0x5B90];
	[tilespmem:$0x6040] =	vst v59  }
0x240: {  	v9 =	vld [tilespmem:$0x5BA0];
	[tilespmem:$0x6050] =	vst v60  }
0x241: {  	v10 =	vld [tilespmem:$0x5BB0];
	[tilespmem:$0x6060] =	vst v61  }
0x242: {  	v11 =	vld [tilespmem:$0x5BC0];
	[tilespmem:$0x6070] =	vst v62  }
0x243: {  	v12 =	vld [tilespmem:$0x5BD0];
	[tilespmem:$0x6080] =	vst v63  }
0x244: {  	v13 =	vld [tilespmem:$0x5BE0];
	[tilespmem:$0x6090] =	vst v8  }
0x245: {  	v14 =	vld [tilespmem:$0x5BF0];
	[tilespmem:$0x60A0] =	vst v9  }
0x246: {  	v15 =	vld [tilespmem:$0x5C00];
	[tilespmem:$0x60B0] =	vst v10  }
0x247: {  	v16 =	vld [tilespmem:$0x5C10];
	[tilespmem:$0x60C0] =	vst v11  }
0x248: {  	v17 =	vld [tilespmem:$0x5C20];
	[tilespmem:$0x60D0] =	vst v12  }
0x249: {  	v18 =	vld [tilespmem:$0x5C30];
	[tilespmem:$0x60E0] =	vst v13  }
0x24a: {  	v19 =	vld [tilespmem:$0x5C40];
	[tilespmem:$0x60F0] =	vst v14  }
0x24b: {  	v20 =	vld [tilespmem:$0x5C50];
	[tilespmem:$0x6100] =	vst v15  }
0x24c: {  	v21 =	vld [tilespmem:$0x5C60];
	[tilespmem:$0x6110] =	vst v16  }
0x24d: {  	v22 =	vld [tilespmem:$0x5C70];
	[tilespmem:$0x6120] =	vst v17  }
0x24e: {  	v23 =	vld [tilespmem:$0x5C80];
	[tilespmem:$0x6130] =	vst v18  }
0x24f: {  	v24 =	vld [tilespmem:$0x5C90];
	[tilespmem:$0x6140] =	vst v19  }
0x250: {  	v25 =	vld [tilespmem:$0x5CA0];
	[tilespmem:$0x6150] =	vst v20  }
0x251: {  	v26 =	vld [tilespmem:$0x5CB0];
	[tilespmem:$0x6160] =	vst v21  }
0x252: {  	v27 =	vld [tilespmem:$0x5CC0];
	[tilespmem:$0x6170] =	vst v22  }
0x253: {  	v28 =	vld [tilespmem:$0x5CD0];
	[tilespmem:$0x6180] =	vst v23  }
0x254: {  	v29 =	vld [tilespmem:$0x5CE0];
	[tilespmem:$0x6190] =	vst v24  }
0x255: {  	v30 =	vld [tilespmem:$0x5CF0];
	[tilespmem:$0x61A0] =	vst v25  }
0x256: {  	v31 =	vld [tilespmem:$0x5D00];
	[tilespmem:$0x61B0] =	vst v26  }
0x257: {  	v32 =	vld [tilespmem:$0x5D10];
	[tilespmem:$0x61C0] =	vst v27  }
0x258: {  	v33 =	vld [tilespmem:$0x5D20];
	[tilespmem:$0x61D0] =	vst v28  }
0x259: {  	v34 =	vld [tilespmem:$0x5D30];
	[tilespmem:$0x61E0] =	vst v29  }
0x25a: {  	v35 =	vld [tilespmem:$0x5D40];
	[tilespmem:$0x61F0] =	vst v30  }
0x25b: {  	v36 =	vld [tilespmem:$0x5D50];
	[tilespmem:$0x6200] =	vst v31  }
0x25c: {  	v37 =	vld [tilespmem:$0x5D60];
	[tilespmem:$0x6210] =	vst v32  }
0x25d: {  	v38 =	vld [tilespmem:$0x5D70];
	[tilespmem:$0x6220] =	vst v33  }
0x25e: {  	v39 =	vld [tilespmem:$0x5D80];
	[tilespmem:$0x6230] =	vst v34  }
0x25f: {  	v40 =	vld [tilespmem:$0x5D90];
	[tilespmem:$0x6240] =	vst v35  }
0x260: {  	v41 =	vld [tilespmem:$0x5DA0];
	[tilespmem:$0x6250] =	vst v36  }
0x261: {  	v42 =	vld [tilespmem:$0x5DB0];
	[tilespmem:$0x6260] =	vst v37  }
0x262: {  	v43 =	vld [tilespmem:$0x5DC0];
	[tilespmem:$0x6270] =	vst v38  }
0x263: {  	[tilespmem:$0x6280] =	vst v39;
	v44 =	vld [tilespmem:$0x5DD0]  }
0x264: {  	[tilespmem:$0x6290] =	vst v40;
	v45 =	vld [tilespmem:$0x5DE0]  }
0x265: {  	[tilespmem:$0x62A0] =	vst v41;
	v46 =	vld [tilespmem:$0x5DF0]  }
0x266: {  	[tilespmem:$0x62B0] =	vst v42;
	v47 =	vld [tilespmem:$0x5E00]  }
0x267: {  	[tilespmem:$0x62C0] =	vst v43;
	v48 =	vld [tilespmem:$0x5E10]  }
0x268: {  	v49 =	vld [tilespmem:$0x5E20];
	[tilespmem:$0x62D0] =	vst v44  }
0x269: {  	v50 =	vld [tilespmem:$0x5E30];
	[tilespmem:$0x62E0] =	vst v45  }
0x26a: {  	v51 =	vld [tilespmem:$0x5E40];
	[tilespmem:$0x62F0] =	vst v46  }
0x26b: {  	v52 =	vld [tilespmem:$0x5E50];
	[tilespmem:$0x6300] =	vst v47  }
0x26c: {  	v53 =	vld [tilespmem:$0x5E60];
	[tilespmem:$0x6310] =	vst v48  }
0x26d: {  	v54 =	vld [tilespmem:$0x5E70];
	[tilespmem:$0x6320] =	vst v49  }
0x26e: {  	v55 =	vld [tilespmem:$0x5E80];
	[tilespmem:$0x6330] =	vst v50  }
0x26f: {  	v56 =	vld [tilespmem:$0x5E90];
	[tilespmem:$0x6340] =	vst v51  }
0x270: {  	v57 =	vld [tilespmem:$0x5EA0];
	[tilespmem:$0x6350] =	vst v52  }
0x271: {  	v58 =	vld [tilespmem:$0x5EB0];
	[tilespmem:$0x6360] =	vst v53  }
0x272: {  	v59 =	vld [tilespmem:$0x5EC0];
	[tilespmem:$0x6370] =	vst v54  }
0x273: {  	v60 =	vld [tilespmem:$0x5ED0];
	[tilespmem:$0x6380] =	vst v55  }
0x274: {  	v61 =	vld [tilespmem:$0x5EE0];
	[tilespmem:$0x6390] =	vst v56  }
0x275: {  	v62 =	vld [tilespmem:$0x5EF0];
	[tilespmem:$0x63A0] =	vst v57  }
0x276: {  	[tilespmem:$0x63B0] =	vst v58  }
0x277: {  	[tilespmem:$0x63C0] =	vst v59  }
0x278: {  	[tilespmem:$0x63D0] =	vst v60  }
0x279: {  	[tilespmem:$0x63E0] =	vst v61  }
0x27a: {  	s30 =	simm.s32 $0x5F00;
	s10 =	simm.s32 $0x5500;
	s11 =	simm.s32 $0x80;
	[tilespmem:$0x63F0] =	vst v62  }
0x27b: {  	[spmem:s6] =	stream.indirect.scatter [tilespmem:s10], [sflag:$0x1], $0x1, s30, s11, $0xb8;
	[tilespmem:$0xA200] =	vst v63  }
0x27c: {  	s31 =	simm.s32 $0x5F80;
	s13 =	simm.s32 $0x5580  }
0x27d: {  	[spmem:s6] =	stream.indirect.scatter [tilespmem:s13], [sflag:$0x1], $0x1, s31, s11, $0xb8;
	[tilespmem:$0xA200] =	vst v63  }
0x27e: {  	s14 =	simm.s32 $0x5600;
	s13 =	simm.s32 $0x6000  }
0x27f: {  	[spmem:s6] =	stream.indirect.scatter [tilespmem:s14], [sflag:$0x1], $0x1, s13, s11, $0xb8;
	[tilespmem:$0xA200] =	vst v63  }
0x280: {  	s15 =	simm.s32 $0x6080;
	s16 =	simm.s32 $0x5680  }
0x281: {  	[spmem:s6] =	stream.indirect.scatter [tilespmem:s16], [sflag:$0x1], $0x1, s15, s11, $0xb8;
	[tilespmem:$0xA200] =	vst v63  }
0x282: {  	s17 =	simm.s32 $0x6100;
	s18 =	simm.s32 $0x5700  }
0x283: {  	[spmem:s6] =	stream.indirect.scatter [tilespmem:s18], [sflag:$0x1], $0x1, s17, s11, $0xb8;
	[tilespmem:$0xA200] =	vst v63  }
0x284: {  	s19 =	simm.s32 $0x6180;
	s20 =	simm.s32 $0x5780  }
0x285: {  	[spmem:s6] =	stream.indirect.scatter [tilespmem:s20], [sflag:$0x1], $0x1, s19, s11, $0xb8;
	[tilespmem:$0xA200] =	vst v63  }
0x286: {  	s21 =	simm.s32 $0x6200;
	s22 =	simm.s32 $0x5800  }
0x287: {  	[spmem:s6] =	stream.indirect.scatter [tilespmem:s22], [sflag:$0x1], $0x1, s21, s11, $0xb8;
	[tilespmem:$0xA200] =	vst v63  }
0x288: {  	s23 =	simm.s32 $0x6280;
	s24 =	simm.s32 $0x5880  }
0x289: {  	[spmem:s6] =	stream.indirect.scatter [tilespmem:s24], [sflag:$0x1], $0x1, s23, s11, $0xb8;
	[tilespmem:$0xA200] =	vst v63  }
0x28a: {  	s25 =	simm.s32 $0x6300;
	s26 =	simm.s32 $0x5900  }
0x28b: {  	[spmem:s6] =	stream.indirect.scatter [tilespmem:s26], [sflag:$0x1], $0x1, s25, s11, $0xb8;
	[tilespmem:$0xA200] =	vst v63  }
0x28c: {  	s28 =	simm.s32 $0x6380;
	s29 =	simm.s32 $0x5980;
	s30 =	simm.s32 $0x1  }
0x28d: {  	[spmem:s6] =	stream.indirect.scatter [tilespmem:s29], [sflag:$0x1], $0x1, s28, s11, $0xb8;
	[tilespmem:$0xA200] =	vst v63  }
0x28e: {  	_ =	swait.ge [sflag:s30], $0x80  }
0x28f: {  	[sflag:s30] =	ssyncset.done $0x0  }
0x290: {  	[sflag:s30] =	ssyncadd.s32 $0xFFFFFF80  }
0x291: {  	_ =	swait.ge [sflag:s30], $0x80  }
0x292: {  	[sflag:s30] =	ssyncset.done $0x0  }
0x293: {  	[sflag:s30] =	ssyncadd.s32 $0xFFFFFF80  }
0x294: {  	_ =	swait.ge [sflag:s30], $0x80  }
0x295: {  	[sflag:s30] =	ssyncset.done $0x0  }
0x296: {  	[sflag:s30] =	ssyncadd.s32 $0xFFFFFF80  }
0x297: {  	_ =	swait.ge [sflag:s30], $0x80  }
0x298: {  	[sflag:s30] =	ssyncset.done $0x0  }
0x299: {  	[sflag:s30] =	ssyncadd.s32 $0xFFFFFF80  }
0x29a: {  	_ =	swait.ge [sflag:s30], $0x80  }
0x29b: {  	[sflag:s30] =	ssyncset.done $0x0  }
0x29c: {  	[sflag:s30] =	ssyncadd.s32 $0xFFFFFF80  }
0x29d: {  	_ =	swait.ge [sflag:s30], $0x80  }
0x29e: {  	[sflag:s30] =	ssyncset.done $0x0  }
0x29f: {  	[sflag:s30] =	ssyncadd.s32 $0xFFFFFF80  }
0x2a0: {  	_ =	swait.ge [sflag:s30], $0x80  }
0x2a1: {  	[sflag:s30] =	ssyncset.done $0x0  }
0x2a2: {  	[sflag:s30] =	ssyncadd.s32 $0xFFFFFF80  }
0x2a3: {  	_ =	swait.ge [sflag:s30], $0x80  }
0x2a4: {  	[sflag:s30] =	ssyncset.done $0x0  }
0x2a5: {  	[sflag:s30] =	ssyncadd.s32 $0xFFFFFF80  }
0x2a6: {  	_ =	swait.ge [sflag:s30], $0x80  }
0x2a7: {  	[sflag:s30] =	ssyncset.done $0x0  }
0x2a8: {  	[sflag:s30] =	ssyncadd.s32 $0xFFFFFF80  }
0x2a9: {  	_ =	swait.ge [sflag:s30], $0x80  }
0x2aa: {  	[sflag:s30] =	ssyncset.done $0x0  }
0x2ab: {  	[sflag:s30] =	ssyncadd.s32 $0xFFFFFF80  }
0x2ac: {  	v63 =	vimm.s32 $0x0;
	[bflag:$0x0] =	sbarrier.arrive $0xFFFF  }
0x2ad: {  	[tilespmem:$0x6400] =	vst v63  }
0x2ae: {  	[tilespmem:$0x6410] =	vst v63  }
0x2af: {  	[tilespmem:$0x6420] =	vst v63  }
0x2b0: {  	[tilespmem:$0x6430] =	vst v63  }
0x2b1: {  	[tilespmem:$0x6440] =	vst v63  }
0x2b2: {  	[tilespmem:$0x6450] =	vst v63  }
0x2b3: {  	[tilespmem:$0x6460] =	vst v63  }
0x2b4: {  	[tilespmem:$0x6470] =	vst v63  }
0x2b5: {  	[tilespmem:$0x6480] =	vst v63  }
0x2b6: {  	[tilespmem:$0x6490] =	vst v63  }
0x2b7: {  	[tilespmem:$0x64A0] =	vst v63  }
0x2b8: {  	[tilespmem:$0x64B0] =	vst v63  }
0x2b9: {  	[tilespmem:$0x64C0] =	vst v63  }
0x2ba: {  	[tilespmem:$0x64D0] =	vst v63  }
0x2bb: {  	[tilespmem:$0x64E0] =	vst v63  }
0x2bc: {  	s31 =	simm.s32 $0x2;
	[tilespmem:$0x64F0] =	vst v63  }
0x2bd: {  	[tilespmem:s10], [sflag:$0x2] =	stream.linear.gather [spmem:s7], $0x500, $0x38;
	[tilespmem:$0xA200] =	vst v63  }
0x2be: {  	_ =	swait.ge [sflag:s31], $0x500  }
0x2bf: {  	s6 =	simm.s32 $0x0;
	[sflag:s31] =	ssyncset.done $0x0  }
0x2c0: {  	s7 =	simm.s32 $0x6400;
	s10 =	simm.s32 $0x0;
	[sflag:s31] =	ssyncadd.s32 $0xFFFFFB00  }
.LBB2_15:
0x2c1: {  	s11 =	sshra.s32 s10, $0x2  }
0x2c2: {  	v0 =	vld [tilespmem:s11+$0x5500];
	_ =	sdelay $0x7  }
0x2c3: {  	v0 =	vld.idx.msk [tilespmem:v0+s6+$0x0], $0xffff;
	_ =	sdelay $0x4  }
0x2c4: {  	v0 =	vshrl.u32 v0, $0x11  }
0x2c5: {  	v0 =	vand.u32 $0xFF, v0  }
0x2c6: {  	(xrf1) =	vunique.msk.u32 $0xffff, v0;
	_ =	sdelay $0xd  }
0x2c7: {  	_, v1, vm15 =	vpop (xrf1)  }
0x2c8: {  	p0 =	sne.s32 s10, $0x13C0  }
.Ltmp7:
0x2c9: {  	_ = 	snop;
	(pc) =	sbr.rel @p0 .LBB2_15-.Ltmp7, $2  }
0x2ca: {  	_ =	sdelay $0x2  }
0x2cb: {  	s10 =	sadd.s32 $0x40, s10;
	[tilespmem:v0+s7+$0x0] =	vst.idx.add.s32.msk vm15, v1  }
0x2cc: {  	s6 =	simm.s32 $0x6400;
	s29 =	simm.s32 $0x2  }
0x2cd: {  	[spmem:s9] =	stream.linear.scatter [tilespmem:s6], [sflag:$0x2], $0x100, $0x38;
	[tilespmem:$0xA200] =	vst v63  }
0x2ce: {  	_ =	swait.ge [sflag:s29], $0x100  }
0x2cf: {  	[sflag:s29] =	ssyncset.done $0x0  }
0x2d0: {  	[sflag:s29] =	ssyncadd.s32 $0xFFFFFF00  }
0x2d1: {  	s7 =	simm.s32 $0x6800;
	[bflag:$0x0] =	sbarrier.arrive $0xFFFF  }
0x2d2: {  	[tilespmem:s7], [sflag:$0x2] =	stream.linear.gather [spmem:s5], $0x1000, $0x38;
	[tilespmem:$0xA200] =	vst v63  }
0x2d3: {  	_ =	swait.ge [sflag:s29], $0x1000  }
0x2d4: {  	[sflag:s29] =	ssyncset.done $0x0  }
0x2d5: {  	s5 =	simm.s32 $0x0;
	[sflag:s29] =	ssyncadd.s32 $0xFFFFF000  }
0x2d6: {  	v0 =	vld [tilespmem:s5+$0x6800]  }
0x2d7: {  	v1 =	vld [tilespmem:s5+$0x6900]  }
0x2d8: {  	v2 =	vld [tilespmem:s5+$0x6A00]  }
0x2d9: {  	v3 =	vld [tilespmem:s5+$0x6B00]  }
0x2da: {  	v4 =	vld [tilespmem:s5+$0x6C00]  }
0x2db: {  	v5 =	vld [tilespmem:s5+$0x6D00]  }
0x2dc: {  	v7 =	vld [tilespmem:s5+$0x6E00]  }
0x2dd: {  	v8 =	vld [tilespmem:s5+$0x6F00];
	v6 =	vadd.s32 v0, v1  }
0x2de: {  	v9 =	vld [tilespmem:s5+$0x7000];
	v6 =	vadd.s32 v2, v6  }
0x2df: {  	v10 =	vld [tilespmem:s5+$0x7100];
	v6 =	vadd.s32 v3, v6  }
0x2e0: {  	v11 =	vld [tilespmem:s5+$0x7200];
	v6 =	vadd.s32 v4, v6  }
0x2e1: {  	v12 =	vld [tilespmem:s5+$0x7300];
	v6 =	vadd.s32 v5, v6  }
0x2e2: {  	v13 =	vld [tilespmem:s5+$0x7400];
	v6 =	vadd.s32 v7, v6  }
0x2e3: {  	v14 =	vld [tilespmem:s5+$0x7500];
	v6 =	vadd.s32 v8, v6  }
0x2e4: {  	v15 =	vld [tilespmem:s5+$0x7600];
	v6 =	vadd.s32 v9, v6  }
0x2e5: {  	s6 =	simm.s32 $0x10;
	v16 =	vld [tilespmem:s5+$0x7700];
	v6 =	vadd.s32 v10, v6  }
0x2e6: {  	v17 =	vld [tilespmem:s6+$0x6800];
	v6 =	vadd.s32 v11, v6  }
0x2e7: {  	v18 =	vld [tilespmem:s6+$0x6900];
	v6 =	vadd.s32 v12, v6  }
0x2e8: {  	v19 =	vld [tilespmem:s6+$0x6A00];
	v6 =	vadd.s32 v13, v6  }
0x2e9: {  	v0 =	vsel vm13, $0x0, v0;
	v21 =	vnsel vm12, $0x0, v2;
	v2 =	vld [tilespmem:s6+$0x6B00];
	v6 =	vadd.s32 v14, v6  }
0x2ea: {  	v20 =	vnsel vm14, $0x0, v1;
	v1 =	vadd.s32 v15, v6;
	v6 =	vnsel vm11, $0x0, v3;
	v3 =	vld [tilespmem:s6+$0x6C00]  }
0x2eb: {  	v22 =	vnsel vm10, $0x0, v4;
	v23 =	vnsel vm8, $0x0, v7;
	v4 =	vld [tilespmem:s6+$0x6D00];
	v1 =	vadd.s32 v16, v1  }
0x2ec: {  	v24 =	vnsel vm7, $0x0, v8;
	v25 =	vnsel vm4, $0x0, v11;
	v7 =	vadd.s32 v17, v18;
	v8 =	vld [tilespmem:s6+$0x6E00];
	(xrf0) =	vadd.scan.msk.s32 $0xffff, v1  }
0x2ed: {  	v26 =	vnsel vm3, $0x0, v12;
	v27 =	vnsel vm2, $0x0, v13;
	v7 =	vadd.s32 v19, v7;
	v11 =	vld [tilespmem:s6+$0x6F00]  }
0x2ee: {  	v28 =	vnsel vm1, $0x0, v14;
	v29 =	vnsel vm0, $0x0, v15;
	v7 =	vadd.s32 v2, v7;
	v13 =	vld [tilespmem:s6+$0x7000]  }
0x2ef: {  	s30 =	simm.s32 $0x0;
	v30 =	vsel vm13, $0x0, v17;
	v32 =	vnsel vm14, $0x0, v18;
	v14 =	vld [tilespmem:s6+$0x7100];
	v7 =	vadd.s32 v3, v7  }
0x2f0: {  	v33 =	vnsel vm12, $0x0, v19;
	v0 =	vadd.s32 s30, v0;
	v17 =	vld [tilespmem:s6+$0x7200];
	v7 =	vadd.s32 v4, v7  }
0x2f1: {  	v0 =	vadd.s32 v20, v0;
	v18 =	vld [tilespmem:s6+$0x7300];
	v35 =	vnsel vm11, $0x0, v2;
	v7 =	vadd.s32 v8, v7  }
0x2f2: {  	v19 =	vld [tilespmem:s6+$0x7400];
	v2 =	vnsel vm10, $0x0, v3;
	v3 =	vnsel vm9, $0x0, v4;
	v15, _, _ =	vpop (xrf0);
	v7 =	vadd.s32 v11, v7  }
0x2f3: {  	v4 =	vnsel vm8, $0x0, v8;
	v8 =	vld [tilespmem:s6+$0x7500];
	(v2sf) =	vpush v15, $0xF;
	v7 =	vadd.s32 v13, v7  }
0x2f4: {  	v31 =	vld [tilespmem:s6+$0x7600];
	v0 =	vadd.s32 v21, v0;
	v5 =	vnsel vm9, $0x0, v5;
	v7 =	vadd.s32 v14, v7  }
0x2f5: {  	s7 =	simm.s32 $0x20;
	v20 =	vld [tilespmem:s6+$0x7700];
	v12 =	vnsel vm7, $0x0, v11;
	v0 =	vadd.s32 v6, v0;
	v7 =	vadd.s32 v17, v7  }
0x2f6: {  	v21 =	vld [tilespmem:s7+$0x6800];
	v6 =	vnsel vm3, $0x0, v18;
	v0 =	vadd.s32 v22, v0;
	v7 =	vadd.s32 v18, v7  }
0x2f7: {  	v16 =	vnsel vm6, $0x0, v13;
	v11 =	vnsel vm4, $0x0, v17;
	v17 =	vld [tilespmem:s7+$0x6900];
	v7 =	vadd.s32 v19, v7  }
0x2f8: {  	v0 =	vadd.s32 v5, v0;
	v13 =	vnsel vm5, $0x0, v14;
	v18 =	vld [tilespmem:s7+$0x6A00];
	v14 =	vadd.s32 v8, v7  }
0x2f9: {  	v9 =	vnsel vm6, $0x0, v9;
	v5 =	vadd.s32 v31, v14;
	v14 =	vadd.s32 v23, v0  }
0x2fa: {  	v7 =	vnsel vm2, $0x0, v19;
	v19 =	vld [tilespmem:s7+$0x6B00];
	v0 =	vadd.s32 v20, v5;
	v20 =	vadd.s32 v24, v14  }
0x2fb: {  	v10 =	vnsel vm5, $0x0, v10;
	v22 =	vld [tilespmem:s7+$0x6C00];
	v9 =	vadd.s32 v9, v20  }
0x2fc: {  	v23 =	vld [tilespmem:s7+$0x6D00];
	v14 =	vsel vm13, $0x0, v21;
	(xrf0) =	vadd.scan.msk.s32 $0xffff, v0;
	v20 =	vadd.s32 v21, v17;
	v10 =	vadd.s32 v10, v9  }
0x2fd: {  	v21 =	vld [tilespmem:s7+$0x6E00];
	v20 =	vadd.s32 v18, v20;
	v9 =	vnsel vm12, $0x0, v18;
	v18 =	vadd.s32 v25, v10  }
0x2fe: {  	v8 =	vnsel vm1, $0x0, v8;
	v5 =	vnsel vm0, $0x0, v31;
	v24 =	vld [tilespmem:s7+$0x6F00];
	v18 =	vadd.s32 v26, v18  }
0x2ff: {  	v34 =	vld [tilespmem:s7+$0x7000];
	v17 =	vnsel vm14, $0x0, v17;
	v20 =	vadd.s32 v19, v20;
	v18 =	vadd.s32 v27, v18  }
0x300: {  	v10 =	vnsel vm11, $0x0, v19;
	v19 =	vadd.s32 v22, v20;
	v22 =	vnsel vm10, $0x0, v22;
	v26 =	vld [tilespmem:s7+$0x7100]  }
0x301: {  	v36 =	vld [tilespmem:s7+$0x7200];
	v19 =	vadd.s32 v23, v19;
	v23 =	vnsel vm9, $0x0, v23;
	v20 =	vadd.s32 v28, v18  }
0x302: {  	v37 =	vld [tilespmem:s7+$0x7300];
	v19 =	vadd.s32 v21, v19;
	v25 =	vnsel vm8, $0x0, v21;
	v31 =	vadd.s32 v29, v20;
	v18, _, _ =	vpop (xrf0);
	s31 =	spop (v2sf)  }
0x303: {  	v27 =	vld [tilespmem:s7+$0x7400];
	v20 =	vadd.s32 v24, v19;
	v19 =	vnsel vm7, $0x0, v24;
	(v2sf) =	vpush v18, $0xF;
	s11 =	sadd.s32 $0x0, s31  }
0x304: {  	v28 =	vld [tilespmem:s7+$0x7500];
	v21 =	vadd.s32 v34, v20;
	v20 =	vnsel vm6, $0x0, v34;
	v24 =	vadd.s32 s11, v30  }
0x305: {  	v29 =	vld [tilespmem:s7+$0x7600];
	v30 =	vadd.s32 v26, v21;
	v21 =	vnsel vm5, $0x0, v26;
	v26 =	vadd.s32 v32, v24  }
0x306: {  	s10 =	simm.s32 $0x30;
	v63 =	vadd.s32 v36, v30;
	v24 =	vnsel vm4, $0x0, v36;
	v32 =	vld [tilespmem:s7+$0x7700];
	v33 =	vadd.s32 v33, v26  }
0x307: {  	s13 =	simm.s32 $0x100;
	s12 =	simm.s32 $0x0;
	s9 =	simm.s32 $0x40;
	v30 =	vld [tilespmem:s10+$0x6800];
	v34 =	vadd.s32 v37, v63;
	v26 =	vnsel vm3, $0x0, v37;
	v33 =	vadd.s32 v35, v33  }
.LBB2_17:
0x308: {  	p0 =	sne.s32 s13, $0x3C0;
	v35 =	vld [tilespmem:s10+$0x6900];
	v34 =	vadd.s32 v27, v34;
	v27 =	vnsel vm2, $0x0, v27;
	v33 =	vadd.s32 v2, v33;
	v2 =	vmovc v22  }
0x309: {  	v22 =	vld [tilespmem:s10+$0x6A00];
	v34 =	vadd.s32 v28, v34;
	v28 =	vnsel vm1, $0x0, v28;
	v33 =	vadd.s32 v3, v33;
	v3 =	vmovc v23  }
0x30a: {  	v23 =	vld [tilespmem:s10+$0x6B00];
	v34 =	vadd.s32 v29, v34;
	v29 =	vnsel vm0, $0x0, v29;
	v33 =	vadd.s32 v4, v33;
	v4 =	vmovc v25  }
0x30b: {  	v31 =	vsub.s32 v31, v1;
	v1 =	vmovc v0;
	v25 =	vld [tilespmem:s10+$0x6C00];
	v37 =	vadd.s32 v12, v33;
	v0 =	vadd.s32 v32, v34  }
0x30c: {  	v36 =	vadd.s32 v15, v31;
	v15 =	vmovc v18;
	v32 =	vsel vm13, $0x0, v30;
	v33 =	vld [tilespmem:s10+$0x6D00];
	(xrf0) =	vadd.scan.msk.s32 $0xffff, v0;
	v34 =	vadd.s32 v16, v37  }
0x30d: {  	v12 =	vmovc v19;
	v18 =	vadd.s32 v30, v35;
	v30 =	vnsel vm14, $0x0, v35;
	v31 =	vld [tilespmem:s10+$0x6E00];
	v35 =	vadd.s32 v13, v34;
	[tilespmem:s12+$0x6600] =	vst v36;
	s12 =	smov.u32 s6;
	s6 =	smov.u32 s7;
	s7 =	smov.u32 s10  }
0x30e: {  	v16 =	vmovc v20;
	v13 =	vmovc v21;
	v18 =	vadd.s32 v22, v18;
	v34 =	vnsel vm12, $0x0, v22;
	v19 =	vld [tilespmem:s7+$0x6F00];
	v22 =	vadd.s32 v11, v35  }
0x30f: {  	v11 =	vmovc v24;
	v18 =	vadd.s32 v23, v18;
	v35 =	vnsel vm11, $0x0, v23;
	v20 =	vld [tilespmem:s7+$0x7000];
	v21 =	vadd.s32 v6, v22;
	v6 =	vmovc v26  }
0x310: {  	v37 =	vadd.s32 v25, v18;
	v22 =	vnsel vm10, $0x0, v25;
	v24 =	vld [tilespmem:s7+$0x7100];
	v21 =	vadd.s32 v7, v21;
	v7 =	vmovc v27  }
0x311: {  	v36 =	vadd.s32 v33, v37;
	v23 =	vnsel vm9, $0x0, v33;
	v26 =	vld [tilespmem:s7+$0x7200];
	v21 =	vadd.s32 v8, v21;
	v8 =	vmovc v28  }
0x312: {  	v27 =	vadd.s32 v31, v36;
	v25 =	vnsel vm8, $0x0, v31;
	v33 =	vld [tilespmem:s7+$0x7300];
	v18, _, _ =	vpop (xrf0);
	v31 =	vadd.s32 v5, v21;
	s10 =	spop (v2sf)  }
.Ltmp8:
0x313: {  	v5 =	vmovc v29;
	v21 =	vadd.s32 v19, v27;
	v19 =	vnsel vm7, $0x0, v19;
	v27 =	vld [tilespmem:s7+$0x7400];
	(v2sf) =	vpush v18, $0xF;
	s11 =	sadd.s32 s11, s10;
	(pc) =	sbr.rel @p0 .LBB2_17-.Ltmp8, $4  }
0x314: {  	v21 =	vadd.s32 v20, v21;
	v20 =	vnsel vm6, $0x0, v20;
	v28 =	vld [tilespmem:s7+$0x7500];
	v36 =	vadd.s32 s11, v14;
	v14 =	vmovc v32  }
0x315: {  	v32 =	vadd.s32 v24, v21;
	v21 =	vnsel vm5, $0x0, v24;
	v29 =	vld [tilespmem:s7+$0x7600];
	v36 =	vadd.s32 v17, v36;
	v17 =	vmovc v30  }
0x316: {  	s10 =	sshra.s32 s13, $0x2;
	v37 =	vadd.s32 v26, v32;
	v24 =	vnsel vm4, $0x0, v26;
	v32 =	vld [tilespmem:s7+$0x7700];
	v36 =	vadd.s32 v9, v36;
	v9 =	vmovc v34  }
0x317: {  	s13 =	sadd.s32 $0x40, s13;
	v30 =	vld [tilespmem:s10+$0x6800];
	v34 =	vadd.s32 v33, v37;
	v26 =	vnsel vm3, $0x0, v33;
	v33 =	vadd.s32 v10, v36;
	v10 =	vmovc v35  }
0x318: {  	v34 =	vadd.s32 v27, v34  }
0x319: {  	v34 =	vadd.s32 v28, v34  }
0x31a: {  	v34 =	vadd.s32 v29, v34  }
0x31b: {  	v35 =	vld [tilespmem:s10+$0x6900];
	v32 =	vadd.s32 v32, v34  }
0x31c: {  	v36 =	vld [tilespmem:s10+$0x6A00];
	(xrf0) =	vadd.scan.msk.s32 $0xffff, v32  }
0x31d: {  	v55 =	vld [tilespmem:s10+$0x6B00]  }
0x31e: {  	v37 =	vld [tilespmem:s10+$0x6C00];
	v1 =	vsub.s32 v31, v1  }
0x31f: {  	v56 =	vld [tilespmem:s10+$0x6D00];
	v1 =	vadd.s32 v15, v1  }
0x320: {  	v57 =	vld [tilespmem:s10+$0x6E00];
	[tilespmem:s12+$0x6600] =	vst v1;
	v38 =	vadd.s32 v30, v35  }
0x321: {  	v59 =	vld [tilespmem:s10+$0x6F00];
	v58 =	vadd.s32 v36, v38  }
0x322: {  	v39 =	vld [tilespmem:s10+$0x7000];
	v1 =	vadd.s32 v55, v58;
	v40, _, _ =	vpop (xrf0)  }
0x323: {  	v41 =	vld [tilespmem:s10+$0x7100];
	v1 =	vadd.s32 v37, v1;
	(v2sf) =	vpush v40, $0xF  }
0x324: {  	v42 =	vld [tilespmem:s10+$0x7200];
	v1 =	vadd.s32 v56, v1  }
0x325: {  	v43 =	vld [tilespmem:s10+$0x7300];
	v1 =	vadd.s32 v57, v1  }
0x326: {  	v44 =	vld [tilespmem:s10+$0x7400];
	v1 =	vadd.s32 v59, v1  }
0x327: {  	v45 =	vld [tilespmem:s10+$0x7500];
	v1 =	vadd.s32 v39, v1  }
0x328: {  	v60 =	vld [tilespmem:s10+$0x7600];
	v1 =	vadd.s32 v41, v1  }
0x329: {  	v61 =	vld [tilespmem:s10+$0x7700];
	v1 =	vadd.s32 v42, v1  }
0x32a: {  	v1 =	vadd.s32 v43, v1  }
0x32b: {  	v2 =	vadd.s32 v2, v33;
	v1 =	vadd.s32 v44, v1  }
0x32c: {  	v2 =	vadd.s32 v3, v2;
	v1 =	vadd.s32 v45, v1  }
0x32d: {  	v2 =	vadd.s32 v4, v2;
	v1 =	vadd.s32 v60, v1  }
0x32e: {  	v2 =	vadd.s32 v12, v2;
	v1 =	vadd.s32 v61, v1  }
0x32f: {  	v63 =	vnsel vm2, $0x0, v27;
	v2 =	vadd.s32 v16, v2;
	(xrf0) =	vadd.scan.msk.s32 $0xffff, v1  }
0x330: {  	v27 =	vnsel vm1, $0x0, v28;
	v28 =	vnsel vm0, $0x0, v29;
	v2 =	vadd.s32 v13, v2  }
0x331: {  	v29 =	vsel vm13, $0x0, v30;
	v30 =	vnsel vm14, $0x0, v35;
	v2 =	vadd.s32 v11, v2;
	s29 =	spop (v2sf)  }
0x332: {  	v35 =	vnsel vm12, $0x0, v36;
	v46 =	vnsel vm10, $0x0, v37;
	v2 =	vadd.s32 v6, v2;
	s11 =	sadd.s32 s11, s29;
	s30 =	spop (v2sf)  }
0x333: {  	v47 =	vnsel vm9, $0x0, v56;
	v2 =	vadd.s32 v7, v2;
	v62 =	vadd.s32 s11, v14;
	s11 =	sadd.s32 s11, s30  }
0x334: {  	v2 =	vadd.s32 v8, v2;
	v3 =	vadd.s32 v17, v62;
	v8 =	vadd.s32 s11, v29  }
0x335: {  	v36 =	vnsel vm11, $0x0, v55;
	v3 =	vadd.s32 v9, v3;
	v48, _, _ =	vpop (xrf0);
	v8 =	vadd.s32 v30, v8  }
0x336: {  	v3 =	vadd.s32 v10, v3;
	(v2sf) =	vpush v48, $0xF;
	v8 =	vadd.s32 v35, v8  }
0x337: {  	v49 =	vnsel vm8, $0x0, v57;
	v3 =	vadd.s32 v22, v3;
	v8 =	vadd.s32 v36, v8  }
0x338: {  	v51 =	vnsel vm7, $0x0, v59;
	v3 =	vadd.s32 v23, v3;
	v50 =	vadd.s32 v46, v8  }
0x339: {  	v2 =	vadd.s32 v5, v2;
	v3 =	vadd.s32 v25, v3;
	v5 =	vadd.s32 v47, v50  }
0x33a: {  	v52 =	vnsel vm6, $0x0, v39;
	v3 =	vadd.s32 v19, v3;
	v5 =	vadd.s32 v49, v5  }
0x33b: {  	v53 =	vnsel vm5, $0x0, v41;
	v3 =	vadd.s32 v20, v3;
	v5 =	vadd.s32 v51, v5  }
0x33c: {  	v54 =	vnsel vm4, $0x0, v42;
	v3 =	vadd.s32 v21, v3;
	v5 =	vadd.s32 v52, v5  }
0x33d: {  	v55 =	vnsel vm3, $0x0, v43;
	v3 =	vadd.s32 v24, v3;
	v5 =	vadd.s32 v53, v5  }
0x33e: {  	v56 =	vnsel vm2, $0x0, v44;
	v3 =	vadd.s32 v26, v3;
	v5 =	vadd.s32 v54, v5  }
0x33f: {  	v57 =	vnsel vm1, $0x0, v45;
	v3 =	vadd.s32 v63, v3;
	v58 =	vadd.s32 v55, v5  }
0x340: {  	v59 =	vnsel vm0, $0x0, v60;
	v3 =	vadd.s32 v27, v3;
	v4 =	vadd.s32 v56, v58  }
0x341: {  	v0 =	vsub.s32 v2, v0;
	v60 =	vadd.s32 v28, v3;
	v61 =	vadd.s32 v57, v4  }
0x342: {  	v0 =	vadd.s32 v18, v0;
	v2 =	vsub.s32 v60, v32;
	v3 =	vadd.s32 v59, v61  }
0x343: {  	[tilespmem:s6+$0x6600] =	vst v0;
	v62 =	vadd.s32 v40, v2;
	v1 =	vsub.s32 v3, v1  }
0x344: {  	[tilespmem:s7+$0x6600] =	vst v62;
	v63 =	vadd.s32 v48, v1  }
0x345: {  	s6 =	simm.s32 $0x6600;
	s7 =	simm.s32 $0x0;
	s31 =	spop (v2sf);
	[tilespmem:s10+$0x6600] =	vst v63  }
.LBB2_19:
0x346: {  	p0 =	sne.s32 s9, $0x13C0;
	v0 =	vld [tilespmem:s5+$0x5500];
	_ =	sdelay $0x7  }
0x347: {  	v0 =	vld.idx.msk [tilespmem:v0+s7+$0x0], $0xffff;
	_ =	sdelay $0x5  }
0x348: {  	v0 =	vshrl.u32 v0, $0x11  }
0x349: {  	v0 =	vand.u32 $0xFF, v0  }
0x34a: {  	(xrf1) =	vunique.msk.u32 $0xffff, v0;
	_ =	sdelay $0xa  }
0x34b: {  	v1 =	vld.idx.msk [tilespmem:v0+s6+$0x0], $0xffff;
	_ =	sdelay $0x2  }
0x34c: {  	_, v2, vm0 =	vpop (xrf1);
	_ =	sdelay $0x1  }
.Ltmp9:
0x34d: {  	(pc) =	sbr.rel @p0 .LBB2_19-.Ltmp9, $4  }
0x34e: {  	v1 =	vadd.s32 v2, v1  }
0x34f: {  	v1 =	vadd.s32 $0xFFFFFFFF, v1  }
0x350: {  	[tilespmem:s5+$0x5A00] =	vst v1  }
0x351: {  	s5 =	sshra.s32 s9, $0x2;
	s9 =	sadd.s32 $0x40, s9;
	[tilespmem:v0+s6+$0x0] =	vst.idx.add.s32.msk vm0, v2  }
0x352: {  	v0 =	vld [tilespmem:s5+$0x5500];
	_ =	sdelay $0x7  }
0x353: {  	v0 =	vld.idx.msk [tilespmem:v0+s7+$0x0], $0xffff;
	_ =	sdelay $0x4  }
0x354: {  	v0 =	vshrl.u32 v0, $0x11  }
0x355: {  	v0 =	vand.u32 $0xFF, v0  }
0x356: {  	(xrf1) =	vunique.msk.u32 $0xffff, v0;
	_ =	sdelay $0xb  }
0x357: {  	v1 =	vld.idx.msk [tilespmem:v0+s6+$0x0], $0xffff;
	_ =	sdelay $0x1  }
0x358: {  	_, v2, vm0 =	vpop (xrf1);
	_ =	sdelay $0x2  }
0x359: {  	v1 =	vadd.s32 v2, v1  }
0x35a: {  	v1 =	vadd.s32 $0xFFFFFFFF, v1  }
0x35b: {  	[tilespmem:s5+$0x5A00] =	vst v1  }
0x35c: {  	[tilespmem:v0+s6+$0x0] =	vst.idx.add.s32.msk vm0, v2  }
0x35d: {  	v0 =	vld [tilespmem:$0x5A00]  }
0x35e: {  	v1 =	vld [tilespmem:$0x5A10]  }
0x35f: {  	v2 =	vld [tilespmem:$0x5A20]  }
0x360: {  	v3 =	vld [tilespmem:$0x5A30]  }
0x361: {  	v4 =	vld [tilespmem:$0x5A40]  }
0x362: {  	v45 =	vld [tilespmem:$0x5A50];
	[tilespmem:$0x5F00] =	vst v0  }
0x363: {  	v46 =	vld [tilespmem:$0x5A60];
	[tilespmem:$0x5F10] =	vst v1  }
0x364: {  	v47 =	vld [tilespmem:$0x5A70];
	[tilespmem:$0x5F20] =	vst v2  }
0x365: {  	v48 =	vld [tilespmem:$0x5A80];
	[tilespmem:$0x5F30] =	vst v3  }
0x366: {  	v49 =	vld [tilespmem:$0x5A90];
	[tilespmem:$0x5F40] =	vst v4  }
0x367: {  	v50 =	vld [tilespmem:$0x5AA0];
	[tilespmem:$0x5F50] =	vst v45  }
0x368: {  	v51 =	vld [tilespmem:$0x5AB0];
	[tilespmem:$0x5F60] =	vst v46  }
0x369: {  	v52 =	vld [tilespmem:$0x5AC0];
	[tilespmem:$0x5F70] =	vst v47  }
0x36a: {  	v53 =	vld [tilespmem:$0x5AD0];
	[tilespmem:$0x5F80] =	vst v48  }
0x36b: {  	v54 =	vld [tilespmem:$0x5AE0];
	[tilespmem:$0x5F90] =	vst v49  }
0x36c: {  	v55 =	vld [tilespmem:$0x5AF0];
	[tilespmem:$0x5FA0] =	vst v50  }
0x36d: {  	v56 =	vld [tilespmem:$0x5B00];
	[tilespmem:$0x5FB0] =	vst v51  }
0x36e: {  	v57 =	vld [tilespmem:$0x5B10];
	[tilespmem:$0x5FC0] =	vst v52  }
0x36f: {  	v58 =	vld [tilespmem:$0x5B20];
	[tilespmem:$0x5FD0] =	vst v53  }
0x370: {  	v59 =	vld [tilespmem:$0x5B30];
	[tilespmem:$0x5FE0] =	vst v54  }
0x371: {  	v60 =	vld [tilespmem:$0x5B40];
	[tilespmem:$0x5FF0] =	vst v55  }
0x372: {  	v61 =	vld [tilespmem:$0x5B50];
	[tilespmem:$0x6000] =	vst v56  }
0x373: {  	v62 =	vld [tilespmem:$0x5B60];
	[tilespmem:$0x6010] =	vst v57  }
0x374: {  	v63 =	vld [tilespmem:$0x5B70];
	[tilespmem:$0x6020] =	vst v58  }
0x375: {  	v8 =	vld [tilespmem:$0x5B80];
	[tilespmem:$0x6030] =	vst v59  }
0x376: {  	v9 =	vld [tilespmem:$0x5B90];
	[tilespmem:$0x6040] =	vst v60  }
0x377: {  	v10 =	vld [tilespmem:$0x5BA0];
	[tilespmem:$0x6050] =	vst v61  }
0x378: {  	v11 =	vld [tilespmem:$0x5BB0];
	[tilespmem:$0x6060] =	vst v62  }
0x379: {  	v12 =	vld [tilespmem:$0x5BC0];
	[tilespmem:$0x6070] =	vst v63  }
0x37a: {  	v13 =	vld [tilespmem:$0x5BD0];
	[tilespmem:$0x6080] =	vst v8  }
0x37b: {  	v14 =	vld [tilespmem:$0x5BE0];
	[tilespmem:$0x6090] =	vst v9  }
0x37c: {  	v15 =	vld [tilespmem:$0x5BF0];
	[tilespmem:$0x60A0] =	vst v10  }
0x37d: {  	v16 =	vld [tilespmem:$0x5C00];
	[tilespmem:$0x60B0] =	vst v11  }
0x37e: {  	v17 =	vld [tilespmem:$0x5C10];
	[tilespmem:$0x60C0] =	vst v12  }
0x37f: {  	v18 =	vld [tilespmem:$0x5C20];
	[tilespmem:$0x60D0] =	vst v13  }
0x380: {  	v19 =	vld [tilespmem:$0x5C30];
	[tilespmem:$0x60E0] =	vst v14  }
0x381: {  	v20 =	vld [tilespmem:$0x5C40];
	[tilespmem:$0x60F0] =	vst v15  }
0x382: {  	v21 =	vld [tilespmem:$0x5C50];
	[tilespmem:$0x6100] =	vst v16  }
0x383: {  	v22 =	vld [tilespmem:$0x5C60];
	[tilespmem:$0x6110] =	vst v17  }
0x384: {  	v23 =	vld [tilespmem:$0x5C70];
	[tilespmem:$0x6120] =	vst v18  }
0x385: {  	v24 =	vld [tilespmem:$0x5C80];
	[tilespmem:$0x6130] =	vst v19  }
0x386: {  	v25 =	vld [tilespmem:$0x5C90];
	[tilespmem:$0x6140] =	vst v20  }
0x387: {  	v26 =	vld [tilespmem:$0x5CA0];
	[tilespmem:$0x6150] =	vst v21  }
0x388: {  	v27 =	vld [tilespmem:$0x5CB0];
	[tilespmem:$0x6160] =	vst v22  }
0x389: {  	v28 =	vld [tilespmem:$0x5CC0];
	[tilespmem:$0x6170] =	vst v23  }
0x38a: {  	v29 =	vld [tilespmem:$0x5CD0];
	[tilespmem:$0x6180] =	vst v24  }
0x38b: {  	v30 =	vld [tilespmem:$0x5CE0];
	[tilespmem:$0x6190] =	vst v25  }
0x38c: {  	v31 =	vld [tilespmem:$0x5CF0];
	[tilespmem:$0x61A0] =	vst v26  }
0x38d: {  	v32 =	vld [tilespmem:$0x5D00];
	[tilespmem:$0x61B0] =	vst v27  }
0x38e: {  	v33 =	vld [tilespmem:$0x5D10];
	[tilespmem:$0x61C0] =	vst v28  }
0x38f: {  	v34 =	vld [tilespmem:$0x5D20];
	[tilespmem:$0x61D0] =	vst v29  }
0x390: {  	v35 =	vld [tilespmem:$0x5D30];
	[tilespmem:$0x61E0] =	vst v30  }
0x391: {  	v36 =	vld [tilespmem:$0x5D40];
	[tilespmem:$0x61F0] =	vst v31  }
0x392: {  	v37 =	vld [tilespmem:$0x5D50];
	[tilespmem:$0x6200] =	vst v32  }
0x393: {  	v38 =	vld [tilespmem:$0x5D60];
	[tilespmem:$0x6210] =	vst v33  }
0x394: {  	v39 =	vld [tilespmem:$0x5D70];
	[tilespmem:$0x6220] =	vst v34  }
0x395: {  	v40 =	vld [tilespmem:$0x5D80];
	[tilespmem:$0x6230] =	vst v35  }
0x396: {  	v41 =	vld [tilespmem:$0x5D90];
	[tilespmem:$0x6240] =	vst v36  }
0x397: {  	v42 =	vld [tilespmem:$0x5DA0];
	[tilespmem:$0x6250] =	vst v37  }
0x398: {  	v43 =	vld [tilespmem:$0x5DB0];
	[tilespmem:$0x6260] =	vst v38  }
0x399: {  	v44 =	vld [tilespmem:$0x5DC0];
	[tilespmem:$0x6270] =	vst v39  }
0x39a: {  	[tilespmem:$0x6280] =	vst v40;
	v45 =	vld [tilespmem:$0x5DD0]  }
0x39b: {  	[tilespmem:$0x6290] =	vst v41;
	v46 =	vld [tilespmem:$0x5DE0]  }
0x39c: {  	[tilespmem:$0x62A0] =	vst v42;
	v47 =	vld [tilespmem:$0x5DF0]  }
0x39d: {  	[tilespmem:$0x62B0] =	vst v43;
	v48 =	vld [tilespmem:$0x5E00]  }
0x39e: {  	[tilespmem:$0x62C0] =	vst v44;
	v49 =	vld [tilespmem:$0x5E10]  }
0x39f: {  	v50 =	vld [tilespmem:$0x5E20];
	[tilespmem:$0x62D0] =	vst v45  }
0x3a0: {  	v51 =	vld [tilespmem:$0x5E30];
	[tilespmem:$0x62E0] =	vst v46  }
0x3a1: {  	v52 =	vld [tilespmem:$0x5E40];
	[tilespmem:$0x62F0] =	vst v47  }
0x3a2: {  	v53 =	vld [tilespmem:$0x5E50];
	[tilespmem:$0x6300] =	vst v48  }
0x3a3: {  	v54 =	vld [tilespmem:$0x5E60];
	[tilespmem:$0x6310] =	vst v49  }
0x3a4: {  	v55 =	vld [tilespmem:$0x5E70];
	[tilespmem:$0x6320] =	vst v50  }
0x3a5: {  	v56 =	vld [tilespmem:$0x5E80];
	[tilespmem:$0x6330] =	vst v51  }
0x3a6: {  	v57 =	vld [tilespmem:$0x5E90];
	[tilespmem:$0x6340] =	vst v52  }
0x3a7: {  	v58 =	vld [tilespmem:$0x5EA0];
	[tilespmem:$0x6350] =	vst v53  }
0x3a8: {  	v59 =	vld [tilespmem:$0x5EB0];
	[tilespmem:$0x6360] =	vst v54  }
0x3a9: {  	v60 =	vld [tilespmem:$0x5EC0];
	[tilespmem:$0x6370] =	vst v55  }
0x3aa: {  	v61 =	vld [tilespmem:$0x5ED0];
	[tilespmem:$0x6380] =	vst v56  }
0x3ab: {  	v62 =	vld [tilespmem:$0x5EE0];
	[tilespmem:$0x6390] =	vst v57  }
0x3ac: {  	v63 =	vld [tilespmem:$0x5EF0];
	[tilespmem:$0x63A0] =	vst v58  }
0x3ad: {  	[tilespmem:$0x63B0] =	vst v59  }
0x3ae: {  	[tilespmem:$0x63C0] =	vst v60  }
0x3af: {  	[tilespmem:$0x63D0] =	vst v61  }
0x3b0: {  	[tilespmem:$0x63E0] =	vst v62  }
0x3b1: {  	s28 =	simm.s32 $0x5F00;
	s29 =	simm.s32 $0x5500;
	s5 =	simm.s32 $0x80;
	[tilespmem:$0x63F0] =	vst v63  }
0x3b2: {  	[spmem:s2] =	stream.indirect.scatter [tilespmem:s29], [sflag:$0x1], $0x1, s28, s5, $0xb8;
	[tilespmem:$0xA200] =	vst v63  }
0x3b3: {  	s30 =	simm.s32 $0x5F80;
	s31 =	simm.s32 $0x5580  }
0x3b4: {  	[spmem:s2] =	stream.indirect.scatter [tilespmem:s31], [sflag:$0x1], $0x1, s30, s5, $0xb8;
	[tilespmem:$0xA200] =	vst v63  }
0x3b5: {  	s9 =	simm.s32 $0x5600;
	s7 =	simm.s32 $0x6000  }
0x3b6: {  	[spmem:s2] =	stream.indirect.scatter [tilespmem:s9], [sflag:$0x1], $0x1, s7, s5, $0xb8;
	[tilespmem:$0xA200] =	vst v63  }
0x3b7: {  	s10 =	simm.s32 $0x6080;
	s11 =	simm.s32 $0x5680  }
0x3b8: {  	[spmem:s2] =	stream.indirect.scatter [tilespmem:s11], [sflag:$0x1], $0x1, s10, s5, $0xb8;
	[tilespmem:$0xA200] =	vst v63  }
0x3b9: {  	s12 =	simm.s32 $0x6100;
	s13 =	simm.s32 $0x5700  }
0x3ba: {  	[spmem:s2] =	stream.indirect.scatter [tilespmem:s13], [sflag:$0x1], $0x1, s12, s5, $0xb8;
	[tilespmem:$0xA200] =	vst v63  }
0x3bb: {  	s14 =	simm.s32 $0x6180;
	s15 =	simm.s32 $0x5780  }
0x3bc: {  	[spmem:s2] =	stream.indirect.scatter [tilespmem:s15], [sflag:$0x1], $0x1, s14, s5, $0xb8;
	[tilespmem:$0xA200] =	vst v63  }
0x3bd: {  	s16 =	simm.s32 $0x6200;
	s17 =	simm.s32 $0x5800  }
0x3be: {  	[spmem:s2] =	stream.indirect.scatter [tilespmem:s17], [sflag:$0x1], $0x1, s16, s5, $0xb8;
	[tilespmem:$0xA200] =	vst v63  }
0x3bf: {  	s18 =	simm.s32 $0x6280;
	s19 =	simm.s32 $0x5880  }
0x3c0: {  	[spmem:s2] =	stream.indirect.scatter [tilespmem:s19], [sflag:$0x1], $0x1, s18, s5, $0xb8;
	[tilespmem:$0xA200] =	vst v63  }
0x3c1: {  	s20 =	simm.s32 $0x6300;
	s21 =	simm.s32 $0x5900  }
0x3c2: {  	[spmem:s2] =	stream.indirect.scatter [tilespmem:s21], [sflag:$0x1], $0x1, s20, s5, $0xb8;
	[tilespmem:$0xA200] =	vst v63  }
0x3c3: {  	s22 =	simm.s32 $0x6380;
	s23 =	simm.s32 $0x5980;
	s24 =	simm.s32 $0x1  }
0x3c4: {  	[spmem:s2] =	stream.indirect.scatter [tilespmem:s23], [sflag:$0x1], $0x1, s22, s5, $0xb8;
	[tilespmem:$0xA200] =	vst v63  }
0x3c5: {  	_ =	swait.ge [sflag:s24], $0x80  }
0x3c6: {  	[sflag:s24] =	ssyncset.done $0x0  }
0x3c7: {  	[sflag:s24] =	ssyncadd.s32 $0xFFFFFF80  }
0x3c8: {  	_ =	swait.ge [sflag:s24], $0x80  }
0x3c9: {  	[sflag:s24] =	ssyncset.done $0x0  }
0x3ca: {  	[sflag:s24] =	ssyncadd.s32 $0xFFFFFF80  }
0x3cb: {  	_ =	swait.ge [sflag:s24], $0x80  }
0x3cc: {  	[sflag:s24] =	ssyncset.done $0x0  }
0x3cd: {  	[sflag:s24] =	ssyncadd.s32 $0xFFFFFF80  }
0x3ce: {  	_ =	swait.ge [sflag:s24], $0x80  }
0x3cf: {  	[sflag:s24] =	ssyncset.done $0x0  }
0x3d0: {  	[sflag:s24] =	ssyncadd.s32 $0xFFFFFF80  }
0x3d1: {  	_ =	swait.ge [sflag:s24], $0x80  }
0x3d2: {  	[sflag:s24] =	ssyncset.done $0x0  }
0x3d3: {  	[sflag:s24] =	ssyncadd.s32 $0xFFFFFF80  }
0x3d4: {  	_ =	swait.ge [sflag:s24], $0x80  }
0x3d5: {  	[sflag:s24] =	ssyncset.done $0x0  }
0x3d6: {  	[sflag:s24] =	ssyncadd.s32 $0xFFFFFF80  }
0x3d7: {  	_ =	swait.ge [sflag:s24], $0x80  }
0x3d8: {  	[sflag:s24] =	ssyncset.done $0x0  }
0x3d9: {  	[sflag:s24] =	ssyncadd.s32 $0xFFFFFF80  }
0x3da: {  	_ =	swait.ge [sflag:s24], $0x80  }
0x3db: {  	[sflag:s24] =	ssyncset.done $0x0  }
0x3dc: {  	[sflag:s24] =	ssyncadd.s32 $0xFFFFFF80  }
0x3dd: {  	_ =	swait.ge [sflag:s24], $0x80  }
0x3de: {  	[sflag:s24] =	ssyncset.done $0x0  }
0x3df: {  	[sflag:s24] =	ssyncadd.s32 $0xFFFFFF80  }
0x3e0: {  	_ =	swait.ge [sflag:s24], $0x80  }
0x3e1: {  	[sflag:s24] =	ssyncset.done $0x0  }
0x3e2: {  	s25 =	sadd.s32 s8, s2;
	[sflag:s24] =	ssyncadd.s32 $0xFFFFFF80  }
0x3e3: {  	s26 =	simm.s32 $0x8800;
	s9 =	simm.s32 $0x2;
	[bflag:$0x0] =	sbarrier.arrive $0xFFFF  }
0x3e4: {  	[tilespmem:s26], [sflag:$0x2] =	stream.linear.gather [spmem:s25], $0x80, $0x38;
	[tilespmem:$0xA200] =	vst v63  }
0x3e5: {  	_ =	swait.ge [sflag:s9], $0x80  }
0x3e6: {  	[sflag:s9] =	ssyncset.done $0x0  }
0x3e7: {  	s10 =	simm.s32 $0x8880;
	s2 =	sadd.s32 $0x80, s25;
	[sflag:s9] =	ssyncadd.s32 $0xFFFFFF80  }
0x3e8: {  	[tilespmem:s10], [sflag:$0x2] =	stream.linear.gather [spmem:s2], $0x80, $0x38;
	[tilespmem:$0xA200] =	vst v63  }
0x3e9: {  	_ =	swait.ge [sflag:s9], $0x80  }
0x3ea: {  	[sflag:s9] =	ssyncset.done $0x0  }
0x3eb: {  	s28 =	simm.s32 $0x8900;
	[sflag:s9] =	ssyncadd.s32 $0xFFFFFF80  }
0x3ec: {  	[tilespmem:s28], [sflag:$0x1] =	stream.indirect.gather [hbm4b:s3+s5], $0x8, s26, s5, $0xb8;
	[tilespmem:$0xA200] =	vst v63  }
0x3ed: {  	_ =	swait.ge [sflag:s24], $0x400  }
0x3ee: {  	[sflag:s24] =	ssyncset.done $0x0  }
0x3ef: {  	s29 =	simm.s32 $0x8D00;
	[sflag:s24] =	ssyncadd.s32 $0xFFFFFC00  }
0x3f0: {  	[tilespmem:s29], [sflag:$0x1] =	stream.indirect.gather [hbm4b:s3+s5], $0x8, s10, s5, $0xb8;
	[tilespmem:$0xA200] =	vst v63  }
0x3f1: {  	_ =	swait.ge [sflag:s24], $0x400  }
0x3f2: {  	[sflag:s24] =	ssyncset.done $0x0  }
0x3f3: {  	s30 =	sadd.s32 s4, s8;
	s31 =	simm.s32 $0x0;
	[sflag:s24] =	ssyncadd.s32 $0xFFFFFC00  }
0x3f4: {  	[hbm4b:s30+s31] =	stream.linear.scatter [tilespmem:s28], [sflag:$0x2], $0x800, $0x38;
	[tilespmem:$0xA200] =	vst v63  }
0x3f5: {  	_ =	swait.ge [sflag:s9], $0x800  }
0x3f6: {  	[sflag:s9] =	ssyncset.done $0x0  }
0x3f7: {  	[sflag:s9] =	ssyncadd.s32 $0xFFFFF800  }
0x3f8: {  	_ =	sfence.sel $0x180000  }
0x3f9: {  	[bflag:$0x0] =	sbarrier.arrive $0xFFFF  }
0x3fa: {  	p0 =	sne.s32 s0, $0x0;
	_ =	strace $0x90000047  }
0x3fb: {  	s0 =	sadd.s32 @!p0 $0x100000, s1;
	[bflag:$0x2] =	sbarrier.arrive $0xFFFF  }
0x3fc: {  	[sflag:s0] =	ssyncadd.tile.s32 @!p0 $0x1;
	_ =	shalt  }
.Lfunc_end2:
_tile_overlayer_lowered:
.L_overlay_start_2:
0x3fd: {  	(tag) =	ssettag $0x2  }
0x3fe: {  	s0 =	rddreg [dreg:$0x0];
	s2 =	stileid.u32  }
0x3ff: {  	s1 =	rddreg [dreg:$0x1];
	p0 =	sne.s32 s2, $0x0  }
0x400: {  	s3 =	rddreg [dreg:$0x2];
	[bflag:$0x3] =	sbarrier.arrive $0xFFFF;
	s2 =	simm.s32 @!p0 $0x1C02  }
0x401: {  	[timem:s3], [sflag:s2] =	dma.local @!p0 [hbm:s0], s1  }
0x402: {  	s0 =	simm.s32 @!p0 $0x2  }
0x403: {  	_ =	swait.ge @!p0 [sflag:s0], s1  }
0x404: {  	s1 =	ssub.s32 @!p0 $0x0, s1;
	[sflag:s0] =	ssyncset.done @!p0 $0x0  }
0x405: {  	[sflag:s0] =	ssyncadd.s32 @!p0 s1  }
0x406: {  	[bflag:$0x3] =	sbarrier.arrive $0xFFFF  }
0x407: {  	_ =	shalt  }

</sc_bundles>
